<compile_context>
chip_gen: v7x
topology: tpu7x:2x2x1
jax: 0.10.2.dev20260603
libtpu: 0.0.44.dev20260713+nightly
codegen_flags: <defaults>
</compile_context>

<pallas_src>
import functools

import jax
import jax.numpy as jnp
from jax import lax
from jax.experimental import pallas as pl
from jax.experimental.pallas import tpu as pltpu
from jax.experimental.pallas import tpu_sc as plsc

N = 10000
E = 320000
IN_DIM = 128
OUT_DIM = 128
HEADS = 4
HEAD_DIM = OUT_DIM // HEADS

FEAT_C = 64
SC_W = 2 * HEADS
DEN_W = 16

NC = 2
NS = 16
EDGES_PER_TILE = E // NS
SUB = 80
NSUB = 5
CHUNK = SUB * NSUB
NCHUNK = EDGES_PER_TILE // CHUNK
N_PAD = 10112
ROWS_PER_TILE = N_PAD // NS
DROWS = N_PAD // 8
DROWS_PER_TILE = DROWS // NS
SC_TBL_W = 16

_BN = 1000


def _wx_scores_body(x_ref, w_ref, a_ref, wx_ref, sc_ref):
    x = x_ref[...]
    wx = lax.dot_general(x, w_ref[...], (((1,), (1,)), ((), ())),
                         precision=lax.Precision.HIGHEST,
                         preferred_element_type=jnp.float32)
    wx_ref[...] = wx
    sc_ref[...] = lax.dot_general(wx, a_ref[...], (((1,), (0,)), ((), ())),
                                  precision=lax.Precision.HIGHEST,
                                  preferred_element_type=jnp.float32)


def _wx_scores(x, W, A):
    grid = (N // _BN,)
    return pl.pallas_call(
        _wx_scores_body,
        grid=grid,
        in_specs=[
            pl.BlockSpec((_BN, IN_DIM), lambda i: (i, 0)),
            pl.BlockSpec((OUT_DIM, IN_DIM), lambda i: (0, 0)),
            pl.BlockSpec((OUT_DIM, 128), lambda i: (0, 0)),
        ],
        out_specs=[
            pl.BlockSpec((_BN, OUT_DIM), lambda i: (i, 0)),
            pl.BlockSpec((_BN, 128), lambda i: (i, 0)),
        ],
        out_shape=[
            jax.ShapeDtypeStruct((N, OUT_DIM), jnp.float32),
            jax.ShapeDtypeStruct((N, 128), jnp.float32),
        ],
    )(x, W, A)


def _full16(v):
    return jnp.full((16,), v, jnp.int32)


def _sc_body(src_hbm, dst_hbm, wxt_hbm, sct_hbm, acc_hbm, den_hbm,
             rows_v, rout_v, ssrc_v, sdst_v, den_v, sidx_v, didxf_v, gidx_v,
             gdidx_v, didx_v, didx2_v, acc_sh, den_sh, sems, sems2, sems3,
             sems4):
    c = lax.axis_index("c")
    s = lax.axis_index("s")

    lane = lax.iota(jnp.int32, 16)
    zero16 = jnp.zeros((16,), jnp.float32)
    tbl_off = c * N
    k0 = c * 2

    def _zero_den(i, cc):
        den_v[0, i, pl.ds(0, 16)] = zero16
        den_v[1, i, pl.ds(0, 16)] = zero16
        return cc
    lax.fori_loop(0, CHUNK, _zero_den, 0)

    def _zero_row(i, cc):
        for u in range(FEAT_C // 16):
            rows_v[0, i, pl.ds(u * 16, 16)] = zero16
        return cc
    lax.fori_loop(0, SUB, _zero_row, 0)

    r0 = s * ROWS_PER_TILE
    for r in range(ROWS_PER_TILE // SUB):
        pltpu.sync_copy(rows_v.at[0], acc_sh.at[pl.ds(r0 + r * SUB, SUB)])
    tail = ROWS_PER_TILE - (ROWS_PER_TILE // SUB) * SUB
    pltpu.sync_copy(rows_v.at[0, pl.ds(0, tail)],
                    acc_sh.at[pl.ds(r0 + ROWS_PER_TILE - tail, tail)])
    d0 = s * DROWS_PER_TILE
    pltpu.sync_copy(den_v.at[0, pl.ds(0, DROWS_PER_TILE)],
                    den_sh.at[pl.ds(d0, DROWS_PER_TILE)])

    def _zero_didx(i, cc):
        sl = pl.ds(pl.multiple_of(i * 16, 16), 16)
        for b in range(NSUB):
            didx_v[b, sl] = jnp.zeros((16,), jnp.int32)
            didx2_v[0, b, sl] = jnp.zeros((16,), jnp.int32)
            didx2_v[1, b, sl] = jnp.zeros((16,), jnp.int32)
        return cc
    lax.fori_loop(0, SUB // 16, _zero_didx, 0)

    def _prime(i, cc):
        pltpu.async_copy(rows_v.at[0], acc_sh.at[didx_v.at[0]],
                         sems2.at[i + NSUB - 2], add=True)
        return cc
    lax.fori_loop(0, 2, _prime, 0)

    def _prime_den(t, cc):
        p = t // NSUB
        i = t % NSUB
        pltpu.async_copy(den_v.at[p, pl.ds(pl.multiple_of(i * SUB, 16), SUB)],
                         den_sh.at[didx2_v.at[p, i]], sems3.at[p, i],
                         add=True)
        return cc
    lax.fori_loop(0, 2 * NSUB, _prime_den, 0)

    ebase0 = pl.multiple_of(s * EDGES_PER_TILE, 16)
    pltpu.async_copy(src_hbm.at[pl.ds(ebase0, CHUNK)], sidx_v.at[0],
                     sems4.at[0])
    pltpu.async_copy(dst_hbm.at[pl.ds(ebase0, CHUNK)], didxf_v.at[0],
                     sems4.at[0])

    plsc.subcore_barrier()

    def _chunk_body(chunk, carry):
        pb = jnp.bitwise_and(chunk, 1)
        pbvec = jnp.full((16,), pb, jnp.int32)

        ebase = pl.multiple_of(s * EDGES_PER_TILE + chunk * CHUNK, 16)
        pltpu.make_async_copy(src_hbm.at[pl.ds(ebase, CHUNK)],
                              sidx_v.at[pb], sems4.at[pb]).wait()
        pltpu.make_async_copy(dst_hbm.at[pl.ds(ebase, CHUNK)],
                              didxf_v.at[pb], sems4.at[pb]).wait()
        nxt = jnp.minimum(chunk + 1, NCHUNK - 1)
        ebase2 = pl.multiple_of(s * EDGES_PER_TILE + nxt * CHUNK, 16)
        pltpu.async_copy(src_hbm.at[pl.ds(ebase2, CHUNK)],
                         sidx_v.at[1 - pb], sems4.at[1 - pb])
        pltpu.async_copy(dst_hbm.at[pl.ds(ebase2, CHUNK)],
                         didxf_v.at[1 - pb], sems4.at[1 - pb])

        def _drain0(i, cc):
            @pl.when(i >= NSUB - 2)
            def _():
                pltpu.make_async_copy(
                    rout_v.at[jnp.bitwise_and(i, 1)],
                    acc_sh.at[didx_v.at[i]], sems2.at[i]).wait()
            pltpu.make_async_copy(
                den_v.at[pb, pl.ds(pl.multiple_of(i * SUB, 16), SUB)],
                den_sh.at[didx2_v.at[pb, i]], sems3.at[pb, i]).wait()
            return cc
        lax.fori_loop(0, NSUB, _drain0, 0)

        @plsc.parallel_loop(0, CHUNK)
        def _zden(i):
            den_v[pb, i, pl.ds(0, 16)] = zero16

        def _prep(t, cc):
            i = t // (SUB // 16)
            g = t % (SUB // 16)
            sl = pl.ds(pl.multiple_of(g * 16, 16), 16)
            fl = pl.ds(pl.multiple_of(i * SUB + g * 16, 16), 16)
            gidx_v[i, sl] = sidx_v[pb, fl] + tbl_off
            dv = didxf_v[pb, fl]
            didx_v[i, sl] = dv
            gdidx_v[i, sl] = dv + tbl_off
            didx2_v[pb, i, sl] = lax.shift_right_logical(dv, 3)
            return cc
        lax.fori_loop(0, CHUNK // 16, _prep, 0)

        def _fire(i, cc):
            pltpu.async_copy(wxt_hbm.at[gidx_v.at[i]], rows_v.at[i],
                             sems.at[i])
            pltpu.async_copy(sct_hbm.at[gidx_v.at[i]], ssrc_v.at[i],
                             sems.at[i])
            pltpu.async_copy(sct_hbm.at[gdidx_v.at[i]], sdst_v.at[i],
                             sems.at[i])
            return cc
        lax.fori_loop(0, NSUB, _fire, 0)

        def _sub(i, cc):
            ivec = jnp.full((16,), i, jnp.int32)
            ob = jnp.bitwise_and(i, 1)
            obvec = jnp.full((16,), ob, jnp.int32)
            @pl.when(i >= 2)
            def _():
                ip = jnp.maximum(i - 2, 0)
                pltpu.make_async_copy(rout_v.at[ob],
                                      acc_sh.at[didx_v.at[ip]],
                                      sems2.at[ip]).wait()
            pltpu.make_async_copy(wxt_hbm.at[gidx_v.at[i]], rows_v.at[i],
                                  sems.at[i]).wait()
            pltpu.make_async_copy(sct_hbm.at[gidx_v.at[i]], ssrc_v.at[i],
                                  sems.at[i]).wait()
            pltpu.make_async_copy(sct_hbm.at[gdidx_v.at[i]], sdst_v.at[i],
                                  sems.at[i]).wait()

            @plsc.parallel_loop(0, SUB // 16)
            def _group(g):
                base = pl.multiple_of(g * 16, 16)
                fbase = pl.multiple_of(i * SUB + g * 16, 16)
                gvec = lane + base
                dst16 = didxf_v[pb, pl.ds(fbase, 16)]
                dlane = lax.shift_left(jnp.bitwise_and(dst16, 7), 1)
                ee = []
                for k in range(2):
                    s1 = plsc.load_gather(ssrc_v,
                                          [ivec, gvec, _full16(k) + k0])
                    s2 = plsc.load_gather(sdst_v,
                                          [ivec, gvec, _full16(4 + k) + k0])
                    e = s1 + s2
                    e = jnp.where(e >= 0.0, e, e * 0.2)
                    eh = jnp.exp(e)
                    plsc.store_scatter(den_v,
                                       [pbvec, gvec + i * SUB, dlane + k], eh)
                    ee.append(eh)

                for k in range(2):
                    for u in range(HEAD_DIM):
                        colv = jnp.full((16,), k * HEAD_DIM + u, jnp.int32)
                        v = plsc.load_gather(rows_v, [ivec, gvec, colv])
                        plsc.store_scatter(rout_v, [obvec, gvec, colv],
                                           v * ee[k])

            pltpu.async_copy(rout_v.at[ob], acc_sh.at[didx_v.at[i]],
                             sems2.at[i], add=True)
            pltpu.async_copy(
                den_v.at[pb, pl.ds(pl.multiple_of(i * SUB, 16), SUB)],
                den_sh.at[didx2_v.at[pb, i]], sems3.at[pb, i], add=True)
            return cc
        lax.fori_loop(0, NSUB, _sub, 0)
        return carry

    lax.fori_loop(0, NCHUNK, _chunk_body, 0)

    def _drain(i, cc):
        @pl.when(i >= NSUB - 2)
        def _():
            pltpu.make_async_copy(rout_v.at[jnp.bitwise_and(i, 1)],
                                  acc_sh.at[didx_v.at[i]],
                                  sems2.at[i]).wait()
        sl = pl.ds(pl.multiple_of(i * SUB, 16), SUB)
        pltpu.make_async_copy(den_v.at[0, sl], den_sh.at[didx2_v.at[0, i]],
                              sems3.at[0, i]).wait()
        pltpu.make_async_copy(den_v.at[1, sl], den_sh.at[didx2_v.at[1, i]],
                              sems3.at[1, i]).wait()
        return cc
    lax.fori_loop(0, NSUB, _drain, 0)
    pbl = jnp.bitwise_and(NCHUNK, 1)
    ebl = pl.multiple_of(s * EDGES_PER_TILE + (NCHUNK - 1) * CHUNK, 16)
    pltpu.make_async_copy(src_hbm.at[pl.ds(ebl, CHUNK)], sidx_v.at[pbl],
                          sems4.at[pbl]).wait()
    pltpu.make_async_copy(dst_hbm.at[pl.ds(ebl, CHUNK)], didxf_v.at[pbl],
                          sems4.at[pbl]).wait()

    plsc.subcore_barrier()

    def _wout(r, cc):
        row = pl.multiple_of(r0 + r * SUB, 8)
        pltpu.sync_copy(acc_sh.at[pl.ds(row, SUB)], rows_v.at[0])
        pltpu.sync_copy(rows_v.at[0], acc_hbm.at[c, pl.ds(row, SUB)])
        return cc
    lax.fori_loop(0, ROWS_PER_TILE // SUB, _wout, 0)
    wrow = pl.multiple_of(r0 + ROWS_PER_TILE - tail, 8)
    pltpu.sync_copy(acc_sh.at[pl.ds(wrow, tail)], rows_v.at[0, pl.ds(0, tail)])
    pltpu.sync_copy(rows_v.at[0, pl.ds(0, tail)],
                    acc_hbm.at[c, pl.ds(wrow, tail)])
    pltpu.sync_copy(den_sh.at[pl.ds(d0, DROWS_PER_TILE)],
                    den_v.at[0, pl.ds(0, DROWS_PER_TILE)])
    pltpu.sync_copy(den_v.at[0, pl.ds(0, DROWS_PER_TILE)],
                    den_hbm.at[c, pl.ds(d0, DROWS_PER_TILE)])


def _sc_edge_pass(src, dst, wxt, scores):
    mesh = plsc.VectorSubcoreMesh(core_axis_name="c", subcore_axis_name="s")
    f = functools.partial(
        pl.kernel,
        out_type=[
            jax.ShapeDtypeStruct((NC, N_PAD, FEAT_C), jnp.float32),
            jax.ShapeDtypeStruct((NC, DROWS, DEN_W), jnp.float32),
        ],
        mesh=mesh,
        scratch_types=[
            pltpu.VMEM((NSUB, SUB, FEAT_C), jnp.float32),
            pltpu.VMEM((2, SUB, FEAT_C), jnp.float32),
            pltpu.VMEM((NSUB, SUB, SC_TBL_W), jnp.float32),
            pltpu.VMEM((NSUB, SUB, SC_TBL_W), jnp.float32),
            pltpu.VMEM((2, CHUNK, DEN_W), jnp.float32),
            pltpu.VMEM((2, CHUNK), jnp.int32),
            pltpu.VMEM((2, CHUNK), jnp.int32),
            pltpu.VMEM((NSUB, SUB), jnp.int32),
            pltpu.VMEM((NSUB, SUB), jnp.int32),
            pltpu.VMEM((NSUB, SUB), jnp.int32),
            pltpu.VMEM((2, NSUB, SUB), jnp.int32),
            pltpu.VMEM_SHARED((N_PAD, FEAT_C), jnp.float32),
            pltpu.VMEM_SHARED((DROWS, DEN_W), jnp.float32),
            pltpu.SemaphoreType.DMA((NSUB,)),
            pltpu.SemaphoreType.DMA((NSUB,)),
            pltpu.SemaphoreType.DMA((2, NSUB)),
            pltpu.SemaphoreType.DMA((2,)),
        ],
        compiler_params=pltpu.CompilerParams(
            needs_layout_passes=False, use_tc_tiling_on_sc=False),
    )(_sc_body)
    return f(src, dst, wxt, scores)


def _finalize_body(acc_ref, den_ref, o_ref):
    p = acc_ref[...]
    d = den_ref[...]
    parts = []
    for c in range(NC):
        for k in range(2):
            dh = d[c, :, k:k + 1] + 1e-8
            parts.append(p[c, :, k * HEAD_DIM:(k + 1) * HEAD_DIM] / dh)
    o = jnp.concatenate(parts, axis=1)
    o_ref[...] = jnp.where(o > 0.0, o, jnp.exp(o) - 1.0)


def _finalize(acc, den):
    bn = 1264
    grid = (N_PAD // bn,)
    return pl.pallas_call(
        _finalize_body,
        grid=grid,
        in_specs=[
            pl.BlockSpec((NC, bn, FEAT_C), lambda i: (0, i, 0)),
            pl.BlockSpec((NC, bn, 2), lambda i: (0, i, 0)),
        ],
        out_specs=pl.BlockSpec((bn, OUT_DIM), lambda i: (i, 0)),
        out_shape=jax.ShapeDtypeStruct((N_PAD, OUT_DIM), jnp.float32),
    )(acc, den)


def kernel(x, edge_index, W, a_w):
    a_src = a_w[:HEAD_DIM]
    a_dst = a_w[HEAD_DIM:]
    A = jnp.zeros((OUT_DIM, 128), jnp.float32)
    for h in range(HEADS):
        sl = slice(h * HEAD_DIM, (h + 1) * HEAD_DIM)
        A = A.at[sl, h].set(a_src)
        A = A.at[sl, HEADS + h].set(a_dst)
    wx, scores_pad = _wx_scores(x, W, A)
    srow = scores_pad[:, :SC_TBL_W]
    sct = jnp.concatenate([srow, srow], axis=0)
    wxt = jnp.concatenate([wx[:, :FEAT_C], wx[:, FEAT_C:]], axis=0)
    acc, den = _sc_edge_pass(edge_index[0], edge_index[1], wxt, sct)
    den_full = den.reshape(NC, N_PAD, 2)
    return _finalize(acc, den_full)[:N]

# --- scband reference (transcript-rebuilt; emitter-appended) ---
"""Pipeline reference for scband-gatlayer-214748365439 (READ-ONLY COPY).

The authoritative reference and input builder live on the scoring server;
editing this copy changes nothing except your own understanding.
"""

import jax, jax.numpy as jnp
import numpy as np

N = 10000
E = 320000
IN_DIM = 128
OUT_DIM = 128
HEADS = 4
HEAD_DIM = OUT_DIM // HEADS


def setup_inputs(seed: int = 0) -> dict:
    key = jax.random.key(seed)
    k1, k2, k3, k4 = jax.random.split(key, 4)
    x = jax.random.normal(k1, (N, IN_DIM), dtype=jnp.float32)
    edge_index = jax.random.randint(k2, (2, E), 0, N, dtype=jnp.int32)
    W = jax.random.normal(k3, (OUT_DIM, IN_DIM), dtype=jnp.float32) * 0.05
    a_w = jax.random.normal(k4, (2 * HEAD_DIM,), dtype=jnp.float32) * 0.05
    return {"x": x, "edge_index": edge_index, "W": W, "a_w": a_w}


def reference(x, edge_index, W, a_w):
    # GAT layer forward (eval mode: dropout is identity)
    Wx = (x @ W.T).reshape(N, HEADS, HEAD_DIM)
    src = edge_index[0]
    dst = edge_index[1]
    Wx_src = jnp.take(Wx, src, axis=0)  # [E, H, Dh]
    Wx_dst = jnp.take(Wx, dst, axis=0)  # [E, H, Dh]
    cat = jnp.concatenate([Wx_src, Wx_dst], axis=-1)  # [E, H, 2*Dh]
    e = jax.nn.leaky_relu(cat @ a_w, negative_slope=0.2)  # [E, H]
    e_exp = jnp.exp(e)
    denom = jax.ops.segment_sum(e_exp, dst, num_segments=N)  # [N, H]
    alpha = e_exp / (jnp.take(denom, dst, axis=0) + 1e-08)  # [E, H]
    weighted = alpha[..., None] * Wx_src  # [E, H, Dh]
    out = jax.ops.segment_sum(weighted, dst, num_segments=N)  # [N, H, Dh]
    return jax.nn.elu(out.reshape(N, OUT_DIM))

if __name__ == "__main__":
    import jax
    _d = setup_inputs()
    print(jax.jit(kernel)(*tuple(_d.values())))

</pallas_src>

<mosaic_0001>
#map = affine_map<(d0, d1) -> (0)>
#map1 = affine_map<(d0, d1) -> (0, 0)>
#map2 = affine_map<(d0, d1) -> (0, 0, 0)>
module attributes {stable_mosaic.version = 14 : i64} {
  func.func @_sc_body(%arg0: i32, %arg1: i32, %arg2: memref<320000xi32, #tpu.memory_space<hbm>>, %arg3: memref<320000xi32, #tpu.memory_space<hbm>>, %arg4: memref<20000x64xf32, #tpu.memory_space<hbm>>, %arg5: memref<20000x16xf32, #tpu.memory_space<hbm>>, %arg6: memref<2x10112x64xf32, #tpu.memory_space<hbm>>, %arg7: memref<2x1264x16xf32, #tpu.memory_space<hbm>>, %arg8: memref<5x80x64xf32, #tpu.memory_space<vmem>>, %arg9: memref<2x80x64xf32, #tpu.memory_space<vmem>>, %arg10: memref<5x80x16xf32, #tpu.memory_space<vmem>>, %arg11: memref<5x80x16xf32, #tpu.memory_space<vmem>>, %arg12: memref<2x400x16xf32, #tpu.memory_space<vmem>>, %arg13: memref<2x400xi32, #tpu.memory_space<vmem>>, %arg14: memref<2x400xi32, #tpu.memory_space<vmem>>, %arg15: memref<5x80xi32, #tpu.memory_space<vmem>>, %arg16: memref<5x80xi32, #tpu.memory_space<vmem>>, %arg17: memref<5x80xi32, #tpu.memory_space<vmem>>, %arg18: memref<2x5x80xi32, #tpu.memory_space<vmem>>, %arg19: memref<10112x64xf32, #tpu.memory_space<vmem_shared>>, %arg20: memref<1264x16xf32, #tpu.memory_space<vmem_shared>>, %arg21: memref<5x!tpu.dma_semaphore, #tpu.memory_space<semaphore_mem>>, %arg22: memref<5x!tpu.dma_semaphore, #tpu.memory_space<semaphore_mem>>, %arg23: memref<2x5x!tpu.dma_semaphore, #tpu.memory_space<semaphore_mem>>, %arg24: memref<2x!tpu.dma_semaphore, #tpu.memory_space<semaphore_mem>>) attributes {dimension_semantics = [#tpu.dimension_semantics<core_parallel>, #tpu.dimension_semantics<subcore_parallel>], iteration_bounds = array<i64: 2, 16>, scalar_prefetch = 0 : i64, scratch_operands = 17 : i64, tpu.core_type = #tpu.core_type<sc_vector_subcore>, window_params = [{transform_indices = #map}, {transform_indices = #map}, {transform_indices = #map1}, {transform_indices = #map1}, {transform_indices = #map2}, {transform_indices = #map2}]} {
    %iota3A = tpu.iota {dimensions = array<i32: 0>} : vector<16xi32>
    %broadcast_in_dim3A = arith.constant 0.000000e+00 : f32
    %broadcast_in_dim3A_0 = vector.broadcast %broadcast_in_dim3A : f32 to vector<16xf32>
    %mul3A = arith.constant 10000 : i32
    %mul3A_1 = arith.muli %arg0, %mul3A : i32
    %mul3A_2 = arith.constant 2 : i32
    %mul3A_3 = arith.muli %arg0, %mul3A_2 : i32
    %scan3A = arith.constant 0 : i32
    %scan3A_4 = arith.constant 0 : i32
    %scan3A_5 = arith.constant 400 : i32
    %scan3A_6 = arith.addi %scan3A_4, %scan3A_5 : i32
    %scan3A_7 = arith.constant 1 : i32
    scf.for %scan3A_140 = %scan3A_4 to %scan3A_6 step %scan3A_7  : i32 {
      %swap3A = arith.constant 0 : i32
      %swap3A_141 = arith.index_cast %swap3A : i32 to index
      %swap3A_142 = arith.index_cast %scan3A_140 : i32 to index
      %swap3A_143 = arith.constant 0 : index
      %swap3A_144 = tpu.vector_load %arg12[%swap3A_141, %swap3A_142, %swap3A_143] {strides = array<i32>} : memref<2x400x16xf32, #tpu.memory_space<vmem>>, vector<16xf32>,
      tpu.vector_store %arg12[%swap3A_141, %swap3A_142, %swap3A_143], %broadcast_in_dim3A_0 {strides = array<i32>} : memref<2x400x16xf32, #tpu.memory_space<vmem>>, vector<16xf32>,
      %swap3A_145 = arith.constant 1 : i32
      %swap3A_146 = arith.index_cast %swap3A_145 : i32 to index
      %swap3A_147 = arith.index_cast %scan3A_140 : i32 to index
      %swap3A_148 = arith.constant 0 : index
      %swap3A_149 = tpu.vector_load %arg12[%swap3A_146, %swap3A_147, %swap3A_148] {strides = array<i32>} : memref<2x400x16xf32, #tpu.memory_space<vmem>>, vector<16xf32>,
      tpu.vector_store %arg12[%swap3A_146, %swap3A_147, %swap3A_148], %broadcast_in_dim3A_0 {strides = array<i32>} : memref<2x400x16xf32, #tpu.memory_space<vmem>>, vector<16xf32>,
    }
    %scan3A_8 = arith.constant 400 : i32
    %scan3A_9 = arith.constant 0 : i32
    %scan3A_10 = arith.constant 0 : i32
    %scan3A_11 = arith.constant 80 : i32
    %scan3A_12 = arith.addi %scan3A_10, %scan3A_11 : i32
    %scan3A_13 = arith.constant 1 : i32
    scf.for %scan3A_140 = %scan3A_10 to %scan3A_12 step %scan3A_13  : i32 {
      %swap3A = arith.constant 0 : i32
      %swap3A_141 = arith.index_cast %swap3A : i32 to index
      %swap3A_142 = arith.index_cast %scan3A_140 : i32 to index
      %swap3A_143 = arith.constant 0 : index
      %swap3A_144 = tpu.vector_load %arg8[%swap3A_141, %swap3A_142, %swap3A_143] {strides = array<i32>} : memref<5x80x64xf32, #tpu.memory_space<vmem>>, vector<16xf32>,
      tpu.vector_store %arg8[%swap3A_141, %swap3A_142, %swap3A_143], %broadcast_in_dim3A_0 {strides = array<i32>} : memref<5x80x64xf32, #tpu.memory_space<vmem>>, vector<16xf32>,
      %swap3A_145 = arith.constant 0 : i32
      %swap3A_146 = arith.index_cast %swap3A_145 : i32 to index
      %swap3A_147 = arith.index_cast %scan3A_140 : i32 to index
      %swap3A_148 = arith.constant 16 : index
      %swap3A_149 = tpu.vector_load %arg8[%swap3A_146, %swap3A_147, %swap3A_148] {strides = array<i32>} : memref<5x80x64xf32, #tpu.memory_space<vmem>>, vector<16xf32>,
      tpu.vector_store %arg8[%swap3A_146, %swap3A_147, %swap3A_148], %broadcast_in_dim3A_0 {strides = array<i32>} : memref<5x80x64xf32, #tpu.memory_space<vmem>>, vector<16xf32>,
      %swap3A_150 = arith.constant 0 : i32
      %swap3A_151 = arith.index_cast %swap3A_150 : i32 to index
      %swap3A_152 = arith.index_cast %scan3A_140 : i32 to index
      %swap3A_153 = arith.constant 32 : index
      %swap3A_154 = tpu.vector_load %arg8[%swap3A_151, %swap3A_152, %swap3A_153] {strides = array<i32>} : memref<5x80x64xf32, #tpu.memory_space<vmem>>, vector<16xf32>,
      tpu.vector_store %arg8[%swap3A_151, %swap3A_152, %swap3A_153], %broadcast_in_dim3A_0 {strides = array<i32>} : memref<5x80x64xf32, #tpu.memory_space<vmem>>, vector<16xf32>,
      %swap3A_155 = arith.constant 0 : i32
      %swap3A_156 = arith.index_cast %swap3A_155 : i32 to index
      %swap3A_157 = arith.index_cast %scan3A_140 : i32 to index
      %swap3A_158 = arith.constant 48 : index
      %swap3A_159 = tpu.vector_load %arg8[%swap3A_156, %swap3A_157, %swap3A_158] {strides = array<i32>} : memref<5x80x64xf32, #tpu.memory_space<vmem>>, vector<16xf32>,
      tpu.vector_store %arg8[%swap3A_156, %swap3A_157, %swap3A_158], %broadcast_in_dim3A_0 {strides = array<i32>} : memref<5x80x64xf32, #tpu.memory_space<vmem>>, vector<16xf32>,
    }
    %scan3A_14 = arith.constant 80 : i32
    %mul3A_15 = arith.constant 632 : i32
    %mul3A_16 = arith.muli %arg1, %mul3A_15 : i32
    %add3A = arith.constant 0 : i32
    %add3A_17 = arith.addi %mul3A_16, %add3A : i32
    %run_scoped3A = arith.constant 0 : i32
    "tpu.region"() ({
      %run_scoped3A_140 = tpu.sem_alloc : memref<!tpu.dma_semaphore, #tpu.memory_space<semaphore_mem>>
      %dma_start3A_141 = arith.constant 0 : i32
      %dma_start3A_142 = arith.constant 0 : i32
      %dma_start3A_143 = tpu.memref_slice %arg8[%run_scoped3A, %dma_start3A_141, %dma_start3A_142] : memref<5x80x64xf32, #tpu.memory_space<vmem>> -> memref<1x80x64xf32, #tpu.memory_space<vmem>>
      %dma_start3A_144 = tpu.memref_squeeze %dma_start3A_143 : memref<1x80x64xf32, #tpu.memory_space<vmem>> -> memref<80x64xf32, #tpu.memory_space<vmem>>
      %dma_start3A_145 = arith.constant 0 : i32
      %dma_start3A_146 = tpu.memref_slice %arg19[%add3A_17, %dma_start3A_145] : memref<10112x64xf32, #tpu.memory_space<vmem_shared>> -> memref<80x64xf32, #tpu.memory_space<vmem_shared>>
      %dma_start3A_147 = arith.constant 0 : i32
      %dma_start3A_148 = tpu.memref_slice %arg19[%add3A_17, %dma_start3A_147] : memref<10112x64xf32, #tpu.memory_space<vmem_shared>> -> memref<80x64xf32, #tpu.memory_space<vmem_shared>>
      %dma_start3A_149 = arith.constant 0 : i32
      %dma_start3A_150 = arith.constant 0 : i32
      %dma_start3A_151 = tpu.memref_slice %arg8[%run_scoped3A, %dma_start3A_149, %dma_start3A_150] : memref<5x80x64xf32, #tpu.memory_space<vmem>> -> memref<1x80x64xf32, #tpu.memory_space<vmem>>
      %dma_start3A_152 = tpu.memref_squeeze %dma_start3A_151 : memref<1x80x64xf32, #tpu.memory_space<vmem>> -> memref<80x64xf32, #tpu.memory_space<vmem>>
      tpu.enqueue_dma source(%dma_start3A_152 : memref<80x64xf32, #tpu.memory_space<vmem>>) target(%dma_start3A_148 : memref<80x64xf32, #tpu.memory_space<vmem_shared>>) target_semaphore(%run_scoped3A_140 : memref<!tpu.dma_semaphore, #tpu.memory_space<semaphore_mem>>)
      %dma_wait3A_153 = arith.constant 0 : i32
      %dma_wait3A_154 = arith.constant 0 : i32
      %dma_wait3A_155 = tpu.memref_slice %arg8[%run_scoped3A, %dma_wait3A_153, %dma_wait3A_154] : memref<5x80x64xf32, #tpu.memory_space<vmem>> -> memref<1x80x64xf32, #tpu.memory_space<vmem>>
      %dma_wait3A_156 = tpu.memref_squeeze %dma_wait3A_155 : memref<1x80x64xf32, #tpu.memory_space<vmem>> -> memref<80x64xf32, #tpu.memory_space<vmem>>
      %dma_wait3A_157 = arith.constant 0 : i32
      %dma_wait3A_158 = tpu.memref_slice %arg19[%add3A_17, %dma_wait3A_157] : memref<10112x64xf32, #tpu.memory_space<vmem_shared>> -> memref<80x64xf32, #tpu.memory_space<vmem_shared>>
      %dma_wait3A_159 = arith.constant 0 : i32
      %dma_wait3A_160 = tpu.memref_slice %arg19[%add3A_17, %dma_wait3A_159] : memref<10112x64xf32, #tpu.memory_space<vmem_shared>> -> memref<80x64xf32, #tpu.memory_space<vmem_shared>>
      %dma_wait3A_161 = arith.constant 0 : i32
      %dma_wait3A_162 = arith.constant 0 : i32
      %dma_wait3A_163 = tpu.memref_slice %arg8[%run_scoped3A, %dma_wait3A_161, %dma_wait3A_162] : memref<5x80x64xf32, #tpu.memory_space<vmem>> -> memref<1x80x64xf32, #tpu.memory_space<vmem>>
      %dma_wait3A_164 = tpu.memref_squeeze %dma_wait3A_163 : memref<1x80x64xf32, #tpu.memory_space<vmem>> -> memref<80x64xf32, #tpu.memory_space<vmem>>
      tpu.wait_dma2 semaphore(%run_scoped3A_140 : memref<!tpu.dma_semaphore, #tpu.memory_space<semaphore_mem>>) src(%dma_wait3A_164 : memref<80x64xf32, #tpu.memory_space<vmem>>) dst(%dma_wait3A_160 : memref<80x64xf32, #tpu.memory_space<vmem_shared>>)
      tpu.yield
    }) : () -> ()
    %add3A_18 = arith.constant 80 : i32
    %add3A_19 = arith.addi %mul3A_16, %add3A_18 : i32
    %run_scoped3A_20 = arith.constant 0 : i32
    "tpu.region"() ({
      %run_scoped3A_140 = tpu.sem_alloc : memref<!tpu.dma_semaphore, #tpu.memory_space<semaphore_mem>>
      %dma_start3A_141 = arith.constant 0 : i32
      %dma_start3A_142 = arith.constant 0 : i32
      %dma_start3A_143 = tpu.memref_slice %arg8[%run_scoped3A_20, %dma_start3A_141, %dma_start3A_142] : memref<5x80x64xf32, #tpu.memory_space<vmem>> -> memref<1x80x64xf32, #tpu.memory_space<vmem>>
      %dma_start3A_144 = tpu.memref_squeeze %dma_start3A_143 : memref<1x80x64xf32, #tpu.memory_space<vmem>> -> memref<80x64xf32, #tpu.memory_space<vmem>>
      %dma_start3A_145 = arith.constant 0 : i32
      %dma_start3A_146 = tpu.memref_slice %arg19[%add3A_19, %dma_start3A_145] : memref<10112x64xf32, #tpu.memory_space<vmem_shared>> -> memref<80x64xf32, #tpu.memory_space<vmem_shared>>
      %dma_start3A_147 = arith.constant 0 : i32
      %dma_start3A_148 = tpu.memref_slice %arg19[%add3A_19, %dma_start3A_147] : memref<10112x64xf32, #tpu.memory_space<vmem_shared>> -> memref<80x64xf32, #tpu.memory_space<vmem_shared>>
      %dma_start3A_149 = arith.constant 0 : i32
      %dma_start3A_150 = arith.constant 0 : i32
      %dma_start3A_151 = tpu.memref_slice %arg8[%run_scoped3A_20, %dma_start3A_149, %dma_start3A_150] : memref<5x80x64xf32, #tpu.memory_space<vmem>> -> memref<1x80x64xf32, #tpu.memory_space<vmem>>
      %dma_start3A_152 = tpu.memref_squeeze %dma_start3A_151 : memref<1x80x64xf32, #tpu.memory_space<vmem>> -> memref<80x64xf32, #tpu.memory_space<vmem>>
      tpu.enqueue_dma source(%dma_start3A_152 : memref<80x64xf32, #tpu.memory_space<vmem>>) target(%dma_start3A_148 : memref<80x64xf32, #tpu.memory_space<vmem_shared>>) target_semaphore(%run_scoped3A_140 : memref<!tpu.dma_semaphore, #tpu.memory_space<semaphore_mem>>)
      %dma_wait3A_153 = arith.constant 0 : i32
      %dma_wait3A_154 = arith.constant 0 : i32
      %dma_wait3A_155 = tpu.memref_slice %arg8[%run_scoped3A_20, %dma_wait3A_153, %dma_wait3A_154] : memref<5x80x64xf32, #tpu.memory_space<vmem>> -> memref<1x80x64xf32, #tpu.memory_space<vmem>>
      %dma_wait3A_156 = tpu.memref_squeeze %dma_wait3A_155 : memref<1x80x64xf32, #tpu.memory_space<vmem>> -> memref<80x64xf32, #tpu.memory_space<vmem>>
      %dma_wait3A_157 = arith.constant 0 : i32
      %dma_wait3A_158 = tpu.memref_slice %arg19[%add3A_19, %dma_wait3A_157] : memref<10112x64xf32, #tpu.memory_space<vmem_shared>> -> memref<80x64xf32, #tpu.memory_space<vmem_shared>>
      %dma_wait3A_159 = arith.constant 0 : i32
      %dma_wait3A_160 = tpu.memref_slice %arg19[%add3A_19, %dma_wait3A_159] : memref<10112x64xf32, #tpu.memory_space<vmem_shared>> -> memref<80x64xf32, #tpu.memory_space<vmem_shared>>
      %dma_wait3A_161 = arith.constant 0 : i32
      %dma_wait3A_162 = arith.constant 0 : i32
      %dma_wait3A_163 = tpu.memref_slice %arg8[%run_scoped3A_20, %dma_wait3A_161, %dma_wait3A_162] : memref<5x80x64xf32, #tpu.memory_space<vmem>> -> memref<1x80x64xf32, #tpu.memory_space<vmem>>
      %dma_wait3A_164 = tpu.memref_squeeze %dma_wait3A_163 : memref<1x80x64xf32, #tpu.memory_space<vmem>> -> memref<80x64xf32, #tpu.memory_space<vmem>>
      tpu.wait_dma2 semaphore(%run_scoped3A_140 : memref<!tpu.dma_semaphore, #tpu.memory_space<semaphore_mem>>) src(%dma_wait3A_164 : memref<80x64xf32, #tpu.memory_space<vmem>>) dst(%dma_wait3A_160 : memref<80x64xf32, #tpu.memory_space<vmem_shared>>)
      tpu.yield
    }) : () -> ()
    %add3A_21 = arith.constant 160 : i32
    %add3A_22 = arith.addi %mul3A_16, %add3A_21 : i32
    %run_scoped3A_23 = arith.constant 0 : i32
    "tpu.region"() ({
      %run_scoped3A_140 = tpu.sem_alloc : memref<!tpu.dma_semaphore, #tpu.memory_space<semaphore_mem>>
      %dma_start3A_141 = arith.constant 0 : i32
      %dma_start3A_142 = arith.constant 0 : i32
      %dma_start3A_143 = tpu.memref_slice %arg8[%run_scoped3A_23, %dma_start3A_141, %dma_start3A_142] : memref<5x80x64xf32, #tpu.memory_space<vmem>> -> memref<1x80x64xf32, #tpu.memory_space<vmem>>
      %dma_start3A_144 = tpu.memref_squeeze %dma_start3A_143 : memref<1x80x64xf32, #tpu.memory_space<vmem>> -> memref<80x64xf32, #tpu.memory_space<vmem>>
      %dma_start3A_145 = arith.constant 0 : i32
      %dma_start3A_146 = tpu.memref_slice %arg19[%add3A_22, %dma_start3A_145] : memref<10112x64xf32, #tpu.memory_space<vmem_shared>> -> memref<80x64xf32, #tpu.memory_space<vmem_shared>>
      %dma_start3A_147 = arith.constant 0 : i32
      %dma_start3A_148 = tpu.memref_slice %arg19[%add3A_22, %dma_start3A_147] : memref<10112x64xf32, #tpu.memory_space<vmem_shared>> -> memref<80x64xf32, #tpu.memory_space<vmem_shared>>
      %dma_start3A_149 = arith.constant 0 : i32
      %dma_start3A_150 = arith.constant 0 : i32
      %dma_start3A_151 = tpu.memref_slice %arg8[%run_scoped3A_23, %dma_start3A_149, %dma_start3A_150] : memref<5x80x64xf32, #tpu.memory_space<vmem>> -> memref<1x80x64xf32, #tpu.memory_space<vmem>>
      %dma_start3A_152 = tpu.memref_squeeze %dma_start3A_151 : memref<1x80x64xf32, #tpu.memory_space<vmem>> -> memref<80x64xf32, #tpu.memory_space<vmem>>
      tpu.enqueue_dma source(%dma_start3A_152 : memref<80x64xf32, #tpu.memory_space<vmem>>) target(%dma_start3A_148 : memref<80x64xf32, #tpu.memory_space<vmem_shared>>) target_semaphore(%run_scoped3A_140 : memref<!tpu.dma_semaphore, #tpu.memory_space<semaphore_mem>>)
      %dma_wait3A_153 = arith.constant 0 : i32
      %dma_wait3A_154 = arith.constant 0 : i32
      %dma_wait3A_155 = tpu.memref_slice %arg8[%run_scoped3A_23, %dma_wait3A_153, %dma_wait3A_154] : memref<5x80x64xf32, #tpu.memory_space<vmem>> -> memref<1x80x64xf32, #tpu.memory_space<vmem>>
      %dma_wait3A_156 = tpu.memref_squeeze %dma_wait3A_155 : memref<1x80x64xf32, #tpu.memory_space<vmem>> -> memref<80x64xf32, #tpu.memory_space<vmem>>
      %dma_wait3A_157 = arith.constant 0 : i32
      %dma_wait3A_158 = tpu.memref_slice %arg19[%add3A_22, %dma_wait3A_157] : memref<10112x64xf32, #tpu.memory_space<vmem_shared>> -> memref<80x64xf32, #tpu.memory_space<vmem_shared>>
      %dma_wait3A_159 = arith.constant 0 : i32
      %dma_wait3A_160 = tpu.memref_slice %arg19[%add3A_22, %dma_wait3A_159] : memref<10112x64xf32, #tpu.memory_space<vmem_shared>> -> memref<80x64xf32, #tpu.memory_space<vmem_shared>>
      %dma_wait3A_161 = arith.constant 0 : i32
      %dma_wait3A_162 = arith.constant 0 : i32
      %dma_wait3A_163 = tpu.memref_slice %arg8[%run_scoped3A_23, %dma_wait3A_161, %dma_wait3A_162] : memref<5x80x64xf32, #tpu.memory_space<vmem>> -> memref<1x80x64xf32, #tpu.memory_space<vmem>>
      %dma_wait3A_164 = tpu.memref_squeeze %dma_wait3A_163 : memref<1x80x64xf32, #tpu.memory_space<vmem>> -> memref<80x64xf32, #tpu.memory_space<vmem>>
      tpu.wait_dma2 semaphore(%run_scoped3A_140 : memref<!tpu.dma_semaphore, #tpu.memory_space<semaphore_mem>>) src(%dma_wait3A_164 : memref<80x64xf32, #tpu.memory_space<vmem>>) dst(%dma_wait3A_160 : memref<80x64xf32, #tpu.memory_space<vmem_shared>>)
      tpu.yield
    }) : () -> ()
    %add3A_24 = arith.constant 240 : i32
    %add3A_25 = arith.addi %mul3A_16, %add3A_24 : i32
    %run_scoped3A_26 = arith.constant 0 : i32
    "tpu.region"() ({
      %run_scoped3A_140 = tpu.sem_alloc : memref<!tpu.dma_semaphore, #tpu.memory_space<semaphore_mem>>
      %dma_start3A_141 = arith.constant 0 : i32
      %dma_start3A_142 = arith.constant 0 : i32
      %dma_start3A_143 = tpu.memref_slice %arg8[%run_scoped3A_26, %dma_start3A_141, %dma_start3A_142] : memref<5x80x64xf32, #tpu.memory_space<vmem>> -> memref<1x80x64xf32, #tpu.memory_space<vmem>>
      %dma_start3A_144 = tpu.memref_squeeze %dma_start3A_143 : memref<1x80x64xf32, #tpu.memory_space<vmem>> -> memref<80x64xf32, #tpu.memory_space<vmem>>
      %dma_start3A_145 = arith.constant 0 : i32
      %dma_start3A_146 = tpu.memref_slice %arg19[%add3A_25, %dma_start3A_145] : memref<10112x64xf32, #tpu.memory_space<vmem_shared>> -> memref<80x64xf32, #tpu.memory_space<vmem_shared>>
      %dma_start3A_147 = arith.constant 0 : i32
      %dma_start3A_148 = tpu.memref_slice %arg19[%add3A_25, %dma_start3A_147] : memref<10112x64xf32, #tpu.memory_space<vmem_shared>> -> memref<80x64xf32, #tpu.memory_space<vmem_shared>>
      %dma_start3A_149 = arith.constant 0 : i32
      %dma_start3A_150 = arith.constant 0 : i32
      %dma_start3A_151 = tpu.memref_slice %arg8[%run_scoped3A_26, %dma_start3A_149, %dma_start3A_150] : memref<5x80x64xf32, #tpu.memory_space<vmem>> -> memref<1x80x64xf32, #tpu.memory_space<vmem>>
      %dma_start3A_152 = tpu.memref_squeeze %dma_start3A_151 : memref<1x80x64xf32, #tpu.memory_space<vmem>> -> memref<80x64xf32, #tpu.memory_space<vmem>>
      tpu.enqueue_dma source(%dma_start3A_152 : memref<80x64xf32, #tpu.memory_space<vmem>>) target(%dma_start3A_148 : memref<80x64xf32, #tpu.memory_space<vmem_shared>>) target_semaphore(%run_scoped3A_140 : memref<!tpu.dma_semaphore, #tpu.memory_space<semaphore_mem>>)
      %dma_wait3A_153 = arith.constant 0 : i32
      %dma_wait3A_154 = arith.constant 0 : i32
      %dma_wait3A_155 = tpu.memref_slice %arg8[%run_scoped3A_26, %dma_wait3A_153, %dma_wait3A_154] : memref<5x80x64xf32, #tpu.memory_space<vmem>> -> memref<1x80x64xf32, #tpu.memory_space<vmem>>
      %dma_wait3A_156 = tpu.memref_squeeze %dma_wait3A_155 : memref<1x80x64xf32, #tpu.memory_space<vmem>> -> memref<80x64xf32, #tpu.memory_space<vmem>>
      %dma_wait3A_157 = arith.constant 0 : i32
      %dma_wait3A_158 = tpu.memref_slice %arg19[%add3A_25, %dma_wait3A_157] : memref<10112x64xf32, #tpu.memory_space<vmem_shared>> -> memref<80x64xf32, #tpu.memory_space<vmem_shared>>
      %dma_wait3A_159 = arith.constant 0 : i32
      %dma_wait3A_160 = tpu.memref_slice %arg19[%add3A_25, %dma_wait3A_159] : memref<10112x64xf32, #tpu.memory_space<vmem_shared>> -> memref<80x64xf32, #tpu.memory_space<vmem_shared>>
      %dma_wait3A_161 = arith.constant 0 : i32
      %dma_wait3A_162 = arith.constant 0 : i32
      %dma_wait3A_163 = tpu.memref_slice %arg8[%run_scoped3A_26, %dma_wait3A_161, %dma_wait3A_162] : memref<5x80x64xf32, #tpu.memory_space<vmem>> -> memref<1x80x64xf32, #tpu.memory_space<vmem>>
      %dma_wait3A_164 = tpu.memref_squeeze %dma_wait3A_163 : memref<1x80x64xf32, #tpu.memory_space<vmem>> -> memref<80x64xf32, #tpu.memory_space<vmem>>
      tpu.wait_dma2 semaphore(%run_scoped3A_140 : memref<!tpu.dma_semaphore, #tpu.memory_space<semaphore_mem>>) src(%dma_wait3A_164 : memref<80x64xf32, #tpu.memory_space<vmem>>) dst(%dma_wait3A_160 : memref<80x64xf32, #tpu.memory_space<vmem_shared>>)
      tpu.yield
    }) : () -> ()
    %add3A_27 = arith.constant 320 : i32
    %add3A_28 = arith.addi %mul3A_16, %add3A_27 : i32
    %run_scoped3A_29 = arith.constant 0 : i32
    "tpu.region"() ({
      %run_scoped3A_140 = tpu.sem_alloc : memref<!tpu.dma_semaphore, #tpu.memory_space<semaphore_mem>>
      %dma_start3A_141 = arith.constant 0 : i32
      %dma_start3A_142 = arith.constant 0 : i32
      %dma_start3A_143 = tpu.memref_slice %arg8[%run_scoped3A_29, %dma_start3A_141, %dma_start3A_142] : memref<5x80x64xf32, #tpu.memory_space<vmem>> -> memref<1x80x64xf32, #tpu.memory_space<vmem>>
      %dma_start3A_144 = tpu.memref_squeeze %dma_start3A_143 : memref<1x80x64xf32, #tpu.memory_space<vmem>> -> memref<80x64xf32, #tpu.memory_space<vmem>>
      %dma_start3A_145 = arith.constant 0 : i32
      %dma_start3A_146 = tpu.memref_slice %arg19[%add3A_28, %dma_start3A_145] : memref<10112x64xf32, #tpu.memory_space<vmem_shared>> -> memref<80x64xf32, #tpu.memory_space<vmem_shared>>
      %dma_start3A_147 = arith.constant 0 : i32
      %dma_start3A_148 = tpu.memref_slice %arg19[%add3A_28, %dma_start3A_147] : memref<10112x64xf32, #tpu.memory_space<vmem_shared>> -> memref<80x64xf32, #tpu.memory_space<vmem_shared>>
      %dma_start3A_149 = arith.constant 0 : i32
      %dma_start3A_150 = arith.constant 0 : i32
      %dma_start3A_151 = tpu.memref_slice %arg8[%run_scoped3A_29, %dma_start3A_149, %dma_start3A_150] : memref<5x80x64xf32, #tpu.memory_space<vmem>> -> memref<1x80x64xf32, #tpu.memory_space<vmem>>
      %dma_start3A_152 = tpu.memref_squeeze %dma_start3A_151 : memref<1x80x64xf32, #tpu.memory_space<vmem>> -> memref<80x64xf32, #tpu.memory_space<vmem>>
      tpu.enqueue_dma source(%dma_start3A_152 : memref<80x64xf32, #tpu.memory_space<vmem>>) target(%dma_start3A_148 : memref<80x64xf32, #tpu.memory_space<vmem_shared>>) target_semaphore(%run_scoped3A_140 : memref<!tpu.dma_semaphore, #tpu.memory_space<semaphore_mem>>)
      %dma_wait3A_153 = arith.constant 0 : i32
      %dma_wait3A_154 = arith.constant 0 : i32
      %dma_wait3A_155 = tpu.memref_slice %arg8[%run_scoped3A_29, %dma_wait3A_153, %dma_wait3A_154] : memref<5x80x64xf32, #tpu.memory_space<vmem>> -> memref<1x80x64xf32, #tpu.memory_space<vmem>>
      %dma_wait3A_156 = tpu.memref_squeeze %dma_wait3A_155 : memref<1x80x64xf32, #tpu.memory_space<vmem>> -> memref<80x64xf32, #tpu.memory_space<vmem>>
      %dma_wait3A_157 = arith.constant 0 : i32
      %dma_wait3A_158 = tpu.memref_slice %arg19[%add3A_28, %dma_wait3A_157] : memref<10112x64xf32, #tpu.memory_space<vmem_shared>> -> memref<80x64xf32, #tpu.memory_space<vmem_shared>>
      %dma_wait3A_159 = arith.constant 0 : i32
      %dma_wait3A_160 = tpu.memref_slice %arg19[%add3A_28, %dma_wait3A_159] : memref<10112x64xf32, #tpu.memory_space<vmem_shared>> -> memref<80x64xf32, #tpu.memory_space<vmem_shared>>
      %dma_wait3A_161 = arith.constant 0 : i32
      %dma_wait3A_162 = arith.constant 0 : i32
      %dma_wait3A_163 = tpu.memref_slice %arg8[%run_scoped3A_29, %dma_wait3A_161, %dma_wait3A_162] : memref<5x80x64xf32, #tpu.memory_space<vmem>> -> memref<1x80x64xf32, #tpu.memory_space<vmem>>
      %dma_wait3A_164 = tpu.memref_squeeze %dma_wait3A_163 : memref<1x80x64xf32, #tpu.memory_space<vmem>> -> memref<80x64xf32, #tpu.memory_space<vmem>>
      tpu.wait_dma2 semaphore(%run_scoped3A_140 : memref<!tpu.dma_semaphore, #tpu.memory_space<semaphore_mem>>) src(%dma_wait3A_164 : memref<80x64xf32, #tpu.memory_space<vmem>>) dst(%dma_wait3A_160 : memref<80x64xf32, #tpu.memory_space<vmem_shared>>)
      tpu.yield
    }) : () -> ()
    %add3A_30 = arith.constant 400 : i32
    %add3A_31 = arith.addi %mul3A_16, %add3A_30 : i32
    %run_scoped3A_32 = arith.constant 0 : i32
    "tpu.region"() ({
      %run_scoped3A_140 = tpu.sem_alloc : memref<!tpu.dma_semaphore, #tpu.memory_space<semaphore_mem>>
      %dma_start3A_141 = arith.constant 0 : i32
      %dma_start3A_142 = arith.constant 0 : i32
      %dma_start3A_143 = tpu.memref_slice %arg8[%run_scoped3A_32, %dma_start3A_141, %dma_start3A_142] : memref<5x80x64xf32, #tpu.memory_space<vmem>> -> memref<1x80x64xf32, #tpu.memory_space<vmem>>
      %dma_start3A_144 = tpu.memref_squeeze %dma_start3A_143 : memref<1x80x64xf32, #tpu.memory_space<vmem>> -> memref<80x64xf32, #tpu.memory_space<vmem>>
      %dma_start3A_145 = arith.constant 0 : i32
      %dma_start3A_146 = tpu.memref_slice %arg19[%add3A_31, %dma_start3A_145] : memref<10112x64xf32, #tpu.memory_space<vmem_shared>> -> memref<80x64xf32, #tpu.memory_space<vmem_shared>>
      %dma_start3A_147 = arith.constant 0 : i32
      %dma_start3A_148 = tpu.memref_slice %arg19[%add3A_31, %dma_start3A_147] : memref<10112x64xf32, #tpu.memory_space<vmem_shared>> -> memref<80x64xf32, #tpu.memory_space<vmem_shared>>
      %dma_start3A_149 = arith.constant 0 : i32
      %dma_start3A_150 = arith.constant 0 : i32
      %dma_start3A_151 = tpu.memref_slice %arg8[%run_scoped3A_32, %dma_start3A_149, %dma_start3A_150] : memref<5x80x64xf32, #tpu.memory_space<vmem>> -> memref<1x80x64xf32, #tpu.memory_space<vmem>>
      %dma_start3A_152 = tpu.memref_squeeze %dma_start3A_151 : memref<1x80x64xf32, #tpu.memory_space<vmem>> -> memref<80x64xf32, #tpu.memory_space<vmem>>
      tpu.enqueue_dma source(%dma_start3A_152 : memref<80x64xf32, #tpu.memory_space<vmem>>) target(%dma_start3A_148 : memref<80x64xf32, #tpu.memory_space<vmem_shared>>) target_semaphore(%run_scoped3A_140 : memref<!tpu.dma_semaphore, #tpu.memory_space<semaphore_mem>>)
      %dma_wait3A_153 = arith.constant 0 : i32
      %dma_wait3A_154 = arith.constant 0 : i32
      %dma_wait3A_155 = tpu.memref_slice %arg8[%run_scoped3A_32, %dma_wait3A_153, %dma_wait3A_154] : memref<5x80x64xf32, #tpu.memory_space<vmem>> -> memref<1x80x64xf32, #tpu.memory_space<vmem>>
      %dma_wait3A_156 = tpu.memref_squeeze %dma_wait3A_155 : memref<1x80x64xf32, #tpu.memory_space<vmem>> -> memref<80x64xf32, #tpu.memory_space<vmem>>
      %dma_wait3A_157 = arith.constant 0 : i32
      %dma_wait3A_158 = tpu.memref_slice %arg19[%add3A_31, %dma_wait3A_157] : memref<10112x64xf32, #tpu.memory_space<vmem_shared>> -> memref<80x64xf32, #tpu.memory_space<vmem_shared>>
      %dma_wait3A_159 = arith.constant 0 : i32
      %dma_wait3A_160 = tpu.memref_slice %arg19[%add3A_31, %dma_wait3A_159] : memref<10112x64xf32, #tpu.memory_space<vmem_shared>> -> memref<80x64xf32, #tpu.memory_space<vmem_shared>>
      %dma_wait3A_161 = arith.constant 0 : i32
      %dma_wait3A_162 = arith.constant 0 : i32
      %dma_wait3A_163 = tpu.memref_slice %arg8[%run_scoped3A_32, %dma_wait3A_161, %dma_wait3A_162] : memref<5x80x64xf32, #tpu.memory_space<vmem>> -> memref<1x80x64xf32, #tpu.memory_space<vmem>>
      %dma_wait3A_164 = tpu.memref_squeeze %dma_wait3A_163 : memref<1x80x64xf32, #tpu.memory_space<vmem>> -> memref<80x64xf32, #tpu.memory_space<vmem>>
      tpu.wait_dma2 semaphore(%run_scoped3A_140 : memref<!tpu.dma_semaphore, #tpu.memory_space<semaphore_mem>>) src(%dma_wait3A_164 : memref<80x64xf32, #tpu.memory_space<vmem>>) dst(%dma_wait3A_160 : memref<80x64xf32, #tpu.memory_space<vmem_shared>>)
      tpu.yield
    }) : () -> ()
    %add3A_33 = arith.constant 480 : i32
    %add3A_34 = arith.addi %mul3A_16, %add3A_33 : i32
    %run_scoped3A_35 = arith.constant 0 : i32
    "tpu.region"() ({
      %run_scoped3A_140 = tpu.sem_alloc : memref<!tpu.dma_semaphore, #tpu.memory_space<semaphore_mem>>
      %dma_start3A_141 = arith.constant 0 : i32
      %dma_start3A_142 = arith.constant 0 : i32
      %dma_start3A_143 = tpu.memref_slice %arg8[%run_scoped3A_35, %dma_start3A_141, %dma_start3A_142] : memref<5x80x64xf32, #tpu.memory_space<vmem>> -> memref<1x80x64xf32, #tpu.memory_space<vmem>>
      %dma_start3A_144 = tpu.memref_squeeze %dma_start3A_143 : memref<1x80x64xf32, #tpu.memory_space<vmem>> -> memref<80x64xf32, #tpu.memory_space<vmem>>
      %dma_start3A_145 = arith.constant 0 : i32
      %dma_start3A_146 = tpu.memref_slice %arg19[%add3A_34, %dma_start3A_145] : memref<10112x64xf32, #tpu.memory_space<vmem_shared>> -> memref<80x64xf32, #tpu.memory_space<vmem_shared>>
      %dma_start3A_147 = arith.constant 0 : i32
      %dma_start3A_148 = tpu.memref_slice %arg19[%add3A_34, %dma_start3A_147] : memref<10112x64xf32, #tpu.memory_space<vmem_shared>> -> memref<80x64xf32, #tpu.memory_space<vmem_shared>>
      %dma_start3A_149 = arith.constant 0 : i32
      %dma_start3A_150 = arith.constant 0 : i32
      %dma_start3A_151 = tpu.memref_slice %arg8[%run_scoped3A_35, %dma_start3A_149, %dma_start3A_150] : memref<5x80x64xf32, #tpu.memory_space<vmem>> -> memref<1x80x64xf32, #tpu.memory_space<vmem>>
      %dma_start3A_152 = tpu.memref_squeeze %dma_start3A_151 : memref<1x80x64xf32, #tpu.memory_space<vmem>> -> memref<80x64xf32, #tpu.memory_space<vmem>>
      tpu.enqueue_dma source(%dma_start3A_152 : memref<80x64xf32, #tpu.memory_space<vmem>>) target(%dma_start3A_148 : memref<80x64xf32, #tpu.memory_space<vmem_shared>>) target_semaphore(%run_scoped3A_140 : memref<!tpu.dma_semaphore, #tpu.memory_space<semaphore_mem>>)
      %dma_wait3A_153 = arith.constant 0 : i32
      %dma_wait3A_154 = arith.constant 0 : i32
      %dma_wait3A_155 = tpu.memref_slice %arg8[%run_scoped3A_35, %dma_wait3A_153, %dma_wait3A_154] : memref<5x80x64xf32, #tpu.memory_space<vmem>> -> memref<1x80x64xf32, #tpu.memory_space<vmem>>
      %dma_wait3A_156 = tpu.memref_squeeze %dma_wait3A_155 : memref<1x80x64xf32, #tpu.memory_space<vmem>> -> memref<80x64xf32, #tpu.memory_space<vmem>>
      %dma_wait3A_157 = arith.constant 0 : i32
      %dma_wait3A_158 = tpu.memref_slice %arg19[%add3A_34, %dma_wait3A_157] : memref<10112x64xf32, #tpu.memory_space<vmem_shared>> -> memref<80x64xf32, #tpu.memory_space<vmem_shared>>
      %dma_wait3A_159 = arith.constant 0 : i32
      %dma_wait3A_160 = tpu.memref_slice %arg19[%add3A_34, %dma_wait3A_159] : memref<10112x64xf32, #tpu.memory_space<vmem_shared>> -> memref<80x64xf32, #tpu.memory_space<vmem_shared>>
      %dma_wait3A_161 = arith.constant 0 : i32
      %dma_wait3A_162 = arith.constant 0 : i32
      %dma_wait3A_163 = tpu.memref_slice %arg8[%run_scoped3A_35, %dma_wait3A_161, %dma_wait3A_162] : memref<5x80x64xf32, #tpu.memory_space<vmem>> -> memref<1x80x64xf32, #tpu.memory_space<vmem>>
      %dma_wait3A_164 = tpu.memref_squeeze %dma_wait3A_163 : memref<1x80x64xf32, #tpu.memory_space<vmem>> -> memref<80x64xf32, #tpu.memory_space<vmem>>
      tpu.wait_dma2 semaphore(%run_scoped3A_140 : memref<!tpu.dma_semaphore, #tpu.memory_space<semaphore_mem>>) src(%dma_wait3A_164 : memref<80x64xf32, #tpu.memory_space<vmem>>) dst(%dma_wait3A_160 : memref<80x64xf32, #tpu.memory_space<vmem_shared>>)
      tpu.yield
    }) : () -> ()
    %add3A_36 = arith.constant 632 : i32
    %add3A_37 = arith.addi %mul3A_16, %add3A_36 : i32
    %sub3A = arith.constant 72 : i32
    %sub3A_38 = arith.subi %add3A_37, %sub3A : i32
    %run_scoped3A_39 = arith.constant 0 : i32
    "tpu.region"() ({
      %run_scoped3A_140 = tpu.sem_alloc : memref<!tpu.dma_semaphore, #tpu.memory_space<semaphore_mem>>
      %dma_start3A_141 = arith.constant 0 : i32
      %dma_start3A_142 = arith.constant 0 : i32
      %dma_start3A_143 = tpu.memref_slice %arg8[%run_scoped3A_39, %dma_start3A_141, %dma_start3A_142] : memref<5x80x64xf32, #tpu.memory_space<vmem>> -> memref<1x72x64xf32, #tpu.memory_space<vmem>>
      %dma_start3A_144 = tpu.memref_squeeze %dma_start3A_143 : memref<1x72x64xf32, #tpu.memory_space<vmem>> -> memref<72x64xf32, #tpu.memory_space<vmem>>
      %dma_start3A_145 = arith.constant 0 : i32
      %dma_start3A_146 = tpu.memref_slice %arg19[%sub3A_38, %dma_start3A_145] : memref<10112x64xf32, #tpu.memory_space<vmem_shared>> -> memref<72x64xf32, #tpu.memory_space<vmem_shared>>
      %dma_start3A_147 = arith.constant 0 : i32
      %dma_start3A_148 = tpu.memref_slice %arg19[%sub3A_38, %dma_start3A_147] : memref<10112x64xf32, #tpu.memory_space<vmem_shared>> -> memref<72x64xf32, #tpu.memory_space<vmem_shared>>
      %dma_start3A_149 = arith.constant 0 : i32
      %dma_start3A_150 = arith.constant 0 : i32
      %dma_start3A_151 = tpu.memref_slice %arg8[%run_scoped3A_39, %dma_start3A_149, %dma_start3A_150] : memref<5x80x64xf32, #tpu.memory_space<vmem>> -> memref<1x72x64xf32, #tpu.memory_space<vmem>>
      %dma_start3A_152 = tpu.memref_squeeze %dma_start3A_151 : memref<1x72x64xf32, #tpu.memory_space<vmem>> -> memref<72x64xf32, #tpu.memory_space<vmem>>
      tpu.enqueue_dma source(%dma_start3A_152 : memref<72x64xf32, #tpu.memory_space<vmem>>) target(%dma_start3A_148 : memref<72x64xf32, #tpu.memory_space<vmem_shared>>) target_semaphore(%run_scoped3A_140 : memref<!tpu.dma_semaphore, #tpu.memory_space<semaphore_mem>>)
      %dma_wait3A_153 = arith.constant 0 : i32
      %dma_wait3A_154 = arith.constant 0 : i32
      %dma_wait3A_155 = tpu.memref_slice %arg8[%run_scoped3A_39, %dma_wait3A_153, %dma_wait3A_154] : memref<5x80x64xf32, #tpu.memory_space<vmem>> -> memref<1x72x64xf32, #tpu.memory_space<vmem>>
      %dma_wait3A_156 = tpu.memref_squeeze %dma_wait3A_155 : memref<1x72x64xf32, #tpu.memory_space<vmem>> -> memref<72x64xf32, #tpu.memory_space<vmem>>
      %dma_wait3A_157 = arith.constant 0 : i32
      %dma_wait3A_158 = tpu.memref_slice %arg19[%sub3A_38, %dma_wait3A_157] : memref<10112x64xf32, #tpu.memory_space<vmem_shared>> -> memref<72x64xf32, #tpu.memory_space<vmem_shared>>
      %dma_wait3A_159 = arith.constant 0 : i32
      %dma_wait3A_160 = tpu.memref_slice %arg19[%sub3A_38, %dma_wait3A_159] : memref<10112x64xf32, #tpu.memory_space<vmem_shared>> -> memref<72x64xf32, #tpu.memory_space<vmem_shared>>
      %dma_wait3A_161 = arith.constant 0 : i32
      %dma_wait3A_162 = arith.constant 0 : i32
      %dma_wait3A_163 = tpu.memref_slice %arg8[%run_scoped3A_39, %dma_wait3A_161, %dma_wait3A_162] : memref<5x80x64xf32, #tpu.memory_space<vmem>> -> memref<1x72x64xf32, #tpu.memory_space<vmem>>
      %dma_wait3A_164 = tpu.memref_squeeze %dma_wait3A_163 : memref<1x72x64xf32, #tpu.memory_space<vmem>> -> memref<72x64xf32, #tpu.memory_space<vmem>>
      tpu.wait_dma2 semaphore(%run_scoped3A_140 : memref<!tpu.dma_semaphore, #tpu.memory_space<semaphore_mem>>) src(%dma_wait3A_164 : memref<72x64xf32, #tpu.memory_space<vmem>>) dst(%dma_wait3A_160 : memref<72x64xf32, #tpu.memory_space<vmem_shared>>)
      tpu.yield
    }) : () -> ()
    %mul3A_40 = arith.constant 79 : i32
    %mul3A_41 = arith.muli %arg1, %mul3A_40 : i32
    %run_scoped3A_42 = arith.constant 0 : i32
    "tpu.region"() ({
      %run_scoped3A_140 = tpu.sem_alloc : memref<!tpu.dma_semaphore, #tpu.memory_space<semaphore_mem>>
      %dma_start3A_141 = arith.constant 0 : i32
      %dma_start3A_142 = arith.constant 0 : i32
      %dma_start3A_143 = tpu.memref_slice %arg12[%run_scoped3A_42, %dma_start3A_141, %dma_start3A_142] : memref<2x400x16xf32, #tpu.memory_space<vmem>> -> memref<1x79x16xf32, #tpu.memory_space<vmem>>
      %dma_start3A_144 = tpu.memref_squeeze %dma_start3A_143 : memref<1x79x16xf32, #tpu.memory_space<vmem>> -> memref<79x16xf32, #tpu.memory_space<vmem>>
      %dma_start3A_145 = arith.constant 0 : i32
      %dma_start3A_146 = tpu.memref_slice %arg20[%mul3A_41, %dma_start3A_145] : memref<1264x16xf32, #tpu.memory_space<vmem_shared>> -> memref<79x16xf32, #tpu.memory_space<vmem_shared>>
      %dma_start3A_147 = arith.constant 0 : i32
      %dma_start3A_148 = tpu.memref_slice %arg20[%mul3A_41, %dma_start3A_147] : memref<1264x16xf32, #tpu.memory_space<vmem_shared>> -> memref<79x16xf32, #tpu.memory_space<vmem_shared>>
      %dma_start3A_149 = arith.constant 0 : i32
      %dma_start3A_150 = arith.constant 0 : i32
      %dma_start3A_151 = tpu.memref_slice %arg12[%run_scoped3A_42, %dma_start3A_149, %dma_start3A_150] : memref<2x400x16xf32, #tpu.memory_space<vmem>> -> memref<1x79x16xf32, #tpu.memory_space<vmem>>
      %dma_start3A_152 = tpu.memref_squeeze %dma_start3A_151 : memref<1x79x16xf32, #tpu.memory_space<vmem>> -> memref<79x16xf32, #tpu.memory_space<vmem>>
      tpu.enqueue_dma source(%dma_start3A_152 : memref<79x16xf32, #tpu.memory_space<vmem>>) target(%dma_start3A_148 : memref<79x16xf32, #tpu.memory_space<vmem_shared>>) target_semaphore(%run_scoped3A_140 : memref<!tpu.dma_semaphore, #tpu.memory_space<semaphore_mem>>)
      %dma_wait3A_153 = arith.constant 0 : i32
      %dma_wait3A_154 = arith.constant 0 : i32
      %dma_wait3A_155 = tpu.memref_slice %arg12[%run_scoped3A_42, %dma_wait3A_153, %dma_wait3A_154] : memref<2x400x16xf32, #tpu.memory_space<vmem>> -> memref<1x79x16xf32, #tpu.memory_space<vmem>>
      %dma_wait3A_156 = tpu.memref_squeeze %dma_wait3A_155 : memref<1x79x16xf32, #tpu.memory_space<vmem>> -> memref<79x16xf32, #tpu.memory_space<vmem>>
      %dma_wait3A_157 = arith.constant 0 : i32
      %dma_wait3A_158 = tpu.memref_slice %arg20[%mul3A_41, %dma_wait3A_157] : memref<1264x16xf32, #tpu.memory_space<vmem_shared>> -> memref<79x16xf32, #tpu.memory_space<vmem_shared>>
      %dma_wait3A_159 = arith.constant 0 : i32
      %dma_wait3A_160 = tpu.memref_slice %arg20[%mul3A_41, %dma_wait3A_159] : memref<1264x16xf32, #tpu.memory_space<vmem_shared>> -> memref<79x16xf32, #tpu.memory_space<vmem_shared>>
      %dma_wait3A_161 = arith.constant 0 : i32
      %dma_wait3A_162 = arith.constant 0 : i32
      %dma_wait3A_163 = tpu.memref_slice %arg12[%run_scoped3A_42, %dma_wait3A_161, %dma_wait3A_162] : memref<2x400x16xf32, #tpu.memory_space<vmem>> -> memref<1x79x16xf32, #tpu.memory_space<vmem>>
      %dma_wait3A_164 = tpu.memref_squeeze %dma_wait3A_163 : memref<1x79x16xf32, #tpu.memory_space<vmem>> -> memref<79x16xf32, #tpu.memory_space<vmem>>
      tpu.wait_dma2 semaphore(%run_scoped3A_140 : memref<!tpu.dma_semaphore, #tpu.memory_space<semaphore_mem>>) src(%dma_wait3A_164 : memref<79x16xf32, #tpu.memory_space<vmem>>) dst(%dma_wait3A_160 : memref<79x16xf32, #tpu.memory_space<vmem_shared>>)
      tpu.yield
    }) : () -> ()
    %scan3A_43 = arith.constant 0 : i32
    %scan3A_44 = arith.constant 0 : i32
    %scan3A_45 = arith.constant 5 : i32
    %scan3A_46 = arith.addi %scan3A_44, %scan3A_45 : i32
    %scan3A_47 = arith.constant 1 : i32
    scf.for %scan3A_140 = %scan3A_44 to %scan3A_46 step %scan3A_47  : i32 {
      %mul3A_141 = arith.constant 16 : i32
      %mul3A_142 = arith.muli %scan3A_140, %mul3A_141 : i32
      %multiple_of3A_143 = tpu.assume_multiple %mul3A_142, 16 : i32
      %broadcast_in_dim3A_144 = arith.constant 0 : i32
      %broadcast_in_dim3A_145 = vector.broadcast %broadcast_in_dim3A_144 : i32 to vector<16xi32>
      %swap3A = arith.constant 0 : i32
      %swap3A_146 = arith.index_cast %swap3A : i32 to index
      %swap3A_147 = arith.index_cast %multiple_of3A_143 : i32 to index
      %swap3A_148 = tpu.vector_load %arg17[%swap3A_146, %swap3A_147] {strides = array<i32>} : memref<5x80xi32, #tpu.memory_space<vmem>>, vector<16xi32>,
      tpu.vector_store %arg17[%swap3A_146, %swap3A_147], %broadcast_in_dim3A_145 {strides = array<i32>} : memref<5x80xi32, #tpu.memory_space<vmem>>, vector<16xi32>,
      %broadcast_in_dim3A_149 = arith.constant 0 : i32
      %broadcast_in_dim3A_150 = vector.broadcast %broadcast_in_dim3A_149 : i32 to vector<16xi32>
      %swap3A_151 = arith.constant 0 : i32
      %swap3A_152 = arith.constant 0 : i32
      %swap3A_153 = arith.index_cast %swap3A_151 : i32 to index
      %swap3A_154 = arith.index_cast %swap3A_152 : i32 to index
      %swap3A_155 = arith.index_cast %multiple_of3A_143 : i32 to index
      %swap3A_156 = tpu.vector_load %arg18[%swap3A_153, %swap3A_154, %swap3A_155] {strides = array<i32>} : memref<2x5x80xi32, #tpu.memory_space<vmem>>, vector<16xi32>,
      tpu.vector_store %arg18[%swap3A_153, %swap3A_154, %swap3A_155], %broadcast_in_dim3A_150 {strides = array<i32>} : memref<2x5x80xi32, #tpu.memory_space<vmem>>, vector<16xi32>,
      %broadcast_in_dim3A_157 = arith.constant 0 : i32
      %broadcast_in_dim3A_158 = vector.broadcast %broadcast_in_dim3A_157 : i32 to vector<16xi32>
      %swap3A_159 = arith.constant 1 : i32
      %swap3A_160 = arith.constant 0 : i32
      %swap3A_161 = arith.index_cast %swap3A_159 : i32 to index
      %swap3A_162 = arith.index_cast %swap3A_160 : i32 to index
      %swap3A_163 = arith.index_cast %multiple_of3A_143 : i32 to index
      %swap3A_164 = tpu.vector_load %arg18[%swap3A_161, %swap3A_162, %swap3A_163] {strides = array<i32>} : memref<2x5x80xi32, #tpu.memory_space<vmem>>, vector<16xi32>,
      tpu.vector_store %arg18[%swap3A_161, %swap3A_162, %swap3A_163], %broadcast_in_dim3A_158 {strides = array<i32>} : memref<2x5x80xi32, #tpu.memory_space<vmem>>, vector<16xi32>,
      %broadcast_in_dim3A_165 = arith.constant 0 : i32
      %broadcast_in_dim3A_166 = vector.broadcast %broadcast_in_dim3A_165 : i32 to vector<16xi32>
      %swap3A_167 = arith.constant 1 : i32
      %swap3A_168 = arith.index_cast %swap3A_167 : i32 to index
      %swap3A_169 = arith.index_cast %multiple_of3A_143 : i32 to index
      %swap3A_170 = tpu.vector_load %arg17[%swap3A_168, %swap3A_169] {strides = array<i32>} : memref<5x80xi32, #tpu.memory_space<vmem>>, vector<16xi32>,
      tpu.vector_store %arg17[%swap3A_168, %swap3A_169], %broadcast_in_dim3A_166 {strides = array<i32>} : memref<5x80xi32, #tpu.memory_space<vmem>>, vector<16xi32>,
      %broadcast_in_dim3A_171 = arith.constant 0 : i32
      %broadcast_in_dim3A_172 = vector.broadcast %broadcast_in_dim3A_171 : i32 to vector<16xi32>
      %swap3A_173 = arith.constant 0 : i32
      %swap3A_174 = arith.constant 1 : i32
      %swap3A_175 = arith.index_cast %swap3A_173 : i32 to index
      %swap3A_176 = arith.index_cast %swap3A_174 : i32 to index
      %swap3A_177 = arith.index_cast %multiple_of3A_143 : i32 to index
      %swap3A_178 = tpu.vector_load %arg18[%swap3A_175, %swap3A_176, %swap3A_177] {strides = array<i32>} : memref<2x5x80xi32, #tpu.memory_space<vmem>>, vector<16xi32>,
      tpu.vector_store %arg18[%swap3A_175, %swap3A_176, %swap3A_177], %broadcast_in_dim3A_172 {strides = array<i32>} : memref<2x5x80xi32, #tpu.memory_space<vmem>>, vector<16xi32>,
      %broadcast_in_dim3A_179 = arith.constant 0 : i32
      %broadcast_in_dim3A_180 = vector.broadcast %broadcast_in_dim3A_179 : i32 to vector<16xi32>
      %swap3A_181 = arith.constant 1 : i32
      %swap3A_182 = arith.constant 1 : i32
      %swap3A_183 = arith.index_cast %swap3A_181 : i32 to index
      %swap3A_184 = arith.index_cast %swap3A_182 : i32 to index
      %swap3A_185 = arith.index_cast %multiple_of3A_143 : i32 to index
      %swap3A_186 = tpu.vector_load %arg18[%swap3A_183, %swap3A_184, %swap3A_185] {strides = array<i32>} : memref<2x5x80xi32, #tpu.memory_space<vmem>>, vector<16xi32>,
      tpu.vector_store %arg18[%swap3A_183, %swap3A_184, %swap3A_185], %broadcast_in_dim3A_180 {strides = array<i32>} : memref<2x5x80xi32, #tpu.memory_space<vmem>>, vector<16xi32>,
      %broadcast_in_dim3A_187 = arith.constant 0 : i32
      %broadcast_in_dim3A_188 = vector.broadcast %broadcast_in_dim3A_187 : i32 to vector<16xi32>
      %swap3A_189 = arith.constant 2 : i32
      %swap3A_190 = arith.index_cast %swap3A_189 : i32 to index
      %swap3A_191 = arith.index_cast %multiple_of3A_143 : i32 to index
      %swap3A_192 = tpu.vector_load %arg17[%swap3A_190, %swap3A_191] {strides = array<i32>} : memref<5x80xi32, #tpu.memory_space<vmem>>, vector<16xi32>,
      tpu.vector_store %arg17[%swap3A_190, %swap3A_191], %broadcast_in_dim3A_188 {strides = array<i32>} : memref<5x80xi32, #tpu.memory_space<vmem>>, vector<16xi32>,
      %broadcast_in_dim3A_193 = arith.constant 0 : i32
      %broadcast_in_dim3A_194 = vector.broadcast %broadcast_in_dim3A_193 : i32 to vector<16xi32>
      %swap3A_195 = arith.constant 0 : i32
      %swap3A_196 = arith.constant 2 : i32
      %swap3A_197 = arith.index_cast %swap3A_195 : i32 to index
      %swap3A_198 = arith.index_cast %swap3A_196 : i32 to index
      %swap3A_199 = arith.index_cast %multiple_of3A_143 : i32 to index
      %swap3A_200 = tpu.vector_load %arg18[%swap3A_197, %swap3A_198, %swap3A_199] {strides = array<i32>} : memref<2x5x80xi32, #tpu.memory_space<vmem>>, vector<16xi32>,
      tpu.vector_store %arg18[%swap3A_197, %swap3A_198, %swap3A_199], %broadcast_in_dim3A_194 {strides = array<i32>} : memref<2x5x80xi32, #tpu.memory_space<vmem>>, vector<16xi32>,
      %broadcast_in_dim3A_201 = arith.constant 0 : i32
      %broadcast_in_dim3A_202 = vector.broadcast %broadcast_in_dim3A_201 : i32 to vector<16xi32>
      %swap3A_203 = arith.constant 1 : i32
      %swap3A_204 = arith.constant 2 : i32
      %swap3A_205 = arith.index_cast %swap3A_203 : i32 to index
      %swap3A_206 = arith.index_cast %swap3A_204 : i32 to index
      %swap3A_207 = arith.index_cast %multiple_of3A_143 : i32 to index
      %swap3A_208 = tpu.vector_load %arg18[%swap3A_205, %swap3A_206, %swap3A_207] {strides = array<i32>} : memref<2x5x80xi32, #tpu.memory_space<vmem>>, vector<16xi32>,
      tpu.vector_store %arg18[%swap3A_205, %swap3A_206, %swap3A_207], %broadcast_in_dim3A_202 {strides = array<i32>} : memref<2x5x80xi32, #tpu.memory_space<vmem>>, vector<16xi32>,
      %broadcast_in_dim3A_209 = arith.constant 0 : i32
      %broadcast_in_dim3A_210 = vector.broadcast %broadcast_in_dim3A_209 : i32 to vector<16xi32>
      %swap3A_211 = arith.constant 3 : i32
      %swap3A_212 = arith.index_cast %swap3A_211 : i32 to index
      %swap3A_213 = arith.index_cast %multiple_of3A_143 : i32 to index
      %swap3A_214 = tpu.vector_load %arg17[%swap3A_212, %swap3A_213] {strides = array<i32>} : memref<5x80xi32, #tpu.memory_space<vmem>>, vector<16xi32>,
      tpu.vector_store %arg17[%swap3A_212, %swap3A_213], %broadcast_in_dim3A_210 {strides = array<i32>} : memref<5x80xi32, #tpu.memory_space<vmem>>, vector<16xi32>,
      %broadcast_in_dim3A_215 = arith.constant 0 : i32
      %broadcast_in_dim3A_216 = vector.broadcast %broadcast_in_dim3A_215 : i32 to vector<16xi32>
      %swap3A_217 = arith.constant 0 : i32
      %swap3A_218 = arith.constant 3 : i32
      %swap3A_219 = arith.index_cast %swap3A_217 : i32 to index
      %swap3A_220 = arith.index_cast %swap3A_218 : i32 to index
      %swap3A_221 = arith.index_cast %multiple_of3A_143 : i32 to index
      %swap3A_222 = tpu.vector_load %arg18[%swap3A_219, %swap3A_220, %swap3A_221] {strides = array<i32>} : memref<2x5x80xi32, #tpu.memory_space<vmem>>, vector<16xi32>,
      tpu.vector_store %arg18[%swap3A_219, %swap3A_220, %swap3A_221], %broadcast_in_dim3A_216 {strides = array<i32>} : memref<2x5x80xi32, #tpu.memory_space<vmem>>, vector<16xi32>,
      %broadcast_in_dim3A_223 = arith.constant 0 : i32
      %broadcast_in_dim3A_224 = vector.broadcast %broadcast_in_dim3A_223 : i32 to vector<16xi32>
      %swap3A_225 = arith.constant 1 : i32
      %swap3A_226 = arith.constant 3 : i32
      %swap3A_227 = arith.index_cast %swap3A_225 : i32 to index
      %swap3A_228 = arith.index_cast %swap3A_226 : i32 to index
      %swap3A_229 = arith.index_cast %multiple_of3A_143 : i32 to index
      %swap3A_230 = tpu.vector_load %arg18[%swap3A_227, %swap3A_228, %swap3A_229] {strides = array<i32>} : memref<2x5x80xi32, #tpu.memory_space<vmem>>, vector<16xi32>,
      tpu.vector_store %arg18[%swap3A_227, %swap3A_228, %swap3A_229], %broadcast_in_dim3A_224 {strides = array<i32>} : memref<2x5x80xi32, #tpu.memory_space<vmem>>, vector<16xi32>,
      %broadcast_in_dim3A_231 = arith.constant 0 : i32
      %broadcast_in_dim3A_232 = vector.broadcast %broadcast_in_dim3A_231 : i32 to vector<16xi32>
      %swap3A_233 = arith.constant 4 : i32
      %swap3A_234 = arith.index_cast %swap3A_233 : i32 to index
      %swap3A_235 = arith.index_cast %multiple_of3A_143 : i32 to index
      %swap3A_236 = tpu.vector_load %arg17[%swap3A_234, %swap3A_235] {strides = array<i32>} : memref<5x80xi32, #tpu.memory_space<vmem>>, vector<16xi32>,
      tpu.vector_store %arg17[%swap3A_234, %swap3A_235], %broadcast_in_dim3A_232 {strides = array<i32>} : memref<5x80xi32, #tpu.memory_space<vmem>>, vector<16xi32>,
      %broadcast_in_dim3A_237 = arith.constant 0 : i32
      %broadcast_in_dim3A_238 = vector.broadcast %broadcast_in_dim3A_237 : i32 to vector<16xi32>
      %swap3A_239 = arith.constant 0 : i32
      %swap3A_240 = arith.constant 4 : i32
      %swap3A_241 = arith.index_cast %swap3A_239 : i32 to index
      %swap3A_242 = arith.index_cast %swap3A_240 : i32 to index
      %swap3A_243 = arith.index_cast %multiple_of3A_143 : i32 to index
      %swap3A_244 = tpu.vector_load %arg18[%swap3A_241, %swap3A_242, %swap3A_243] {strides = array<i32>} : memref<2x5x80xi32, #tpu.memory_space<vmem>>, vector<16xi32>,
      tpu.vector_store %arg18[%swap3A_241, %swap3A_242, %swap3A_243], %broadcast_in_dim3A_238 {strides = array<i32>} : memref<2x5x80xi32, #tpu.memory_space<vmem>>, vector<16xi32>,
      %broadcast_in_dim3A_245 = arith.constant 0 : i32
      %broadcast_in_dim3A_246 = vector.broadcast %broadcast_in_dim3A_245 : i32 to vector<16xi32>
      %swap3A_247 = arith.constant 1 : i32
      %swap3A_248 = arith.constant 4 : i32
      %swap3A_249 = arith.index_cast %swap3A_247 : i32 to index
      %swap3A_250 = arith.index_cast %swap3A_248 : i32 to index
      %swap3A_251 = arith.index_cast %multiple_of3A_143 : i32 to index
      %swap3A_252 = tpu.vector_load %arg18[%swap3A_249, %swap3A_250, %swap3A_251] {strides = array<i32>} : memref<2x5x80xi32, #tpu.memory_space<vmem>>, vector<16xi32>,
      tpu.vector_store %arg18[%swap3A_249, %swap3A_250, %swap3A_251], %broadcast_in_dim3A_246 {strides = array<i32>} : memref<2x5x80xi32, #tpu.memory_space<vmem>>, vector<16xi32>,
    }
    %scan3A_48 = arith.constant 5 : i32
    %scan3A_49 = arith.constant 0 : i32
    %scan3A_50 = arith.constant 0 : i32
    %scan3A_51 = arith.constant 2 : i32
    %scan3A_52 = arith.addi %scan3A_50, %scan3A_51 : i32
    %scan3A_53 = arith.constant 1 : i32
    scf.for %scan3A_140 = %scan3A_50 to %scan3A_52 step %scan3A_53  : i32 {
      %add3A_141 = arith.constant 5 : i32
      %add3A_142 = arith.addi %scan3A_140, %add3A_141 : i32
      %sub3A_143 = arith.constant 2 : i32
      %sub3A_144 = arith.subi %add3A_142, %sub3A_143 : i32
      %dma_start3A_145 = arith.constant 0 : i32
      %dma_start3A_146 = arith.constant 0 : i32
      %dma_start3A_147 = arith.constant 0 : i32
      %dma_start3A_148 = arith.constant 0 : i32
      %dma_start3A_149 = tpu.memref_slice %arg8[%dma_start3A_145, %dma_start3A_147, %dma_start3A_148] : memref<5x80x64xf32, #tpu.memory_space<vmem>> -> memref<1x80x64xf32, #tpu.memory_space<vmem>>
      %dma_start3A_150 = tpu.memref_squeeze %dma_start3A_149 : memref<1x80x64xf32, #tpu.memory_space<vmem>> -> memref<80x64xf32, #tpu.memory_space<vmem>>
      %dma_start3A_151 = arith.constant 0 : i32
      %dma_start3A_152 = tpu.memref_slice %arg17[%dma_start3A_146, %dma_start3A_151] : memref<5x80xi32, #tpu.memory_space<vmem>> -> memref<1x80xi32, #tpu.memory_space<vmem>>
      %dma_start3A_153 = tpu.memref_squeeze %dma_start3A_152 : memref<1x80xi32, #tpu.memory_space<vmem>> -> memref<80xi32, #tpu.memory_space<vmem>>
      %dma_start3A_154 = arith.constant 0 : i32
      %dma_start3A_155 = arith.constant 0 : i32
      %dma_start3A_156 = tpu.memref_slice %arg19[%dma_start3A_154, %dma_start3A_155] : memref<10112x64xf32, #tpu.memory_space<vmem_shared>> -> memref<10112x64xf32, #tpu.memory_space<vmem_shared>>
      %dma_start3A_157 = tpu.memref_slice %arg22[%sub3A_144] : memref<5x!tpu.dma_semaphore, #tpu.memory_space<semaphore_mem>> -> memref<1x!tpu.dma_semaphore, #tpu.memory_space<semaphore_mem>>
      %dma_start3A_158 = tpu.memref_squeeze %dma_start3A_157 : memref<1x!tpu.dma_semaphore, #tpu.memory_space<semaphore_mem>> -> memref<!tpu.dma_semaphore, #tpu.memory_space<semaphore_mem>>
      tpu.enqueue_indirect_dma source(%dma_start3A_150 : memref<80x64xf32, #tpu.memory_space<vmem>>) target(%dma_start3A_156 : memref<10112x64xf32, #tpu.memory_space<vmem_shared>>) offsets(%dma_start3A_153 : memref<80xi32, #tpu.memory_space<vmem>>) semaphore(%dma_start3A_158 : memref<!tpu.dma_semaphore, #tpu.memory_space<semaphore_mem>>) {add = true}
    }
    %scan3A_54 = arith.constant 2 : i32
    %scan3A_55 = arith.constant 0 : i32
    %scan3A_56 = arith.constant 0 : i32
    %scan3A_57 = arith.constant 10 : i32
    %scan3A_58 = arith.addi %scan3A_56, %scan3A_57 : i32
    %scan3A_59 = arith.constant 1 : i32
    scf.for %scan3A_140 = %scan3A_56 to %scan3A_58 step %scan3A_59  : i32 {
      %jit3A = arith.constant 5 : i32
      %div3A = arith.divsi %scan3A_140, %jit3A : i32
      %sign3A = arith.constant 0 : i32
      %sign3A_141 = arith.cmpi sgt, %scan3A_140, %sign3A : i32
      %sign3A_142 = arith.extui %sign3A_141 : i1 to i32
      %sign3A_143 = arith.constant 0 : i32
      %sign3A_144 = arith.cmpi slt, %scan3A_140, %sign3A_143 : i32
      %sign3A_145 = arith.extui %sign3A_144 : i1 to i32
      %sign3A_146 = arith.subi %sign3A_142, %sign3A_145 : i32
      %sign3A_147 = arith.constant 0 : i32
      %sign3A_148 = arith.cmpi sgt, %jit3A, %sign3A_147 : i32
      %sign3A_149 = arith.extui %sign3A_148 : i1 to i32
      %sign3A_150 = arith.constant 0 : i32
      %sign3A_151 = arith.cmpi slt, %jit3A, %sign3A_150 : i32
      %sign3A_152 = arith.extui %sign3A_151 : i1 to i32
      %sign3A_153 = arith.subi %sign3A_149, %sign3A_152 : i32
      %ne3A = arith.cmpi ne, %sign3A_146, %sign3A_153 : i32
      %rem3A = arith.remsi %scan3A_140, %jit3A : i32
      %ne3A_154 = arith.constant 0 : i32
      %ne3A_155 = arith.cmpi ne, %rem3A, %ne3A_154 : i32
      %and3A_156 = arith.andi %ne3A, %ne3A_155 : i1
      %sub3A_157 = arith.constant 1 : i32
      %sub3A_158 = arith.subi %div3A, %sub3A_157 : i32
      %select_n3A = arith.select %and3A_156, %sub3A_158, %div3A : i32
      %jit3A_159 = arith.constant 5 : i32
      %eq3A = arith.constant 0 : i32
      %eq3A_160 = arith.cmpi eq, %jit3A_159, %eq3A : i32
      %jit3A_161 = arith.constant 1 : i32
      %select_n3A_162 = arith.select %eq3A_160, %jit3A_161, %jit3A_159 : i32
      %rem3A_163 = arith.remsi %scan3A_140, %select_n3A_162 : i32
      %ne3A_164 = arith.constant 0 : i32
      %ne3A_165 = arith.cmpi ne, %rem3A_163, %ne3A_164 : i32
      %lt3A = arith.constant 0 : i32
      %lt3A_166 = arith.cmpi slt, %rem3A_163, %lt3A : i32
      %lt3A_167 = arith.constant 0 : i32
      %lt3A_168 = arith.cmpi slt, %select_n3A_162, %lt3A_167 : i32
      %ne3A_169 = arith.xori %lt3A_166, %lt3A_168 : i1
      %and3A_170 = arith.andi %ne3A_169, %ne3A_165 : i1
      %add3A_171 = arith.addi %rem3A_163, %select_n3A_162 : i32
      %select_n3A_172 = arith.select %and3A_170, %add3A_171, %rem3A_163 : i32
      %mul3A_173 = arith.constant 80 : i32
      %mul3A_174 = arith.muli %select_n3A_172, %mul3A_173 : i32
      %multiple_of3A_175 = tpu.assume_multiple %mul3A_174, 16 : i32
      %dma_start3A_176 = arith.constant 0 : i32
      %dma_start3A_177 = tpu.memref_slice %arg12[%select_n3A, %multiple_of3A_175, %dma_start3A_176] : memref<2x400x16xf32, #tpu.memory_space<vmem>> -> memref<1x80x16xf32, #tpu.memory_space<vmem>>
      %dma_start3A_178 = tpu.memref_squeeze %dma_start3A_177 : memref<1x80x16xf32, #tpu.memory_space<vmem>> -> memref<80x16xf32, #tpu.memory_space<vmem>>
      %dma_start3A_179 = arith.constant 0 : i32
      %dma_start3A_180 = tpu.memref_slice %arg18[%select_n3A, %select_n3A_172, %dma_start3A_179] : memref<2x5x80xi32, #tpu.memory_space<vmem>> -> memref<1x1x80xi32, #tpu.memory_space<vmem>>
      %dma_start3A_181 = tpu.memref_squeeze %dma_start3A_180 : memref<1x1x80xi32, #tpu.memory_space<vmem>> -> memref<80xi32, #tpu.memory_space<vmem>>
      %dma_start3A_182 = arith.constant 0 : i32
      %dma_start3A_183 = arith.constant 0 : i32
      %dma_start3A_184 = tpu.memref_slice %arg20[%dma_start3A_182, %dma_start3A_183] : memref<1264x16xf32, #tpu.memory_space<vmem_shared>> -> memref<1264x16xf32, #tpu.memory_space<vmem_shared>>
      %dma_start3A_185 = tpu.memref_slice %arg23[%select_n3A, %select_n3A_172] : memref<2x5x!tpu.dma_semaphore, #tpu.memory_space<semaphore_mem>> -> memref<1x1x!tpu.dma_semaphore, #tpu.memory_space<semaphore_mem>>
      %dma_start3A_186 = tpu.memref_squeeze %dma_start3A_185 : memref<1x1x!tpu.dma_semaphore, #tpu.memory_space<semaphore_mem>> -> memref<!tpu.dma_semaphore, #tpu.memory_space<semaphore_mem>>
      tpu.enqueue_indirect_dma source(%dma_start3A_178 : memref<80x16xf32, #tpu.memory_space<vmem>>) target(%dma_start3A_184 : memref<1264x16xf32, #tpu.memory_space<vmem_shared>>) offsets(%dma_start3A_181 : memref<80xi32, #tpu.memory_space<vmem>>) semaphore(%dma_start3A_186 : memref<!tpu.dma_semaphore, #tpu.memory_space<semaphore_mem>>) {add = true}
    }
    %scan3A_60 = arith.constant 10 : i32
    %mul3A_61 = arith.constant 20000 : i32
    %mul3A_62 = arith.muli %arg1, %mul3A_61 : i32
    %multiple_of3A = tpu.assume_multiple %mul3A_62, 16 : i32
    %dma_start3A = arith.constant 0 : i32
    %dma_start3A_63 = arith.constant 0 : i32
    %dma_start3A_64 = arith.constant 0 : i32
    %dma_start3A_65 = tpu.memref_slice %arg13[%dma_start3A, %dma_start3A_64] : memref<2x400xi32, #tpu.memory_space<vmem>> -> memref<1x400xi32, #tpu.memory_space<vmem>>
    %dma_start3A_66 = tpu.memref_squeeze %dma_start3A_65 : memref<1x400xi32, #tpu.memory_space<vmem>> -> memref<400xi32, #tpu.memory_space<vmem>>
    %dma_start3A_67 = tpu.memref_slice %arg2[%multiple_of3A] : memref<320000xi32, #tpu.memory_space<hbm>> -> memref<400xi32, #tpu.memory_space<hbm>>
    %dma_start3A_68 = tpu.memref_slice %arg24[%dma_start3A_63] : memref<2x!tpu.dma_semaphore, #tpu.memory_space<semaphore_mem>> -> memref<1x!tpu.dma_semaphore, #tpu.memory_space<semaphore_mem>>
    %dma_start3A_69 = tpu.memref_squeeze %dma_start3A_68 : memref<1x!tpu.dma_semaphore, #tpu.memory_space<semaphore_mem>> -> memref<!tpu.dma_semaphore, #tpu.memory_space<semaphore_mem>>
    %dma_start3A_70 = arith.constant 0 : i32
    %dma_start3A_71 = tpu.memref_slice %arg13[%dma_start3A, %dma_start3A_70] : memref<2x400xi32, #tpu.memory_space<vmem>> -> memref<1x400xi32, #tpu.memory_space<vmem>>
    %dma_start3A_72 = tpu.memref_squeeze %dma_start3A_71 : memref<1x400xi32, #tpu.memory_space<vmem>> -> memref<400xi32, #tpu.memory_space<vmem>>
    %dma_start3A_73 = tpu.memref_slice %arg2[%multiple_of3A] : memref<320000xi32, #tpu.memory_space<hbm>> -> memref<400xi32, #tpu.memory_space<hbm>>
    tpu.enqueue_dma source(%dma_start3A_73 : memref<400xi32, #tpu.memory_space<hbm>>) target(%dma_start3A_72 : memref<400xi32, #tpu.memory_space<vmem>>) target_semaphore(%dma_start3A_69 : memref<!tpu.dma_semaphore, #tpu.memory_space<semaphore_mem>>)
    %dma_start3A_74 = arith.constant 0 : i32
    %dma_start3A_75 = arith.constant 0 : i32
    %dma_start3A_76 = arith.constant 0 : i32
    %dma_start3A_77 = tpu.memref_slice %arg14[%dma_start3A_74, %dma_start3A_76] : memref<2x400xi32, #tpu.memory_space<vmem>> -> memref<1x400xi32, #tpu.memory_space<vmem>>
    %dma_start3A_78 = tpu.memref_squeeze %dma_start3A_77 : memref<1x400xi32, #tpu.memory_space<vmem>> -> memref<400xi32, #tpu.memory_space<vmem>>
    %dma_start3A_79 = tpu.memref_slice %arg3[%multiple_of3A] : memref<320000xi32, #tpu.memory_space<hbm>> -> memref<400xi32, #tpu.memory_space<hbm>>
    %dma_start3A_80 = tpu.memref_slice %arg24[%dma_start3A_75] : memref<2x!tpu.dma_semaphore, #tpu.memory_space<semaphore_mem>> -> memref<1x!tpu.dma_semaphore, #tpu.memory_space<semaphore_mem>>
    %dma_start3A_81 = tpu.memref_squeeze %dma_start3A_80 : memref<1x!tpu.dma_semaphore, #tpu.memory_space<semaphore_mem>> -> memref<!tpu.dma_semaphore, #tpu.memory_space<semaphore_mem>>
    %dma_start3A_82 = arith.constant 0 : i32
    %dma_start3A_83 = tpu.memref_slice %arg14[%dma_start3A_74, %dma_start3A_82] : memref<2x400xi32, #tpu.memory_space<vmem>> -> memref<1x400xi32, #tpu.memory_space<vmem>>
    %dma_start3A_84 = tpu.memref_squeeze %dma_start3A_83 : memref<1x400xi32, #tpu.memory_space<vmem>> -> memref<400xi32, #tpu.memory_space<vmem>>
    %dma_start3A_85 = tpu.memref_slice %arg3[%multiple_of3A] : memref<320000xi32, #tpu.memory_space<hbm>> -> memref<400xi32, #tpu.memory_space<hbm>>
    tpu.enqueue_dma source(%dma_start3A_85 : memref<400xi32, #tpu.memory_space<hbm>>) target(%dma_start3A_84 : memref<400xi32, #tpu.memory_space<vmem>>) target_semaphore(%dma_start3A_81 : memref<!tpu.dma_semaphore, #tpu.memory_space<semaphore_mem>>)
    %barrier3A = arith.constant 0 : index
    tpu.barrier barrier_id(%barrier3A)
    %scan3A_86 = arith.constant 0 : i32
    %scan3A_87 = arith.constant 0 : i32
    %scan3A_88 = arith.constant 50 : i32
    %scan3A_89 = arith.addi %scan3A_87, %scan3A_88 : i32
    %scan3A_90 = arith.constant 1 : i32
    scf.for %scan3A_140 = %scan3A_87 to %scan3A_89 step %scan3A_90  : i32 {
      %and3A_141 = arith.constant 1 : i32
      %and3A_142 = arith.andi %scan3A_140, %and3A_141 : i32
      %broadcast_in_dim3A_143 = vector.broadcast %and3A_142 : i32 to vector<16xi32>
      %mul3A_144 = arith.constant 20000 : i32
      %mul3A_145 = arith.muli %arg1, %mul3A_144 : i32
      %mul3A_146 = arith.constant 400 : i32
      %mul3A_147 = arith.muli %scan3A_140, %mul3A_146 : i32
      %add3A_148 = arith.addi %mul3A_145, %mul3A_147 : i32
      %multiple_of3A_149 = tpu.assume_multiple %add3A_148, 16 : i32
      %dma_wait3A_150 = arith.constant 0 : i32
      %dma_wait3A_151 = tpu.memref_slice %arg13[%and3A_142, %dma_wait3A_150] : memref<2x400xi32, #tpu.memory_space<vmem>> -> memref<1x400xi32, #tpu.memory_space<vmem>>
      %dma_wait3A_152 = tpu.memref_squeeze %dma_wait3A_151 : memref<1x400xi32, #tpu.memory_space<vmem>> -> memref<400xi32, #tpu.memory_space<vmem>>
      %dma_wait3A_153 = tpu.memref_slice %arg2[%multiple_of3A_149] : memref<320000xi32, #tpu.memory_space<hbm>> -> memref<400xi32, #tpu.memory_space<hbm>>
      %dma_wait3A_154 = tpu.memref_slice %arg24[%and3A_142] : memref<2x!tpu.dma_semaphore, #tpu.memory_space<semaphore_mem>> -> memref<1x!tpu.dma_semaphore, #tpu.memory_space<semaphore_mem>>
      %dma_wait3A_155 = tpu.memref_squeeze %dma_wait3A_154 : memref<1x!tpu.dma_semaphore, #tpu.memory_space<semaphore_mem>> -> memref<!tpu.dma_semaphore, #tpu.memory_space<semaphore_mem>>
      %dma_wait3A_156 = arith.constant 0 : i32
      %dma_wait3A_157 = tpu.memref_slice %arg13[%and3A_142, %dma_wait3A_156] : memref<2x400xi32, #tpu.memory_space<vmem>> -> memref<1x400xi32, #tpu.memory_space<vmem>>
      %dma_wait3A_158 = tpu.memref_squeeze %dma_wait3A_157 : memref<1x400xi32, #tpu.memory_space<vmem>> -> memref<400xi32, #tpu.memory_space<vmem>>
      %dma_wait3A_159 = tpu.memref_slice %arg2[%multiple_of3A_149] : memref<320000xi32, #tpu.memory_space<hbm>> -> memref<400xi32, #tpu.memory_space<hbm>>
      tpu.wait_dma2 semaphore(%dma_wait3A_155 : memref<!tpu.dma_semaphore, #tpu.memory_space<semaphore_mem>>) src(%dma_wait3A_159 : memref<400xi32, #tpu.memory_space<hbm>>) dst(%dma_wait3A_158 : memref<400xi32, #tpu.memory_space<vmem>>)
      %dma_wait3A_160 = arith.constant 0 : i32
      %dma_wait3A_161 = tpu.memref_slice %arg14[%and3A_142, %dma_wait3A_160] : memref<2x400xi32, #tpu.memory_space<vmem>> -> memref<1x400xi32, #tpu.memory_space<vmem>>
      %dma_wait3A_162 = tpu.memref_squeeze %dma_wait3A_161 : memref<1x400xi32, #tpu.memory_space<vmem>> -> memref<400xi32, #tpu.memory_space<vmem>>
      %dma_wait3A_163 = tpu.memref_slice %arg3[%multiple_of3A_149] : memref<320000xi32, #tpu.memory_space<hbm>> -> memref<400xi32, #tpu.memory_space<hbm>>
      %dma_wait3A_164 = tpu.memref_slice %arg24[%and3A_142] : memref<2x!tpu.dma_semaphore, #tpu.memory_space<semaphore_mem>> -> memref<1x!tpu.dma_semaphore, #tpu.memory_space<semaphore_mem>>
      %dma_wait3A_165 = tpu.memref_squeeze %dma_wait3A_164 : memref<1x!tpu.dma_semaphore, #tpu.memory_space<semaphore_mem>> -> memref<!tpu.dma_semaphore, #tpu.memory_space<semaphore_mem>>
      %dma_wait3A_166 = arith.constant 0 : i32
      %dma_wait3A_167 = tpu.memref_slice %arg14[%and3A_142, %dma_wait3A_166] : memref<2x400xi32, #tpu.memory_space<vmem>> -> memref<1x400xi32, #tpu.memory_space<vmem>>
      %dma_wait3A_168 = tpu.memref_squeeze %dma_wait3A_167 : memref<1x400xi32, #tpu.memory_space<vmem>> -> memref<400xi32, #tpu.memory_space<vmem>>
      %dma_wait3A_169 = tpu.memref_slice %arg3[%multiple_of3A_149] : memref<320000xi32, #tpu.memory_space<hbm>> -> memref<400xi32, #tpu.memory_space<hbm>>
      tpu.wait_dma2 semaphore(%dma_wait3A_165 : memref<!tpu.dma_semaphore, #tpu.memory_space<semaphore_mem>>) src(%dma_wait3A_169 : memref<400xi32, #tpu.memory_space<hbm>>) dst(%dma_wait3A_168 : memref<400xi32, #tpu.memory_space<vmem>>)
      %add3A_170 = arith.constant 1 : i32
      %add3A_171 = arith.addi %scan3A_140, %add3A_170 : i32
      %min3A = arith.constant 49 : i32
      %min3A_172 = arith.minsi %add3A_171, %min3A : i32
      %mul3A_173 = arith.constant 20000 : i32
      %mul3A_174 = arith.muli %arg1, %mul3A_173 : i32
      %mul3A_175 = arith.constant 400 : i32
      %mul3A_176 = arith.muli %min3A_172, %mul3A_175 : i32
      %add3A_177 = arith.addi %mul3A_174, %mul3A_176 : i32
      %multiple_of3A_178 = tpu.assume_multiple %add3A_177, 16 : i32
      %sub3A_179 = arith.constant 1 : i32
      %sub3A_180 = arith.subi %sub3A_179, %and3A_142 : i32
      %sub3A_181 = arith.constant 1 : i32
      %sub3A_182 = arith.subi %sub3A_181, %and3A_142 : i32
      %dma_start3A_183 = arith.constant 0 : i32
      %dma_start3A_184 = tpu.memref_slice %arg13[%sub3A_180, %dma_start3A_183] : memref<2x400xi32, #tpu.memory_space<vmem>> -> memref<1x400xi32, #tpu.memory_space<vmem>>
      %dma_start3A_185 = tpu.memref_squeeze %dma_start3A_184 : memref<1x400xi32, #tpu.memory_space<vmem>> -> memref<400xi32, #tpu.memory_space<vmem>>
      %dma_start3A_186 = tpu.memref_slice %arg2[%multiple_of3A_178] : memref<320000xi32, #tpu.memory_space<hbm>> -> memref<400xi32, #tpu.memory_space<hbm>>
      %dma_start3A_187 = tpu.memref_slice %arg24[%sub3A_182] : memref<2x!tpu.dma_semaphore, #tpu.memory_space<semaphore_mem>> -> memref<1x!tpu.dma_semaphore, #tpu.memory_space<semaphore_mem>>
      %dma_start3A_188 = tpu.memref_squeeze %dma_start3A_187 : memref<1x!tpu.dma_semaphore, #tpu.memory_space<semaphore_mem>> -> memref<!tpu.dma_semaphore, #tpu.memory_space<semaphore_mem>>
      %dma_start3A_189 = arith.constant 0 : i32
      %dma_start3A_190 = tpu.memref_slice %arg13[%sub3A_180, %dma_start3A_189] : memref<2x400xi32, #tpu.memory_space<vmem>> -> memref<1x400xi32, #tpu.memory_space<vmem>>
      %dma_start3A_191 = tpu.memref_squeeze %dma_start3A_190 : memref<1x400xi32, #tpu.memory_space<vmem>> -> memref<400xi32, #tpu.memory_space<vmem>>
      %dma_start3A_192 = tpu.memref_slice %arg2[%multiple_of3A_178] : memref<320000xi32, #tpu.memory_space<hbm>> -> memref<400xi32, #tpu.memory_space<hbm>>
      tpu.enqueue_dma source(%dma_start3A_192 : memref<400xi32, #tpu.memory_space<hbm>>) target(%dma_start3A_191 : memref<400xi32, #tpu.memory_space<vmem>>) target_semaphore(%dma_start3A_188 : memref<!tpu.dma_semaphore, #tpu.memory_space<semaphore_mem>>)
      %sub3A_193 = arith.constant 1 : i32
      %sub3A_194 = arith.subi %sub3A_193, %and3A_142 : i32
      %sub3A_195 = arith.constant 1 : i32
      %sub3A_196 = arith.subi %sub3A_195, %and3A_142 : i32
      %dma_start3A_197 = arith.constant 0 : i32
      %dma_start3A_198 = tpu.memref_slice %arg14[%sub3A_194, %dma_start3A_197] : memref<2x400xi32, #tpu.memory_space<vmem>> -> memref<1x400xi32, #tpu.memory_space<vmem>>
      %dma_start3A_199 = tpu.memref_squeeze %dma_start3A_198 : memref<1x400xi32, #tpu.memory_space<vmem>> -> memref<400xi32, #tpu.memory_space<vmem>>
      %dma_start3A_200 = tpu.memref_slice %arg3[%multiple_of3A_178] : memref<320000xi32, #tpu.memory_space<hbm>> -> memref<400xi32, #tpu.memory_space<hbm>>
      %dma_start3A_201 = tpu.memref_slice %arg24[%sub3A_196] : memref<2x!tpu.dma_semaphore, #tpu.memory_space<semaphore_mem>> -> memref<1x!tpu.dma_semaphore, #tpu.memory_space<semaphore_mem>>
      %dma_start3A_202 = tpu.memref_squeeze %dma_start3A_201 : memref<1x!tpu.dma_semaphore, #tpu.memory_space<semaphore_mem>> -> memref<!tpu.dma_semaphore, #tpu.memory_space<semaphore_mem>>
      %dma_start3A_203 = arith.constant 0 : i32
      %dma_start3A_204 = tpu.memref_slice %arg14[%sub3A_194, %dma_start3A_203] : memref<2x400xi32, #tpu.memory_space<vmem>> -> memref<1x400xi32, #tpu.memory_space<vmem>>
      %dma_start3A_205 = tpu.memref_squeeze %dma_start3A_204 : memref<1x400xi32, #tpu.memory_space<vmem>> -> memref<400xi32, #tpu.memory_space<vmem>>
      %dma_start3A_206 = tpu.memref_slice %arg3[%multiple_of3A_178] : memref<320000xi32, #tpu.memory_space<hbm>> -> memref<400xi32, #tpu.memory_space<hbm>>
      tpu.enqueue_dma source(%dma_start3A_206 : memref<400xi32, #tpu.memory_space<hbm>>) target(%dma_start3A_205 : memref<400xi32, #tpu.memory_space<vmem>>) target_semaphore(%dma_start3A_202 : memref<!tpu.dma_semaphore, #tpu.memory_space<semaphore_mem>>)
      %scan3A_207 = arith.constant 0 : i32
      %scan3A_208 = arith.constant 0 : i32
      %scan3A_209 = arith.constant 5 : i32
      %scan3A_210 = arith.addi %scan3A_208, %scan3A_209 : i32
      %scan3A_211 = arith.constant 1 : i32
      scf.for %scan3A_233 = %scan3A_208 to %scan3A_210 step %scan3A_211  : i32 {
        %ge3A = arith.constant 3 : i32
        %ge3A_234 = arith.cmpi sge, %scan3A_233, %ge3A : i32
        %convert_element_type3A = arith.extui %ge3A_234 : i1 to i32
        %cond3A = arith.constant 0 : i32
        %cond3A_235 = arith.cmpi ne, %convert_element_type3A, %cond3A : i32
        scf.if %cond3A_235 {
          %and3A_250 = arith.constant 1 : i32
          %and3A_251 = arith.andi %scan3A_233, %and3A_250 : i32
          %dma_wait3A_252 = arith.constant 0 : i32
          %dma_wait3A_253 = arith.constant 0 : i32
          %dma_wait3A_254 = tpu.memref_slice %arg9[%and3A_251, %dma_wait3A_252, %dma_wait3A_253] : memref<2x80x64xf32, #tpu.memory_space<vmem>> -> memref<1x80x64xf32, #tpu.memory_space<vmem>>
          %dma_wait3A_255 = tpu.memref_squeeze %dma_wait3A_254 : memref<1x80x64xf32, #tpu.memory_space<vmem>> -> memref<80x64xf32, #tpu.memory_space<vmem>>
          %dma_wait3A_256 = arith.constant 0 : i32
          %dma_wait3A_257 = tpu.memref_slice %arg17[%scan3A_233, %dma_wait3A_256] : memref<5x80xi32, #tpu.memory_space<vmem>> -> memref<1x80xi32, #tpu.memory_space<vmem>>
          %dma_wait3A_258 = tpu.memref_squeeze %dma_wait3A_257 : memref<1x80xi32, #tpu.memory_space<vmem>> -> memref<80xi32, #tpu.memory_space<vmem>>
          %dma_wait3A_259 = arith.constant 0 : i32
          %dma_wait3A_260 = arith.constant 0 : i32
          %dma_wait3A_261 = tpu.memref_slice %arg19[%dma_wait3A_259, %dma_wait3A_260] : memref<10112x64xf32, #tpu.memory_space<vmem_shared>> -> memref<10112x64xf32, #tpu.memory_space<vmem_shared>>
          %dma_wait3A_262 = tpu.memref_slice %arg22[%scan3A_233] : memref<5x!tpu.dma_semaphore, #tpu.memory_space<semaphore_mem>> -> memref<1x!tpu.dma_semaphore, #tpu.memory_space<semaphore_mem>>
          %dma_wait3A_263 = tpu.memref_squeeze %dma_wait3A_262 : memref<1x!tpu.dma_semaphore, #tpu.memory_space<semaphore_mem>> -> memref<!tpu.dma_semaphore, #tpu.memory_space<semaphore_mem>>
          tpu.wait_indirect_dma semaphore(%dma_wait3A_263 : memref<!tpu.dma_semaphore, #tpu.memory_space<semaphore_mem>>) src(%dma_wait3A_255 : memref<80x64xf32, #tpu.memory_space<vmem>>) dst(%dma_wait3A_261 : memref<10112x64xf32, #tpu.memory_space<vmem_shared>>)
        } else {
        }
        %mul3A_236 = arith.constant 80 : i32
        %mul3A_237 = arith.muli %scan3A_233, %mul3A_236 : i32
        %multiple_of3A_238 = tpu.assume_multiple %mul3A_237, 16 : i32
        %dma_wait3A_239 = arith.constant 0 : i32
        %dma_wait3A_240 = tpu.memref_slice %arg12[%and3A_142, %multiple_of3A_238, %dma_wait3A_239] : memref<2x400x16xf32, #tpu.memory_space<vmem>> -> memref<1x80x16xf32, #tpu.memory_space<vmem>>
        %dma_wait3A_241 = tpu.memref_squeeze %dma_wait3A_240 : memref<1x80x16xf32, #tpu.memory_space<vmem>> -> memref<80x16xf32, #tpu.memory_space<vmem>>
        %dma_wait3A_242 = arith.constant 0 : i32
        %dma_wait3A_243 = tpu.memref_slice %arg18[%and3A_142, %scan3A_233, %dma_wait3A_242] : memref<2x5x80xi32, #tpu.memory_space<vmem>> -> memref<1x1x80xi32, #tpu.memory_space<vmem>>
        %dma_wait3A_244 = tpu.memref_squeeze %dma_wait3A_243 : memref<1x1x80xi32, #tpu.memory_space<vmem>> -> memref<80xi32, #tpu.memory_space<vmem>>
        %dma_wait3A_245 = arith.constant 0 : i32
        %dma_wait3A_246 = arith.constant 0 : i32
        %dma_wait3A_247 = tpu.memref_slice %arg20[%dma_wait3A_245, %dma_wait3A_246] : memref<1264x16xf32, #tpu.memory_space<vmem_shared>> -> memref<1264x16xf32, #tpu.memory_space<vmem_shared>>
        %dma_wait3A_248 = tpu.memref_slice %arg23[%and3A_142, %scan3A_233] : memref<2x5x!tpu.dma_semaphore, #tpu.memory_space<semaphore_mem>> -> memref<1x1x!tpu.dma_semaphore, #tpu.memory_space<semaphore_mem>>
        %dma_wait3A_249 = tpu.memref_squeeze %dma_wait3A_248 : memref<1x1x!tpu.dma_semaphore, #tpu.memory_space<semaphore_mem>> -> memref<!tpu.dma_semaphore, #tpu.memory_space<semaphore_mem>>
        tpu.wait_indirect_dma semaphore(%dma_wait3A_249 : memref<!tpu.dma_semaphore, #tpu.memory_space<semaphore_mem>>) src(%dma_wait3A_241 : memref<80x16xf32, #tpu.memory_space<vmem>>) dst(%dma_wait3A_247 : memref<1264x16xf32, #tpu.memory_space<vmem_shared>>)
      }
      %scan3A_212 = arith.constant 5 : i32
      %parallel_loop3A = arith.constant 0 : i32
      %parallel_loop3A_213 = arith.constant 400 : i32
      %parallel_loop3A_214 = arith.constant 1 : i32
      scf.for %parallel_loop3A_233 = %parallel_loop3A to %parallel_loop3A_213 step %parallel_loop3A_214  : i32 {
        %parallel_loop3A_234 = arith.index_cast %and3A_142 : i32 to index
        %parallel_loop3A_235 = arith.index_cast %parallel_loop3A_233 : i32 to index
        %parallel_loop3A_236 = arith.constant 0 : index
        %parallel_loop3A_237 = tpu.vector_load %arg12[%parallel_loop3A_234, %parallel_loop3A_235, %parallel_loop3A_236] {strides = array<i32>} : memref<2x400x16xf32, #tpu.memory_space<vmem>>, vector<16xf32>,
        tpu.vector_store %arg12[%parallel_loop3A_234, %parallel_loop3A_235, %parallel_loop3A_236], %broadcast_in_dim3A_0 {strides = array<i32>} : memref<2x400x16xf32, #tpu.memory_space<vmem>>, vector<16xf32>,
      } {sc.loop_unroll_factor = 1 : i64, sc.parallel_access}
      %scan3A_215 = arith.constant 0 : i32
      %scan3A_216 = arith.constant 0 : i32
      %scan3A_217 = arith.constant 25 : i32
      %scan3A_218 = arith.addi %scan3A_216, %scan3A_217 : i32
      %scan3A_219 = arith.constant 1 : i32
      scf.for %scan3A_233 = %scan3A_216 to %scan3A_218 step %scan3A_219  : i32 {
        %jit3A = arith.constant 5 : i32
        %div3A = arith.divsi %scan3A_233, %jit3A : i32
        %sign3A = arith.constant 0 : i32
        %sign3A_234 = arith.cmpi sgt, %scan3A_233, %sign3A : i32
        %sign3A_235 = arith.extui %sign3A_234 : i1 to i32
        %sign3A_236 = arith.constant 0 : i32
        %sign3A_237 = arith.cmpi slt, %scan3A_233, %sign3A_236 : i32
        %sign3A_238 = arith.extui %sign3A_237 : i1 to i32
        %sign3A_239 = arith.subi %sign3A_235, %sign3A_238 : i32
        %sign3A_240 = arith.constant 0 : i32
        %sign3A_241 = arith.cmpi sgt, %jit3A, %sign3A_240 : i32
        %sign3A_242 = arith.extui %sign3A_241 : i1 to i32
        %sign3A_243 = arith.constant 0 : i32
        %sign3A_244 = arith.cmpi slt, %jit3A, %sign3A_243 : i32
        %sign3A_245 = arith.extui %sign3A_244 : i1 to i32
        %sign3A_246 = arith.subi %sign3A_242, %sign3A_245 : i32
        %ne3A = arith.cmpi ne, %sign3A_239, %sign3A_246 : i32
        %rem3A = arith.remsi %scan3A_233, %jit3A : i32
        %ne3A_247 = arith.constant 0 : i32
        %ne3A_248 = arith.cmpi ne, %rem3A, %ne3A_247 : i32
        %and3A_249 = arith.andi %ne3A, %ne3A_248 : i1
        %sub3A_250 = arith.constant 1 : i32
        %sub3A_251 = arith.subi %div3A, %sub3A_250 : i32
        %select_n3A = arith.select %and3A_249, %sub3A_251, %div3A : i32
        %jit3A_252 = arith.constant 5 : i32
        %eq3A = arith.constant 0 : i32
        %eq3A_253 = arith.cmpi eq, %jit3A_252, %eq3A : i32
        %jit3A_254 = arith.constant 1 : i32
        %select_n3A_255 = arith.select %eq3A_253, %jit3A_254, %jit3A_252 : i32
        %rem3A_256 = arith.remsi %scan3A_233, %select_n3A_255 : i32
        %ne3A_257 = arith.constant 0 : i32
        %ne3A_258 = arith.cmpi ne, %rem3A_256, %ne3A_257 : i32
        %lt3A = arith.constant 0 : i32
        %lt3A_259 = arith.cmpi slt, %rem3A_256, %lt3A : i32
        %lt3A_260 = arith.constant 0 : i32
        %lt3A_261 = arith.cmpi slt, %select_n3A_255, %lt3A_260 : i32
        %ne3A_262 = arith.xori %lt3A_259, %lt3A_261 : i1
        %and3A_263 = arith.andi %ne3A_262, %ne3A_258 : i1
        %add3A_264 = arith.addi %rem3A_256, %select_n3A_255 : i32
        %select_n3A_265 = arith.select %and3A_263, %add3A_264, %rem3A_256 : i32
        %mul3A_266 = arith.constant 16 : i32
        %mul3A_267 = arith.muli %select_n3A_265, %mul3A_266 : i32
        %multiple_of3A_268 = tpu.assume_multiple %mul3A_267, 16 : i32
        %mul3A_269 = arith.constant 80 : i32
        %mul3A_270 = arith.muli %select_n3A, %mul3A_269 : i32
        %mul3A_271 = arith.constant 16 : i32
        %mul3A_272 = arith.muli %select_n3A_265, %mul3A_271 : i32
        %add3A_273 = arith.addi %mul3A_270, %mul3A_272 : i32
        %multiple_of3A_274 = tpu.assume_multiple %add3A_273, 16 : i32
        %get3A = arith.index_cast %and3A_142 : i32 to index
        %get3A_275 = arith.index_cast %multiple_of3A_274 : i32 to index
        %get3A_276 = tpu.vector_load %arg13[%get3A, %get3A_275] {strides = array<i32>} : memref<2x400xi32, #tpu.memory_space<vmem>>, vector<16xi32>,
        %add3A_277 = vector.broadcast %mul3A_1 : i32 to vector<16xi32>
        %add3A_278 = arith.addi %get3A_276, %add3A_277 : vector<16xi32>
        %swap3A = arith.index_cast %select_n3A : i32 to index
        %swap3A_279 = arith.index_cast %multiple_of3A_268 : i32 to index
        %swap3A_280 = tpu.vector_load %arg15[%swap3A, %swap3A_279] {strides = array<i32>} : memref<5x80xi32, #tpu.memory_space<vmem>>, vector<16xi32>,
        tpu.vector_store %arg15[%swap3A, %swap3A_279], %add3A_278 {strides = array<i32>} : memref<5x80xi32, #tpu.memory_space<vmem>>, vector<16xi32>,
        %get3A_281 = arith.index_cast %and3A_142 : i32 to index
        %get3A_282 = arith.index_cast %multiple_of3A_274 : i32 to index
        %get3A_283 = tpu.vector_load %arg14[%get3A_281, %get3A_282] {strides = array<i32>} : memref<2x400xi32, #tpu.memory_space<vmem>>, vector<16xi32>,
        %swap3A_284 = arith.index_cast %select_n3A : i32 to index
        %swap3A_285 = arith.index_cast %multiple_of3A_268 : i32 to index
        %swap3A_286 = tpu.vector_load %arg17[%swap3A_284, %swap3A_285] {strides = array<i32>} : memref<5x80xi32, #tpu.memory_space<vmem>>, vector<16xi32>,
        tpu.vector_store %arg17[%swap3A_284, %swap3A_285], %get3A_283 {strides = array<i32>} : memref<5x80xi32, #tpu.memory_space<vmem>>, vector<16xi32>,
        %add3A_287 = vector.broadcast %mul3A_1 : i32 to vector<16xi32>
        %add3A_288 = arith.addi %get3A_283, %add3A_287 : vector<16xi32>
        %swap3A_289 = arith.index_cast %select_n3A : i32 to index
        %swap3A_290 = arith.index_cast %multiple_of3A_268 : i32 to index
        %swap3A_291 = tpu.vector_load %arg16[%swap3A_289, %swap3A_290] {strides = array<i32>} : memref<5x80xi32, #tpu.memory_space<vmem>>, vector<16xi32>,
        tpu.vector_store %arg16[%swap3A_289, %swap3A_290], %add3A_288 {strides = array<i32>} : memref<5x80xi32, #tpu.memory_space<vmem>>, vector<16xi32>,
        %shift_right_logical3A = arith.constant 3 : i32
        %shift_right_logical3A_292 = vector.broadcast %shift_right_logical3A : i32 to vector<16xi32>
        %shift_right_logical3A_293 = arith.shrui %get3A_283, %shift_right_logical3A_292 : vector<16xi32>
        %swap3A_294 = arith.index_cast %and3A_142 : i32 to index
        %swap3A_295 = arith.index_cast %select_n3A : i32 to index
        %swap3A_296 = arith.index_cast %multiple_of3A_268 : i32 to index
        %swap3A_297 = tpu.vector_load %arg18[%swap3A_294, %swap3A_295, %swap3A_296] {strides = array<i32>} : memref<2x5x80xi32, #tpu.memory_space<vmem>>, vector<16xi32>,
        tpu.vector_store %arg18[%swap3A_294, %swap3A_295, %swap3A_296], %shift_right_logical3A_293 {strides = array<i32>} : memref<2x5x80xi32, #tpu.memory_space<vmem>>, vector<16xi32>,
      }
      %scan3A_220 = arith.constant 25 : i32
      %scan3A_221 = arith.constant 0 : i32
      %scan3A_222 = arith.constant 0 : i32
      %scan3A_223 = arith.constant 5 : i32
      %scan3A_224 = arith.addi %scan3A_222, %scan3A_223 : i32
      %scan3A_225 = arith.constant 1 : i32
      scf.for %scan3A_233 = %scan3A_222 to %scan3A_224 step %scan3A_225  : i32 {
        %dma_start3A_234 = arith.constant 0 : i32
        %dma_start3A_235 = arith.constant 0 : i32
        %dma_start3A_236 = tpu.memref_slice %arg8[%scan3A_233, %dma_start3A_234, %dma_start3A_235] : memref<5x80x64xf32, #tpu.memory_space<vmem>> -> memref<1x80x64xf32, #tpu.memory_space<vmem>>
        %dma_start3A_237 = tpu.memref_squeeze %dma_start3A_236 : memref<1x80x64xf32, #tpu.memory_space<vmem>> -> memref<80x64xf32, #tpu.memory_space<vmem>>
        %dma_start3A_238 = arith.constant 0 : i32
        %dma_start3A_239 = tpu.memref_slice %arg15[%scan3A_233, %dma_start3A_238] : memref<5x80xi32, #tpu.memory_space<vmem>> -> memref<1x80xi32, #tpu.memory_space<vmem>>
        %dma_start3A_240 = tpu.memref_squeeze %dma_start3A_239 : memref<1x80xi32, #tpu.memory_space<vmem>> -> memref<80xi32, #tpu.memory_space<vmem>>
        %dma_start3A_241 = arith.constant 0 : i32
        %dma_start3A_242 = arith.constant 0 : i32
        %dma_start3A_243 = tpu.memref_slice %arg4[%dma_start3A_241, %dma_start3A_242] : memref<20000x64xf32, #tpu.memory_space<hbm>> -> memref<20000x64xf32, #tpu.memory_space<hbm>>
        %dma_start3A_244 = tpu.memref_slice %arg21[%scan3A_233] : memref<5x!tpu.dma_semaphore, #tpu.memory_space<semaphore_mem>> -> memref<1x!tpu.dma_semaphore, #tpu.memory_space<semaphore_mem>>
        %dma_start3A_245 = tpu.memref_squeeze %dma_start3A_244 : memref<1x!tpu.dma_semaphore, #tpu.memory_space<semaphore_mem>> -> memref<!tpu.dma_semaphore, #tpu.memory_space<semaphore_mem>>
        tpu.enqueue_indirect_dma source(%dma_start3A_243 : memref<20000x64xf32, #tpu.memory_space<hbm>>) target(%dma_start3A_237 : memref<80x64xf32, #tpu.memory_space<vmem>>) offsets(%dma_start3A_240 : memref<80xi32, #tpu.memory_space<vmem>>) semaphore(%dma_start3A_245 : memref<!tpu.dma_semaphore, #tpu.memory_space<semaphore_mem>>)
        %dma_start3A_246 = arith.constant 0 : i32
        %dma_start3A_247 = arith.constant 0 : i32
        %dma_start3A_248 = tpu.memref_slice %arg10[%scan3A_233, %dma_start3A_246, %dma_start3A_247] : memref<5x80x16xf32, #tpu.memory_space<vmem>> -> memref<1x80x16xf32, #tpu.memory_space<vmem>>
        %dma_start3A_249 = tpu.memref_squeeze %dma_start3A_248 : memref<1x80x16xf32, #tpu.memory_space<vmem>> -> memref<80x16xf32, #tpu.memory_space<vmem>>
        %dma_start3A_250 = arith.constant 0 : i32
        %dma_start3A_251 = tpu.memref_slice %arg15[%scan3A_233, %dma_start3A_250] : memref<5x80xi32, #tpu.memory_space<vmem>> -> memref<1x80xi32, #tpu.memory_space<vmem>>
        %dma_start3A_252 = tpu.memref_squeeze %dma_start3A_251 : memref<1x80xi32, #tpu.memory_space<vmem>> -> memref<80xi32, #tpu.memory_space<vmem>>
        %dma_start3A_253 = arith.constant 0 : i32
        %dma_start3A_254 = arith.constant 0 : i32
        %dma_start3A_255 = tpu.memref_slice %arg5[%dma_start3A_253, %dma_start3A_254] : memref<20000x16xf32, #tpu.memory_space<hbm>> -> memref<20000x16xf32, #tpu.memory_space<hbm>>
        %dma_start3A_256 = tpu.memref_slice %arg21[%scan3A_233] : memref<5x!tpu.dma_semaphore, #tpu.memory_space<semaphore_mem>> -> memref<1x!tpu.dma_semaphore, #tpu.memory_space<semaphore_mem>>
        %dma_start3A_257 = tpu.memref_squeeze %dma_start3A_256 : memref<1x!tpu.dma_semaphore, #tpu.memory_space<semaphore_mem>> -> memref<!tpu.dma_semaphore, #tpu.memory_space<semaphore_mem>>
        tpu.enqueue_indirect_dma source(%dma_start3A_255 : memref<20000x16xf32, #tpu.memory_space<hbm>>) target(%dma_start3A_249 : memref<80x16xf32, #tpu.memory_space<vmem>>) offsets(%dma_start3A_252 : memref<80xi32, #tpu.memory_space<vmem>>) semaphore(%dma_start3A_257 : memref<!tpu.dma_semaphore, #tpu.memory_space<semaphore_mem>>)
        %dma_start3A_258 = arith.constant 0 : i32
        %dma_start3A_259 = arith.constant 0 : i32
        %dma_start3A_260 = tpu.memref_slice %arg11[%scan3A_233, %dma_start3A_258, %dma_start3A_259] : memref<5x80x16xf32, #tpu.memory_space<vmem>> -> memref<1x80x16xf32, #tpu.memory_space<vmem>>
        %dma_start3A_261 = tpu.memref_squeeze %dma_start3A_260 : memref<1x80x16xf32, #tpu.memory_space<vmem>> -> memref<80x16xf32, #tpu.memory_space<vmem>>
        %dma_start3A_262 = arith.constant 0 : i32
        %dma_start3A_263 = tpu.memref_slice %arg16[%scan3A_233, %dma_start3A_262] : memref<5x80xi32, #tpu.memory_space<vmem>> -> memref<1x80xi32, #tpu.memory_space<vmem>>
        %dma_start3A_264 = tpu.memref_squeeze %dma_start3A_263 : memref<1x80xi32, #tpu.memory_space<vmem>> -> memref<80xi32, #tpu.memory_space<vmem>>
        %dma_start3A_265 = arith.constant 0 : i32
        %dma_start3A_266 = arith.constant 0 : i32
        %dma_start3A_267 = tpu.memref_slice %arg5[%dma_start3A_265, %dma_start3A_266] : memref<20000x16xf32, #tpu.memory_space<hbm>> -> memref<20000x16xf32, #tpu.memory_space<hbm>>
        %dma_start3A_268 = tpu.memref_slice %arg21[%scan3A_233] : memref<5x!tpu.dma_semaphore, #tpu.memory_space<semaphore_mem>> -> memref<1x!tpu.dma_semaphore, #tpu.memory_space<semaphore_mem>>
        %dma_start3A_269 = tpu.memref_squeeze %dma_start3A_268 : memref<1x!tpu.dma_semaphore, #tpu.memory_space<semaphore_mem>> -> memref<!tpu.dma_semaphore, #tpu.memory_space<semaphore_mem>>
        tpu.enqueue_indirect_dma source(%dma_start3A_267 : memref<20000x16xf32, #tpu.memory_space<hbm>>) target(%dma_start3A_261 : memref<80x16xf32, #tpu.memory_space<vmem>>) offsets(%dma_start3A_264 : memref<80xi32, #tpu.memory_space<vmem>>) semaphore(%dma_start3A_269 : memref<!tpu.dma_semaphore, #tpu.memory_space<semaphore_mem>>)
      }
      %scan3A_226 = arith.constant 5 : i32
      %scan3A_227 = arith.constant 0 : i32
      %scan3A_228 = arith.constant 0 : i32
      %scan3A_229 = arith.constant 5 : i32
      %scan3A_230 = arith.addi %scan3A_228, %scan3A_229 : i32
      %scan3A_231 = arith.constant 1 : i32
      scf.for %scan3A_233 = %scan3A_228 to %scan3A_230 step %scan3A_231  : i32 {
        %broadcast_in_dim3A_234 = vector.broadcast %scan3A_233 : i32 to vector<16xi32>
        %and3A_235 = arith.constant 1 : i32
        %and3A_236 = arith.andi %scan3A_233, %and3A_235 : i32
        %broadcast_in_dim3A_237 = vector.broadcast %and3A_236 : i32 to vector<16xi32>
        %ge3A = arith.constant 2 : i32
        %ge3A_238 = arith.cmpi sge, %scan3A_233, %ge3A : i32
        %convert_element_type3A = arith.extui %ge3A_238 : i1 to i32
        %cond3A = arith.constant 0 : i32
        %cond3A_239 = arith.cmpi ne, %convert_element_type3A, %cond3A : i32
        scf.if %cond3A_239 {
          %sub3A_305 = arith.constant 2 : i32
          %sub3A_306 = arith.subi %scan3A_233, %sub3A_305 : i32
          %max3A = arith.constant 0 : i32
          %max3A_307 = arith.maxsi %sub3A_306, %max3A : i32
          %dma_wait3A_308 = arith.constant 0 : i32
          %dma_wait3A_309 = arith.constant 0 : i32
          %dma_wait3A_310 = tpu.memref_slice %arg9[%and3A_236, %dma_wait3A_308, %dma_wait3A_309] : memref<2x80x64xf32, #tpu.memory_space<vmem>> -> memref<1x80x64xf32, #tpu.memory_space<vmem>>
          %dma_wait3A_311 = tpu.memref_squeeze %dma_wait3A_310 : memref<1x80x64xf32, #tpu.memory_space<vmem>> -> memref<80x64xf32, #tpu.memory_space<vmem>>
          %dma_wait3A_312 = arith.constant 0 : i32
          %dma_wait3A_313 = tpu.memref_slice %arg17[%max3A_307, %dma_wait3A_312] : memref<5x80xi32, #tpu.memory_space<vmem>> -> memref<1x80xi32, #tpu.memory_space<vmem>>
          %dma_wait3A_314 = tpu.memref_squeeze %dma_wait3A_313 : memref<1x80xi32, #tpu.memory_space<vmem>> -> memref<80xi32, #tpu.memory_space<vmem>>
          %dma_wait3A_315 = arith.constant 0 : i32
          %dma_wait3A_316 = arith.constant 0 : i32
          %dma_wait3A_317 = tpu.memref_slice %arg19[%dma_wait3A_315, %dma_wait3A_316] : memref<10112x64xf32, #tpu.memory_space<vmem_shared>> -> memref<10112x64xf32, #tpu.memory_space<vmem_shared>>
          %dma_wait3A_318 = tpu.memref_slice %arg22[%max3A_307] : memref<5x!tpu.dma_semaphore, #tpu.memory_space<semaphore_mem>> -> memref<1x!tpu.dma_semaphore, #tpu.memory_space<semaphore_mem>>
          %dma_wait3A_319 = tpu.memref_squeeze %dma_wait3A_318 : memref<1x!tpu.dma_semaphore, #tpu.memory_space<semaphore_mem>> -> memref<!tpu.dma_semaphore, #tpu.memory_space<semaphore_mem>>
          tpu.wait_indirect_dma semaphore(%dma_wait3A_319 : memref<!tpu.dma_semaphore, #tpu.memory_space<semaphore_mem>>) src(%dma_wait3A_311 : memref<80x64xf32, #tpu.memory_space<vmem>>) dst(%dma_wait3A_317 : memref<10112x64xf32, #tpu.memory_space<vmem_shared>>)
        } else {
        }
        %dma_wait3A_240 = arith.constant 0 : i32
        %dma_wait3A_241 = arith.constant 0 : i32
        %dma_wait3A_242 = tpu.memref_slice %arg8[%scan3A_233, %dma_wait3A_240, %dma_wait3A_241] : memref<5x80x64xf32, #tpu.memory_space<vmem>> -> memref<1x80x64xf32, #tpu.memory_space<vmem>>
        %dma_wait3A_243 = tpu.memref_squeeze %dma_wait3A_242 : memref<1x80x64xf32, #tpu.memory_space<vmem>> -> memref<80x64xf32, #tpu.memory_space<vmem>>
        %dma_wait3A_244 = arith.constant 0 : i32
        %dma_wait3A_245 = tpu.memref_slice %arg15[%scan3A_233, %dma_wait3A_244] : memref<5x80xi32, #tpu.memory_space<vmem>> -> memref<1x80xi32, #tpu.memory_space<vmem>>
        %dma_wait3A_246 = tpu.memref_squeeze %dma_wait3A_245 : memref<1x80xi32, #tpu.memory_space<vmem>> -> memref<80xi32, #tpu.memory_space<vmem>>
        %dma_wait3A_247 = arith.constant 0 : i32
        %dma_wait3A_248 = arith.constant 0 : i32
        %dma_wait3A_249 = tpu.memref_slice %arg4[%dma_wait3A_247, %dma_wait3A_248] : memref<20000x64xf32, #tpu.memory_space<hbm>> -> memref<20000x64xf32, #tpu.memory_space<hbm>>
        %dma_wait3A_250 = tpu.memref_slice %arg21[%scan3A_233] : memref<5x!tpu.dma_semaphore, #tpu.memory_space<semaphore_mem>> -> memref<1x!tpu.dma_semaphore, #tpu.memory_space<semaphore_mem>>
        %dma_wait3A_251 = tpu.memref_squeeze %dma_wait3A_250 : memref<1x!tpu.dma_semaphore, #tpu.memory_space<semaphore_mem>> -> memref<!tpu.dma_semaphore, #tpu.memory_space<semaphore_mem>>
        tpu.wait_indirect_dma semaphore(%dma_wait3A_251 : memref<!tpu.dma_semaphore, #tpu.memory_space<semaphore_mem>>) src(%dma_wait3A_249 : memref<20000x64xf32, #tpu.memory_space<hbm>>) dst(%dma_wait3A_243 : memref<80x64xf32, #tpu.memory_space<vmem>>)
        %dma_wait3A_252 = arith.constant 0 : i32
        %dma_wait3A_253 = arith.constant 0 : i32
        %dma_wait3A_254 = tpu.memref_slice %arg10[%scan3A_233, %dma_wait3A_252, %dma_wait3A_253] : memref<5x80x16xf32, #tpu.memory_space<vmem>> -> memref<1x80x16xf32, #tpu.memory_space<vmem>>
        %dma_wait3A_255 = tpu.memref_squeeze %dma_wait3A_254 : memref<1x80x16xf32, #tpu.memory_space<vmem>> -> memref<80x16xf32, #tpu.memory_space<vmem>>
        %dma_wait3A_256 = arith.constant 0 : i32
        %dma_wait3A_257 = tpu.memref_slice %arg15[%scan3A_233, %dma_wait3A_256] : memref<5x80xi32, #tpu.memory_space<vmem>> -> memref<1x80xi32, #tpu.memory_space<vmem>>
        %dma_wait3A_258 = tpu.memref_squeeze %dma_wait3A_257 : memref<1x80xi32, #tpu.memory_space<vmem>> -> memref<80xi32, #tpu.memory_space<vmem>>
        %dma_wait3A_259 = arith.constant 0 : i32
        %dma_wait3A_260 = arith.constant 0 : i32
        %dma_wait3A_261 = tpu.memref_slice %arg5[%dma_wait3A_259, %dma_wait3A_260] : memref<20000x16xf32, #tpu.memory_space<hbm>> -> memref<20000x16xf32, #tpu.memory_space<hbm>>
        %dma_wait3A_262 = tpu.memref_slice %arg21[%scan3A_233] : memref<5x!tpu.dma_semaphore, #tpu.memory_space<semaphore_mem>> -> memref<1x!tpu.dma_semaphore, #tpu.memory_space<semaphore_mem>>
        %dma_wait3A_263 = tpu.memref_squeeze %dma_wait3A_262 : memref<1x!tpu.dma_semaphore, #tpu.memory_space<semaphore_mem>> -> memref<!tpu.dma_semaphore, #tpu.memory_space<semaphore_mem>>
        tpu.wait_indirect_dma semaphore(%dma_wait3A_263 : memref<!tpu.dma_semaphore, #tpu.memory_space<semaphore_mem>>) src(%dma_wait3A_261 : memref<20000x16xf32, #tpu.memory_space<hbm>>) dst(%dma_wait3A_255 : memref<80x16xf32, #tpu.memory_space<vmem>>)
        %dma_wait3A_264 = arith.constant 0 : i32
        %dma_wait3A_265 = arith.constant 0 : i32
        %dma_wait3A_266 = tpu.memref_slice %arg11[%scan3A_233, %dma_wait3A_264, %dma_wait3A_265] : memref<5x80x16xf32, #tpu.memory_space<vmem>> -> memref<1x80x16xf32, #tpu.memory_space<vmem>>
        %dma_wait3A_267 = tpu.memref_squeeze %dma_wait3A_266 : memref<1x80x16xf32, #tpu.memory_space<vmem>> -> memref<80x16xf32, #tpu.memory_space<vmem>>
        %dma_wait3A_268 = arith.constant 0 : i32
        %dma_wait3A_269 = tpu.memref_slice %arg16[%scan3A_233, %dma_wait3A_268] : memref<5x80xi32, #tpu.memory_space<vmem>> -> memref<1x80xi32, #tpu.memory_space<vmem>>
        %dma_wait3A_270 = tpu.memref_squeeze %dma_wait3A_269 : memref<1x80xi32, #tpu.memory_space<vmem>> -> memref<80xi32, #tpu.memory_space<vmem>>
        %dma_wait3A_271 = arith.constant 0 : i32
        %dma_wait3A_272 = arith.constant 0 : i32
        %dma_wait3A_273 = tpu.memref_slice %arg5[%dma_wait3A_271, %dma_wait3A_272] : memref<20000x16xf32, #tpu.memory_space<hbm>> -> memref<20000x16xf32, #tpu.memory_space<hbm>>
        %dma_wait3A_274 = tpu.memref_slice %arg21[%scan3A_233] : memref<5x!tpu.dma_semaphore, #tpu.memory_space<semaphore_mem>> -> memref<1x!tpu.dma_semaphore, #tpu.memory_space<semaphore_mem>>
        %dma_wait3A_275 = tpu.memref_squeeze %dma_wait3A_274 : memref<1x!tpu.dma_semaphore, #tpu.memory_space<semaphore_mem>> -> memref<!tpu.dma_semaphore, #tpu.memory_space<semaphore_mem>>
        tpu.wait_indirect_dma semaphore(%dma_wait3A_275 : memref<!tpu.dma_semaphore, #tpu.memory_space<semaphore_mem>>) src(%dma_wait3A_273 : memref<20000x16xf32, #tpu.memory_space<hbm>>) dst(%dma_wait3A_267 : memref<80x16xf32, #tpu.memory_space<vmem>>)
        %parallel_loop3A_276 = arith.constant 0 : i32
        %parallel_loop3A_277 = arith.constant 5 : i32
        %parallel_loop3A_278 = arith.constant 1 : i32
        scf.for %parallel_loop3A_305 = %parallel_loop3A_276 to %parallel_loop3A_277 step %parallel_loop3A_278  : i32 {
          %parallel_loop3A_306 = arith.constant 16 : i32
          %parallel_loop3A_307 = arith.muli %parallel_loop3A_305, %parallel_loop3A_306 : i32
          %parallel_loop3A_308 = tpu.assume_multiple %parallel_loop3A_307, 16 : i32
          %parallel_loop3A_309 = arith.constant 80 : i32
          %parallel_loop3A_310 = arith.muli %scan3A_233, %parallel_loop3A_309 : i32
          %parallel_loop3A_311 = arith.constant 16 : i32
          %parallel_loop3A_312 = arith.muli %parallel_loop3A_305, %parallel_loop3A_311 : i32
          %parallel_loop3A_313 = arith.addi %parallel_loop3A_310, %parallel_loop3A_312 : i32
          %parallel_loop3A_314 = tpu.assume_multiple %parallel_loop3A_313, 16 : i32
          %parallel_loop3A_315 = vector.broadcast %parallel_loop3A_308 : i32 to vector<16xi32>
          %parallel_loop3A_316 = arith.addi %iota3A, %parallel_loop3A_315 : vector<16xi32>
          %parallel_loop3A_317 = arith.index_cast %and3A_142 : i32 to index
          %parallel_loop3A_318 = arith.index_cast %parallel_loop3A_314 : i32 to index
          %parallel_loop3A_319 = tpu.vector_load %arg14[%parallel_loop3A_317, %parallel_loop3A_318] {strides = array<i32>} : memref<2x400xi32, #tpu.memory_space<vmem>>, vector<16xi32>,
          %parallel_loop3A_320 = arith.constant 7 : i32
          %parallel_loop3A_321 = vector.broadcast %parallel_loop3A_320 : i32 to vector<16xi32>
          %parallel_loop3A_322 = arith.andi %parallel_loop3A_319, %parallel_loop3A_321 : vector<16xi32>
          %parallel_loop3A_323 = arith.constant 1 : i32
          %parallel_loop3A_324 = vector.broadcast %parallel_loop3A_323 : i32 to vector<16xi32>
          %parallel_loop3A_325 = arith.shli %parallel_loop3A_322, %parallel_loop3A_324 : vector<16xi32>
          %parallel_loop3A_326 = arith.constant 0 : i32
          %parallel_loop3A_327 = vector.broadcast %parallel_loop3A_326 : i32 to vector<16xi32>
          %parallel_loop3A_328 = vector.broadcast %mul3A_3 : i32 to vector<16xi32>
          %parallel_loop3A_329 = arith.addi %parallel_loop3A_327, %parallel_loop3A_328 : vector<16xi32>
          %parallel_loop3A_330 = tpu.vector_load_idx %arg10[%broadcast_in_dim3A_234, %parallel_loop3A_316, %parallel_loop3A_329] : memref<5x80x16xf32, #tpu.memory_space<vmem>>[vector<16xi32>, vector<16xi32>, vector<16xi32>], vector<16xf32>,
          %parallel_loop3A_331 = arith.constant 4 : i32
          %parallel_loop3A_332 = vector.broadcast %parallel_loop3A_331 : i32 to vector<16xi32>
          %parallel_loop3A_333 = vector.broadcast %mul3A_3 : i32 to vector<16xi32>
          %parallel_loop3A_334 = arith.addi %parallel_loop3A_332, %parallel_loop3A_333 : vector<16xi32>
          %parallel_loop3A_335 = tpu.vector_load_idx %arg11[%broadcast_in_dim3A_234, %parallel_loop3A_316, %parallel_loop3A_334] : memref<5x80x16xf32, #tpu.memory_space<vmem>>[vector<16xi32>, vector<16xi32>, vector<16xi32>], vector<16xf32>,
          %parallel_loop3A_336 = arith.addf %parallel_loop3A_330, %parallel_loop3A_335 : vector<16xf32>
          %parallel_loop3A_337 = arith.constant 0.000000e+00 : f32
          %parallel_loop3A_338 = vector.broadcast %parallel_loop3A_337 : f32 to vector<16xf32>
          %parallel_loop3A_339 = arith.cmpf oge, %parallel_loop3A_336, %parallel_loop3A_338 : vector<16xf32>
          %parallel_loop3A_340 = arith.constant 2.000000e-01 : f32
          %parallel_loop3A_341 = vector.broadcast %parallel_loop3A_340 : f32 to vector<16xf32>
          %parallel_loop3A_342 = arith.mulf %parallel_loop3A_336, %parallel_loop3A_341 : vector<16xf32>
          %parallel_loop3A_343 = arith.select %parallel_loop3A_339, %parallel_loop3A_336, %parallel_loop3A_342 : vector<16xi1>, vector<16xf32>
          %parallel_loop3A_344 = math.exp %parallel_loop3A_343 : vector<16xf32>
          %parallel_loop3A_345 = arith.constant 80 : i32
          %parallel_loop3A_346 = arith.muli %scan3A_233, %parallel_loop3A_345 : i32
          %parallel_loop3A_347 = vector.broadcast %parallel_loop3A_346 : i32 to vector<16xi32>
          %parallel_loop3A_348 = arith.addi %parallel_loop3A_316, %parallel_loop3A_347 : vector<16xi32>
          %parallel_loop3A_349 = arith.constant 0 : i32
          %parallel_loop3A_350 = vector.broadcast %parallel_loop3A_349 : i32 to vector<16xi32>
          %parallel_loop3A_351 = arith.addi %parallel_loop3A_325, %parallel_loop3A_350 : vector<16xi32>
          tpu.vector_store_idx %arg12[%broadcast_in_dim3A_143, %parallel_loop3A_348, %parallel_loop3A_351], %parallel_loop3A_344 : memref<2x400x16xf32, #tpu.memory_space<vmem>>[vector<16xi32>, vector<16xi32>, vector<16xi32>], vector<16xf32>,
          %parallel_loop3A_352 = arith.constant 1 : i32
          %parallel_loop3A_353 = vector.broadcast %parallel_loop3A_352 : i32 to vector<16xi32>
          %parallel_loop3A_354 = vector.broadcast %mul3A_3 : i32 to vector<16xi32>
          %parallel_loop3A_355 = arith.addi %parallel_loop3A_353, %parallel_loop3A_354 : vector<16xi32>
          %parallel_loop3A_356 = tpu.vector_load_idx %arg10[%broadcast_in_dim3A_234, %parallel_loop3A_316, %parallel_loop3A_355] : memref<5x80x16xf32, #tpu.memory_space<vmem>>[vector<16xi32>, vector<16xi32>, vector<16xi32>], vector<16xf32>,
          %parallel_loop3A_357 = arith.constant 5 : i32
          %parallel_loop3A_358 = vector.broadcast %parallel_loop3A_357 : i32 to vector<16xi32>
          %parallel_loop3A_359 = vector.broadcast %mul3A_3 : i32 to vector<16xi32>
          %parallel_loop3A_360 = arith.addi %parallel_loop3A_358, %parallel_loop3A_359 : vector<16xi32>
          %parallel_loop3A_361 = tpu.vector_load_idx %arg11[%broadcast_in_dim3A_234, %parallel_loop3A_316, %parallel_loop3A_360] : memref<5x80x16xf32, #tpu.memory_space<vmem>>[vector<16xi32>, vector<16xi32>, vector<16xi32>], vector<16xf32>,
          %parallel_loop3A_362 = arith.addf %parallel_loop3A_356, %parallel_loop3A_361 : vector<16xf32>
          %parallel_loop3A_363 = arith.constant 0.000000e+00 : f32
          %parallel_loop3A_364 = vector.broadcast %parallel_loop3A_363 : f32 to vector<16xf32>
          %parallel_loop3A_365 = arith.cmpf oge, %parallel_loop3A_362, %parallel_loop3A_364 : vector<16xf32>
          %parallel_loop3A_366 = arith.constant 2.000000e-01 : f32
          %parallel_loop3A_367 = vector.broadcast %parallel_loop3A_366 : f32 to vector<16xf32>
          %parallel_loop3A_368 = arith.mulf %parallel_loop3A_362, %parallel_loop3A_367 : vector<16xf32>
          %parallel_loop3A_369 = arith.select %parallel_loop3A_365, %parallel_loop3A_362, %parallel_loop3A_368 : vector<16xi1>, vector<16xf32>
          %parallel_loop3A_370 = math.exp %parallel_loop3A_369 : vector<16xf32>
          %parallel_loop3A_371 = arith.constant 80 : i32
          %parallel_loop3A_372 = arith.muli %scan3A_233, %parallel_loop3A_371 : i32
          %parallel_loop3A_373 = vector.broadcast %parallel_loop3A_372 : i32 to vector<16xi32>
          %parallel_loop3A_374 = arith.addi %parallel_loop3A_316, %parallel_loop3A_373 : vector<16xi32>
          %parallel_loop3A_375 = arith.constant 1 : i32
          %parallel_loop3A_376 = vector.broadcast %parallel_loop3A_375 : i32 to vector<16xi32>
          %parallel_loop3A_377 = arith.addi %parallel_loop3A_325, %parallel_loop3A_376 : vector<16xi32>
          tpu.vector_store_idx %arg12[%broadcast_in_dim3A_143, %parallel_loop3A_374, %parallel_loop3A_377], %parallel_loop3A_370 : memref<2x400x16xf32, #tpu.memory_space<vmem>>[vector<16xi32>, vector<16xi32>, vector<16xi32>], vector<16xf32>,
          %parallel_loop3A_378 = arith.constant 0 : i32
          %parallel_loop3A_379 = vector.broadcast %parallel_loop3A_378 : i32 to vector<16xi32>
          %parallel_loop3A_380 = tpu.vector_load_idx %arg8[%broadcast_in_dim3A_234, %parallel_loop3A_316, %parallel_loop3A_379] : memref<5x80x64xf32, #tpu.memory_space<vmem>>[vector<16xi32>, vector<16xi32>, vector<16xi32>], vector<16xf32>,
          %parallel_loop3A_381 = arith.mulf %parallel_loop3A_380, %parallel_loop3A_344 : vector<16xf32>
          tpu.vector_store_idx %arg9[%broadcast_in_dim3A_237, %parallel_loop3A_316, %parallel_loop3A_379], %parallel_loop3A_381 : memref<2x80x64xf32, #tpu.memory_space<vmem>>[vector<16xi32>, vector<16xi32>, vector<16xi32>], vector<16xf32>,
          %parallel_loop3A_382 = arith.constant 1 : i32
          %parallel_loop3A_383 = vector.broadcast %parallel_loop3A_382 : i32 to vector<16xi32>
          %parallel_loop3A_384 = tpu.vector_load_idx %arg8[%broadcast_in_dim3A_234, %parallel_loop3A_316, %parallel_loop3A_383] : memref<5x80x64xf32, #tpu.memory_space<vmem>>[vector<16xi32>, vector<16xi32>, vector<16xi32>], vector<16xf32>,
          %parallel_loop3A_385 = arith.mulf %parallel_loop3A_384, %parallel_loop3A_344 : vector<16xf32>
          tpu.vector_store_idx %arg9[%broadcast_in_dim3A_237, %parallel_loop3A_316, %parallel_loop3A_383], %parallel_loop3A_385 : memref<2x80x64xf32, #tpu.memory_space<vmem>>[vector<16xi32>, vector<16xi32>, vector<16xi32>], vector<16xf32>,
          %parallel_loop3A_386 = arith.constant 2 : i32
          %parallel_loop3A_387 = vector.broadcast %parallel_loop3A_386 : i32 to vector<16xi32>
          %parallel_loop3A_388 = tpu.vector_load_idx %arg8[%broadcast_in_dim3A_234, %parallel_loop3A_316, %parallel_loop3A_387] : memref<5x80x64xf32, #tpu.memory_space<vmem>>[vector<16xi32>, vector<16xi32>, vector<16xi32>], vector<16xf32>,
          %parallel_loop3A_389 = arith.mulf %parallel_loop3A_388, %parallel_loop3A_344 : vector<16xf32>
          tpu.vector_store_idx %arg9[%broadcast_in_dim3A_237, %parallel_loop3A_316, %parallel_loop3A_387], %parallel_loop3A_389 : memref<2x80x64xf32, #tpu.memory_space<vmem>>[vector<16xi32>, vector<16xi32>, vector<16xi32>], vector<16xf32>,
          %parallel_loop3A_390 = arith.constant 3 : i32
          %parallel_loop3A_391 = vector.broadcast %parallel_loop3A_390 : i32 to vector<16xi32>
          %parallel_loop3A_392 = tpu.vector_load_idx %arg8[%broadcast_in_dim3A_234, %parallel_loop3A_316, %parallel_loop3A_391] : memref<5x80x64xf32, #tpu.memory_space<vmem>>[vector<16xi32>, vector<16xi32>, vector<16xi32>], vector<16xf32>,
          %parallel_loop3A_393 = arith.mulf %parallel_loop3A_392, %parallel_loop3A_344 : vector<16xf32>
          tpu.vector_store_idx %arg9[%broadcast_in_dim3A_237, %parallel_loop3A_316, %parallel_loop3A_391], %parallel_loop3A_393 : memref<2x80x64xf32, #tpu.memory_space<vmem>>[vector<16xi32>, vector<16xi32>, vector<16xi32>], vector<16xf32>,
          %parallel_loop3A_394 = arith.constant 4 : i32
          %parallel_loop3A_395 = vector.broadcast %parallel_loop3A_394 : i32 to vector<16xi32>
          %parallel_loop3A_396 = tpu.vector_load_idx %arg8[%broadcast_in_dim3A_234, %parallel_loop3A_316, %parallel_loop3A_395] : memref<5x80x64xf32, #tpu.memory_space<vmem>>[vector<16xi32>, vector<16xi32>, vector<16xi32>], vector<16xf32>,
          %parallel_loop3A_397 = arith.mulf %parallel_loop3A_396, %parallel_loop3A_344 : vector<16xf32>
          tpu.vector_store_idx %arg9[%broadcast_in_dim3A_237, %parallel_loop3A_316, %parallel_loop3A_395], %parallel_loop3A_397 : memref<2x80x64xf32, #tpu.memory_space<vmem>>[vector<16xi32>, vector<16xi32>, vector<16xi32>], vector<16xf32>,
          %parallel_loop3A_398 = arith.constant 5 : i32
          %parallel_loop3A_399 = vector.broadcast %parallel_loop3A_398 : i32 to vector<16xi32>
          %parallel_loop3A_400 = tpu.vector_load_idx %arg8[%broadcast_in_dim3A_234, %parallel_loop3A_316, %parallel_loop3A_399] : memref<5x80x64xf32, #tpu.memory_space<vmem>>[vector<16xi32>, vector<16xi32>, vector<16xi32>], vector<16xf32>,
          %parallel_loop3A_401 = arith.mulf %parallel_loop3A_400, %parallel_loop3A_344 : vector<16xf32>
          tpu.vector_store_idx %arg9[%broadcast_in_dim3A_237, %parallel_loop3A_316, %parallel_loop3A_399], %parallel_loop3A_401 : memref<2x80x64xf32, #tpu.memory_space<vmem>>[vector<16xi32>, vector<16xi32>, vector<16xi32>], vector<16xf32>,
          %parallel_loop3A_402 = arith.constant 6 : i32
          %parallel_loop3A_403 = vector.broadcast %parallel_loop3A_402 : i32 to vector<16xi32>
          %parallel_loop3A_404 = tpu.vector_load_idx %arg8[%broadcast_in_dim3A_234, %parallel_loop3A_316, %parallel_loop3A_403] : memref<5x80x64xf32, #tpu.memory_space<vmem>>[vector<16xi32>, vector<16xi32>, vector<16xi32>], vector<16xf32>,
          %parallel_loop3A_405 = arith.mulf %parallel_loop3A_404, %parallel_loop3A_344 : vector<16xf32>
          tpu.vector_store_idx %arg9[%broadcast_in_dim3A_237, %parallel_loop3A_316, %parallel_loop3A_403], %parallel_loop3A_405 : memref<2x80x64xf32, #tpu.memory_space<vmem>>[vector<16xi32>, vector<16xi32>, vector<16xi32>], vector<16xf32>,
          %parallel_loop3A_406 = arith.constant 7 : i32
          %parallel_loop3A_407 = vector.broadcast %parallel_loop3A_406 : i32 to vector<16xi32>
          %parallel_loop3A_408 = tpu.vector_load_idx %arg8[%broadcast_in_dim3A_234, %parallel_loop3A_316, %parallel_loop3A_407] : memref<5x80x64xf32, #tpu.memory_space<vmem>>[vector<16xi32>, vector<16xi32>, vector<16xi32>], vector<16xf32>,
          %parallel_loop3A_409 = arith.mulf %parallel_loop3A_408, %parallel_loop3A_344 : vector<16xf32>
          tpu.vector_store_idx %arg9[%broadcast_in_dim3A_237, %parallel_loop3A_316, %parallel_loop3A_407], %parallel_loop3A_409 : memref<2x80x64xf32, #tpu.memory_space<vmem>>[vector<16xi32>, vector<16xi32>, vector<16xi32>], vector<16xf32>,
          %parallel_loop3A_410 = arith.constant 8 : i32
          %parallel_loop3A_411 = vector.broadcast %parallel_loop3A_410 : i32 to vector<16xi32>
          %parallel_loop3A_412 = tpu.vector_load_idx %arg8[%broadcast_in_dim3A_234, %parallel_loop3A_316, %parallel_loop3A_411] : memref<5x80x64xf32, #tpu.memory_space<vmem>>[vector<16xi32>, vector<16xi32>, vector<16xi32>], vector<16xf32>,
          %parallel_loop3A_413 = arith.mulf %parallel_loop3A_412, %parallel_loop3A_344 : vector<16xf32>
          tpu.vector_store_idx %arg9[%broadcast_in_dim3A_237, %parallel_loop3A_316, %parallel_loop3A_411], %parallel_loop3A_413 : memref<2x80x64xf32, #tpu.memory_space<vmem>>[vector<16xi32>, vector<16xi32>, vector<16xi32>], vector<16xf32>,
          %parallel_loop3A_414 = arith.constant 9 : i32
          %parallel_loop3A_415 = vector.broadcast %parallel_loop3A_414 : i32 to vector<16xi32>
          %parallel_loop3A_416 = tpu.vector_load_idx %arg8[%broadcast_in_dim3A_234, %parallel_loop3A_316, %parallel_loop3A_415] : memref<5x80x64xf32, #tpu.memory_space<vmem>>[vector<16xi32>, vector<16xi32>, vector<16xi32>], vector<16xf32>,
          %parallel_loop3A_417 = arith.mulf %parallel_loop3A_416, %parallel_loop3A_344 : vector<16xf32>
          tpu.vector_store_idx %arg9[%broadcast_in_dim3A_237, %parallel_loop3A_316, %parallel_loop3A_415], %parallel_loop3A_417 : memref<2x80x64xf32, #tpu.memory_space<vmem>>[vector<16xi32>, vector<16xi32>, vector<16xi32>], vector<16xf32>,
          %parallel_loop3A_418 = arith.constant 10 : i32
          %parallel_loop3A_419 = vector.broadcast %parallel_loop3A_418 : i32 to vector<16xi32>
          %parallel_loop3A_420 = tpu.vector_load_idx %arg8[%broadcast_in_dim3A_234, %parallel_loop3A_316, %parallel_loop3A_419] : memref<5x80x64xf32, #tpu.memory_space<vmem>>[vector<16xi32>, vector<16xi32>, vector<16xi32>], vector<16xf32>,
          %parallel_loop3A_421 = arith.mulf %parallel_loop3A_420, %parallel_loop3A_344 : vector<16xf32>
          tpu.vector_store_idx %arg9[%broadcast_in_dim3A_237, %parallel_loop3A_316, %parallel_loop3A_419], %parallel_loop3A_421 : memref<2x80x64xf32, #tpu.memory_space<vmem>>[vector<16xi32>, vector<16xi32>, vector<16xi32>], vector<16xf32>,
          %parallel_loop3A_422 = arith.constant 11 : i32
          %parallel_loop3A_423 = vector.broadcast %parallel_loop3A_422 : i32 to vector<16xi32>
          %parallel_loop3A_424 = tpu.vector_load_idx %arg8[%broadcast_in_dim3A_234, %parallel_loop3A_316, %parallel_loop3A_423] : memref<5x80x64xf32, #tpu.memory_space<vmem>>[vector<16xi32>, vector<16xi32>, vector<16xi32>], vector<16xf32>,
          %parallel_loop3A_425 = arith.mulf %parallel_loop3A_424, %parallel_loop3A_344 : vector<16xf32>
          tpu.vector_store_idx %arg9[%broadcast_in_dim3A_237, %parallel_loop3A_316, %parallel_loop3A_423], %parallel_loop3A_425 : memref<2x80x64xf32, #tpu.memory_space<vmem>>[vector<16xi32>, vector<16xi32>, vector<16xi32>], vector<16xf32>,
          %parallel_loop3A_426 = arith.constant 12 : i32
          %parallel_loop3A_427 = vector.broadcast %parallel_loop3A_426 : i32 to vector<16xi32>
          %parallel_loop3A_428 = tpu.vector_load_idx %arg8[%broadcast_in_dim3A_234, %parallel_loop3A_316, %parallel_loop3A_427] : memref<5x80x64xf32, #tpu.memory_space<vmem>>[vector<16xi32>, vector<16xi32>, vector<16xi32>], vector<16xf32>,
          %parallel_loop3A_429 = arith.mulf %parallel_loop3A_428, %parallel_loop3A_344 : vector<16xf32>
          tpu.vector_store_idx %arg9[%broadcast_in_dim3A_237, %parallel_loop3A_316, %parallel_loop3A_427], %parallel_loop3A_429 : memref<2x80x64xf32, #tpu.memory_space<vmem>>[vector<16xi32>, vector<16xi32>, vector<16xi32>], vector<16xf32>,
          %parallel_loop3A_430 = arith.constant 13 : i32
          %parallel_loop3A_431 = vector.broadcast %parallel_loop3A_430 : i32 to vector<16xi32>
          %parallel_loop3A_432 = tpu.vector_load_idx %arg8[%broadcast_in_dim3A_234, %parallel_loop3A_316, %parallel_loop3A_431] : memref<5x80x64xf32, #tpu.memory_space<vmem>>[vector<16xi32>, vector<16xi32>, vector<16xi32>], vector<16xf32>,
          %parallel_loop3A_433 = arith.mulf %parallel_loop3A_432, %parallel_loop3A_344 : vector<16xf32>
          tpu.vector_store_idx %arg9[%broadcast_in_dim3A_237, %parallel_loop3A_316, %parallel_loop3A_431], %parallel_loop3A_433 : memref<2x80x64xf32, #tpu.memory_space<vmem>>[vector<16xi32>, vector<16xi32>, vector<16xi32>], vector<16xf32>,
          %parallel_loop3A_434 = arith.constant 14 : i32
          %parallel_loop3A_435 = vector.broadcast %parallel_loop3A_434 : i32 to vector<16xi32>
          %parallel_loop3A_436 = tpu.vector_load_idx %arg8[%broadcast_in_dim3A_234, %parallel_loop3A_316, %parallel_loop3A_435] : memref<5x80x64xf32, #tpu.memory_space<vmem>>[vector<16xi32>, vector<16xi32>, vector<16xi32>], vector<16xf32>,
          %parallel_loop3A_437 = arith.mulf %parallel_loop3A_436, %parallel_loop3A_344 : vector<16xf32>
          tpu.vector_store_idx %arg9[%broadcast_in_dim3A_237, %parallel_loop3A_316, %parallel_loop3A_435], %parallel_loop3A_437 : memref<2x80x64xf32, #tpu.memory_space<vmem>>[vector<16xi32>, vector<16xi32>, vector<16xi32>], vector<16xf32>,
          %parallel_loop3A_438 = arith.constant 15 : i32
          %parallel_loop3A_439 = vector.broadcast %parallel_loop3A_438 : i32 to vector<16xi32>
          %parallel_loop3A_440 = tpu.vector_load_idx %arg8[%broadcast_in_dim3A_234, %parallel_loop3A_316, %parallel_loop3A_439] : memref<5x80x64xf32, #tpu.memory_space<vmem>>[vector<16xi32>, vector<16xi32>, vector<16xi32>], vector<16xf32>,
          %parallel_loop3A_441 = arith.mulf %parallel_loop3A_440, %parallel_loop3A_344 : vector<16xf32>
          tpu.vector_store_idx %arg9[%broadcast_in_dim3A_237, %parallel_loop3A_316, %parallel_loop3A_439], %parallel_loop3A_441 : memref<2x80x64xf32, #tpu.memory_space<vmem>>[vector<16xi32>, vector<16xi32>, vector<16xi32>], vector<16xf32>,
          %parallel_loop3A_442 = arith.constant 16 : i32
          %parallel_loop3A_443 = vector.broadcast %parallel_loop3A_442 : i32 to vector<16xi32>
          %parallel_loop3A_444 = tpu.vector_load_idx %arg8[%broadcast_in_dim3A_234, %parallel_loop3A_316, %parallel_loop3A_443] : memref<5x80x64xf32, #tpu.memory_space<vmem>>[vector<16xi32>, vector<16xi32>, vector<16xi32>], vector<16xf32>,
          %parallel_loop3A_445 = arith.mulf %parallel_loop3A_444, %parallel_loop3A_344 : vector<16xf32>
          tpu.vector_store_idx %arg9[%broadcast_in_dim3A_237, %parallel_loop3A_316, %parallel_loop3A_443], %parallel_loop3A_445 : memref<2x80x64xf32, #tpu.memory_space<vmem>>[vector<16xi32>, vector<16xi32>, vector<16xi32>], vector<16xf32>,
          %parallel_loop3A_446 = arith.constant 17 : i32
          %parallel_loop3A_447 = vector.broadcast %parallel_loop3A_446 : i32 to vector<16xi32>
          %parallel_loop3A_448 = tpu.vector_load_idx %arg8[%broadcast_in_dim3A_234, %parallel_loop3A_316, %parallel_loop3A_447] : memref<5x80x64xf32, #tpu.memory_space<vmem>>[vector<16xi32>, vector<16xi32>, vector<16xi32>], vector<16xf32>,
          %parallel_loop3A_449 = arith.mulf %parallel_loop3A_448, %parallel_loop3A_344 : vector<16xf32>
          tpu.vector_store_idx %arg9[%broadcast_in_dim3A_237, %parallel_loop3A_316, %parallel_loop3A_447], %parallel_loop3A_449 : memref<2x80x64xf32, #tpu.memory_space<vmem>>[vector<16xi32>, vector<16xi32>, vector<16xi32>], vector<16xf32>,
          %parallel_loop3A_450 = arith.constant 18 : i32
          %parallel_loop3A_451 = vector.broadcast %parallel_loop3A_450 : i32 to vector<16xi32>
          %parallel_loop3A_452 = tpu.vector_load_idx %arg8[%broadcast_in_dim3A_234, %parallel_loop3A_316, %parallel_loop3A_451] : memref<5x80x64xf32, #tpu.memory_space<vmem>>[vector<16xi32>, vector<16xi32>, vector<16xi32>], vector<16xf32>,
          %parallel_loop3A_453 = arith.mulf %parallel_loop3A_452, %parallel_loop3A_344 : vector<16xf32>
          tpu.vector_store_idx %arg9[%broadcast_in_dim3A_237, %parallel_loop3A_316, %parallel_loop3A_451], %parallel_loop3A_453 : memref<2x80x64xf32, #tpu.memory_space<vmem>>[vector<16xi32>, vector<16xi32>, vector<16xi32>], vector<16xf32>,
          %parallel_loop3A_454 = arith.constant 19 : i32
          %parallel_loop3A_455 = vector.broadcast %parallel_loop3A_454 : i32 to vector<16xi32>
          %parallel_loop3A_456 = tpu.vector_load_idx %arg8[%broadcast_in_dim3A_234, %parallel_loop3A_316, %parallel_loop3A_455] : memref<5x80x64xf32, #tpu.memory_space<vmem>>[vector<16xi32>, vector<16xi32>, vector<16xi32>], vector<16xf32>,
          %parallel_loop3A_457 = arith.mulf %parallel_loop3A_456, %parallel_loop3A_344 : vector<16xf32>
          tpu.vector_store_idx %arg9[%broadcast_in_dim3A_237, %parallel_loop3A_316, %parallel_loop3A_455], %parallel_loop3A_457 : memref<2x80x64xf32, #tpu.memory_space<vmem>>[vector<16xi32>, vector<16xi32>, vector<16xi32>], vector<16xf32>,
          %parallel_loop3A_458 = arith.constant 20 : i32
          %parallel_loop3A_459 = vector.broadcast %parallel_loop3A_458 : i32 to vector<16xi32>
          %parallel_loop3A_460 = tpu.vector_load_idx %arg8[%broadcast_in_dim3A_234, %parallel_loop3A_316, %parallel_loop3A_459] : memref<5x80x64xf32, #tpu.memory_space<vmem>>[vector<16xi32>, vector<16xi32>, vector<16xi32>], vector<16xf32>,
          %parallel_loop3A_461 = arith.mulf %parallel_loop3A_460, %parallel_loop3A_344 : vector<16xf32>
          tpu.vector_store_idx %arg9[%broadcast_in_dim3A_237, %parallel_loop3A_316, %parallel_loop3A_459], %parallel_loop3A_461 : memref<2x80x64xf32, #tpu.memory_space<vmem>>[vector<16xi32>, vector<16xi32>, vector<16xi32>], vector<16xf32>,
          %parallel_loop3A_462 = arith.constant 21 : i32
          %parallel_loop3A_463 = vector.broadcast %parallel_loop3A_462 : i32 to vector<16xi32>
          %parallel_loop3A_464 = tpu.vector_load_idx %arg8[%broadcast_in_dim3A_234, %parallel_loop3A_316, %parallel_loop3A_463] : memref<5x80x64xf32, #tpu.memory_space<vmem>>[vector<16xi32>, vector<16xi32>, vector<16xi32>], vector<16xf32>,
          %parallel_loop3A_465 = arith.mulf %parallel_loop3A_464, %parallel_loop3A_344 : vector<16xf32>
          tpu.vector_store_idx %arg9[%broadcast_in_dim3A_237, %parallel_loop3A_316, %parallel_loop3A_463], %parallel_loop3A_465 : memref<2x80x64xf32, #tpu.memory_space<vmem>>[vector<16xi32>, vector<16xi32>, vector<16xi32>], vector<16xf32>,
          %parallel_loop3A_466 = arith.constant 22 : i32
          %parallel_loop3A_467 = vector.broadcast %parallel_loop3A_466 : i32 to vector<16xi32>
          %parallel_loop3A_468 = tpu.vector_load_idx %arg8[%broadcast_in_dim3A_234, %parallel_loop3A_316, %parallel_loop3A_467] : memref<5x80x64xf32, #tpu.memory_space<vmem>>[vector<16xi32>, vector<16xi32>, vector<16xi32>], vector<16xf32>,
          %parallel_loop3A_469 = arith.mulf %parallel_loop3A_468, %parallel_loop3A_344 : vector<16xf32>
          tpu.vector_store_idx %arg9[%broadcast_in_dim3A_237, %parallel_loop3A_316, %parallel_loop3A_467], %parallel_loop3A_469 : memref<2x80x64xf32, #tpu.memory_space<vmem>>[vector<16xi32>, vector<16xi32>, vector<16xi32>], vector<16xf32>,
          %parallel_loop3A_470 = arith.constant 23 : i32
          %parallel_loop3A_471 = vector.broadcast %parallel_loop3A_470 : i32 to vector<16xi32>
          %parallel_loop3A_472 = tpu.vector_load_idx %arg8[%broadcast_in_dim3A_234, %parallel_loop3A_316, %parallel_loop3A_471] : memref<5x80x64xf32, #tpu.memory_space<vmem>>[vector<16xi32>, vector<16xi32>, vector<16xi32>], vector<16xf32>,
          %parallel_loop3A_473 = arith.mulf %parallel_loop3A_472, %parallel_loop3A_344 : vector<16xf32>
          tpu.vector_store_idx %arg9[%broadcast_in_dim3A_237, %parallel_loop3A_316, %parallel_loop3A_471], %parallel_loop3A_473 : memref<2x80x64xf32, #tpu.memory_space<vmem>>[vector<16xi32>, vector<16xi32>, vector<16xi32>], vector<16xf32>,
          %parallel_loop3A_474 = arith.constant 24 : i32
          %parallel_loop3A_475 = vector.broadcast %parallel_loop3A_474 : i32 to vector<16xi32>
          %parallel_loop3A_476 = tpu.vector_load_idx %arg8[%broadcast_in_dim3A_234, %parallel_loop3A_316, %parallel_loop3A_475] : memref<5x80x64xf32, #tpu.memory_space<vmem>>[vector<16xi32>, vector<16xi32>, vector<16xi32>], vector<16xf32>,
          %parallel_loop3A_477 = arith.mulf %parallel_loop3A_476, %parallel_loop3A_344 : vector<16xf32>
          tpu.vector_store_idx %arg9[%broadcast_in_dim3A_237, %parallel_loop3A_316, %parallel_loop3A_475], %parallel_loop3A_477 : memref<2x80x64xf32, #tpu.memory_space<vmem>>[vector<16xi32>, vector<16xi32>, vector<16xi32>], vector<16xf32>,
          %parallel_loop3A_478 = arith.constant 25 : i32
          %parallel_loop3A_479 = vector.broadcast %parallel_loop3A_478 : i32 to vector<16xi32>
          %parallel_loop3A_480 = tpu.vector_load_idx %arg8[%broadcast_in_dim3A_234, %parallel_loop3A_316, %parallel_loop3A_479] : memref<5x80x64xf32, #tpu.memory_space<vmem>>[vector<16xi32>, vector<16xi32>, vector<16xi32>], vector<16xf32>,
          %parallel_loop3A_481 = arith.mulf %parallel_loop3A_480, %parallel_loop3A_344 : vector<16xf32>
          tpu.vector_store_idx %arg9[%broadcast_in_dim3A_237, %parallel_loop3A_316, %parallel_loop3A_479], %parallel_loop3A_481 : memref<2x80x64xf32, #tpu.memory_space<vmem>>[vector<16xi32>, vector<16xi32>, vector<16xi32>], vector<16xf32>,
          %parallel_loop3A_482 = arith.constant 26 : i32
          %parallel_loop3A_483 = vector.broadcast %parallel_loop3A_482 : i32 to vector<16xi32>
          %parallel_loop3A_484 = tpu.vector_load_idx %arg8[%broadcast_in_dim3A_234, %parallel_loop3A_316, %parallel_loop3A_483] : memref<5x80x64xf32, #tpu.memory_space<vmem>>[vector<16xi32>, vector<16xi32>, vector<16xi32>], vector<16xf32>,
          %parallel_loop3A_485 = arith.mulf %parallel_loop3A_484, %parallel_loop3A_344 : vector<16xf32>
          tpu.vector_store_idx %arg9[%broadcast_in_dim3A_237, %parallel_loop3A_316, %parallel_loop3A_483], %parallel_loop3A_485 : memref<2x80x64xf32, #tpu.memory_space<vmem>>[vector<16xi32>, vector<16xi32>, vector<16xi32>], vector<16xf32>,
          %parallel_loop3A_486 = arith.constant 27 : i32
          %parallel_loop3A_487 = vector.broadcast %parallel_loop3A_486 : i32 to vector<16xi32>
          %parallel_loop3A_488 = tpu.vector_load_idx %arg8[%broadcast_in_dim3A_234, %parallel_loop3A_316, %parallel_loop3A_487] : memref<5x80x64xf32, #tpu.memory_space<vmem>>[vector<16xi32>, vector<16xi32>, vector<16xi32>], vector<16xf32>,
          %parallel_loop3A_489 = arith.mulf %parallel_loop3A_488, %parallel_loop3A_344 : vector<16xf32>
          tpu.vector_store_idx %arg9[%broadcast_in_dim3A_237, %parallel_loop3A_316, %parallel_loop3A_487], %parallel_loop3A_489 : memref<2x80x64xf32, #tpu.memory_space<vmem>>[vector<16xi32>, vector<16xi32>, vector<16xi32>], vector<16xf32>,
          %parallel_loop3A_490 = arith.constant 28 : i32
          %parallel_loop3A_491 = vector.broadcast %parallel_loop3A_490 : i32 to vector<16xi32>
          %parallel_loop3A_492 = tpu.vector_load_idx %arg8[%broadcast_in_dim3A_234, %parallel_loop3A_316, %parallel_loop3A_491] : memref<5x80x64xf32, #tpu.memory_space<vmem>>[vector<16xi32>, vector<16xi32>, vector<16xi32>], vector<16xf32>,
          %parallel_loop3A_493 = arith.mulf %parallel_loop3A_492, %parallel_loop3A_344 : vector<16xf32>
          tpu.vector_store_idx %arg9[%broadcast_in_dim3A_237, %parallel_loop3A_316, %parallel_loop3A_491], %parallel_loop3A_493 : memref<2x80x64xf32, #tpu.memory_space<vmem>>[vector<16xi32>, vector<16xi32>, vector<16xi32>], vector<16xf32>,
          %parallel_loop3A_494 = arith.constant 29 : i32
          %parallel_loop3A_495 = vector.broadcast %parallel_loop3A_494 : i32 to vector<16xi32>
          %parallel_loop3A_496 = tpu.vector_load_idx %arg8[%broadcast_in_dim3A_234, %parallel_loop3A_316, %parallel_loop3A_495] : memref<5x80x64xf32, #tpu.memory_space<vmem>>[vector<16xi32>, vector<16xi32>, vector<16xi32>], vector<16xf32>,
          %parallel_loop3A_497 = arith.mulf %parallel_loop3A_496, %parallel_loop3A_344 : vector<16xf32>
          tpu.vector_store_idx %arg9[%broadcast_in_dim3A_237, %parallel_loop3A_316, %parallel_loop3A_495], %parallel_loop3A_497 : memref<2x80x64xf32, #tpu.memory_space<vmem>>[vector<16xi32>, vector<16xi32>, vector<16xi32>], vector<16xf32>,
          %parallel_loop3A_498 = arith.constant 30 : i32
          %parallel_loop3A_499 = vector.broadcast %parallel_loop3A_498 : i32 to vector<16xi32>
          %parallel_loop3A_500 = tpu.vector_load_idx %arg8[%broadcast_in_dim3A_234, %parallel_loop3A_316, %parallel_loop3A_499] : memref<5x80x64xf32, #tpu.memory_space<vmem>>[vector<16xi32>, vector<16xi32>, vector<16xi32>], vector<16xf32>,
          %parallel_loop3A_501 = arith.mulf %parallel_loop3A_500, %parallel_loop3A_344 : vector<16xf32>
          tpu.vector_store_idx %arg9[%broadcast_in_dim3A_237, %parallel_loop3A_316, %parallel_loop3A_499], %parallel_loop3A_501 : memref<2x80x64xf32, #tpu.memory_space<vmem>>[vector<16xi32>, vector<16xi32>, vector<16xi32>], vector<16xf32>,
          %parallel_loop3A_502 = arith.constant 31 : i32
          %parallel_loop3A_503 = vector.broadcast %parallel_loop3A_502 : i32 to vector<16xi32>
          %parallel_loop3A_504 = tpu.vector_load_idx %arg8[%broadcast_in_dim3A_234, %parallel_loop3A_316, %parallel_loop3A_503] : memref<5x80x64xf32, #tpu.memory_space<vmem>>[vector<16xi32>, vector<16xi32>, vector<16xi32>], vector<16xf32>,
          %parallel_loop3A_505 = arith.mulf %parallel_loop3A_504, %parallel_loop3A_344 : vector<16xf32>
          tpu.vector_store_idx %arg9[%broadcast_in_dim3A_237, %parallel_loop3A_316, %parallel_loop3A_503], %parallel_loop3A_505 : memref<2x80x64xf32, #tpu.memory_space<vmem>>[vector<16xi32>, vector<16xi32>, vector<16xi32>], vector<16xf32>,
          %parallel_loop3A_506 = arith.constant 32 : i32
          %parallel_loop3A_507 = vector.broadcast %parallel_loop3A_506 : i32 to vector<16xi32>
          %parallel_loop3A_508 = tpu.vector_load_idx %arg8[%broadcast_in_dim3A_234, %parallel_loop3A_316, %parallel_loop3A_507] : memref<5x80x64xf32, #tpu.memory_space<vmem>>[vector<16xi32>, vector<16xi32>, vector<16xi32>], vector<16xf32>,
          %parallel_loop3A_509 = arith.mulf %parallel_loop3A_508, %parallel_loop3A_370 : vector<16xf32>
          tpu.vector_store_idx %arg9[%broadcast_in_dim3A_237, %parallel_loop3A_316, %parallel_loop3A_507], %parallel_loop3A_509 : memref<2x80x64xf32, #tpu.memory_space<vmem>>[vector<16xi32>, vector<16xi32>, vector<16xi32>], vector<16xf32>,
          %parallel_loop3A_510 = arith.constant 33 : i32
          %parallel_loop3A_511 = vector.broadcast %parallel_loop3A_510 : i32 to vector<16xi32>
          %parallel_loop3A_512 = tpu.vector_load_idx %arg8[%broadcast_in_dim3A_234, %parallel_loop3A_316, %parallel_loop3A_511] : memref<5x80x64xf32, #tpu.memory_space<vmem>>[vector<16xi32>, vector<16xi32>, vector<16xi32>], vector<16xf32>,
          %parallel_loop3A_513 = arith.mulf %parallel_loop3A_512, %parallel_loop3A_370 : vector<16xf32>
          tpu.vector_store_idx %arg9[%broadcast_in_dim3A_237, %parallel_loop3A_316, %parallel_loop3A_511], %parallel_loop3A_513 : memref<2x80x64xf32, #tpu.memory_space<vmem>>[vector<16xi32>, vector<16xi32>, vector<16xi32>], vector<16xf32>,
          %parallel_loop3A_514 = arith.constant 34 : i32
          %parallel_loop3A_515 = vector.broadcast %parallel_loop3A_514 : i32 to vector<16xi32>
          %parallel_loop3A_516 = tpu.vector_load_idx %arg8[%broadcast_in_dim3A_234, %parallel_loop3A_316, %parallel_loop3A_515] : memref<5x80x64xf32, #tpu.memory_space<vmem>>[vector<16xi32>, vector<16xi32>, vector<16xi32>], vector<16xf32>,
          %parallel_loop3A_517 = arith.mulf %parallel_loop3A_516, %parallel_loop3A_370 : vector<16xf32>
          tpu.vector_store_idx %arg9[%broadcast_in_dim3A_237, %parallel_loop3A_316, %parallel_loop3A_515], %parallel_loop3A_517 : memref<2x80x64xf32, #tpu.memory_space<vmem>>[vector<16xi32>, vector<16xi32>, vector<16xi32>], vector<16xf32>,
          %parallel_loop3A_518 = arith.constant 35 : i32
          %parallel_loop3A_519 = vector.broadcast %parallel_loop3A_518 : i32 to vector<16xi32>
          %parallel_loop3A_520 = tpu.vector_load_idx %arg8[%broadcast_in_dim3A_234, %parallel_loop3A_316, %parallel_loop3A_519] : memref<5x80x64xf32, #tpu.memory_space<vmem>>[vector<16xi32>, vector<16xi32>, vector<16xi32>], vector<16xf32>,
          %parallel_loop3A_521 = arith.mulf %parallel_loop3A_520, %parallel_loop3A_370 : vector<16xf32>
          tpu.vector_store_idx %arg9[%broadcast_in_dim3A_237, %parallel_loop3A_316, %parallel_loop3A_519], %parallel_loop3A_521 : memref<2x80x64xf32, #tpu.memory_space<vmem>>[vector<16xi32>, vector<16xi32>, vector<16xi32>], vector<16xf32>,
          %parallel_loop3A_522 = arith.constant 36 : i32
          %parallel_loop3A_523 = vector.broadcast %parallel_loop3A_522 : i32 to vector<16xi32>
          %parallel_loop3A_524 = tpu.vector_load_idx %arg8[%broadcast_in_dim3A_234, %parallel_loop3A_316, %parallel_loop3A_523] : memref<5x80x64xf32, #tpu.memory_space<vmem>>[vector<16xi32>, vector<16xi32>, vector<16xi32>], vector<16xf32>,
          %parallel_loop3A_525 = arith.mulf %parallel_loop3A_524, %parallel_loop3A_370 : vector<16xf32>
          tpu.vector_store_idx %arg9[%broadcast_in_dim3A_237, %parallel_loop3A_316, %parallel_loop3A_523], %parallel_loop3A_525 : memref<2x80x64xf32, #tpu.memory_space<vmem>>[vector<16xi32>, vector<16xi32>, vector<16xi32>], vector<16xf32>,
          %parallel_loop3A_526 = arith.constant 37 : i32
          %parallel_loop3A_527 = vector.broadcast %parallel_loop3A_526 : i32 to vector<16xi32>
          %parallel_loop3A_528 = tpu.vector_load_idx %arg8[%broadcast_in_dim3A_234, %parallel_loop3A_316, %parallel_loop3A_527] : memref<5x80x64xf32, #tpu.memory_space<vmem>>[vector<16xi32>, vector<16xi32>, vector<16xi32>], vector<16xf32>,
          %parallel_loop3A_529 = arith.mulf %parallel_loop3A_528, %parallel_loop3A_370 : vector<16xf32>
          tpu.vector_store_idx %arg9[%broadcast_in_dim3A_237, %parallel_loop3A_316, %parallel_loop3A_527], %parallel_loop3A_529 : memref<2x80x64xf32, #tpu.memory_space<vmem>>[vector<16xi32>, vector<16xi32>, vector<16xi32>], vector<16xf32>,
          %parallel_loop3A_530 = arith.constant 38 : i32
          %parallel_loop3A_531 = vector.broadcast %parallel_loop3A_530 : i32 to vector<16xi32>
          %parallel_loop3A_532 = tpu.vector_load_idx %arg8[%broadcast_in_dim3A_234, %parallel_loop3A_316, %parallel_loop3A_531] : memref<5x80x64xf32, #tpu.memory_space<vmem>>[vector<16xi32>, vector<16xi32>, vector<16xi32>], vector<16xf32>,
          %parallel_loop3A_533 = arith.mulf %parallel_loop3A_532, %parallel_loop3A_370 : vector<16xf32>
          tpu.vector_store_idx %arg9[%broadcast_in_dim3A_237, %parallel_loop3A_316, %parallel_loop3A_531], %parallel_loop3A_533 : memref<2x80x64xf32, #tpu.memory_space<vmem>>[vector<16xi32>, vector<16xi32>, vector<16xi32>], vector<16xf32>,
          %parallel_loop3A_534 = arith.constant 39 : i32
          %parallel_loop3A_535 = vector.broadcast %parallel_loop3A_534 : i32 to vector<16xi32>
          %parallel_loop3A_536 = tpu.vector_load_idx %arg8[%broadcast_in_dim3A_234, %parallel_loop3A_316, %parallel_loop3A_535] : memref<5x80x64xf32, #tpu.memory_space<vmem>>[vector<16xi32>, vector<16xi32>, vector<16xi32>], vector<16xf32>,
          %parallel_loop3A_537 = arith.mulf %parallel_loop3A_536, %parallel_loop3A_370 : vector<16xf32>
          tpu.vector_store_idx %arg9[%broadcast_in_dim3A_237, %parallel_loop3A_316, %parallel_loop3A_535], %parallel_loop3A_537 : memref<2x80x64xf32, #tpu.memory_space<vmem>>[vector<16xi32>, vector<16xi32>, vector<16xi32>], vector<16xf32>,
          %parallel_loop3A_538 = arith.constant 40 : i32
          %parallel_loop3A_539 = vector.broadcast %parallel_loop3A_538 : i32 to vector<16xi32>
          %parallel_loop3A_540 = tpu.vector_load_idx %arg8[%broadcast_in_dim3A_234, %parallel_loop3A_316, %parallel_loop3A_539] : memref<5x80x64xf32, #tpu.memory_space<vmem>>[vector<16xi32>, vector<16xi32>, vector<16xi32>], vector<16xf32>,
          %parallel_loop3A_541 = arith.mulf %parallel_loop3A_540, %parallel_loop3A_370 : vector<16xf32>
          tpu.vector_store_idx %arg9[%broadcast_in_dim3A_237, %parallel_loop3A_316, %parallel_loop3A_539], %parallel_loop3A_541 : memref<2x80x64xf32, #tpu.memory_space<vmem>>[vector<16xi32>, vector<16xi32>, vector<16xi32>], vector<16xf32>,
          %parallel_loop3A_542 = arith.constant 41 : i32
          %parallel_loop3A_543 = vector.broadcast %parallel_loop3A_542 : i32 to vector<16xi32>
          %parallel_loop3A_544 = tpu.vector_load_idx %arg8[%broadcast_in_dim3A_234, %parallel_loop3A_316, %parallel_loop3A_543] : memref<5x80x64xf32, #tpu.memory_space<vmem>>[vector<16xi32>, vector<16xi32>, vector<16xi32>], vector<16xf32>,
          %parallel_loop3A_545 = arith.mulf %parallel_loop3A_544, %parallel_loop3A_370 : vector<16xf32>
          tpu.vector_store_idx %arg9[%broadcast_in_dim3A_237, %parallel_loop3A_316, %parallel_loop3A_543], %parallel_loop3A_545 : memref<2x80x64xf32, #tpu.memory_space<vmem>>[vector<16xi32>, vector<16xi32>, vector<16xi32>], vector<16xf32>,
          %parallel_loop3A_546 = arith.constant 42 : i32
          %parallel_loop3A_547 = vector.broadcast %parallel_loop3A_546 : i32 to vector<16xi32>
          %parallel_loop3A_548 = tpu.vector_load_idx %arg8[%broadcast_in_dim3A_234, %parallel_loop3A_316, %parallel_loop3A_547] : memref<5x80x64xf32, #tpu.memory_space<vmem>>[vector<16xi32>, vector<16xi32>, vector<16xi32>], vector<16xf32>,
          %parallel_loop3A_549 = arith.mulf %parallel_loop3A_548, %parallel_loop3A_370 : vector<16xf32>
          tpu.vector_store_idx %arg9[%broadcast_in_dim3A_237, %parallel_loop3A_316, %parallel_loop3A_547], %parallel_loop3A_549 : memref<2x80x64xf32, #tpu.memory_space<vmem>>[vector<16xi32>, vector<16xi32>, vector<16xi32>], vector<16xf32>,
          %parallel_loop3A_550 = arith.constant 43 : i32
          %parallel_loop3A_551 = vector.broadcast %parallel_loop3A_550 : i32 to vector<16xi32>
          %parallel_loop3A_552 = tpu.vector_load_idx %arg8[%broadcast_in_dim3A_234, %parallel_loop3A_316, %parallel_loop3A_551] : memref<5x80x64xf32, #tpu.memory_space<vmem>>[vector<16xi32>, vector<16xi32>, vector<16xi32>], vector<16xf32>,
          %parallel_loop3A_553 = arith.mulf %parallel_loop3A_552, %parallel_loop3A_370 : vector<16xf32>
          tpu.vector_store_idx %arg9[%broadcast_in_dim3A_237, %parallel_loop3A_316, %parallel_loop3A_551], %parallel_loop3A_553 : memref<2x80x64xf32, #tpu.memory_space<vmem>>[vector<16xi32>, vector<16xi32>, vector<16xi32>], vector<16xf32>,
          %parallel_loop3A_554 = arith.constant 44 : i32
          %parallel_loop3A_555 = vector.broadcast %parallel_loop3A_554 : i32 to vector<16xi32>
          %parallel_loop3A_556 = tpu.vector_load_idx %arg8[%broadcast_in_dim3A_234, %parallel_loop3A_316, %parallel_loop3A_555] : memref<5x80x64xf32, #tpu.memory_space<vmem>>[vector<16xi32>, vector<16xi32>, vector<16xi32>], vector<16xf32>,
          %parallel_loop3A_557 = arith.mulf %parallel_loop3A_556, %parallel_loop3A_370 : vector<16xf32>
          tpu.vector_store_idx %arg9[%broadcast_in_dim3A_237, %parallel_loop3A_316, %parallel_loop3A_555], %parallel_loop3A_557 : memref<2x80x64xf32, #tpu.memory_space<vmem>>[vector<16xi32>, vector<16xi32>, vector<16xi32>], vector<16xf32>,
          %parallel_loop3A_558 = arith.constant 45 : i32
          %parallel_loop3A_559 = vector.broadcast %parallel_loop3A_558 : i32 to vector<16xi32>
          %parallel_loop3A_560 = tpu.vector_load_idx %arg8[%broadcast_in_dim3A_234, %parallel_loop3A_316, %parallel_loop3A_559] : memref<5x80x64xf32, #tpu.memory_space<vmem>>[vector<16xi32>, vector<16xi32>, vector<16xi32>], vector<16xf32>,
          %parallel_loop3A_561 = arith.mulf %parallel_loop3A_560, %parallel_loop3A_370 : vector<16xf32>
          tpu.vector_store_idx %arg9[%broadcast_in_dim3A_237, %parallel_loop3A_316, %parallel_loop3A_559], %parallel_loop3A_561 : memref<2x80x64xf32, #tpu.memory_space<vmem>>[vector<16xi32>, vector<16xi32>, vector<16xi32>], vector<16xf32>,
          %parallel_loop3A_562 = arith.constant 46 : i32
          %parallel_loop3A_563 = vector.broadcast %parallel_loop3A_562 : i32 to vector<16xi32>
          %parallel_loop3A_564 = tpu.vector_load_idx %arg8[%broadcast_in_dim3A_234, %parallel_loop3A_316, %parallel_loop3A_563] : memref<5x80x64xf32, #tpu.memory_space<vmem>>[vector<16xi32>, vector<16xi32>, vector<16xi32>], vector<16xf32>,
          %parallel_loop3A_565 = arith.mulf %parallel_loop3A_564, %parallel_loop3A_370 : vector<16xf32>
          tpu.vector_store_idx %arg9[%broadcast_in_dim3A_237, %parallel_loop3A_316, %parallel_loop3A_563], %parallel_loop3A_565 : memref<2x80x64xf32, #tpu.memory_space<vmem>>[vector<16xi32>, vector<16xi32>, vector<16xi32>], vector<16xf32>,
          %parallel_loop3A_566 = arith.constant 47 : i32
          %parallel_loop3A_567 = vector.broadcast %parallel_loop3A_566 : i32 to vector<16xi32>
          %parallel_loop3A_568 = tpu.vector_load_idx %arg8[%broadcast_in_dim3A_234, %parallel_loop3A_316, %parallel_loop3A_567] : memref<5x80x64xf32, #tpu.memory_space<vmem>>[vector<16xi32>, vector<16xi32>, vector<16xi32>], vector<16xf32>,
          %parallel_loop3A_569 = arith.mulf %parallel_loop3A_568, %parallel_loop3A_370 : vector<16xf32>
          tpu.vector_store_idx %arg9[%broadcast_in_dim3A_237, %parallel_loop3A_316, %parallel_loop3A_567], %parallel_loop3A_569 : memref<2x80x64xf32, #tpu.memory_space<vmem>>[vector<16xi32>, vector<16xi32>, vector<16xi32>], vector<16xf32>,
          %parallel_loop3A_570 = arith.constant 48 : i32
          %parallel_loop3A_571 = vector.broadcast %parallel_loop3A_570 : i32 to vector<16xi32>
          %parallel_loop3A_572 = tpu.vector_load_idx %arg8[%broadcast_in_dim3A_234, %parallel_loop3A_316, %parallel_loop3A_571] : memref<5x80x64xf32, #tpu.memory_space<vmem>>[vector<16xi32>, vector<16xi32>, vector<16xi32>], vector<16xf32>,
          %parallel_loop3A_573 = arith.mulf %parallel_loop3A_572, %parallel_loop3A_370 : vector<16xf32>
          tpu.vector_store_idx %arg9[%broadcast_in_dim3A_237, %parallel_loop3A_316, %parallel_loop3A_571], %parallel_loop3A_573 : memref<2x80x64xf32, #tpu.memory_space<vmem>>[vector<16xi32>, vector<16xi32>, vector<16xi32>], vector<16xf32>,
          %parallel_loop3A_574 = arith.constant 49 : i32
          %parallel_loop3A_575 = vector.broadcast %parallel_loop3A_574 : i32 to vector<16xi32>
          %parallel_loop3A_576 = tpu.vector_load_idx %arg8[%broadcast_in_dim3A_234, %parallel_loop3A_316, %parallel_loop3A_575] : memref<5x80x64xf32, #tpu.memory_space<vmem>>[vector<16xi32>, vector<16xi32>, vector<16xi32>], vector<16xf32>,
          %parallel_loop3A_577 = arith.mulf %parallel_loop3A_576, %parallel_loop3A_370 : vector<16xf32>
          tpu.vector_store_idx %arg9[%broadcast_in_dim3A_237, %parallel_loop3A_316, %parallel_loop3A_575], %parallel_loop3A_577 : memref<2x80x64xf32, #tpu.memory_space<vmem>>[vector<16xi32>, vector<16xi32>, vector<16xi32>], vector<16xf32>,
          %parallel_loop3A_578 = arith.constant 50 : i32
          %parallel_loop3A_579 = vector.broadcast %parallel_loop3A_578 : i32 to vector<16xi32>
          %parallel_loop3A_580 = tpu.vector_load_idx %arg8[%broadcast_in_dim3A_234, %parallel_loop3A_316, %parallel_loop3A_579] : memref<5x80x64xf32, #tpu.memory_space<vmem>>[vector<16xi32>, vector<16xi32>, vector<16xi32>], vector<16xf32>,
          %parallel_loop3A_581 = arith.mulf %parallel_loop3A_580, %parallel_loop3A_370 : vector<16xf32>
          tpu.vector_store_idx %arg9[%broadcast_in_dim3A_237, %parallel_loop3A_316, %parallel_loop3A_579], %parallel_loop3A_581 : memref<2x80x64xf32, #tpu.memory_space<vmem>>[vector<16xi32>, vector<16xi32>, vector<16xi32>], vector<16xf32>,
          %parallel_loop3A_582 = arith.constant 51 : i32
          %parallel_loop3A_583 = vector.broadcast %parallel_loop3A_582 : i32 to vector<16xi32>
          %parallel_loop3A_584 = tpu.vector_load_idx %arg8[%broadcast_in_dim3A_234, %parallel_loop3A_316, %parallel_loop3A_583] : memref<5x80x64xf32, #tpu.memory_space<vmem>>[vector<16xi32>, vector<16xi32>, vector<16xi32>], vector<16xf32>,
          %parallel_loop3A_585 = arith.mulf %parallel_loop3A_584, %parallel_loop3A_370 : vector<16xf32>
          tpu.vector_store_idx %arg9[%broadcast_in_dim3A_237, %parallel_loop3A_316, %parallel_loop3A_583], %parallel_loop3A_585 : memref<2x80x64xf32, #tpu.memory_space<vmem>>[vector<16xi32>, vector<16xi32>, vector<16xi32>], vector<16xf32>,
          %parallel_loop3A_586 = arith.constant 52 : i32
          %parallel_loop3A_587 = vector.broadcast %parallel_loop3A_586 : i32 to vector<16xi32>
          %parallel_loop3A_588 = tpu.vector_load_idx %arg8[%broadcast_in_dim3A_234, %parallel_loop3A_316, %parallel_loop3A_587] : memref<5x80x64xf32, #tpu.memory_space<vmem>>[vector<16xi32>, vector<16xi32>, vector<16xi32>], vector<16xf32>,
          %parallel_loop3A_589 = arith.mulf %parallel_loop3A_588, %parallel_loop3A_370 : vector<16xf32>
          tpu.vector_store_idx %arg9[%broadcast_in_dim3A_237, %parallel_loop3A_316, %parallel_loop3A_587], %parallel_loop3A_589 : memref<2x80x64xf32, #tpu.memory_space<vmem>>[vector<16xi32>, vector<16xi32>, vector<16xi32>], vector<16xf32>,
          %parallel_loop3A_590 = arith.constant 53 : i32
          %parallel_loop3A_591 = vector.broadcast %parallel_loop3A_590 : i32 to vector<16xi32>
          %parallel_loop3A_592 = tpu.vector_load_idx %arg8[%broadcast_in_dim3A_234, %parallel_loop3A_316, %parallel_loop3A_591] : memref<5x80x64xf32, #tpu.memory_space<vmem>>[vector<16xi32>, vector<16xi32>, vector<16xi32>], vector<16xf32>,
          %parallel_loop3A_593 = arith.mulf %parallel_loop3A_592, %parallel_loop3A_370 : vector<16xf32>
          tpu.vector_store_idx %arg9[%broadcast_in_dim3A_237, %parallel_loop3A_316, %parallel_loop3A_591], %parallel_loop3A_593 : memref<2x80x64xf32, #tpu.memory_space<vmem>>[vector<16xi32>, vector<16xi32>, vector<16xi32>], vector<16xf32>,
          %parallel_loop3A_594 = arith.constant 54 : i32
          %parallel_loop3A_595 = vector.broadcast %parallel_loop3A_594 : i32 to vector<16xi32>
          %parallel_loop3A_596 = tpu.vector_load_idx %arg8[%broadcast_in_dim3A_234, %parallel_loop3A_316, %parallel_loop3A_595] : memref<5x80x64xf32, #tpu.memory_space<vmem>>[vector<16xi32>, vector<16xi32>, vector<16xi32>], vector<16xf32>,
          %parallel_loop3A_597 = arith.mulf %parallel_loop3A_596, %parallel_loop3A_370 : vector<16xf32>
          tpu.vector_store_idx %arg9[%broadcast_in_dim3A_237, %parallel_loop3A_316, %parallel_loop3A_595], %parallel_loop3A_597 : memref<2x80x64xf32, #tpu.memory_space<vmem>>[vector<16xi32>, vector<16xi32>, vector<16xi32>], vector<16xf32>,
          %parallel_loop3A_598 = arith.constant 55 : i32
          %parallel_loop3A_599 = vector.broadcast %parallel_loop3A_598 : i32 to vector<16xi32>
          %parallel_loop3A_600 = tpu.vector_load_idx %arg8[%broadcast_in_dim3A_234, %parallel_loop3A_316, %parallel_loop3A_599] : memref<5x80x64xf32, #tpu.memory_space<vmem>>[vector<16xi32>, vector<16xi32>, vector<16xi32>], vector<16xf32>,
          %parallel_loop3A_601 = arith.mulf %parallel_loop3A_600, %parallel_loop3A_370 : vector<16xf32>
          tpu.vector_store_idx %arg9[%broadcast_in_dim3A_237, %parallel_loop3A_316, %parallel_loop3A_599], %parallel_loop3A_601 : memref<2x80x64xf32, #tpu.memory_space<vmem>>[vector<16xi32>, vector<16xi32>, vector<16xi32>], vector<16xf32>,
          %parallel_loop3A_602 = arith.constant 56 : i32
          %parallel_loop3A_603 = vector.broadcast %parallel_loop3A_602 : i32 to vector<16xi32>
          %parallel_loop3A_604 = tpu.vector_load_idx %arg8[%broadcast_in_dim3A_234, %parallel_loop3A_316, %parallel_loop3A_603] : memref<5x80x64xf32, #tpu.memory_space<vmem>>[vector<16xi32>, vector<16xi32>, vector<16xi32>], vector<16xf32>,
          %parallel_loop3A_605 = arith.mulf %parallel_loop3A_604, %parallel_loop3A_370 : vector<16xf32>
          tpu.vector_store_idx %arg9[%broadcast_in_dim3A_237, %parallel_loop3A_316, %parallel_loop3A_603], %parallel_loop3A_605 : memref<2x80x64xf32, #tpu.memory_space<vmem>>[vector<16xi32>, vector<16xi32>, vector<16xi32>], vector<16xf32>,
          %parallel_loop3A_606 = arith.constant 57 : i32
          %parallel_loop3A_607 = vector.broadcast %parallel_loop3A_606 : i32 to vector<16xi32>
          %parallel_loop3A_608 = tpu.vector_load_idx %arg8[%broadcast_in_dim3A_234, %parallel_loop3A_316, %parallel_loop3A_607] : memref<5x80x64xf32, #tpu.memory_space<vmem>>[vector<16xi32>, vector<16xi32>, vector<16xi32>], vector<16xf32>,
          %parallel_loop3A_609 = arith.mulf %parallel_loop3A_608, %parallel_loop3A_370 : vector<16xf32>
          tpu.vector_store_idx %arg9[%broadcast_in_dim3A_237, %parallel_loop3A_316, %parallel_loop3A_607], %parallel_loop3A_609 : memref<2x80x64xf32, #tpu.memory_space<vmem>>[vector<16xi32>, vector<16xi32>, vector<16xi32>], vector<16xf32>,
          %parallel_loop3A_610 = arith.constant 58 : i32
          %parallel_loop3A_611 = vector.broadcast %parallel_loop3A_610 : i32 to vector<16xi32>
          %parallel_loop3A_612 = tpu.vector_load_idx %arg8[%broadcast_in_dim3A_234, %parallel_loop3A_316, %parallel_loop3A_611] : memref<5x80x64xf32, #tpu.memory_space<vmem>>[vector<16xi32>, vector<16xi32>, vector<16xi32>], vector<16xf32>,
          %parallel_loop3A_613 = arith.mulf %parallel_loop3A_612, %parallel_loop3A_370 : vector<16xf32>
          tpu.vector_store_idx %arg9[%broadcast_in_dim3A_237, %parallel_loop3A_316, %parallel_loop3A_611], %parallel_loop3A_613 : memref<2x80x64xf32, #tpu.memory_space<vmem>>[vector<16xi32>, vector<16xi32>, vector<16xi32>], vector<16xf32>,
          %parallel_loop3A_614 = arith.constant 59 : i32
          %parallel_loop3A_615 = vector.broadcast %parallel_loop3A_614 : i32 to vector<16xi32>
          %parallel_loop3A_616 = tpu.vector_load_idx %arg8[%broadcast_in_dim3A_234, %parallel_loop3A_316, %parallel_loop3A_615] : memref<5x80x64xf32, #tpu.memory_space<vmem>>[vector<16xi32>, vector<16xi32>, vector<16xi32>], vector<16xf32>,
          %parallel_loop3A_617 = arith.mulf %parallel_loop3A_616, %parallel_loop3A_370 : vector<16xf32>
          tpu.vector_store_idx %arg9[%broadcast_in_dim3A_237, %parallel_loop3A_316, %parallel_loop3A_615], %parallel_loop3A_617 : memref<2x80x64xf32, #tpu.memory_space<vmem>>[vector<16xi32>, vector<16xi32>, vector<16xi32>], vector<16xf32>,
          %parallel_loop3A_618 = arith.constant 60 : i32
          %parallel_loop3A_619 = vector.broadcast %parallel_loop3A_618 : i32 to vector<16xi32>
          %parallel_loop3A_620 = tpu.vector_load_idx %arg8[%broadcast_in_dim3A_234, %parallel_loop3A_316, %parallel_loop3A_619] : memref<5x80x64xf32, #tpu.memory_space<vmem>>[vector<16xi32>, vector<16xi32>, vector<16xi32>], vector<16xf32>,
          %parallel_loop3A_621 = arith.mulf %parallel_loop3A_620, %parallel_loop3A_370 : vector<16xf32>
          tpu.vector_store_idx %arg9[%broadcast_in_dim3A_237, %parallel_loop3A_316, %parallel_loop3A_619], %parallel_loop3A_621 : memref<2x80x64xf32, #tpu.memory_space<vmem>>[vector<16xi32>, vector<16xi32>, vector<16xi32>], vector<16xf32>,
          %parallel_loop3A_622 = arith.constant 61 : i32
          %parallel_loop3A_623 = vector.broadcast %parallel_loop3A_622 : i32 to vector<16xi32>
          %parallel_loop3A_624 = tpu.vector_load_idx %arg8[%broadcast_in_dim3A_234, %parallel_loop3A_316, %parallel_loop3A_623] : memref<5x80x64xf32, #tpu.memory_space<vmem>>[vector<16xi32>, vector<16xi32>, vector<16xi32>], vector<16xf32>,
          %parallel_loop3A_625 = arith.mulf %parallel_loop3A_624, %parallel_loop3A_370 : vector<16xf32>
          tpu.vector_store_idx %arg9[%broadcast_in_dim3A_237, %parallel_loop3A_316, %parallel_loop3A_623], %parallel_loop3A_625 : memref<2x80x64xf32, #tpu.memory_space<vmem>>[vector<16xi32>, vector<16xi32>, vector<16xi32>], vector<16xf32>,
          %parallel_loop3A_626 = arith.constant 62 : i32
          %parallel_loop3A_627 = vector.broadcast %parallel_loop3A_626 : i32 to vector<16xi32>
          %parallel_loop3A_628 = tpu.vector_load_idx %arg8[%broadcast_in_dim3A_234, %parallel_loop3A_316, %parallel_loop3A_627] : memref<5x80x64xf32, #tpu.memory_space<vmem>>[vector<16xi32>, vector<16xi32>, vector<16xi32>], vector<16xf32>,
          %parallel_loop3A_629 = arith.mulf %parallel_loop3A_628, %parallel_loop3A_370 : vector<16xf32>
          tpu.vector_store_idx %arg9[%broadcast_in_dim3A_237, %parallel_loop3A_316, %parallel_loop3A_627], %parallel_loop3A_629 : memref<2x80x64xf32, #tpu.memory_space<vmem>>[vector<16xi32>, vector<16xi32>, vector<16xi32>], vector<16xf32>,
          %parallel_loop3A_630 = arith.constant 63 : i32
          %parallel_loop3A_631 = vector.broadcast %parallel_loop3A_630 : i32 to vector<16xi32>
          %parallel_loop3A_632 = tpu.vector_load_idx %arg8[%broadcast_in_dim3A_234, %parallel_loop3A_316, %parallel_loop3A_631] : memref<5x80x64xf32, #tpu.memory_space<vmem>>[vector<16xi32>, vector<16xi32>, vector<16xi32>], vector<16xf32>,
          %parallel_loop3A_633 = arith.mulf %parallel_loop3A_632, %parallel_loop3A_370 : vector<16xf32>
          tpu.vector_store_idx %arg9[%broadcast_in_dim3A_237, %parallel_loop3A_316, %parallel_loop3A_631], %parallel_loop3A_633 : memref<2x80x64xf32, #tpu.memory_space<vmem>>[vector<16xi32>, vector<16xi32>, vector<16xi32>], vector<16xf32>,
        } {sc.loop_unroll_factor = 1 : i64, sc.parallel_access}
        %dma_start3A_279 = arith.constant 0 : i32
        %dma_start3A_280 = arith.constant 0 : i32
        %dma_start3A_281 = tpu.memref_slice %arg9[%and3A_236, %dma_start3A_279, %dma_start3A_280] : memref<2x80x64xf32, #tpu.memory_space<vmem>> -> memref<1x80x64xf32, #tpu.memory_space<vmem>>
        %dma_start3A_282 = tpu.memref_squeeze %dma_start3A_281 : memref<1x80x64xf32, #tpu.memory_space<vmem>> -> memref<80x64xf32, #tpu.memory_space<vmem>>
        %dma_start3A_283 = arith.constant 0 : i32
        %dma_start3A_284 = tpu.memref_slice %arg17[%scan3A_233, %dma_start3A_283] : memref<5x80xi32, #tpu.memory_space<vmem>> -> memref<1x80xi32, #tpu.memory_space<vmem>>
        %dma_start3A_285 = tpu.memref_squeeze %dma_start3A_284 : memref<1x80xi32, #tpu.memory_space<vmem>> -> memref<80xi32, #tpu.memory_space<vmem>>
        %dma_start3A_286 = arith.constant 0 : i32
        %dma_start3A_287 = arith.constant 0 : i32
        %dma_start3A_288 = tpu.memref_slice %arg19[%dma_start3A_286, %dma_start3A_287] : memref<10112x64xf32, #tpu.memory_space<vmem_shared>> -> memref<10112x64xf32, #tpu.memory_space<vmem_shared>>
        %dma_start3A_289 = tpu.memref_slice %arg22[%scan3A_233] : memref<5x!tpu.dma_semaphore, #tpu.memory_space<semaphore_mem>> -> memref<1x!tpu.dma_semaphore, #tpu.memory_space<semaphore_mem>>
        %dma_start3A_290 = tpu.memref_squeeze %dma_start3A_289 : memref<1x!tpu.dma_semaphore, #tpu.memory_space<semaphore_mem>> -> memref<!tpu.dma_semaphore, #tpu.memory_space<semaphore_mem>>
        tpu.enqueue_indirect_dma source(%dma_start3A_282 : memref<80x64xf32, #tpu.memory_space<vmem>>) target(%dma_start3A_288 : memref<10112x64xf32, #tpu.memory_space<vmem_shared>>) offsets(%dma_start3A_285 : memref<80xi32, #tpu.memory_space<vmem>>) semaphore(%dma_start3A_290 : memref<!tpu.dma_semaphore, #tpu.memory_space<semaphore_mem>>) {add = true}
        %mul3A_291 = arith.constant 80 : i32
        %mul3A_292 = arith.muli %scan3A_233, %mul3A_291 : i32
        %multiple_of3A_293 = tpu.assume_multiple %mul3A_292, 16 : i32
        %dma_start3A_294 = arith.constant 0 : i32
        %dma_start3A_295 = tpu.memref_slice %arg12[%and3A_142, %multiple_of3A_293, %dma_start3A_294] : memref<2x400x16xf32, #tpu.memory_space<vmem>> -> memref<1x80x16xf32, #tpu.memory_space<vmem>>
        %dma_start3A_296 = tpu.memref_squeeze %dma_start3A_295 : memref<1x80x16xf32, #tpu.memory_space<vmem>> -> memref<80x16xf32, #tpu.memory_space<vmem>>
        %dma_start3A_297 = arith.constant 0 : i32
        %dma_start3A_298 = tpu.memref_slice %arg18[%and3A_142, %scan3A_233, %dma_start3A_297] : memref<2x5x80xi32, #tpu.memory_space<vmem>> -> memref<1x1x80xi32, #tpu.memory_space<vmem>>
        %dma_start3A_299 = tpu.memref_squeeze %dma_start3A_298 : memref<1x1x80xi32, #tpu.memory_space<vmem>> -> memref<80xi32, #tpu.memory_space<vmem>>
        %dma_start3A_300 = arith.constant 0 : i32
        %dma_start3A_301 = arith.constant 0 : i32
        %dma_start3A_302 = tpu.memref_slice %arg20[%dma_start3A_300, %dma_start3A_301] : memref<1264x16xf32, #tpu.memory_space<vmem_shared>> -> memref<1264x16xf32, #tpu.memory_space<vmem_shared>>
        %dma_start3A_303 = tpu.memref_slice %arg23[%and3A_142, %scan3A_233] : memref<2x5x!tpu.dma_semaphore, #tpu.memory_space<semaphore_mem>> -> memref<1x1x!tpu.dma_semaphore, #tpu.memory_space<semaphore_mem>>
        %dma_start3A_304 = tpu.memref_squeeze %dma_start3A_303 : memref<1x1x!tpu.dma_semaphore, #tpu.memory_space<semaphore_mem>> -> memref<!tpu.dma_semaphore, #tpu.memory_space<semaphore_mem>>
        tpu.enqueue_indirect_dma source(%dma_start3A_296 : memref<80x16xf32, #tpu.memory_space<vmem>>) target(%dma_start3A_302 : memref<1264x16xf32, #tpu.memory_space<vmem_shared>>) offsets(%dma_start3A_299 : memref<80xi32, #tpu.memory_space<vmem>>) semaphore(%dma_start3A_304 : memref<!tpu.dma_semaphore, #tpu.memory_space<semaphore_mem>>) {add = true}
      }
      %scan3A_232 = arith.constant 5 : i32
    }
    %scan3A_91 = arith.constant 50 : i32
    %scan3A_92 = arith.constant 0 : i32
    %scan3A_93 = arith.constant 0 : i32
    %scan3A_94 = arith.constant 5 : i32
    %scan3A_95 = arith.addi %scan3A_93, %scan3A_94 : i32
    %scan3A_96 = arith.constant 1 : i32
    scf.for %scan3A_140 = %scan3A_93 to %scan3A_95 step %scan3A_96  : i32 {
      %ge3A = arith.constant 3 : i32
      %ge3A_141 = arith.cmpi sge, %scan3A_140, %ge3A : i32
      %convert_element_type3A = arith.extui %ge3A_141 : i1 to i32
      %cond3A = arith.constant 0 : i32
      %cond3A_142 = arith.cmpi ne, %convert_element_type3A, %cond3A : i32
      scf.if %cond3A_142 {
        %and3A_174 = arith.constant 1 : i32
        %and3A_175 = arith.andi %scan3A_140, %and3A_174 : i32
        %dma_wait3A_176 = arith.constant 0 : i32
        %dma_wait3A_177 = arith.constant 0 : i32
        %dma_wait3A_178 = tpu.memref_slice %arg9[%and3A_175, %dma_wait3A_176, %dma_wait3A_177] : memref<2x80x64xf32, #tpu.memory_space<vmem>> -> memref<1x80x64xf32, #tpu.memory_space<vmem>>
        %dma_wait3A_179 = tpu.memref_squeeze %dma_wait3A_178 : memref<1x80x64xf32, #tpu.memory_space<vmem>> -> memref<80x64xf32, #tpu.memory_space<vmem>>
        %dma_wait3A_180 = arith.constant 0 : i32
        %dma_wait3A_181 = tpu.memref_slice %arg17[%scan3A_140, %dma_wait3A_180] : memref<5x80xi32, #tpu.memory_space<vmem>> -> memref<1x80xi32, #tpu.memory_space<vmem>>
        %dma_wait3A_182 = tpu.memref_squeeze %dma_wait3A_181 : memref<1x80xi32, #tpu.memory_space<vmem>> -> memref<80xi32, #tpu.memory_space<vmem>>
        %dma_wait3A_183 = arith.constant 0 : i32
        %dma_wait3A_184 = arith.constant 0 : i32
        %dma_wait3A_185 = tpu.memref_slice %arg19[%dma_wait3A_183, %dma_wait3A_184] : memref<10112x64xf32, #tpu.memory_space<vmem_shared>> -> memref<10112x64xf32, #tpu.memory_space<vmem_shared>>
        %dma_wait3A_186 = tpu.memref_slice %arg22[%scan3A_140] : memref<5x!tpu.dma_semaphore, #tpu.memory_space<semaphore_mem>> -> memref<1x!tpu.dma_semaphore, #tpu.memory_space<semaphore_mem>>
        %dma_wait3A_187 = tpu.memref_squeeze %dma_wait3A_186 : memref<1x!tpu.dma_semaphore, #tpu.memory_space<semaphore_mem>> -> memref<!tpu.dma_semaphore, #tpu.memory_space<semaphore_mem>>
        tpu.wait_indirect_dma semaphore(%dma_wait3A_187 : memref<!tpu.dma_semaphore, #tpu.memory_space<semaphore_mem>>) src(%dma_wait3A_179 : memref<80x64xf32, #tpu.memory_space<vmem>>) dst(%dma_wait3A_185 : memref<10112x64xf32, #tpu.memory_space<vmem_shared>>)
      } else {
      }
      %mul3A_143 = arith.constant 80 : i32
      %mul3A_144 = arith.muli %scan3A_140, %mul3A_143 : i32
      %multiple_of3A_145 = tpu.assume_multiple %mul3A_144, 16 : i32
      %dma_wait3A_146 = arith.constant 0 : i32
      %dma_wait3A_147 = arith.constant 0 : i32
      %dma_wait3A_148 = arith.constant 0 : i32
      %dma_wait3A_149 = arith.constant 0 : i32
      %dma_wait3A_150 = tpu.memref_slice %arg12[%dma_wait3A_146, %multiple_of3A_145, %dma_wait3A_149] : memref<2x400x16xf32, #tpu.memory_space<vmem>> -> memref<1x80x16xf32, #tpu.memory_space<vmem>>
      %dma_wait3A_151 = tpu.memref_squeeze %dma_wait3A_150 : memref<1x80x16xf32, #tpu.memory_space<vmem>> -> memref<80x16xf32, #tpu.memory_space<vmem>>
      %dma_wait3A_152 = arith.constant 0 : i32
      %dma_wait3A_153 = tpu.memref_slice %arg18[%dma_wait3A_147, %scan3A_140, %dma_wait3A_152] : memref<2x5x80xi32, #tpu.memory_space<vmem>> -> memref<1x1x80xi32, #tpu.memory_space<vmem>>
      %dma_wait3A_154 = tpu.memref_squeeze %dma_wait3A_153 : memref<1x1x80xi32, #tpu.memory_space<vmem>> -> memref<80xi32, #tpu.memory_space<vmem>>
      %dma_wait3A_155 = arith.constant 0 : i32
      %dma_wait3A_156 = arith.constant 0 : i32
      %dma_wait3A_157 = tpu.memref_slice %arg20[%dma_wait3A_155, %dma_wait3A_156] : memref<1264x16xf32, #tpu.memory_space<vmem_shared>> -> memref<1264x16xf32, #tpu.memory_space<vmem_shared>>
      %dma_wait3A_158 = tpu.memref_slice %arg23[%dma_wait3A_148, %scan3A_140] : memref<2x5x!tpu.dma_semaphore, #tpu.memory_space<semaphore_mem>> -> memref<1x1x!tpu.dma_semaphore, #tpu.memory_space<semaphore_mem>>
      %dma_wait3A_159 = tpu.memref_squeeze %dma_wait3A_158 : memref<1x1x!tpu.dma_semaphore, #tpu.memory_space<semaphore_mem>> -> memref<!tpu.dma_semaphore, #tpu.memory_space<semaphore_mem>>
      tpu.wait_indirect_dma semaphore(%dma_wait3A_159 : memref<!tpu.dma_semaphore, #tpu.memory_space<semaphore_mem>>) src(%dma_wait3A_151 : memref<80x16xf32, #tpu.memory_space<vmem>>) dst(%dma_wait3A_157 : memref<1264x16xf32, #tpu.memory_space<vmem_shared>>)
      %dma_wait3A_160 = arith.constant 1 : i32
      %dma_wait3A_161 = arith.constant 1 : i32
      %dma_wait3A_162 = arith.constant 1 : i32
      %dma_wait3A_163 = arith.constant 0 : i32
      %dma_wait3A_164 = tpu.memref_slice %arg12[%dma_wait3A_160, %multiple_of3A_145, %dma_wait3A_163] : memref<2x400x16xf32, #tpu.memory_space<vmem>> -> memref<1x80x16xf32, #tpu.memory_space<vmem>>
      %dma_wait3A_165 = tpu.memref_squeeze %dma_wait3A_164 : memref<1x80x16xf32, #tpu.memory_space<vmem>> -> memref<80x16xf32, #tpu.memory_space<vmem>>
      %dma_wait3A_166 = arith.constant 0 : i32
      %dma_wait3A_167 = tpu.memref_slice %arg18[%dma_wait3A_161, %scan3A_140, %dma_wait3A_166] : memref<2x5x80xi32, #tpu.memory_space<vmem>> -> memref<1x1x80xi32, #tpu.memory_space<vmem>>
      %dma_wait3A_168 = tpu.memref_squeeze %dma_wait3A_167 : memref<1x1x80xi32, #tpu.memory_space<vmem>> -> memref<80xi32, #tpu.memory_space<vmem>>
      %dma_wait3A_169 = arith.constant 0 : i32
      %dma_wait3A_170 = arith.constant 0 : i32
      %dma_wait3A_171 = tpu.memref_slice %arg20[%dma_wait3A_169, %dma_wait3A_170] : memref<1264x16xf32, #tpu.memory_space<vmem_shared>> -> memref<1264x16xf32, #tpu.memory_space<vmem_shared>>
      %dma_wait3A_172 = tpu.memref_slice %arg23[%dma_wait3A_162, %scan3A_140] : memref<2x5x!tpu.dma_semaphore, #tpu.memory_space<semaphore_mem>> -> memref<1x1x!tpu.dma_semaphore, #tpu.memory_space<semaphore_mem>>
      %dma_wait3A_173 = tpu.memref_squeeze %dma_wait3A_172 : memref<1x1x!tpu.dma_semaphore, #tpu.memory_space<semaphore_mem>> -> memref<!tpu.dma_semaphore, #tpu.memory_space<semaphore_mem>>
      tpu.wait_indirect_dma semaphore(%dma_wait3A_173 : memref<!tpu.dma_semaphore, #tpu.memory_space<semaphore_mem>>) src(%dma_wait3A_165 : memref<80x16xf32, #tpu.memory_space<vmem>>) dst(%dma_wait3A_171 : memref<1264x16xf32, #tpu.memory_space<vmem_shared>>)
    }
    %scan3A_97 = arith.constant 5 : i32
    %and3A = arith.constant 50 : i32
    %and3A_98 = arith.constant 1 : i32
    %and3A_99 = arith.andi %and3A, %and3A_98 : i32
    %mul3A_100 = arith.constant 20000 : i32
    %mul3A_101 = arith.muli %arg1, %mul3A_100 : i32
    %add3A_102 = arith.constant 19600 : i32
    %add3A_103 = arith.addi %mul3A_101, %add3A_102 : i32
    %multiple_of3A_104 = tpu.assume_multiple %add3A_103, 16 : i32
    %dma_wait3A = arith.constant 0 : i32
    %dma_wait3A_105 = tpu.memref_slice %arg13[%and3A_99, %dma_wait3A] : memref<2x400xi32, #tpu.memory_space<vmem>> -> memref<1x400xi32, #tpu.memory_space<vmem>>
    %dma_wait3A_106 = tpu.memref_squeeze %dma_wait3A_105 : memref<1x400xi32, #tpu.memory_space<vmem>> -> memref<400xi32, #tpu.memory_space<vmem>>
    %dma_wait3A_107 = tpu.memref_slice %arg2[%multiple_of3A_104] : memref<320000xi32, #tpu.memory_space<hbm>> -> memref<400xi32, #tpu.memory_space<hbm>>
    %dma_wait3A_108 = tpu.memref_slice %arg24[%and3A_99] : memref<2x!tpu.dma_semaphore, #tpu.memory_space<semaphore_mem>> -> memref<1x!tpu.dma_semaphore, #tpu.memory_space<semaphore_mem>>
    %dma_wait3A_109 = tpu.memref_squeeze %dma_wait3A_108 : memref<1x!tpu.dma_semaphore, #tpu.memory_space<semaphore_mem>> -> memref<!tpu.dma_semaphore, #tpu.memory_space<semaphore_mem>>
    %dma_wait3A_110 = arith.constant 0 : i32
    %dma_wait3A_111 = tpu.memref_slice %arg13[%and3A_99, %dma_wait3A_110] : memref<2x400xi32, #tpu.memory_space<vmem>> -> memref<1x400xi32, #tpu.memory_space<vmem>>
    %dma_wait3A_112 = tpu.memref_squeeze %dma_wait3A_111 : memref<1x400xi32, #tpu.memory_space<vmem>> -> memref<400xi32, #tpu.memory_space<vmem>>
    %dma_wait3A_113 = tpu.memref_slice %arg2[%multiple_of3A_104] : memref<320000xi32, #tpu.memory_space<hbm>> -> memref<400xi32, #tpu.memory_space<hbm>>
    tpu.wait_dma2 semaphore(%dma_wait3A_109 : memref<!tpu.dma_semaphore, #tpu.memory_space<semaphore_mem>>) src(%dma_wait3A_113 : memref<400xi32, #tpu.memory_space<hbm>>) dst(%dma_wait3A_112 : memref<400xi32, #tpu.memory_space<vmem>>)
    %dma_wait3A_114 = arith.constant 0 : i32
    %dma_wait3A_115 = tpu.memref_slice %arg14[%and3A_99, %dma_wait3A_114] : memref<2x400xi32, #tpu.memory_space<vmem>> -> memref<1x400xi32, #tpu.memory_space<vmem>>
    %dma_wait3A_116 = tpu.memref_squeeze %dma_wait3A_115 : memref<1x400xi32, #tpu.memory_space<vmem>> -> memref<400xi32, #tpu.memory_space<vmem>>
    %dma_wait3A_117 = tpu.memref_slice %arg3[%multiple_of3A_104] : memref<320000xi32, #tpu.memory_space<hbm>> -> memref<400xi32, #tpu.memory_space<hbm>>
    %dma_wait3A_118 = tpu.memref_slice %arg24[%and3A_99] : memref<2x!tpu.dma_semaphore, #tpu.memory_space<semaphore_mem>> -> memref<1x!tpu.dma_semaphore, #tpu.memory_space<semaphore_mem>>
    %dma_wait3A_119 = tpu.memref_squeeze %dma_wait3A_118 : memref<1x!tpu.dma_semaphore, #tpu.memory_space<semaphore_mem>> -> memref<!tpu.dma_semaphore, #tpu.memory_space<semaphore_mem>>
    %dma_wait3A_120 = arith.constant 0 : i32
    %dma_wait3A_121 = tpu.memref_slice %arg14[%and3A_99, %dma_wait3A_120] : memref<2x400xi32, #tpu.memory_space<vmem>> -> memref<1x400xi32, #tpu.memory_space<vmem>>
    %dma_wait3A_122 = tpu.memref_squeeze %dma_wait3A_121 : memref<1x400xi32, #tpu.memory_space<vmem>> -> memref<400xi32, #tpu.memory_space<vmem>>
    %dma_wait3A_123 = tpu.memref_slice %arg3[%multiple_of3A_104] : memref<320000xi32, #tpu.memory_space<hbm>> -> memref<400xi32, #tpu.memory_space<hbm>>
    tpu.wait_dma2 semaphore(%dma_wait3A_119 : memref<!tpu.dma_semaphore, #tpu.memory_space<semaphore_mem>>) src(%dma_wait3A_123 : memref<400xi32, #tpu.memory_space<hbm>>) dst(%dma_wait3A_122 : memref<400xi32, #tpu.memory_space<vmem>>)
    %barrier3A_124 = arith.constant 0 : index
    tpu.barrier barrier_id(%barrier3A_124)
    %scan3A_125 = arith.constant 0 : i32
    %scan3A_126 = arith.constant 0 : i32
    %scan3A_127 = arith.constant 7 : i32
    %scan3A_128 = arith.addi %scan3A_126, %scan3A_127 : i32
    %scan3A_129 = arith.constant 1 : i32
    scf.for %scan3A_140 = %scan3A_126 to %scan3A_128 step %scan3A_129  : i32 {
      %mul3A_141 = arith.constant 80 : i32
      %mul3A_142 = arith.muli %scan3A_140, %mul3A_141 : i32
      %add3A_143 = arith.addi %mul3A_16, %mul3A_142 : i32
      %multiple_of3A_144 = tpu.assume_multiple %add3A_143, 8 : i32
      %run_scoped3A_145 = arith.constant 0 : i32
      "tpu.region"() ({
        %run_scoped3A_147 = tpu.sem_alloc : memref<!tpu.dma_semaphore, #tpu.memory_space<semaphore_mem>>
        %dma_start3A_148 = arith.constant 0 : i32
        %dma_start3A_149 = arith.constant 0 : i32
        %dma_start3A_150 = tpu.memref_slice %arg8[%run_scoped3A_145, %dma_start3A_148, %dma_start3A_149] : memref<5x80x64xf32, #tpu.memory_space<vmem>> -> memref<1x80x64xf32, #tpu.memory_space<vmem>>
        %dma_start3A_151 = tpu.memref_squeeze %dma_start3A_150 : memref<1x80x64xf32, #tpu.memory_space<vmem>> -> memref<80x64xf32, #tpu.memory_space<vmem>>
        %dma_start3A_152 = arith.constant 0 : i32
        %dma_start3A_153 = tpu.memref_slice %arg19[%multiple_of3A_144, %dma_start3A_152] : memref<10112x64xf32, #tpu.memory_space<vmem_shared>> -> memref<80x64xf32, #tpu.memory_space<vmem_shared>>
        %dma_start3A_154 = arith.constant 0 : i32
        %dma_start3A_155 = arith.constant 0 : i32
        %dma_start3A_156 = tpu.memref_slice %arg8[%run_scoped3A_145, %dma_start3A_154, %dma_start3A_155] : memref<5x80x64xf32, #tpu.memory_space<vmem>> -> memref<1x80x64xf32, #tpu.memory_space<vmem>>
        %dma_start3A_157 = tpu.memref_squeeze %dma_start3A_156 : memref<1x80x64xf32, #tpu.memory_space<vmem>> -> memref<80x64xf32, #tpu.memory_space<vmem>>
        %dma_start3A_158 = arith.constant 0 : i32
        %dma_start3A_159 = tpu.memref_slice %arg19[%multiple_of3A_144, %dma_start3A_158] : memref<10112x64xf32, #tpu.memory_space<vmem_shared>> -> memref<80x64xf32, #tpu.memory_space<vmem_shared>>
        tpu.enqueue_dma source(%dma_start3A_159 : memref<80x64xf32, #tpu.memory_space<vmem_shared>>) target(%dma_start3A_157 : memref<80x64xf32, #tpu.memory_space<vmem>>) target_semaphore(%run_scoped3A_147 : memref<!tpu.dma_semaphore, #tpu.memory_space<semaphore_mem>>)
        %dma_wait3A_160 = arith.constant 0 : i32
        %dma_wait3A_161 = arith.constant 0 : i32
        %dma_wait3A_162 = tpu.memref_slice %arg8[%run_scoped3A_145, %dma_wait3A_160, %dma_wait3A_161] : memref<5x80x64xf32, #tpu.memory_space<vmem>> -> memref<1x80x64xf32, #tpu.memory_space<vmem>>
        %dma_wait3A_163 = tpu.memref_squeeze %dma_wait3A_162 : memref<1x80x64xf32, #tpu.memory_space<vmem>> -> memref<80x64xf32, #tpu.memory_space<vmem>>
        %dma_wait3A_164 = arith.constant 0 : i32
        %dma_wait3A_165 = tpu.memref_slice %arg19[%multiple_of3A_144, %dma_wait3A_164] : memref<10112x64xf32, #tpu.memory_space<vmem_shared>> -> memref<80x64xf32, #tpu.memory_space<vmem_shared>>
        %dma_wait3A_166 = arith.constant 0 : i32
        %dma_wait3A_167 = arith.constant 0 : i32
        %dma_wait3A_168 = tpu.memref_slice %arg8[%run_scoped3A_145, %dma_wait3A_166, %dma_wait3A_167] : memref<5x80x64xf32, #tpu.memory_space<vmem>> -> memref<1x80x64xf32, #tpu.memory_space<vmem>>
        %dma_wait3A_169 = tpu.memref_squeeze %dma_wait3A_168 : memref<1x80x64xf32, #tpu.memory_space<vmem>> -> memref<80x64xf32, #tpu.memory_space<vmem>>
        %dma_wait3A_170 = arith.constant 0 : i32
        %dma_wait3A_171 = tpu.memref_slice %arg19[%multiple_of3A_144, %dma_wait3A_170] : memref<10112x64xf32, #tpu.memory_space<vmem_shared>> -> memref<80x64xf32, #tpu.memory_space<vmem_shared>>
        tpu.wait_dma2 semaphore(%run_scoped3A_147 : memref<!tpu.dma_semaphore, #tpu.memory_space<semaphore_mem>>) src(%dma_wait3A_171 : memref<80x64xf32, #tpu.memory_space<vmem_shared>>) dst(%dma_wait3A_169 : memref<80x64xf32, #tpu.memory_space<vmem>>)
        tpu.yield
      }) : () -> ()
      %run_scoped3A_146 = arith.constant 0 : i32
      "tpu.region"() ({
        %run_scoped3A_147 = tpu.sem_alloc : memref<!tpu.dma_semaphore, #tpu.memory_space<semaphore_mem>>
        %dma_start3A_148 = arith.constant 0 : i32
        %dma_start3A_149 = arith.constant 0 : i32
        %dma_start3A_150 = tpu.memref_slice %arg8[%run_scoped3A_146, %dma_start3A_148, %dma_start3A_149] : memref<5x80x64xf32, #tpu.memory_space<vmem>> -> memref<1x80x64xf32, #tpu.memory_space<vmem>>
        %dma_start3A_151 = tpu.memref_squeeze %dma_start3A_150 : memref<1x80x64xf32, #tpu.memory_space<vmem>> -> memref<80x64xf32, #tpu.memory_space<vmem>>
        %dma_start3A_152 = arith.constant 0 : i32
        %dma_start3A_153 = tpu.memref_slice %arg6[%arg0, %multiple_of3A_144, %dma_start3A_152] : memref<2x10112x64xf32, #tpu.memory_space<hbm>> -> memref<1x80x64xf32, #tpu.memory_space<hbm>>
        %dma_start3A_154 = tpu.memref_squeeze %dma_start3A_153 : memref<1x80x64xf32, #tpu.memory_space<hbm>> -> memref<80x64xf32, #tpu.memory_space<hbm>>
        %dma_start3A_155 = arith.constant 0 : i32
        %dma_start3A_156 = tpu.memref_slice %arg6[%arg0, %multiple_of3A_144, %dma_start3A_155] : memref<2x10112x64xf32, #tpu.memory_space<hbm>> -> memref<1x80x64xf32, #tpu.memory_space<hbm>>
        %dma_start3A_157 = tpu.memref_squeeze %dma_start3A_156 : memref<1x80x64xf32, #tpu.memory_space<hbm>> -> memref<80x64xf32, #tpu.memory_space<hbm>>
        %dma_start3A_158 = arith.constant 0 : i32
        %dma_start3A_159 = arith.constant 0 : i32
        %dma_start3A_160 = tpu.memref_slice %arg8[%run_scoped3A_146, %dma_start3A_158, %dma_start3A_159] : memref<5x80x64xf32, #tpu.memory_space<vmem>> -> memref<1x80x64xf32, #tpu.memory_space<vmem>>
        %dma_start3A_161 = tpu.memref_squeeze %dma_start3A_160 : memref<1x80x64xf32, #tpu.memory_space<vmem>> -> memref<80x64xf32, #tpu.memory_space<vmem>>
        tpu.enqueue_dma source(%dma_start3A_161 : memref<80x64xf32, #tpu.memory_space<vmem>>) target(%dma_start3A_157 : memref<80x64xf32, #tpu.memory_space<hbm>>) target_semaphore(%run_scoped3A_147 : memref<!tpu.dma_semaphore, #tpu.memory_space<semaphore_mem>>)
        %dma_wait3A_162 = arith.constant 0 : i32
        %dma_wait3A_163 = arith.constant 0 : i32
        %dma_wait3A_164 = tpu.memref_slice %arg8[%run_scoped3A_146, %dma_wait3A_162, %dma_wait3A_163] : memref<5x80x64xf32, #tpu.memory_space<vmem>> -> memref<1x80x64xf32, #tpu.memory_space<vmem>>
        %dma_wait3A_165 = tpu.memref_squeeze %dma_wait3A_164 : memref<1x80x64xf32, #tpu.memory_space<vmem>> -> memref<80x64xf32, #tpu.memory_space<vmem>>
        %dma_wait3A_166 = arith.constant 0 : i32
        %dma_wait3A_167 = tpu.memref_slice %arg6[%arg0, %multiple_of3A_144, %dma_wait3A_166] : memref<2x10112x64xf32, #tpu.memory_space<hbm>> -> memref<1x80x64xf32, #tpu.memory_space<hbm>>
        %dma_wait3A_168 = tpu.memref_squeeze %dma_wait3A_167 : memref<1x80x64xf32, #tpu.memory_space<hbm>> -> memref<80x64xf32, #tpu.memory_space<hbm>>
        %dma_wait3A_169 = arith.constant 0 : i32
        %dma_wait3A_170 = tpu.memref_slice %arg6[%arg0, %multiple_of3A_144, %dma_wait3A_169] : memref<2x10112x64xf32, #tpu.memory_space<hbm>> -> memref<1x80x64xf32, #tpu.memory_space<hbm>>
        %dma_wait3A_171 = tpu.memref_squeeze %dma_wait3A_170 : memref<1x80x64xf32, #tpu.memory_space<hbm>> -> memref<80x64xf32, #tpu.memory_space<hbm>>
        %dma_wait3A_172 = arith.constant 0 : i32
        %dma_wait3A_173 = arith.constant 0 : i32
        %dma_wait3A_174 = tpu.memref_slice %arg8[%run_scoped3A_146, %dma_wait3A_172, %dma_wait3A_173] : memref<5x80x64xf32, #tpu.memory_space<vmem>> -> memref<1x80x64xf32, #tpu.memory_space<vmem>>
        %dma_wait3A_175 = tpu.memref_squeeze %dma_wait3A_174 : memref<1x80x64xf32, #tpu.memory_space<vmem>> -> memref<80x64xf32, #tpu.memory_space<vmem>>
        tpu.wait_dma2 semaphore(%run_scoped3A_147 : memref<!tpu.dma_semaphore, #tpu.memory_space<semaphore_mem>>) src(%dma_wait3A_175 : memref<80x64xf32, #tpu.memory_space<vmem>>) dst(%dma_wait3A_171 : memref<80x64xf32, #tpu.memory_space<hbm>>)
        tpu.yield
      }) : () -> ()
    }
    %scan3A_130 = arith.constant 7 : i32
    %add3A_131 = arith.constant 632 : i32
    %add3A_132 = arith.addi %mul3A_16, %add3A_131 : i32
    %sub3A_133 = arith.constant 72 : i32
    %sub3A_134 = arith.subi %add3A_132, %sub3A_133 : i32
    %multiple_of3A_135 = tpu.assume_multiple %sub3A_134, 8 : i32
    %run_scoped3A_136 = arith.constant 0 : i32
    "tpu.region"() ({
      %run_scoped3A_140 = tpu.sem_alloc : memref<!tpu.dma_semaphore, #tpu.memory_space<semaphore_mem>>
      %dma_start3A_141 = arith.constant 0 : i32
      %dma_start3A_142 = arith.constant 0 : i32
      %dma_start3A_143 = tpu.memref_slice %arg8[%run_scoped3A_136, %dma_start3A_141, %dma_start3A_142] : memref<5x80x64xf32, #tpu.memory_space<vmem>> -> memref<1x72x64xf32, #tpu.memory_space<vmem>>
      %dma_start3A_144 = tpu.memref_squeeze %dma_start3A_143 : memref<1x72x64xf32, #tpu.memory_space<vmem>> -> memref<72x64xf32, #tpu.memory_space<vmem>>
      %dma_start3A_145 = arith.constant 0 : i32
      %dma_start3A_146 = tpu.memref_slice %arg19[%multiple_of3A_135, %dma_start3A_145] : memref<10112x64xf32, #tpu.memory_space<vmem_shared>> -> memref<72x64xf32, #tpu.memory_space<vmem_shared>>
      %dma_start3A_147 = arith.constant 0 : i32
      %dma_start3A_148 = arith.constant 0 : i32
      %dma_start3A_149 = tpu.memref_slice %arg8[%run_scoped3A_136, %dma_start3A_147, %dma_start3A_148] : memref<5x80x64xf32, #tpu.memory_space<vmem>> -> memref<1x72x64xf32, #tpu.memory_space<vmem>>
      %dma_start3A_150 = tpu.memref_squeeze %dma_start3A_149 : memref<1x72x64xf32, #tpu.memory_space<vmem>> -> memref<72x64xf32, #tpu.memory_space<vmem>>
      %dma_start3A_151 = arith.constant 0 : i32
      %dma_start3A_152 = tpu.memref_slice %arg19[%multiple_of3A_135, %dma_start3A_151] : memref<10112x64xf32, #tpu.memory_space<vmem_shared>> -> memref<72x64xf32, #tpu.memory_space<vmem_shared>>
      tpu.enqueue_dma source(%dma_start3A_152 : memref<72x64xf32, #tpu.memory_space<vmem_shared>>) target(%dma_start3A_150 : memref<72x64xf32, #tpu.memory_space<vmem>>) target_semaphore(%run_scoped3A_140 : memref<!tpu.dma_semaphore, #tpu.memory_space<semaphore_mem>>)
      %dma_wait3A_153 = arith.constant 0 : i32
      %dma_wait3A_154 = arith.constant 0 : i32
      %dma_wait3A_155 = tpu.memref_slice %arg8[%run_scoped3A_136, %dma_wait3A_153, %dma_wait3A_154] : memref<5x80x64xf32, #tpu.memory_space<vmem>> -> memref<1x72x64xf32, #tpu.memory_space<vmem>>
      %dma_wait3A_156 = tpu.memref_squeeze %dma_wait3A_155 : memref<1x72x64xf32, #tpu.memory_space<vmem>> -> memref<72x64xf32, #tpu.memory_space<vmem>>
      %dma_wait3A_157 = arith.constant 0 : i32
      %dma_wait3A_158 = tpu.memref_slice %arg19[%multiple_of3A_135, %dma_wait3A_157] : memref<10112x64xf32, #tpu.memory_space<vmem_shared>> -> memref<72x64xf32, #tpu.memory_space<vmem_shared>>
      %dma_wait3A_159 = arith.constant 0 : i32
      %dma_wait3A_160 = arith.constant 0 : i32
      %dma_wait3A_161 = tpu.memref_slice %arg8[%run_scoped3A_136, %dma_wait3A_159, %dma_wait3A_160] : memref<5x80x64xf32, #tpu.memory_space<vmem>> -> memref<1x72x64xf32, #tpu.memory_space<vmem>>
      %dma_wait3A_162 = tpu.memref_squeeze %dma_wait3A_161 : memref<1x72x64xf32, #tpu.memory_space<vmem>> -> memref<72x64xf32, #tpu.memory_space<vmem>>
      %dma_wait3A_163 = arith.constant 0 : i32
      %dma_wait3A_164 = tpu.memref_slice %arg19[%multiple_of3A_135, %dma_wait3A_163] : memref<10112x64xf32, #tpu.memory_space<vmem_shared>> -> memref<72x64xf32, #tpu.memory_space<vmem_shared>>
      tpu.wait_dma2 semaphore(%run_scoped3A_140 : memref<!tpu.dma_semaphore, #tpu.memory_space<semaphore_mem>>) src(%dma_wait3A_164 : memref<72x64xf32, #tpu.memory_space<vmem_shared>>) dst(%dma_wait3A_162 : memref<72x64xf32, #tpu.memory_space<vmem>>)
      tpu.yield
    }) : () -> ()
    %run_scoped3A_137 = arith.constant 0 : i32
    "tpu.region"() ({
      %run_scoped3A_140 = tpu.sem_alloc : memref<!tpu.dma_semaphore, #tpu.memory_space<semaphore_mem>>
      %dma_start3A_141 = arith.constant 0 : i32
      %dma_start3A_142 = arith.constant 0 : i32
      %dma_start3A_143 = tpu.memref_slice %arg8[%run_scoped3A_137, %dma_start3A_141, %dma_start3A_142] : memref<5x80x64xf32, #tpu.memory_space<vmem>> -> memref<1x72x64xf32, #tpu.memory_space<vmem>>
      %dma_start3A_144 = tpu.memref_squeeze %dma_start3A_143 : memref<1x72x64xf32, #tpu.memory_space<vmem>> -> memref<72x64xf32, #tpu.memory_space<vmem>>
      %dma_start3A_145 = arith.constant 0 : i32
      %dma_start3A_146 = tpu.memref_slice %arg6[%arg0, %multiple_of3A_135, %dma_start3A_145] : memref<2x10112x64xf32, #tpu.memory_space<hbm>> -> memref<1x72x64xf32, #tpu.memory_space<hbm>>
      %dma_start3A_147 = tpu.memref_squeeze %dma_start3A_146 : memref<1x72x64xf32, #tpu.memory_space<hbm>> -> memref<72x64xf32, #tpu.memory_space<hbm>>
      %dma_start3A_148 = arith.constant 0 : i32
      %dma_start3A_149 = tpu.memref_slice %arg6[%arg0, %multiple_of3A_135, %dma_start3A_148] : memref<2x10112x64xf32, #tpu.memory_space<hbm>> -> memref<1x72x64xf32, #tpu.memory_space<hbm>>
      %dma_start3A_150 = tpu.memref_squeeze %dma_start3A_149 : memref<1x72x64xf32, #tpu.memory_space<hbm>> -> memref<72x64xf32, #tpu.memory_space<hbm>>
      %dma_start3A_151 = arith.constant 0 : i32
      %dma_start3A_152 = arith.constant 0 : i32
      %dma_start3A_153 = tpu.memref_slice %arg8[%run_scoped3A_137, %dma_start3A_151, %dma_start3A_152] : memref<5x80x64xf32, #tpu.memory_space<vmem>> -> memref<1x72x64xf32, #tpu.memory_space<vmem>>
      %dma_start3A_154 = tpu.memref_squeeze %dma_start3A_153 : memref<1x72x64xf32, #tpu.memory_space<vmem>> -> memref<72x64xf32, #tpu.memory_space<vmem>>
      tpu.enqueue_dma source(%dma_start3A_154 : memref<72x64xf32, #tpu.memory_space<vmem>>) target(%dma_start3A_150 : memref<72x64xf32, #tpu.memory_space<hbm>>) target_semaphore(%run_scoped3A_140 : memref<!tpu.dma_semaphore, #tpu.memory_space<semaphore_mem>>)
      %dma_wait3A_155 = arith.constant 0 : i32
      %dma_wait3A_156 = arith.constant 0 : i32
      %dma_wait3A_157 = tpu.memref_slice %arg8[%run_scoped3A_137, %dma_wait3A_155, %dma_wait3A_156] : memref<5x80x64xf32, #tpu.memory_space<vmem>> -> memref<1x72x64xf32, #tpu.memory_space<vmem>>
      %dma_wait3A_158 = tpu.memref_squeeze %dma_wait3A_157 : memref<1x72x64xf32, #tpu.memory_space<vmem>> -> memref<72x64xf32, #tpu.memory_space<vmem>>
      %dma_wait3A_159 = arith.constant 0 : i32
      %dma_wait3A_160 = tpu.memref_slice %arg6[%arg0, %multiple_of3A_135, %dma_wait3A_159] : memref<2x10112x64xf32, #tpu.memory_space<hbm>> -> memref<1x72x64xf32, #tpu.memory_space<hbm>>
      %dma_wait3A_161 = tpu.memref_squeeze %dma_wait3A_160 : memref<1x72x64xf32, #tpu.memory_space<hbm>> -> memref<72x64xf32, #tpu.memory_space<hbm>>
      %dma_wait3A_162 = arith.constant 0 : i32
      %dma_wait3A_163 = tpu.memref_slice %arg6[%arg0, %multiple_of3A_135, %dma_wait3A_162] : memref<2x10112x64xf32, #tpu.memory_space<hbm>> -> memref<1x72x64xf32, #tpu.memory_space<hbm>>
      %dma_wait3A_164 = tpu.memref_squeeze %dma_wait3A_163 : memref<1x72x64xf32, #tpu.memory_space<hbm>> -> memref<72x64xf32, #tpu.memory_space<hbm>>
      %dma_wait3A_165 = arith.constant 0 : i32
      %dma_wait3A_166 = arith.constant 0 : i32
      %dma_wait3A_167 = tpu.memref_slice %arg8[%run_scoped3A_137, %dma_wait3A_165, %dma_wait3A_166] : memref<5x80x64xf32, #tpu.memory_space<vmem>> -> memref<1x72x64xf32, #tpu.memory_space<vmem>>
      %dma_wait3A_168 = tpu.memref_squeeze %dma_wait3A_167 : memref<1x72x64xf32, #tpu.memory_space<vmem>> -> memref<72x64xf32, #tpu.memory_space<vmem>>
      tpu.wait_dma2 semaphore(%run_scoped3A_140 : memref<!tpu.dma_semaphore, #tpu.memory_space<semaphore_mem>>) src(%dma_wait3A_168 : memref<72x64xf32, #tpu.memory_space<vmem>>) dst(%dma_wait3A_164 : memref<72x64xf32, #tpu.memory_space<hbm>>)
      tpu.yield
    }) : () -> ()
    %run_scoped3A_138 = arith.constant 0 : i32
    "tpu.region"() ({
      %run_scoped3A_140 = tpu.sem_alloc : memref<!tpu.dma_semaphore, #tpu.memory_space<semaphore_mem>>
      %dma_start3A_141 = arith.constant 0 : i32
      %dma_start3A_142 = arith.constant 0 : i32
      %dma_start3A_143 = tpu.memref_slice %arg12[%run_scoped3A_138, %dma_start3A_141, %dma_start3A_142] : memref<2x400x16xf32, #tpu.memory_space<vmem>> -> memref<1x79x16xf32, #tpu.memory_space<vmem>>
      %dma_start3A_144 = tpu.memref_squeeze %dma_start3A_143 : memref<1x79x16xf32, #tpu.memory_space<vmem>> -> memref<79x16xf32, #tpu.memory_space<vmem>>
      %dma_start3A_145 = arith.constant 0 : i32
      %dma_start3A_146 = tpu.memref_slice %arg20[%mul3A_41, %dma_start3A_145] : memref<1264x16xf32, #tpu.memory_space<vmem_shared>> -> memref<79x16xf32, #tpu.memory_space<vmem_shared>>
      %dma_start3A_147 = arith.constant 0 : i32
      %dma_start3A_148 = arith.constant 0 : i32
      %dma_start3A_149 = tpu.memref_slice %arg12[%run_scoped3A_138, %dma_start3A_147, %dma_start3A_148] : memref<2x400x16xf32, #tpu.memory_space<vmem>> -> memref<1x79x16xf32, #tpu.memory_space<vmem>>
      %dma_start3A_150 = tpu.memref_squeeze %dma_start3A_149 : memref<1x79x16xf32, #tpu.memory_space<vmem>> -> memref<79x16xf32, #tpu.memory_space<vmem>>
      %dma_start3A_151 = arith.constant 0 : i32
      %dma_start3A_152 = tpu.memref_slice %arg20[%mul3A_41, %dma_start3A_151] : memref<1264x16xf32, #tpu.memory_space<vmem_shared>> -> memref<79x16xf32, #tpu.memory_space<vmem_shared>>
      tpu.enqueue_dma source(%dma_start3A_152 : memref<79x16xf32, #tpu.memory_space<vmem_shared>>) target(%dma_start3A_150 : memref<79x16xf32, #tpu.memory_space<vmem>>) target_semaphore(%run_scoped3A_140 : memref<!tpu.dma_semaphore, #tpu.memory_space<semaphore_mem>>)
      %dma_wait3A_153 = arith.constant 0 : i32
      %dma_wait3A_154 = arith.constant 0 : i32
      %dma_wait3A_155 = tpu.memref_slice %arg12[%run_scoped3A_138, %dma_wait3A_153, %dma_wait3A_154] : memref<2x400x16xf32, #tpu.memory_space<vmem>> -> memref<1x79x16xf32, #tpu.memory_space<vmem>>
      %dma_wait3A_156 = tpu.memref_squeeze %dma_wait3A_155 : memref<1x79x16xf32, #tpu.memory_space<vmem>> -> memref<79x16xf32, #tpu.memory_space<vmem>>
      %dma_wait3A_157 = arith.constant 0 : i32
      %dma_wait3A_158 = tpu.memref_slice %arg20[%mul3A_41, %dma_wait3A_157] : memref<1264x16xf32, #tpu.memory_space<vmem_shared>> -> memref<79x16xf32, #tpu.memory_space<vmem_shared>>
      %dma_wait3A_159 = arith.constant 0 : i32
      %dma_wait3A_160 = arith.constant 0 : i32
      %dma_wait3A_161 = tpu.memref_slice %arg12[%run_scoped3A_138, %dma_wait3A_159, %dma_wait3A_160] : memref<2x400x16xf32, #tpu.memory_space<vmem>> -> memref<1x79x16xf32, #tpu.memory_space<vmem>>
      %dma_wait3A_162 = tpu.memref_squeeze %dma_wait3A_161 : memref<1x79x16xf32, #tpu.memory_space<vmem>> -> memref<79x16xf32, #tpu.memory_space<vmem>>
      %dma_wait3A_163 = arith.constant 0 : i32
      %dma_wait3A_164 = tpu.memref_slice %arg20[%mul3A_41, %dma_wait3A_163] : memref<1264x16xf32, #tpu.memory_space<vmem_shared>> -> memref<79x16xf32, #tpu.memory_space<vmem_shared>>
      tpu.wait_dma2 semaphore(%run_scoped3A_140 : memref<!tpu.dma_semaphore, #tpu.memory_space<semaphore_mem>>) src(%dma_wait3A_164 : memref<79x16xf32, #tpu.memory_space<vmem_shared>>) dst(%dma_wait3A_162 : memref<79x16xf32, #tpu.memory_space<vmem>>)
      tpu.yield
    }) : () -> ()
    %run_scoped3A_139 = arith.constant 0 : i32
    "tpu.region"() ({
      %run_scoped3A_140 = tpu.sem_alloc : memref<!tpu.dma_semaphore, #tpu.memory_space<semaphore_mem>>
      %dma_start3A_141 = arith.constant 0 : i32
      %dma_start3A_142 = arith.constant 0 : i32
      %dma_start3A_143 = tpu.memref_slice %arg12[%run_scoped3A_139, %dma_start3A_141, %dma_start3A_142] : memref<2x400x16xf32, #tpu.memory_space<vmem>> -> memref<1x79x16xf32, #tpu.memory_space<vmem>>
      %dma_start3A_144 = tpu.memref_squeeze %dma_start3A_143 : memref<1x79x16xf32, #tpu.memory_space<vmem>> -> memref<79x16xf32, #tpu.memory_space<vmem>>
      %dma_start3A_145 = arith.constant 0 : i32
      %dma_start3A_146 = tpu.memref_slice %arg7[%arg0, %mul3A_41, %dma_start3A_145] : memref<2x1264x16xf32, #tpu.memory_space<hbm>> -> memref<1x79x16xf32, #tpu.memory_space<hbm>>
      %dma_start3A_147 = tpu.memref_squeeze %dma_start3A_146 : memref<1x79x16xf32, #tpu.memory_space<hbm>> -> memref<79x16xf32, #tpu.memory_space<hbm>>
      %dma_start3A_148 = arith.constant 0 : i32
      %dma_start3A_149 = tpu.memref_slice %arg7[%arg0, %mul3A_41, %dma_start3A_148] : memref<2x1264x16xf32, #tpu.memory_space<hbm>> -> memref<1x79x16xf32, #tpu.memory_space<hbm>>
      %dma_start3A_150 = tpu.memref_squeeze %dma_start3A_149 : memref<1x79x16xf32, #tpu.memory_space<hbm>> -> memref<79x16xf32, #tpu.memory_space<hbm>>
      %dma_start3A_151 = arith.constant 0 : i32
      %dma_start3A_152 = arith.constant 0 : i32
      %dma_start3A_153 = tpu.memref_slice %arg12[%run_scoped3A_139, %dma_start3A_151, %dma_start3A_152] : memref<2x400x16xf32, #tpu.memory_space<vmem>> -> memref<1x79x16xf32, #tpu.memory_space<vmem>>
      %dma_start3A_154 = tpu.memref_squeeze %dma_start3A_153 : memref<1x79x16xf32, #tpu.memory_space<vmem>> -> memref<79x16xf32, #tpu.memory_space<vmem>>
      tpu.enqueue_dma source(%dma_start3A_154 : memref<79x16xf32, #tpu.memory_space<vmem>>) target(%dma_start3A_150 : memref<79x16xf32, #tpu.memory_space<hbm>>) target_semaphore(%run_scoped3A_140 : memref<!tpu.dma_semaphore, #tpu.memory_space<semaphore_mem>>)
      %dma_wait3A_155 = arith.constant 0 : i32
      %dma_wait3A_156 = arith.constant 0 : i32
      %dma_wait3A_157 = tpu.memref_slice %arg12[%run_scoped3A_139, %dma_wait3A_155, %dma_wait3A_156] : memref<2x400x16xf32, #tpu.memory_space<vmem>> -> memref<1x79x16xf32, #tpu.memory_space<vmem>>
      %dma_wait3A_158 = tpu.memref_squeeze %dma_wait3A_157 : memref<1x79x16xf32, #tpu.memory_space<vmem>> -> memref<79x16xf32, #tpu.memory_space<vmem>>
      %dma_wait3A_159 = arith.constant 0 : i32
      %dma_wait3A_160 = tpu.memref_slice %arg7[%arg0, %mul3A_41, %dma_wait3A_159] : memref<2x1264x16xf32, #tpu.memory_space<hbm>> -> memref<1x79x16xf32, #tpu.memory_space<hbm>>
      %dma_wait3A_161 = tpu.memref_squeeze %dma_wait3A_160 : memref<1x79x16xf32, #tpu.memory_space<hbm>> -> memref<79x16xf32, #tpu.memory_space<hbm>>
      %dma_wait3A_162 = arith.constant 0 : i32
      %dma_wait3A_163 = tpu.memref_slice %arg7[%arg0, %mul3A_41, %dma_wait3A_162] : memref<2x1264x16xf32, #tpu.memory_space<hbm>> -> memref<1x79x16xf32, #tpu.memory_space<hbm>>
      %dma_wait3A_164 = tpu.memref_squeeze %dma_wait3A_163 : memref<1x79x16xf32, #tpu.memory_space<hbm>> -> memref<79x16xf32, #tpu.memory_space<hbm>>
      %dma_wait3A_165 = arith.constant 0 : i32
      %dma_wait3A_166 = arith.constant 0 : i32
      %dma_wait3A_167 = tpu.memref_slice %arg12[%run_scoped3A_139, %dma_wait3A_165, %dma_wait3A_166] : memref<2x400x16xf32, #tpu.memory_space<vmem>> -> memref<1x79x16xf32, #tpu.memory_space<vmem>>
      %dma_wait3A_168 = tpu.memref_squeeze %dma_wait3A_167 : memref<1x79x16xf32, #tpu.memory_space<vmem>> -> memref<79x16xf32, #tpu.memory_space<vmem>>
      tpu.wait_dma2 semaphore(%run_scoped3A_140 : memref<!tpu.dma_semaphore, #tpu.memory_space<semaphore_mem>>) src(%dma_wait3A_168 : memref<79x16xf32, #tpu.memory_space<vmem>>) dst(%dma_wait3A_164 : memref<79x16xf32, #tpu.memory_space<hbm>>)
      tpu.yield
    }) : () -> ()
    return
  }
}

module attributes {stable_mosaic.version = 14 : i64} {
  func.func @_wx_scores_body(%arg0: i32, %arg1: memref<1000x128xf32, #tpu.memory_space<vmem>>, %arg2: memref<128x128xf32, #tpu.memory_space<vmem>>, %arg3: memref<128x128xf32, #tpu.memory_space<vmem>>, %arg4: memref<1000x128xf32, #tpu.memory_space<vmem>>, %arg5: memref<1000x128xf32, #tpu.memory_space<vmem>>) attributes {dimension_semantics = [#tpu.dimension_semantics<arbitrary>], iteration_bounds = array<i64: 10>, scalar_prefetch = 0 : i64, scratch_operands = 0 : i64, tpu.core_type = #tpu.core_type<tc>, window_params = [{transform_indices = @transform_0, window_bounds = array<i64: 1000, 128>}, {pipeline_mode = #tpu.pipeline_mode<synchronous>, transform_indices = @transform_1, window_bounds = array<i64: 128, 128>}, {pipeline_mode = #tpu.pipeline_mode<synchronous>, transform_indices = @transform_2, window_bounds = array<i64: 128, 128>}, {transform_indices = @transform_3, window_bounds = array<i64: 1000, 128>}, {transform_indices = @transform_4, window_bounds = array<i64: 1000, 128>}]} {
    %get3A = arith.constant 0 : index
    %get3A_0 = arith.constant 0 : index
    %get3A_1 = vector.load %arg1[%get3A, %get3A_0] : memref<1000x128xf32, #tpu.memory_space<vmem>>, vector<1000x128xf32>
    %get3A_2 = arith.constant 0 : index
    %get3A_3 = arith.constant 0 : index
    %get3A_4 = vector.load %arg2[%get3A_2, %get3A_3] : memref<128x128xf32, #tpu.memory_space<vmem>>, vector<128x128xf32>
    %dot_general3A = arith.constant dense<0.000000e+00> : vector<1000x128xf32>
    %dot_general3A_5 = tpu.matmul %get3A_1, %get3A_4, %dot_general3A {dimension_numbers = #tpu.dot_dimension_numbers<[1], [1], [0], [0], [0, 0, 1, 0], [], []>, precision = #tpu.contract_precision<fp32>, transpose_lhs_hint = false} : vector<1000x128xf32>, vector<128x128xf32>, vector<1000x128xf32> -> vector<1000x128xf32>
    %swap3A = arith.constant 0 : index
    %swap3A_6 = arith.constant 0 : index
    %swap3A_7 = vector.load %arg4[%swap3A, %swap3A_6] : memref<1000x128xf32, #tpu.memory_space<vmem>>, vector<1000x128xf32>
    tpu.vector_store %arg4[%swap3A, %swap3A_6], %dot_general3A_5 {strides = array<i32>} : memref<1000x128xf32, #tpu.memory_space<vmem>>, vector<1000x128xf32>,
    %get3A_8 = arith.constant 0 : index
    %get3A_9 = arith.constant 0 : index
    %get3A_10 = vector.load %arg3[%get3A_8, %get3A_9] : memref<128x128xf32, #tpu.memory_space<vmem>>, vector<128x128xf32>
    %dot_general3A_11 = arith.constant dense<0.000000e+00> : vector<1000x128xf32>
    %dot_general3A_12 = tpu.matmul %dot_general3A_5, %get3A_10, %dot_general3A_11 {dimension_numbers = #tpu.dot_dimension_numbers<[1], [0], [0], [1], [0, 0, 1, 1], [], []>, precision = #tpu.contract_precision<fp32>, transpose_lhs_hint = false} : vector<1000x128xf32>, vector<128x128xf32>, vector<1000x128xf32> -> vector<1000x128xf32>
    %swap3A_13 = arith.constant 0 : index
    %swap3A_14 = arith.constant 0 : index
    %swap3A_15 = vector.load %arg5[%swap3A_13, %swap3A_14] : memref<1000x128xf32, #tpu.memory_space<vmem>>, vector<1000x128xf32>
    tpu.vector_store %arg5[%swap3A_13, %swap3A_14], %dot_general3A_12 {strides = array<i32>} : memref<1000x128xf32, #tpu.memory_space<vmem>>, vector<1000x128xf32>,
    return
  }
  func.func @transform_0(%arg0: i32) -> (i32, i32) {
    %c0_i32 = arith.constant 0 : i32
    %c0_i32_0 = arith.constant 0 : i32
    return %arg0, %c0_i32 : i32, i32
  }
  func.func @transform_1(%arg0: i32) -> (i32, i32) {
    %c0_i32 = arith.constant 0 : i32
    %c0_i32_0 = arith.constant 0 : i32
    %c0_i32_1 = arith.constant 0 : i32
    return %c0_i32, %c0_i32_0 : i32, i32
  }
  func.func @transform_2(%arg0: i32) -> (i32, i32) {
    %c0_i32 = arith.constant 0 : i32
    %c0_i32_0 = arith.constant 0 : i32
    %c0_i32_1 = arith.constant 0 : i32
    return %c0_i32, %c0_i32_0 : i32, i32
  }
  func.func @transform_3(%arg0: i32) -> (i32, i32) {
    %c0_i32 = arith.constant 0 : i32
    %c0_i32_0 = arith.constant 0 : i32
    return %arg0, %c0_i32 : i32, i32
  }
  func.func @transform_4(%arg0: i32) -> (i32, i32) {
    %c0_i32 = arith.constant 0 : i32
    %c0_i32_0 = arith.constant 0 : i32
    return %arg0, %c0_i32 : i32, i32
  }
}

module attributes {stable_mosaic.version = 14 : i64} {
  func.func @_finalize_body(%arg0: i32, %arg1: memref<2x1264x64xf32, #tpu.memory_space<vmem>>, %arg2: memref<2x1264x2xf32, #tpu.memory_space<vmem>>, %arg3: memref<1264x128xf32, #tpu.memory_space<vmem>>) attributes {dimension_semantics = [#tpu.dimension_semantics<arbitrary>], iteration_bounds = array<i64: 8>, scalar_prefetch = 0 : i64, scratch_operands = 0 : i64, tpu.core_type = #tpu.core_type<tc>, window_params = [{transform_indices = @transform_0, window_bounds = array<i64: 2, 1264, 64>}, {transform_indices = @transform_1, window_bounds = array<i64: 2, 1264, 2>}, {transform_indices = @transform_2, window_bounds = array<i64: 1264, 128>}]} {
    %get3A = arith.constant 0 : index
    %get3A_0 = arith.constant 0 : index
    %get3A_1 = arith.constant 0 : index
    %get3A_2 = vector.load %arg1[%get3A, %get3A_0, %get3A_1] : memref<2x1264x64xf32, #tpu.memory_space<vmem>>, vector<2x1264x64xf32>
    %get3A_3 = arith.constant 0 : index
    %get3A_4 = arith.constant 0 : index
    %get3A_5 = arith.constant 0 : index
    %get3A_6 = vector.load %arg2[%get3A_3, %get3A_4, %get3A_5] : memref<2x1264x2xf32, #tpu.memory_space<vmem>>, vector<2x1264x2xf32>
    %slice3A = vector.extract_strided_slice %get3A_6 {offsets = [0, 0, 0], sizes = [1, 1264, 1], strides = [1, 1, 1]} : vector<2x1264x2xf32> to vector<1x1264x1xf32>
    %squeeze3A = vector.shape_cast %slice3A : vector<1x1264x1xf32> to vector<1264x1xf32>
    %add3A = arith.constant 9.99999993E-9 : f32
    %add3A_7 = vector.broadcast %add3A : f32 to vector<1264x1xf32>
    %add3A_8 = arith.addf %squeeze3A, %add3A_7 : vector<1264x1xf32>
    %slice3A_9 = vector.extract_strided_slice %get3A_2 {offsets = [0, 0, 0], sizes = [1, 1264, 32], strides = [1, 1, 1]} : vector<2x1264x64xf32> to vector<1x1264x32xf32>
    %squeeze3A_10 = vector.shape_cast %slice3A_9 : vector<1x1264x32xf32> to vector<1264x32xf32>
    %div3A = vector.broadcast %add3A_8 : vector<1264x1xf32> to vector<1264x32xf32>
    %div3A_11 = arith.divf %squeeze3A_10, %div3A : vector<1264x32xf32>
    %slice3A_12 = vector.extract_strided_slice %get3A_6 {offsets = [0, 0, 1], sizes = [1, 1264, 1], strides = [1, 1, 1]} : vector<2x1264x2xf32> to vector<1x1264x1xf32>
    %squeeze3A_13 = vector.shape_cast %slice3A_12 : vector<1x1264x1xf32> to vector<1264x1xf32>
    %add3A_14 = arith.constant 9.99999993E-9 : f32
    %add3A_15 = vector.broadcast %add3A_14 : f32 to vector<1264x1xf32>
    %add3A_16 = arith.addf %squeeze3A_13, %add3A_15 : vector<1264x1xf32>
    %slice3A_17 = vector.extract_strided_slice %get3A_2 {offsets = [0, 0, 32], sizes = [1, 1264, 32], strides = [1, 1, 1]} : vector<2x1264x64xf32> to vector<1x1264x32xf32>
    %squeeze3A_18 = vector.shape_cast %slice3A_17 : vector<1x1264x32xf32> to vector<1264x32xf32>
    %div3A_19 = vector.broadcast %add3A_16 : vector<1264x1xf32> to vector<1264x32xf32>
    %div3A_20 = arith.divf %squeeze3A_18, %div3A_19 : vector<1264x32xf32>
    %slice3A_21 = vector.extract_strided_slice %get3A_6 {offsets = [1, 0, 0], sizes = [1, 1264, 1], strides = [1, 1, 1]} : vector<2x1264x2xf32> to vector<1x1264x1xf32>
    %squeeze3A_22 = vector.shape_cast %slice3A_21 : vector<1x1264x1xf32> to vector<1264x1xf32>
    %add3A_23 = arith.constant 9.99999993E-9 : f32
    %add3A_24 = vector.broadcast %add3A_23 : f32 to vector<1264x1xf32>
    %add3A_25 = arith.addf %squeeze3A_22, %add3A_24 : vector<1264x1xf32>
    %slice3A_26 = vector.extract_strided_slice %get3A_2 {offsets = [1, 0, 0], sizes = [1, 1264, 32], strides = [1, 1, 1]} : vector<2x1264x64xf32> to vector<1x1264x32xf32>
    %squeeze3A_27 = vector.shape_cast %slice3A_26 : vector<1x1264x32xf32> to vector<1264x32xf32>
    %div3A_28 = vector.broadcast %add3A_25 : vector<1264x1xf32> to vector<1264x32xf32>
    %div3A_29 = arith.divf %squeeze3A_27, %div3A_28 : vector<1264x32xf32>
    %slice3A_30 = vector.extract_strided_slice %get3A_6 {offsets = [1, 0, 1], sizes = [1, 1264, 1], strides = [1, 1, 1]} : vector<2x1264x2xf32> to vector<1x1264x1xf32>
    %squeeze3A_31 = vector.shape_cast %slice3A_30 : vector<1x1264x1xf32> to vector<1264x1xf32>
    %add3A_32 = arith.constant 9.99999993E-9 : f32
    %add3A_33 = vector.broadcast %add3A_32 : f32 to vector<1264x1xf32>
    %add3A_34 = arith.addf %squeeze3A_31, %add3A_33 : vector<1264x1xf32>
    %slice3A_35 = vector.extract_strided_slice %get3A_2 {offsets = [1, 0, 32], sizes = [1, 1264, 32], strides = [1, 1, 1]} : vector<2x1264x64xf32> to vector<1x1264x32xf32>
    %squeeze3A_36 = vector.shape_cast %slice3A_35 : vector<1x1264x32xf32> to vector<1264x32xf32>
    %div3A_37 = vector.broadcast %add3A_34 : vector<1264x1xf32> to vector<1264x32xf32>
    %div3A_38 = arith.divf %squeeze3A_36, %div3A_37 : vector<1264x32xf32>
    %concatenate3A = tpu.concatenate %div3A_11, %div3A_20, %div3A_29, %div3A_38 in 1 : vector<1264x32xf32>, vector<1264x32xf32>, vector<1264x32xf32>, vector<1264x32xf32> -> vector<1264x128xf32>
    %gt3A = arith.constant 0.000000e+00 : f32
    %gt3A_39 = vector.broadcast %gt3A : f32 to vector<1264x128xf32>
    %gt3A_40 = arith.cmpf ogt, %concatenate3A, %gt3A_39 : vector<1264x128xf32>
    %exp3A = math.exp %concatenate3A : vector<1264x128xf32>
    %sub3A = arith.constant 1.000000e+00 : f32
    %sub3A_41 = vector.broadcast %sub3A : f32 to vector<1264x128xf32>
    %sub3A_42 = arith.subf %exp3A, %sub3A_41 : vector<1264x128xf32>
    %select_n3A = arith.select %gt3A_40, %concatenate3A, %sub3A_42 : vector<1264x128xi1>, vector<1264x128xf32>
    %swap3A = arith.constant 0 : index
    %swap3A_43 = arith.constant 0 : index
    %swap3A_44 = vector.load %arg3[%swap3A, %swap3A_43] : memref<1264x128xf32, #tpu.memory_space<vmem>>, vector<1264x128xf32>
    tpu.vector_store %arg3[%swap3A, %swap3A_43], %select_n3A {strides = array<i32>} : memref<1264x128xf32, #tpu.memory_space<vmem>>, vector<1264x128xf32>,
    return
  }
  func.func @transform_0(%arg0: i32) -> (i32, i32, i32) {
    %c0_i32 = arith.constant 0 : i32
    %c0_i32_0 = arith.constant 0 : i32
    %c0_i32_1 = arith.constant 0 : i32
    return %c0_i32, %arg0, %c0_i32_0 : i32, i32, i32
  }
  func.func @transform_1(%arg0: i32) -> (i32, i32, i32) {
    %c0_i32 = arith.constant 0 : i32
    %c0_i32_0 = arith.constant 0 : i32
    %c0_i32_1 = arith.constant 0 : i32
    return %c0_i32, %arg0, %c0_i32_0 : i32, i32, i32
  }
  func.func @transform_2(%arg0: i32) -> (i32, i32) {
    %c0_i32 = arith.constant 0 : i32
    %c0_i32_0 = arith.constant 0 : i32
    return %arg0, %c0_i32 : i32, i32
  }
}

</mosaic_0001>

<sc_bundles>
// kernel: kernel.5.cloned.1.call-start
scs
__scs_entry_jumppad:
0x0: {  	(pc) =	sbr.rel $0x88, $3  }
0x1: {  	(tag) =	ssettag $0x0;
	lr =	simm.s32 $0x1  }
0x2: {  	[smem:$0x3F9D] =	sst lr;
	_ =	strace $0xD0000000  }
0x3: {  	_ = 	snop  }
0x4: {  	_ = 	snop  }
0x5: {  	_ = 	snop  }
0x6: {  	_ = 	snop  }
0x7: {  	_ = 	snop  }
__scs_overlays_trampoline_lowered:
0x8: {  	[smem:$0x3FAC] =	sst s0  }
0x9: {  	[smem:$0x3FAD] =	sst s1  }
0xa: {  	[smem:$0x3FAE] =	sst s2  }
0xb: {  	[smem:$0x3FAF] =	sst s3  }
0xc: {  	[smem:$0x3FB0] =	sst s4  }
0xd: {  	[smem:$0x3FB1] =	sst s5  }
0xe: {  	[smem:$0x3FB2] =	sst s6  }
0xf: {  	[smem:$0x3FB3] =	sst s7  }
0x10: {  	[smem:$0x3FB4] =	sst s8  }
0x11: {  	[smem:$0x3FB5] =	sst s9;
	s0 =	simm.s32 @!p0 $0x0  }
0x12: {  	s1 =	sld [smem:$0x3F9B];
	s0 =	simm.s32 @p0 $0x1  }
0x13: {  	[smem:$0x3FB6] =	sst s0;
	s0 =	simm.s32 @!p1 $0x0  }
0x14: {  	s2 =	sld [smem:$0x3F9A];
	s0 =	simm.s32 @p1 $0x1  }
0x15: {  	[smem:$0x3FB7] =	sst s0;
	s0 =	simm.s32 @!p2 $0x0  }
0x16: {  	s3 =	sld [smem:$0x3FDB];
	s0 =	simm.s32 @p2 $0x1  }
0x17: {  	s4 =	simm.s32 $0x1BF5;
	[smem:$0x3FB9] =	sst s0  }
0x18: {  	s0 =	sld [smem:$0x3F9C];
	_ =	swait.ge [sflag:s4], $0x0  }
0x19: {  	s7 =	sld [smem:$0x3F9D]  }
0x1a: {  	s8 =	sadd.s32 $0xFFFFE003, lr  }
0x1b: {  	s9 =	sadd.s32 $0xFFFFFEF7, lr;
	s5 =	simm.s32 $0xFFFFFFFF;
	p2 =	slt.u32 s8, $0xFFFFF086  }
0x1c: {  	p1 =	slt.u32 s9, $0xF7A;
	s5 =	simm.s32 @!p2 $0x0  }
0x1d: {  	s5 =	simm.s32 @p1 $0x1;
	p0 =	seq.s32 s7, s2  }
0x1e: {  	s7 =	smul.u32 @!p0 $0xF7A, s2;
	p2 =	seq.s32 @!p0 s5, $0x0  }
0x1f: {  	s9 =	smul.u32 $0xF7A, s1;
	s8 =	simm.s32 @!p0 $0x1BF5;
	p2 =	por !p2, p0  }
0x20: {  	[sflag:s8] =	ssyncset.s32 @!p0 $0xFFFFF086;
	s6 =	sadd.s32 @!p0 s3, s7;
	s7 =	simm.s32 @!p0 $0x108  }
0x21: {  	s3 =	sadd.s32 s3, s9;
	s6 =	sadd.s32 @!p0 $0x88, s6;
	s7 =	simm.s32 @p2 $0x1082  }
0x22: {  	[simem:s7], [sflag:s8] =	dma.local @!p0 [hbm:s6], $0xF7A  }
0x23: {  	s9 =	sor.u32 $0xD0000000, s2;
	s6 =	simm.s32 $0x108;
	_ =	swait.ge @!p0 [sflag:s8], $0x0  }
0x24: {  	s3 =	sadd.s32 $0x88, s3;
	s6 =	simm.s32 @!p1 $0x1082;
	[sflag:s4] =	ssyncset.s32 $0xFFFFF086  }
0x25: {  	[simem:s6], [sflag:s4] =	dma.local [hbm:s3], $0xF7A  }
0x26: {  	[smem:$0x3F9D] =	sst s1;
	(tag) =	ssettag s2;
	_ =	strace s9  }
0x27: {  	s1 =	sld [smem:$0x3FAD]  }
0x28: {  	s2 =	sld [smem:$0x3FAE]  }
0x29: {  	s4 =	sld [smem:$0x3FB0]  }
0x2a: {  	p0 =	seq.s32 s5, $0x0;
	s5 =	sld [smem:$0x3FB1]  }
0x2b: {  	s6 =	sld [smem:$0x3FB2]  }
0x2c: {  	s7 =	sld [smem:$0x3FB3]  }
0x2d: {  	s3 =	simm.s32 $0x108;
	s8 =	sld [smem:$0x3FB4]  }
0x2e: {  	s3 =	simm.s32 @!p0 $0x1082;
	s9 =	sld [smem:$0x3FB5]  }
0x2f: {  	lr =	sadd.s32 s0, s3;
	s0 =	sld [smem:$0x3FAC]  }
0x30: {  	s3 =	sld [smem:$0x3FAF]  }
0x31: {  	[smem:$0x3FB8] =	sst s10  }
0x32: {  	s10 =	sld [smem:$0x3FB6];
	_ =	sdelay $0x3  }
0x33: {  	p0 =	seq.s32 s10, $0x1;
	s10 =	sld [smem:$0x3FB8];
	_ =	sdelay $0x3  }
0x34: {  	[smem:$0x3FB8] =	sst s10  }
0x35: {  	s10 =	sld [smem:$0x3FB7];
	_ =	sdelay $0x3  }
0x36: {  	p1 =	seq.s32 s10, $0x1;
	s10 =	sld [smem:$0x3FB8];
	_ =	sdelay $0x3  }
0x37: {  	[smem:$0x3FB8] =	sst s10  }
0x38: {  	s10 =	sld [smem:$0x3FB9]  }
0x39: {  	_ = 	snop;
	(pc) =	sbr.ind lr, $3  }
0x3a: {  	_ = 	snop  }
0x3b: {  	_ = 	snop  }
0x3c: {  	p2 =	seq.s32 s10, $0x1;
	s10 =	sld [smem:$0x3FB8]  }
0x3d: {  	_ =	shalt  }
0x3e: {  	_ =	shalt  }
0x3f: {  	_ =	shalt  }
0x40: {  	_ =	shalt  }
0x41: {  	_ =	shalt  }
0x42: {  	_ =	shalt  }
0x43: {  	_ =	shalt  }
0x44: {  	_ =	shalt  }
0x45: {  	_ =	shalt  }
0x46: {  	_ =	shalt  }
0x47: {  	_ =	shalt  }
0x48: {  	_ =	shalt  }
0x49: {  	_ =	shalt  }
0x4a: {  	_ =	shalt  }
0x4b: {  	_ =	shalt  }
0x4c: {  	_ =	shalt  }
0x4d: {  	_ =	shalt  }
0x4e: {  	_ =	shalt  }
0x4f: {  	_ =	shalt  }
0x50: {  	_ =	shalt  }
0x51: {  	_ =	shalt  }
0x52: {  	_ =	shalt  }
0x53: {  	_ =	shalt  }
0x54: {  	_ =	shalt  }
0x55: {  	_ =	shalt  }
0x56: {  	_ =	shalt  }
0x57: {  	_ =	shalt  }
0x58: {  	_ =	shalt  }
0x59: {  	_ =	shalt  }
0x5a: {  	_ =	shalt  }
0x5b: {  	_ =	shalt  }
0x5c: {  	_ =	shalt  }
0x5d: {  	_ =	shalt  }
0x5e: {  	_ =	shalt  }
0x5f: {  	_ =	shalt  }
0x60: {  	_ =	shalt  }
0x61: {  	_ =	shalt  }
0x62: {  	_ =	shalt  }
0x63: {  	_ =	shalt  }
0x64: {  	_ =	shalt  }
0x65: {  	_ =	shalt  }
0x66: {  	_ =	shalt  }
0x67: {  	_ =	shalt  }
0x68: {  	_ =	shalt  }
0x69: {  	_ =	shalt  }
0x6a: {  	_ =	shalt  }
0x6b: {  	_ =	shalt  }
0x6c: {  	_ =	shalt  }
0x6d: {  	_ =	shalt  }
0x6e: {  	_ =	shalt  }
0x6f: {  	_ =	shalt  }
0x70: {  	_ =	shalt  }
0x71: {  	_ =	shalt  }
0x72: {  	_ =	shalt  }
0x73: {  	_ =	shalt  }
0x74: {  	_ =	shalt  }
0x75: {  	_ =	shalt  }
0x76: {  	_ =	shalt  }
0x77: {  	_ =	shalt  }
0x78: {  	_ =	shalt  }
0x79: {  	_ =	shalt  }
0x7a: {  	_ =	shalt  }
0x7b: {  	_ =	shalt  }
0x7c: {  	_ =	shalt  }
0x7d: {  	_ =	shalt  }
0x7e: {  	_ =	shalt  }
0x7f: {  	_ =	shalt  }
0x80: {  	_ =	shalt  }
0x81: {  	_ =	shalt  }
0x82: {  	_ =	shalt  }
0x83: {  	_ =	shalt  }
0x84: {  	_ =	shalt  }
0x85: {  	_ =	shalt  }
0x86: {  	_ =	shalt  }
0x87: {  	_ =	shalt  }
.Lfunc_end0:
.L_simem_size_0:
called_computation_lowered:
.L_overlay_start_0:
0x88: {  	s2 =	sld [smem:$0x3FD9]  }
0x89: {  	s3 =	sld [smem:$0x3FFE];
	_ =	sdelay $0x1  }
0x8a: {  	s1 =	srdreg.scid  }
0x8b: {  	s0 =	sand.u32 $0x1, s1  }
0x8c: {  	s17 =	sshll.u32 s0, $0xA;
	s2 =	sadd.s32 s3, s2  }
0x8d: {  	s2 =	sadd.s32 s2, s17  }
0x8e: {  	[smem:$0x3FC4] =	sst s2  }
0x8f: {  	_ = 	snop  }
0x90: {  	s2 =	sld [smem:$0x3FD0];
	(tm) =	ssettm $0x1  }
0x91: {  	s18 =	sld [smem:$0x3FFB];
	_ =	sdelay $0x3  }
0x92: {  	_ =	strace s18  }
0x93: {  	s3 =	sld [smem:$0x3FFC];
	_ =	sdelay $0x3  }
0x94: {  	_ =	strace s3  }
0x95: {  	s3 =	sld [smem:$0x3FFD];
	_ =	sdelay $0x3  }
0x96: {  	_ =	strace s3  }
0x97: {  	_ =	strace $0x8FFFFFFF  }
0x98: {  	s19 =	sld [smem:$0x3FDB];
	_ =	sdelay $0x1  }
0x99: {  	s4 =	simm.s32 $_scs_section_size  }
0x9a: {  	s5 =	simm.s32 $_size__tile_overlayer_lowered;
	s6 =	simm.s32 $_tile_overlayer_lowered  }
0x9b: {  	s22 =	simm.s32 $0x1BFF;
	s21 =	sshll.u32 s6, $0x1;
	s3 =	sadd.s32 s4, s19  }
0x9c: {  	s7 =	simm.s32 $0x0;
	s20 =	sshll.u32 s5, $0x1;
	s5 =	sadd.s32 s21, s3  }
0x9d: {  	[timem:s7], [sflag:s22] =	dma.local [hbm:s5], s20  }
0x9e: {  	_ =	swait.ge [sflag:s22], s20  }
0x9f: {  	s4 =	ssub.s32 $0x0, s20;
	[sflag:s22] =	ssyncset.done $0x0  }
0xa0: {  	[sflag:s22] =	ssyncadd.s32 s4;
	_ =	sdelay $0x1  }
0xa1: {  	s23 =	simm.s32 $0x1B8B  }
0xa2: {  	_ =	swait.ge [sflag:s23], $0x1  }
0xa3: {  	[sflag:s23] =	ssyncset.done $0x0  }
0xa4: {  	s25 =	simm.s32 $0x1B8E;
	s24 =	sld [smem:$0x3FFE];
	[sflag:s23] =	ssyncadd.s32 $0xFFFFFFFF  }
0xa5: {  	s26 =	simm.s32 $execute0_lowered;
	[smem:$0x3FD2] =	sst s25  }
0xa6: {  	s5 =	sshll.u32 s26, $0x1;
	_ =	strace $0x80000046;
	[dreg:$0x1] =	wrdreg $0xFFFFFFFF  }
0xa7: {  	s28 =	simm.s32 $_size_execute0_lowered;
	s3 =	sadd.s32 s3, s5;
	[dreg:$0x0] =	wrdreg $0x0  }
0xa8: {  	s5 =	sshll.u32 s28, $0x1;
	[dreg:$0x2] =	wrdreg s3  }
0xa9: {  	[dreg:$0x3] =	wrdreg s5  }
0xaa: {  	[dreg:$0x4] =	wrdreg $0xC0  }
0xab: {  	_ =	task [dreg:s7], $0x5FFFF  }
0xac: {  	[dreg:$0x1] =	wrdreg $0xFFFFFFFF  }
0xad: {  	[dreg:$0x0] =	wrdreg $0x60  }
0xae: {  	[dreg:$0x2] =	wrdreg s24  }
0xaf: {  	[dreg:$0x3] =	wrdreg s2  }
0xb0: {  	[dreg:$0x4] =	wrdreg $0xFE100  }
0xb1: {  	[dreg:$0x5] =	wrdreg $0x19C100  }
0xb2: {  	[dreg:$0x6] =	wrdreg $0x9  }
0xb3: {  	_ =	task.clear_ibuf [dreg:s7], $0x7FFFF;
	_ =	strace $0x90000046  }
0xb4: {  	s29 =	simm.s32 $0x9;
	_ =	strace $0x80000048  }
0xb5: {  	_ =	swait.ge [sflag:s29], $0x1  }
0xb6: {  	[sflag:s29] =	ssyncadd.s32 $0xFFFFFFFF  }
0xb7: {  	_ =	strace $0x90000048  }
0xb8: {  	_ =	sfence  }
0xb9: {  	s30 =	sld [smem:$0x0];
	_ =	sdelay $0x2  }
0xba: {  	s31 =	sshll.u32 s1, $0xD;
	s1 =	sshrl.u32 s1, $0x2  }
0xbb: {  	s3 =	sand.u32 $0x4000, s31;
	s1 =	sadd.s32 s1, s30  }
0xbc: {  	s0 =	sor.u32 s3, s0;
	s1 =	sshll.u32 s1, $0x11  }
0xbd: {  	s0 =	sor.u32 s1, s0  }
0xbe: {  	s0 =	sadd.s32 $0x8F2B, s0  }
0xbf: {  	[sflag:s0] =	ssyncadd.remote.s32 $0x1  }
0xc0: {  	_ =	sfence.sel $0xFFFF  }
0xc1: {  	[dreg:$0x0] =	wrdreg $0xFFFFFFFF;
	(pc) =	sbr.abs _section_cstart, $3  }
0xc2: {  	[dreg:$0x1] =	wrdreg $0xFFFFFFFF  }
0xc3: {  	_ =	task.clear_ibuf [dreg:s7], $0x2FFFF;
	_ =	strace $0x9FFFFFFF  }
0xc4: {  	(tm) =	ssettm $0x7FFFFFFF  }
0xc5: {  	_ =	shalt  }
tec
execute0_lowered:
.L_overlay_start_1:
0x0: {  	(tag) =	ssettag $0x1  }
0x1: {  	s0 =	rddreg [dreg:$0x0]  }
0x2: {  	s1 =	rddreg [dreg:$0x1]  }
0x3: {  	s2 =	rddreg [dreg:$0x2];
	s20 =	stileid.u32  }
0x4: {  	s4 =	srdreg.scid;
	s7 =	smul.u32 $0x9E00, s20  }
0x5: {  	s3 =	simm.s32 $0x0;
	s5 =	sand.u32 $0x1, s4;
	s8 =	smul.u32 $0x4F0, s20  }
0x6: {  	[smem:$0x7FF] =	sst s3;
	s6 =	smul.u32 $0x9E000, s5  }
0x7: {  	s4 =	sadd.s32 $0x1E600, s0;
	s9 =	ssub.s32 $0x2, s5;
	s11 =	smul.u32 $0x4F00, s5  }
0x8: {  	s10 =	sadd.s32 $0x8C00, s7;
	s12 =	sshrl.u32 s9, $0x1;
	s14 =	sadd.s32 $0x2800, s7  }
0x9: {  	s17 =	sadd.s32 $0x3C00, s7;
	s18 =	sadd.s32 $0x6400, s7;
	s13 =	sadd.s32 s6, s10  }
0xa: {  	s9 =	ssub.s32 s9, s12;
	s21 =	sadd.s32 s6, s7;
	s15 =	sadd.s32 s6, s14  }
0xb: {  	s25 =	sadd.s32 s6, s17;
	s16 =	sadd.s32 s6, s18;
	s19 =	sshrl.u32 s13, $0x3  }
0xc: {  	s22 =	sshrl.u32 s21, $0x3;
	s13 =	sadd.s32 $0x1400, s7;
	s12 =	sadd.s32 s4, s19  }
0xd: {  	s23 =	sadd.s32 s6, s13;
	[dreg:$0x5] =	wrdreg s12;
	s12 =	sadd.s32 s4, s22  }
0xe: {  	s24 =	sshrl.u32 s15, $0x3;
	[dreg:$0x6] =	wrdreg s12;
	s12 =	sshrl.u32 s23, $0x3  }
0xf: {  	s26 =	sshrl.u32 s25, $0x3;
	s15 =	sadd.s32 $0x5000, s7;
	s12 =	sadd.s32 s4, s12  }
0x10: {  	s30 =	sadd.s32 s6, s15;
	[dreg:$0x7] =	wrdreg s12;
	s12 =	sadd.s32 s4, s24  }
0x11: {  	s19 =	sadd.s32 $0x7800, s7;
	[dreg:$0x8] =	wrdreg s12;
	s12 =	sadd.s32 s4, s26  }
0x12: {  	s6 =	sadd.s32 s6, s19;
	[dreg:$0x9] =	wrdreg s12;
	s12 =	sshrl.u32 s30, $0x3  }
0x13: {  	s31 =	sshrl.u32 s16, $0x3;
	s6 =	sshrl.u32 s6, $0x3;
	s12 =	sadd.s32 s4, s12  }
0x14: {  	[dreg:$0xa] =	wrdreg s12;
	s12 =	sadd.s32 s4, s31;
	s4 =	sadd.s32 s4, s6  }
0x15: {  	s6 =	sadd.s32 s8, s11;
	s11 =	smul.u32 $0x27800, s20;
	[dreg:$0xb] =	wrdreg s12  }
0x16: {  	s20 =	smul.u32 $0x4E20, s20;
	s12 =	rddreg [dreg:$0x3]  }
0x17: {  	[dreg:$0xc] =	wrdreg s4  }
0x18: {  	s21 =	sadd.s32 $0xAA00, s0;
	_ =	strace $0x80000047;
	[dreg:$0xf] =	wrdreg s20  }
0x19: {  	s22 =	sadd.s32 $0xC00, s0;
	[dreg:$0xd] =	wrdreg s21  }
0x1a: {  	s13 =	sadd.s32 s13, s2;
	[dreg:$0xe] =	wrdreg s22  }
0x1b: {  	s14 =	sadd.s32 s14, s2;
	[dreg:$0x18] =	wrdreg s13  }
0x1c: {  	s28 =	simm.s32 $0xF690;
	s17 =	sadd.s32 s17, s2;
	[dreg:$0x19] =	wrdreg s14  }
0x1d: {  	s29 =	simm.s32 $0xF780;
	s10 =	sadd.s32 s10, s2;
	[dreg:$0x1a] =	wrdreg s17  }
0x1e: {  	s16 =	sadd.s32 $0x14800, s0;
	s25 =	sadd.s32 s8, s12;
	[dreg:$0x11] =	wrdreg s10  }
0x1f: {  	s4 =	sshrl.u32 s6, $0x3;
	s8 =	sadd.s32 s7, s2;
	[dreg:$0x12] =	wrdreg s25  }
0x20: {  	s24 =	sshrl.u32 s11, $0x2;
	s11 =	smax.u32 s9, $0x1;
	[dreg:$0x16] =	wrdreg s8  }
0x21: {  	s26 =	sshrl.u32 s20, $0x3;
	s20 =	sadd.s32 s15, s2;
	[dreg:$0x17] =	wrdreg s11  }
0x22: {  	s6 =	sshll.u32 s5, $0x1;
	s30 =	sadd.s32 s21, s26;
	[dreg:$0x1b] =	wrdreg s20  }
0x23: {  	s23 =	sadd.s32 s4, s0;
	s0 =	sadd.s32 s22, s26;
	[dreg:$0x13] =	wrdreg s30  }
0x24: {  	s4 =	smul.u32 $0x2710, s5;
	s31 =	sadd.s32 $0x45E00, s23;
	[dreg:$0x14] =	wrdreg s0  }
0x25: {  	s9 =	simm.s32 $0x17;
	s21 =	sadd.s32 s18, s2;
	[dreg:$0x15] =	wrdreg s31  }
0x26: {  	s13 =	simm.s32 $0x50;
	s22 =	sadd.s32 s19, s2;
	[dreg:$0x1c] =	wrdreg s21  }
0x27: {  	v1 =	vmov s6;
	s6 =	simm.s32 $0x0;
	s5 =	sadd.s32 s24, s2;
	[dreg:$0x1d] =	wrdreg s22  }
0x28: {  	s11 =	simm.s32 $0xBE00;
	s23 =	sadd.s32 $0x1400, s5;
	[dreg:$0x10] =	wrdreg s5  }
0x29: {  	s8 =	simm.s32 $0xF730;
	s24 =	sadd.s32 $0x2800, s5;
	[dreg:$0x1e] =	wrdreg s23  }
0x2a: {  	s25 =	sadd.s32 $0x3C00, s5;
	s26 =	sadd.s32 $0x5000, s5;
	[dreg:$0x1f] =	wrdreg s24  }
0x2b: {  	s30 =	sadd.s32 $0x6400, s5;
	s31 =	sadd.s32 $0x7800, s5;
	[smem:$0x7FA] =	sst s25  }
0x2c: {  	v5 =	vimm.f32 $0.0e+00;
	s21 =	simm.s32 $0x9;
	s22 =	simm.s32 $0xA;
	[smem:$0x7FB] =	sst s26  }
0x2d: {  	v6 =	vimm.s32 $0x0;
	v7 =	vlaneseq.u32;
	v2 =	vor.u32 $0x4, v1;
	s0 =	simm.s32 $0xF6E0;
	s5 =	simm.s32 $0x6400;
	[smem:$0x7FC] =	sst s30  }
0x2e: {  	v3 =	vor.u32 $0x1, v1;
	v4 =	vor.u32 $0x5, v1;
	v0 =	vmov s4;
	[smem:$0x7FD] =	sst s31;
	s24 =	simm.s32 $0x8C00;
	s26 =	simm.s32 $0xA500  }
.LBB2_1:
0x2f: {  	[smem:$0x7F9] =	sst s6;
	s4 =	simm.s32 $0x0  }
.LBB2_2:
0x30: {  	p0 =	sne.s32 s4, $0x63C0  }
.Ltmp0:
0x31: {  	_ = 	snop;
	(pc) =	sbr.rel @p0 .LBB2_2-.Ltmp0, $4  }
0x32: {  	_ = 	snop  }
0x33: {  	s6 =	sshra.s32 s4, $0x2  }
0x34: {  	[tilespmem:s6+$0xBE00] =	vst v5  }
0x35: {  	s4 =	sadd.s32 $0x40, s4;
	[tilespmem:s6+$0xD700] =	vst v5  }
0x36: {  	s6 =	simm.s32 $0x100;
	s4 =	simm.s32 $0x0  }
.LBB2_4:
0x37: {  	p0 =	sne.s32 s6, $0x4F00;
	[tilespmem:s4+$0x30] =	vst v5;
	s7 =	smov.u32 s6;
	s6 =	sadd.s32 $0x100, s6  }
.Ltmp1:
0x38: {  	[tilespmem:s4+$0x20] =	vst v5;
	(pc) =	sbr.rel @p0 .LBB2_4-.Ltmp1, $3  }
0x39: {  	[tilespmem:s4+$0x0] =	vst v5  }
0x3a: {  	[tilespmem:s4+$0x10] =	vst v5;
	_ =	sdelay $0x1  }
0x3b: {  	s4 =	sshra.s32 s7, $0x2  }
0x3c: {  	[tilespmem:s4+$0x30] =	vst v5  }
0x3d: {  	[tilespmem:s4+$0x20] =	vst v5  }
0x3e: {  	[tilespmem:s4+$0x0] =	vst v5  }
0x3f: {  	[tilespmem:s4+$0x10] =	vst v5;
	s6 =	simm.s32 $0x0;
	s18 =	rddreg [dreg:$0x10]  }
0x40: {  	[spmem:s18] =	stream.linear.scatter [tilespmem:s6], [sflag:$0x17], $0x1400, $0x38;
	[tilespmem:$0x1A100] =	vst v63  }
0x41: {  	_ =	swait.ge [sflag:s9], $0x1400  }
0x42: {  	[sflag:s9] =	ssyncset.done $0x0  }
0x43: {  	s19 =	rddreg [dreg:$0x1e];
	[sflag:s9] =	ssyncadd.s32 $0xFFFFEC00  }
0x44: {  	[spmem:s19] =	stream.linear.scatter [tilespmem:s6], [sflag:$0x17], $0x1400, $0x38;
	[tilespmem:$0x1A100] =	vst v63  }
0x45: {  	_ =	swait.ge [sflag:s9], $0x1400  }
0x46: {  	[sflag:s9] =	ssyncset.done $0x0  }
0x47: {  	s20 =	rddreg [dreg:$0x1f];
	[sflag:s9] =	ssyncadd.s32 $0xFFFFEC00  }
0x48: {  	[spmem:s20] =	stream.linear.scatter [tilespmem:s6], [sflag:$0x17], $0x1400, $0x38;
	[tilespmem:$0x1A100] =	vst v63  }
0x49: {  	_ =	swait.ge [sflag:s9], $0x1400  }
0x4a: {  	s23 =	sld [smem:$0x7FA]  }
0x4b: {  	[sflag:s9] =	ssyncset.done $0x0  }
0x4c: {  	[sflag:s9] =	ssyncadd.s32 $0xFFFFEC00  }
0x4d: {  	[spmem:s23] =	stream.linear.scatter [tilespmem:s6], [sflag:$0x17], $0x1400, $0x38;
	[tilespmem:$0x1A100] =	vst v63  }
0x4e: {  	_ =	swait.ge [sflag:s9], $0x1400  }
0x4f: {  	s25 =	sld [smem:$0x7FB]  }
0x50: {  	[sflag:s9] =	ssyncset.done $0x0  }
0x51: {  	[sflag:s9] =	ssyncadd.s32 $0xFFFFEC00  }
0x52: {  	[spmem:s25] =	stream.linear.scatter [tilespmem:s6], [sflag:$0x17], $0x1400, $0x38;
	[tilespmem:$0x1A100] =	vst v63  }
0x53: {  	_ =	swait.ge [sflag:s9], $0x1400  }
0x54: {  	s30 =	sld [smem:$0x7FC]  }
0x55: {  	[sflag:s9] =	ssyncset.done $0x0  }
0x56: {  	[sflag:s9] =	ssyncadd.s32 $0xFFFFEC00  }
0x57: {  	[spmem:s30] =	stream.linear.scatter [tilespmem:s6], [sflag:$0x17], $0x1400, $0x38;
	[tilespmem:$0x1A100] =	vst v63  }
0x58: {  	_ =	swait.ge [sflag:s9], $0x1400  }
0x59: {  	s31 =	sld [smem:$0x7FD]  }
0x5a: {  	[sflag:s9] =	ssyncset.done $0x0  }
0x5b: {  	[sflag:s9] =	ssyncadd.s32 $0xFFFFEC00  }
0x5c: {  	[spmem:s31] =	stream.linear.scatter [tilespmem:s6], [sflag:$0x17], $0x1400, $0x38;
	[tilespmem:$0x1A100] =	vst v63  }
0x5d: {  	_ =	swait.ge [sflag:s9], $0x1400  }
0x5e: {  	[sflag:s9] =	ssyncset.done $0x0  }
0x5f: {  	[sflag:s9] =	ssyncadd.s32 $0xFFFFEC00  }
0x60: {  	[spmem:s10] =	stream.linear.scatter [tilespmem:s6], [sflag:$0x17], $0x1200, $0x38;
	[tilespmem:$0x1A100] =	vst v63  }
0x61: {  	_ =	swait.ge [sflag:s9], $0x1200  }
0x62: {  	[sflag:s9] =	ssyncset.done $0x0  }
0x63: {  	s7 =	rddreg [dreg:$0x12];
	[sflag:s9] =	ssyncadd.s32 $0xFFFFEE00  }
0x64: {  	[spmem:s7] =	stream.linear.scatter [tilespmem:s11], [sflag:$0x17], $0x4F0, $0x38;
	[tilespmem:$0x1A100] =	vst v63  }
0x65: {  	_ =	swait.ge [sflag:s9], $0x4F0  }
0x66: {  	[sflag:s9] =	ssyncset.done $0x0  }
0x67: {  	[sflag:s9] =	ssyncadd.s32 $0xFFFFFB10  }
0x68: {  	[tilespmem:$0xF960] =	vst v6  }
0x69: {  	[tilespmem:$0xFAF0] =	vst v6  }
0x6a: {  	[tilespmem:$0xFC80] =	vst v6  }
0x6b: {  	[tilespmem:$0xF9B0] =	vst v6  }
0x6c: {  	[tilespmem:$0xFB40] =	vst v6  }
0x6d: {  	[tilespmem:$0xFCD0] =	vst v6  }
0x6e: {  	[tilespmem:$0xFA00] =	vst v6  }
0x6f: {  	[tilespmem:$0xFB90] =	vst v6  }
0x70: {  	[tilespmem:$0xFD20] =	vst v6  }
0x71: {  	[tilespmem:$0xFA50] =	vst v6  }
0x72: {  	[tilespmem:$0xFBE0] =	vst v6  }
0x73: {  	[tilespmem:$0xFD70] =	vst v6  }
0x74: {  	[tilespmem:$0xFAA0] =	vst v6  }
0x75: {  	[tilespmem:$0xFC30] =	vst v6  }
0x76: {  	[tilespmem:$0xFDC0] =	vst v6  }
0x77: {  	[tilespmem:$0xF970] =	vst v6  }
0x78: {  	[tilespmem:$0xFB00] =	vst v6  }
0x79: {  	[tilespmem:$0xFC90] =	vst v6  }
0x7a: {  	[tilespmem:$0xF9C0] =	vst v6  }
0x7b: {  	[tilespmem:$0xFB50] =	vst v6  }
0x7c: {  	[tilespmem:$0xFCE0] =	vst v6  }
0x7d: {  	[tilespmem:$0xFA10] =	vst v6  }
0x7e: {  	[tilespmem:$0xFBA0] =	vst v6  }
0x7f: {  	[tilespmem:$0xFD30] =	vst v6  }
0x80: {  	[tilespmem:$0xFA60] =	vst v6  }
0x81: {  	[tilespmem:$0xFBF0] =	vst v6  }
0x82: {  	[tilespmem:$0xFD80] =	vst v6  }
0x83: {  	[tilespmem:$0xFAB0] =	vst v6  }
0x84: {  	[tilespmem:$0xFC40] =	vst v6  }
0x85: {  	[tilespmem:$0xFDD0] =	vst v6  }
0x86: {  	[tilespmem:$0xF980] =	vst v6  }
0x87: {  	[tilespmem:$0xFB10] =	vst v6  }
0x88: {  	[tilespmem:$0xFCA0] =	vst v6  }
0x89: {  	[tilespmem:$0xF9D0] =	vst v6  }
0x8a: {  	[tilespmem:$0xFB60] =	vst v6  }
0x8b: {  	[tilespmem:$0xFCF0] =	vst v6  }
0x8c: {  	[tilespmem:$0xFA20] =	vst v6  }
0x8d: {  	[tilespmem:$0xFBB0] =	vst v6  }
0x8e: {  	[tilespmem:$0xFD40] =	vst v6  }
0x8f: {  	[tilespmem:$0xFA70] =	vst v6  }
0x90: {  	[tilespmem:$0xFC00] =	vst v6  }
0x91: {  	[tilespmem:$0xFD90] =	vst v6  }
0x92: {  	[tilespmem:$0xFAC0] =	vst v6  }
0x93: {  	[tilespmem:$0xFC50] =	vst v6  }
0x94: {  	[tilespmem:$0xFDE0] =	vst v6  }
0x95: {  	[tilespmem:$0xF990] =	vst v6  }
0x96: {  	[tilespmem:$0xFB20] =	vst v6  }
0x97: {  	[tilespmem:$0xFCB0] =	vst v6  }
0x98: {  	[tilespmem:$0xF9E0] =	vst v6  }
0x99: {  	[tilespmem:$0xFB70] =	vst v6  }
0x9a: {  	[tilespmem:$0xFD00] =	vst v6  }
0x9b: {  	[tilespmem:$0xFA30] =	vst v6  }
0x9c: {  	[tilespmem:$0xFBC0] =	vst v6  }
0x9d: {  	[tilespmem:$0xFD50] =	vst v6  }
0x9e: {  	[tilespmem:$0xFA80] =	vst v6  }
0x9f: {  	[tilespmem:$0xFC10] =	vst v6  }
0xa0: {  	[tilespmem:$0xFDA0] =	vst v6  }
0xa1: {  	[tilespmem:$0xFAD0] =	vst v6  }
0xa2: {  	[tilespmem:$0xFC60] =	vst v6  }
0xa3: {  	[tilespmem:$0xFDF0] =	vst v6  }
0xa4: {  	[tilespmem:$0xF9A0] =	vst v6  }
0xa5: {  	[tilespmem:$0xFB30] =	vst v6  }
0xa6: {  	[tilespmem:$0xFCC0] =	vst v6  }
0xa7: {  	[tilespmem:$0xF9F0] =	vst v6  }
0xa8: {  	[tilespmem:$0xFB80] =	vst v6  }
0xa9: {  	[tilespmem:$0xFD10] =	vst v6  }
0xaa: {  	[tilespmem:$0xFA40] =	vst v6  }
0xab: {  	[tilespmem:$0xFBD0] =	vst v6  }
0xac: {  	[tilespmem:$0xFD60] =	vst v6  }
0xad: {  	[tilespmem:$0xFA90] =	vst v6  }
0xae: {  	[tilespmem:$0xFC20] =	vst v6  }
0xaf: {  	[tilespmem:$0xFDB0] =	vst v6  }
0xb0: {  	[tilespmem:$0xFAE0] =	vst v6  }
0xb1: {  	[tilespmem:$0xFC70] =	vst v6  }
0xb2: {  	s10 =	simm.s32 $0xF960;
	[tilespmem:$0xFE00] =	vst v6  }
0xb3: {  	[spmem:s2] =	stream.indirect.scatter.add.f32 [tilespmem:s6], [sflag:$0x9], $0x40, s10, s13, $0xb8;
	[tilespmem:$0x1A100] =	vst v63  }
0xb4: {  	_ = 	snop  }
0xb5: {  	[spmem:s2] =	stream.indirect.scatter.add.f32 [tilespmem:s6], [sflag:$0xA], $0x40, s10, s13, $0xb8;
	[tilespmem:$0x1A100] =	vst v63  }
0xb6: {  	s14 =	simm.s32 $0xFAF0  }
0xb7: {  	[spmem:s12] =	stream.indirect.scatter.add.f32 [tilespmem:s11], [sflag:$0xB], $0x10, s14, s13, $0xb8;
	[tilespmem:$0x1A100] =	vst v63  }
0xb8: {  	s15 =	simm.s32 $0xFB40;
	s7 =	simm.s32 $0xC300  }
0xb9: {  	[spmem:s12] =	stream.indirect.scatter.add.f32 [tilespmem:s7], [sflag:$0xC], $0x10, s15, s13, $0xb8;
	[tilespmem:$0x1A100] =	vst v63  }
0xba: {  	s17 =	simm.s32 $0xFB90;
	s18 =	simm.s32 $0xC800  }
0xbb: {  	[spmem:s12] =	stream.indirect.scatter.add.f32 [tilespmem:s18], [sflag:$0xD], $0x10, s17, s13, $0xb8;
	[tilespmem:$0x1A100] =	vst v63  }
0xbc: {  	s19 =	simm.s32 $0xFBE0;
	s20 =	simm.s32 $0xCD00  }
0xbd: {  	[spmem:s12] =	stream.indirect.scatter.add.f32 [tilespmem:s20], [sflag:$0xE], $0x10, s19, s13, $0xb8;
	[tilespmem:$0x1A100] =	vst v63  }
0xbe: {  	s23 =	simm.s32 $0xFC30;
	s25 =	simm.s32 $0xD200  }
0xbf: {  	[spmem:s12] =	stream.indirect.scatter.add.f32 [tilespmem:s25], [sflag:$0xF], $0x10, s23, s13, $0xb8;
	[tilespmem:$0x1A100] =	vst v63  }
0xc0: {  	s30 =	simm.s32 $0xFC80;
	s31 =	simm.s32 $0xD700  }
0xc1: {  	[spmem:s12] =	stream.indirect.scatter.add.f32 [tilespmem:s31], [sflag:$0x10], $0x10, s30, s13, $0xb8;
	[tilespmem:$0x1A100] =	vst v63  }
0xc2: {  	s10 =	simm.s32 $0xDC00;
	s7 =	simm.s32 $0xFCD0  }
0xc3: {  	[spmem:s12] =	stream.indirect.scatter.add.f32 [tilespmem:s10], [sflag:$0x11], $0x10, s7, s13, $0xb8;
	[tilespmem:$0x1A100] =	vst v63  }
0xc4: {  	s14 =	simm.s32 $0xFD20;
	s15 =	simm.s32 $0xE100  }
0xc5: {  	[spmem:s12] =	stream.indirect.scatter.add.f32 [tilespmem:s15], [sflag:$0x12], $0x10, s14, s13, $0xb8;
	[tilespmem:$0x1A100] =	vst v63  }
0xc6: {  	s17 =	simm.s32 $0xFD70;
	s18 =	simm.s32 $0xE600  }
0xc7: {  	[spmem:s12] =	stream.indirect.scatter.add.f32 [tilespmem:s18], [sflag:$0x13], $0x10, s17, s13, $0xb8;
	[tilespmem:$0x1A100] =	vst v63  }
0xc8: {  	s19 =	simm.s32 $0xFDC0;
	s20 =	simm.s32 $0xEB00  }
0xc9: {  	[spmem:s12] =	stream.indirect.scatter.add.f32 [tilespmem:s20], [sflag:$0x14], $0x10, s19, s13, $0xb8;
	[tilespmem:$0x1A100] =	vst v63  }
0xca: {  	s23 =	rddreg [dreg:$0x13];
	s25 =	simm.s32 $0xF000  }
0xcb: {  	[tilespmem:s25], [sflag:$0x15] =	stream.linear.gather [hbm4b:s23+s6], $0x190, $0x38;
	[tilespmem:$0x1A100] =	vst v63  }
0xcc: {  	s30 =	rddreg [dreg:$0x14];
	s31 =	simm.s32 $0xF320  }
0xcd: {  	[tilespmem:s31], [sflag:$0x15] =	stream.linear.gather [hbm4b:s30+s6], $0x190, $0x38;
	[tilespmem:$0x1A100] =	vst v63  }
0xce: {  	p0 =	por $0x0, $0x0;
	s7 =	simm.s32 $0x0;
	[bflag:$0x0] =	sbarrier.arrive $0xFFFF  }
.LBB2_7:
0xcf: {  	s4 =	sand.u32 $0x1, s7  }
0xd0: {  	s10 =	sadd.s32 $0x15, s4  }
0xd1: {  	s7 =	sadd.s32 $0x1, s7;
	_ =	swait.ge [sflag:s10], $0x190  }
0xd2: {  	s14 =	smin.u32 s7, $0x31;
	[sflag:s10] =	ssyncset.done $0x0  }
0xd3: {  	s15 =	sxor.u32 $0x1, s4;
	s14 =	smul.u32 $0x190, s14;
	[sflag:s10] =	ssyncadd.s32 $0xFFFFFE70  }
0xd4: {  	s17 =	smul.u32 $0x190, s15;
	_ =	swait.ge [sflag:s10], $0x190  }
0xd5: {  	s18 =	rddreg [dreg:$0xf]  }
0xd6: {  	s20 =	sadd.s32 $0x15, s15;
	s23 =	sor.u32 $0xF000, s17;
	s14 =	sadd.s32 s18, s14  }
0xd7: {  	[sflag:s10] =	ssyncset.done $0x0;
	s25 =	rddreg [dreg:$0xd];
	s19 =	sshrl.u32 s14, $0x3  }
0xd8: {  	s31 =	rddreg [dreg:$0xe];
	[sflag:s10] =	ssyncadd.s32 $0xFFFFFE70;
	s18 =	sadd.s32 s25, s19  }
0xd9: {  	[tilespmem:s23], [sflag:s20] =	stream.linear.gather [hbm4b:s18+s6], $0x190, $0x38;
	[tilespmem:$0x1A100] =	vst v63  }
0xda: {  	s30 =	sadd.s32 $0xF320, s17;
	s10 =	sadd.s32 s31, s19;
	s18 =	smul.u32 $0x14, s4  }
0xdb: {  	[tilespmem:s30], [sflag:s20] =	stream.linear.gather [hbm4b:s10+s6], $0x190, $0x38;
	[tilespmem:$0x1A100] =	vst v63  }
0xdc: {  	s19 =	sshrl.u32 s18, $0x2  }
0xdd: {  	s18 =	sadd.s32 $0xB, s19  }
0xde: {  	_ =	swait.ge [sflag:s18], $0x500  }
0xdf: {  	[sflag:s18] =	ssyncset.done $0x0  }
0xe0: {  	s20 =	sadd.s32 $0xC, s19;
	[sflag:s18] =	ssyncadd.s32 $0xFFFFFB00  }
0xe1: {  	_ =	swait.ge [sflag:s20], $0x500  }
0xe2: {  	[sflag:s20] =	ssyncset.done $0x0  }
0xe3: {  	s23 =	sadd.s32 $0xD, s19;
	[sflag:s20] =	ssyncadd.s32 $0xFFFFFB00  }
0xe4: {  	_ =	swait.ge [sflag:s23], $0x500  }
0xe5: {  	[sflag:s23] =	ssyncset.done $0x0  }
0xe6: {  	[sflag:s23] =	ssyncadd.s32 $0xFFFFFB00  }
0xe7: {  	s15 =	simm.s32 $0x1;
	_ =	swait.ge [sflag:s21], $0x1400  }
0xe8: {  	s15 =	simm.s32 @!p0 $0x0;
	[sflag:s21] =	ssyncset.done $0x0  }
0xe9: {  	s30 =	smul.u32 $0x640, s15;
	s25 =	sadd.s32 $0xE, s19;
	[sflag:s21] =	ssyncadd.s32 $0xFFFFEC00  }
0xea: {  	s15 =	smul.u32 $0x6400, s15;
	_ =	swait.ge [sflag:s25], $0x500  }
0xeb: {  	[sflag:s25] =	ssyncset.done $0x0  }
0xec: {  	s15 =	sshrl.u32 s15, $0x2;
	[sflag:s25] =	ssyncadd.s32 $0xFFFFFB00  }
0xed: {  	s15 =	sadd.s32 $0xBE00, s15;
	_ =	swait.ge [sflag:s22], $0x1400  }
0xee: {  	s31 =	smul.u32 $0x6400, s4;
	v8 =	vmov s15;
	[sflag:s22] =	ssyncset.done $0x0  }
0xef: {  	s10 =	sadd.s32 $0xF, s19;
	[sflag:s22] =	ssyncadd.s32 $0xFFFFEC00  }
0xf0: {  	s17 =	sshrl.u32 s31, $0x2;
	s14 =	sshrl.u32 s30, $0x2;
	_ =	swait.ge [sflag:s10], $0x500  }
0xf1: {  	s19 =	sadd.s32 $0xF320, s14;
	s14 =	simm.s32 $0x0;
	[sflag:s10] =	ssyncset.done $0x0  }
0xf2: {  	s20 =	sadd.s32 $0xBE00, s17;
	[sflag:s10] =	ssyncadd.s32 $0xFFFFFB00;
	s10 =	simm.s32 $0x40  }
.LBB2_8:
0xf3: {  	p1 =	seq.s32 s10, $0x63C0;
	[tilespmem:v8+s14+$0x0 ss:$0x1] =	vst.idx.msk $0xffff, v5;
	s14 =	smov.u32 s10;
	s10 =	sadd.s32 $0x40, s10  }
.Ltmp2:
0xf4: {  	(pc) =	sbr.rel @!p1 .LBB2_8-.Ltmp2, $2  }
0xf5: {  	_ =	sdelay $0x2  }
0xf6: {  	s14 =	sshra.s32 s14, $0x2  }
0xf7: {  	s10 =	simm.s32 $0x0  }
0xf8: {  	s10 =	smul.u32 $0xCD, s10;
	_ =	sdelay $0x1  }
0xf9: {  	s23 =	smul.u32 $0x190, s4;
	s10 =	sshrl.u32 s10, $0xA  }
0xfa: {  	s25 =	smul.u32 $0x5, s10  }
0xfb: {  	v9 =	vmov s23  }
0xfc: {  	[tilespmem:v8+s14+$0x0 ss:$0x1] =	vst.idx.msk $0xffff, v5;
	s10 =	sand.u32 $0x3F, s10;
	s14 =	ssub.s32 $0x0, s25  }
0xfd: {  	s10 =	smul.u32 $0x50, s10;
	s14 =	sshll.u32 s14, $0x4  }
0xfe: {  	s14 =	sand.u32 $0xF0, s14  }
0xff: {  	s10 =	sadd.s32 s14, s10  }
0x100: {  	v10 =	vld.idx.msk [tilespmem:v9+s10+$0xF000 ss:$0x1], $0xffff;
	_ =	sdelay $0x4  }
0x101: {  	v10 =	vadd.s32 v0, v10  }
0x102: {  	s30 =	simm.s32 $0x1;
	[tilespmem:s10+$0xF640] =	vst v10  }
0x103: {  	s14 =	smul.u32 $0xCD, s30;
	v10 =	vld.idx.msk [tilespmem:v9+s10+$0xF320 ss:$0x1], $0xffff;
	_ =	sdelay $0x1  }
0x104: {  	s15 =	sadd.s32 $0xFAF0, s23;
	s14 =	sshrl.u32 s14, $0xA  }
0x105: {  	v8 =	vmov s15;
	s31 =	smul.u32 $0x5, s14;
	_ =	sdelay $0x1  }
0x106: {  	s25 =	sand.u32 $0x3F, s14;
	s15 =	ssub.s32 $0x1, s31;
	[tilespmem:s10+$0xF960] =	vst v10;
	v11 =	vadd.s32 v0, v10  }
0x107: {  	s14 =	simm.s32 $0x2;
	s17 =	sshll.u32 s15, $0x4;
	s15 =	smul.u32 $0x50, s25;
	v10 =	vshrl.u32 v10, $0x3;
	[tilespmem:s10+$0xF7D0] =	vst v11  }
.LBB2_10:
0x108: {  	p1 =	sne.s32 s14, $0x18  }
0x109: {  	s17 =	sand.u32 $0xF0, s17;
	[tilespmem:v8+s10+$0x0 ss:$0x1] =	vst.idx.msk $0xffff, v10;
	s25 =	smov.u32 s14;
	s14 =	sadd.s32 $0x1, s14  }
0x10a: {  	s10 =	sadd.s32 s17, s15  }
0x10b: {  	v10 =	vld.idx.msk [tilespmem:v9+s10+$0xF000 ss:$0x1], $0xffff;
	_ =	sdelay $0x5  }
0x10c: {  	v10 =	vadd.s32 v0, v10  }
0x10d: {  	[tilespmem:s10+$0xF640] =	vst v10  }
0x10e: {  	v10 =	vld.idx.msk [tilespmem:v9+s10+$0xF320 ss:$0x1], $0xffff  }
0x10f: {  	s15 =	smul.u32 $0xCD, s25;
	_ =	sdelay $0x1  }
.Ltmp3:
0x110: {  	s15 =	sshrl.u32 s15, $0xA;
	(pc) =	sbr.rel @p1 .LBB2_10-.Ltmp3, $3  }
0x111: {  	s30 =	sand.u32 $0x3F, s15;
	s15 =	smul.u32 $0x5, s15;
	_ =	sdelay $0x1  }
0x112: {  	s15 =	ssub.s32 s25, s15;
	v11 =	vadd.s32 v0, v10;
	[tilespmem:s10+$0xF960] =	vst v10  }
0x113: {  	s17 =	sshll.u32 s15, $0x4;
	s15 =	smul.u32 $0x50, s30;
	v10 =	vshrl.u32 v10, $0x3;
	[tilespmem:s10+$0xF7D0] =	vst v11  }
0x114: {  	_ =	sdelay $0x2  }
0x115: {  	s14 =	sand.u32 $0xF0, s17  }
0x116: {  	[tilespmem:v8+s10+$0x0 ss:$0x1] =	vst.idx.msk $0xffff, v10;
	s25 =	sadd.s32 s14, s15  }
0x117: {  	v10 =	vld.idx.msk [tilespmem:v9+s25+$0xF000 ss:$0x1], $0xffff;
	_ =	sdelay $0x4  }
0x118: {  	v10 =	vadd.s32 v0, v10  }
0x119: {  	[tilespmem:s25+$0xF640] =	vst v10  }
0x11a: {  	v9 =	vld.idx.msk [tilespmem:v9+s25+$0xF320 ss:$0x1], $0xffff;
	_ =	sdelay $0x4  }
0x11b: {  	[tilespmem:s25+$0xF960] =	vst v9;
	v10 =	vadd.s32 v0, v9  }
0x11c: {  	v9 =	vshrl.u32 v9, $0x3;
	[tilespmem:s25+$0xF7D0] =	vst v10  }
0x11d: {  	s31 =	simm.s32 $0xF640;
	[tilespmem:v8+s25+$0x0 ss:$0x1] =	vst.idx.msk $0xffff, v9;
	s25 =	simm.s32 $0x0  }
0x11e: {  	[tilespmem:s25], [sflag:$0x1] =	stream.indirect.gather [hbm4b:s1+s13], $0x40, s31, s13, $0xb8;
	[tilespmem:$0x1A100] =	vst v63  }
0x11f: {  	_ = 	snop  }
0x120: {  	[tilespmem:s24], [sflag:$0x1] =	stream.indirect.gather [hbm4b:s16+s13], $0x10, s31, s13, $0xb8;
	[tilespmem:$0x1A100] =	vst v63  }
0x121: {  	s14 =	simm.s32 $0xF7D0  }
0x122: {  	[tilespmem:s26], [sflag:$0x1] =	stream.indirect.gather [hbm4b:s16+s13], $0x10, s14, s13, $0xb8;
	[tilespmem:$0x1A100] =	vst v63  }
0x123: {  	s15 =	simm.s32 $0x1400  }
0x124: {  	[tilespmem:s15], [sflag:$0x2] =	stream.indirect.gather [hbm4b:s1+s13], $0x40, s28, s13, $0xb8;
	[tilespmem:$0x1A100] =	vst v63  }
0x125: {  	s17 =	simm.s32 $0x9100  }
0x126: {  	[tilespmem:s17], [sflag:$0x2] =	stream.indirect.gather [hbm4b:s16+s13], $0x10, s28, s13, $0xb8;
	[tilespmem:$0x1A100] =	vst v63  }
0x127: {  	s23 =	simm.s32 $0xF820;
	s31 =	simm.s32 $0xAA00  }
0x128: {  	[tilespmem:s31], [sflag:$0x2] =	stream.indirect.gather [hbm4b:s16+s13], $0x10, s23, s13, $0xb8;
	[tilespmem:$0x1A100] =	vst v63  }
0x129: {  	s15 =	simm.s32 $0x2800  }
0x12a: {  	[tilespmem:s15], [sflag:$0x3] =	stream.indirect.gather [hbm4b:s1+s13], $0x40, s0, s13, $0xb8;
	[tilespmem:$0x1A100] =	vst v63  }
0x12b: {  	s17 =	simm.s32 $0x9600  }
0x12c: {  	[tilespmem:s17], [sflag:$0x3] =	stream.indirect.gather [hbm4b:s16+s13], $0x10, s0, s13, $0xb8;
	[tilespmem:$0x1A100] =	vst v63  }
0x12d: {  	s23 =	simm.s32 $0xF870;
	s31 =	simm.s32 $0xAF00  }
0x12e: {  	[tilespmem:s31], [sflag:$0x3] =	stream.indirect.gather [hbm4b:s16+s13], $0x10, s23, s13, $0xb8;
	[tilespmem:$0x1A100] =	vst v63  }
0x12f: {  	s15 =	simm.s32 $0x3C00  }
0x130: {  	[tilespmem:s15], [sflag:$0x4] =	stream.indirect.gather [hbm4b:s1+s13], $0x40, s8, s13, $0xb8;
	[tilespmem:$0x1A100] =	vst v63  }
0x131: {  	s17 =	simm.s32 $0x9B00  }
0x132: {  	[tilespmem:s17], [sflag:$0x4] =	stream.indirect.gather [hbm4b:s16+s13], $0x10, s8, s13, $0xb8;
	[tilespmem:$0x1A100] =	vst v63  }
0x133: {  	s23 =	simm.s32 $0xF8C0;
	s31 =	simm.s32 $0xB400  }
0x134: {  	[tilespmem:s31], [sflag:$0x4] =	stream.indirect.gather [hbm4b:s16+s13], $0x10, s23, s13, $0xb8;
	[tilespmem:$0x1A100] =	vst v63  }
0x135: {  	s14 =	simm.s32 $0x5000;
	s17 =	smul.u32 $0x640, s4  }
0x136: {  	[tilespmem:s14], [sflag:$0x5] =	stream.indirect.gather [hbm4b:s1+s13], $0x40, s29, s13, $0xb8;
	[tilespmem:$0x1A100] =	vst v63  }
0x137: {  	s10 =	simm.s32 $0x0;
	v8 =	vmov s4;
	s15 =	simm.s32 $0xA000;
	s4 =	sshrl.u32 s17, $0x2  }
0x138: {  	v8 =	vmul.u32 $0x1900, v8;
	[tilespmem:s15], [sflag:$0x5] =	stream.indirect.gather [hbm4b:s16+s13], $0x10, s29, s13, $0xb8;
	[tilespmem:$0x1A100] =	vst v63  }
0x139: {  	s23 =	simm.s32 $0xF910;
	s31 =	simm.s32 $0xB900;
	s30 =	sadd.s32 $0xFAF0, s4  }
0x13a: {  	v8 =	vbroadcast v8, $0x0;
	[tilespmem:s31], [sflag:$0x5] =	stream.indirect.gather [hbm4b:s16+s13], $0x10, s23, s13, $0xb8;
	[tilespmem:$0x1A100] =	vst v63  }
.LBB2_12:
0x13b: {  	p1 =	slt.u32 s10, $0x2  }
0x13c: {  	s4 =	sadd.s32 @!p1 $0x4, s10  }
0x13d: {  	_ =	swait.ge @!p1 [sflag:s4], $0x1400  }
0x13e: {  	[sflag:s4] =	ssyncset.done @!p1 $0x0  }
0x13f: {  	s31 =	sadd.s32 $0x1, s10;
	[sflag:s4] =	ssyncadd.s32 @!p1 $0xFFFFEC00  }
0x140: {  	v9 =	vmov s10;
	_ =	swait.ge [sflag:s31], $0x1400  }
0x141: {  	v10 =	vor.u32 s25, v7;
	v16 =	vmul.u32 $0x500, v9;
	[sflag:s31] =	ssyncset.done $0x0  }
0x142: {  	v11 =	vshll.u32 v10, $0x4;
	[sflag:s31] =	ssyncadd.s32 $0xFFFFEC00  }
0x143: {  	v11 =	vadd.s32 v16, v11;
	_ =	swait.ge [sflag:s31], $0x500  }
0x144: {  	v12 =	vor.u32 v1, v11;
	[sflag:s31] =	ssyncset.done $0x0  }
0x145: {  	v13 =	vor.u32 v2, v11;
	[sflag:s31] =	ssyncadd.s32 $0xFFFFFB00  }
0x146: {  	_ =	swait.ge [sflag:s31], $0x500  }
0x147: {  	[sflag:s31] =	ssyncset.done $0x0  }
0x148: {  	[sflag:s31] =	ssyncadd.s32 $0xFFFFFB00  }
0x149: {  	v12 =	vld.idx.msk [tilespmem:v12+s24+$0x0], $0xffff  }
0x14a: {  	v13 =	vld.idx.msk [tilespmem:v13+s26+$0x0], $0xffff;
	_ =	sdelay $0x4  }
0x14b: {  	v12 =	vadd.f32 v13, v12;
	_ =	sdelay $0x1  }
0x14c: {  	v13 =	vmul.f32 $2.000000030e-01, v12  }
0x14d: {  	vm0 =	vge.f32 v12, $0.0e+00  }
0x14e: {  	v12 =	vsel vm0, v12, v13  }
0x14f: {  	v13 =	vld [tilespmem:s19+$0x0];
	v12 =	vmul.f32 $1.442695020e+00, v12  }
0x150: {  	s4 =	smul.u32 $0x50, s10  }
0x151: {  	(erf) = vpow2.f32 v12  }
0x152: {  	v18 =	vmov s4  }
0x153: {  	v12 =	vadd.s32 v18, v10  }
0x154: {  	v12 =	vshll.u32 v12, $0x4;
	v13 =	vshll.u32 v13, $0x1  }
0x155: {  	v12 =	vadd.s32 v8, v12;
	v13 =	vand.u32 $0xE, v13  }
0x156: {  	v12 =	vor.u32 v12, v13  }
0x157: {  	v13 =	vor.u32 v3, v11  }
0x158: {  	v11 =	vor.u32 v4, v11;
	_ =	sdelay $0x1  }
0x159: {  	v20 =	vpop (erf)  }
0x15a: {  	[tilespmem:v12+s11+$0x0] =	vst.idx.msk $0xffff, v20  }
0x15b: {  	v13 =	vld.idx.msk [tilespmem:v13+s24+$0x0], $0xffff  }
0x15c: {  	v11 =	vld.idx.msk [tilespmem:v11+s26+$0x0], $0xffff;
	_ =	sdelay $0x4  }
0x15d: {  	v11 =	vadd.f32 v11, v13;
	_ =	sdelay $0x1  }
0x15e: {  	v13 =	vmul.f32 $2.000000030e-01, v11  }
0x15f: {  	vm13 =	vge.f32 v11, $0.0e+00  }
0x160: {  	v11 =	vsel vm13, v11, v13  }
0x161: {  	v11 =	vmul.f32 $1.442695020e+00, v11;
	_ =	sdelay $0x1  }
0x162: {  	(erf) = vpow2.f32 v11;
	_ =	sdelay $0x3  }
0x163: {  	v17 =	vmul.u32 $0x1400, v9  }
0x164: {  	s14 =	sand.u32 $0x1, s10;
	v10 =	vshll.u32 v10, $0x6;
	v12 =	vor.u32 $0x1, v12  }
0x165: {  	v9 =	vmov s14;
	v11 =	vadd.s32 v17, v10;
	_ =	sdelay $0x2  }
0x166: {  	v13 =	vmul.u32 $0x1400, v9;
	v9 =	vpop (erf)  }
0x167: {  	[tilespmem:v12+s11+$0x0] =	vst.idx.msk $0xffff, v9  }
0x168: {  	v19 =	vbroadcast v13, $0x0;
	v12 =	vld.idx.msk [tilespmem:v11+s3+$0x0], $0xffff;
	_ =	sdelay $0x1  }
0x169: {  	v10 =	vadd.s32 v19, v10  }
0x16a: {  	v13 =	vor.u32 $0x1, v11;
	_ =	sdelay $0x1  }
0x16b: {  	v12 =	vmul.f32 v20, v12;
	_ =	sdelay $0x1  }
0x16c: {  	[tilespmem:v10+s5+$0x0] =	vst.idx.msk $0xffff, v12  }
0x16d: {  	v12 =	vld.idx.msk [tilespmem:v13+s3+$0x0], $0xffff;
	_ =	sdelay $0x1  }
0x16e: {  	v13 =	vor.u32 $0x1, v10  }
0x16f: {  	v14 =	vor.u32 $0x2, v11;
	_ =	sdelay $0x1  }
0x170: {  	v12 =	vmul.f32 v12, v20;
	_ =	sdelay $0x1  }
0x171: {  	[tilespmem:v13+s5+$0x0] =	vst.idx.msk $0xffff, v12  }
0x172: {  	v12 =	vld.idx.msk [tilespmem:v14+s3+$0x0], $0xffff;
	_ =	sdelay $0x1  }
0x173: {  	v13 =	vor.u32 $0x2, v10  }
0x174: {  	v14 =	vor.u32 $0x3, v11;
	_ =	sdelay $0x1  }
0x175: {  	v12 =	vmul.f32 v12, v20;
	_ =	sdelay $0x1  }
0x176: {  	[tilespmem:v13+s5+$0x0] =	vst.idx.msk $0xffff, v12  }
0x177: {  	v12 =	vld.idx.msk [tilespmem:v14+s3+$0x0], $0xffff;
	_ =	sdelay $0x1  }
0x178: {  	v13 =	vor.u32 $0x3, v10  }
0x179: {  	v14 =	vor.u32 $0x4, v11;
	_ =	sdelay $0x1  }
0x17a: {  	v12 =	vmul.f32 v12, v20;
	_ =	sdelay $0x1  }
0x17b: {  	[tilespmem:v13+s5+$0x0] =	vst.idx.msk $0xffff, v12  }
0x17c: {  	v12 =	vld.idx.msk [tilespmem:v14+s3+$0x0], $0xffff;
	_ =	sdelay $0x1  }
0x17d: {  	v13 =	vor.u32 $0x4, v10  }
0x17e: {  	v14 =	vor.u32 $0x5, v11;
	_ =	sdelay $0x1  }
0x17f: {  	v12 =	vmul.f32 v12, v20;
	_ =	sdelay $0x1  }
0x180: {  	[tilespmem:v13+s5+$0x0] =	vst.idx.msk $0xffff, v12  }
0x181: {  	v12 =	vld.idx.msk [tilespmem:v14+s3+$0x0], $0xffff;
	_ =	sdelay $0x1  }
0x182: {  	v13 =	vor.u32 $0x5, v10  }
0x183: {  	v14 =	vor.u32 $0x6, v11;
	_ =	sdelay $0x1  }
0x184: {  	v12 =	vmul.f32 v12, v20;
	_ =	sdelay $0x1  }
0x185: {  	[tilespmem:v13+s5+$0x0] =	vst.idx.msk $0xffff, v12  }
0x186: {  	v12 =	vld.idx.msk [tilespmem:v14+s3+$0x0], $0xffff;
	_ =	sdelay $0x1  }
0x187: {  	v13 =	vor.u32 $0x6, v10  }
0x188: {  	v14 =	vor.u32 $0x7, v11;
	_ =	sdelay $0x1  }
0x189: {  	v12 =	vmul.f32 v12, v20;
	_ =	sdelay $0x1  }
0x18a: {  	[tilespmem:v13+s5+$0x0] =	vst.idx.msk $0xffff, v12  }
0x18b: {  	v12 =	vld.idx.msk [tilespmem:v14+s3+$0x0], $0xffff;
	_ =	sdelay $0x1  }
0x18c: {  	v13 =	vor.u32 $0x7, v10  }
0x18d: {  	v14 =	vor.u32 $0x8, v11;
	_ =	sdelay $0x1  }
0x18e: {  	v12 =	vmul.f32 v12, v20;
	_ =	sdelay $0x1  }
0x18f: {  	[tilespmem:v13+s5+$0x0] =	vst.idx.msk $0xffff, v12  }
0x190: {  	v12 =	vld.idx.msk [tilespmem:v14+s3+$0x0], $0xffff;
	_ =	sdelay $0x1  }
0x191: {  	v13 =	vor.u32 $0x8, v10  }
0x192: {  	v14 =	vor.u32 $0x9, v11;
	_ =	sdelay $0x1  }
0x193: {  	v12 =	vmul.f32 v12, v20;
	_ =	sdelay $0x1  }
0x194: {  	[tilespmem:v13+s5+$0x0] =	vst.idx.msk $0xffff, v12  }
0x195: {  	v12 =	vld.idx.msk [tilespmem:v14+s3+$0x0], $0xffff;
	_ =	sdelay $0x1  }
0x196: {  	v13 =	vor.u32 $0x9, v10  }
0x197: {  	v14 =	vor.u32 $0xA, v11;
	_ =	sdelay $0x1  }
0x198: {  	v12 =	vmul.f32 v12, v20;
	_ =	sdelay $0x1  }
0x199: {  	[tilespmem:v13+s5+$0x0] =	vst.idx.msk $0xffff, v12  }
0x19a: {  	v12 =	vld.idx.msk [tilespmem:v14+s3+$0x0], $0xffff;
	_ =	sdelay $0x1  }
0x19b: {  	v13 =	vor.u32 $0xA, v10  }
0x19c: {  	v14 =	vor.u32 $0xB, v11;
	_ =	sdelay $0x1  }
0x19d: {  	v12 =	vmul.f32 v12, v20;
	_ =	sdelay $0x1  }
0x19e: {  	[tilespmem:v13+s5+$0x0] =	vst.idx.msk $0xffff, v12  }
0x19f: {  	v12 =	vld.idx.msk [tilespmem:v14+s3+$0x0], $0xffff;
	_ =	sdelay $0x1  }
0x1a0: {  	v13 =	vor.u32 $0xB, v10  }
0x1a1: {  	v14 =	vor.u32 $0xC, v11;
	_ =	sdelay $0x1  }
0x1a2: {  	v12 =	vmul.f32 v12, v20;
	_ =	sdelay $0x1  }
0x1a3: {  	[tilespmem:v13+s5+$0x0] =	vst.idx.msk $0xffff, v12  }
0x1a4: {  	v12 =	vld.idx.msk [tilespmem:v14+s3+$0x0], $0xffff;
	_ =	sdelay $0x1  }
0x1a5: {  	v13 =	vor.u32 $0xC, v10  }
0x1a6: {  	v14 =	vor.u32 $0xD, v11;
	_ =	sdelay $0x1  }
0x1a7: {  	v12 =	vmul.f32 v12, v20;
	_ =	sdelay $0x1  }
0x1a8: {  	[tilespmem:v13+s5+$0x0] =	vst.idx.msk $0xffff, v12  }
0x1a9: {  	v12 =	vld.idx.msk [tilespmem:v14+s3+$0x0], $0xffff;
	_ =	sdelay $0x1  }
0x1aa: {  	v13 =	vor.u32 $0xD, v10  }
0x1ab: {  	v14 =	vor.u32 $0xE, v11;
	_ =	sdelay $0x1  }
0x1ac: {  	v12 =	vmul.f32 v12, v20;
	_ =	sdelay $0x1  }
0x1ad: {  	[tilespmem:v13+s5+$0x0] =	vst.idx.msk $0xffff, v12  }
0x1ae: {  	v12 =	vld.idx.msk [tilespmem:v14+s3+$0x0], $0xffff;
	_ =	sdelay $0x1  }
0x1af: {  	v13 =	vor.u32 $0xE, v10  }
0x1b0: {  	v14 =	vor.u32 $0xF, v11;
	_ =	sdelay $0x1  }
0x1b1: {  	v12 =	vmul.f32 v12, v20;
	_ =	sdelay $0x1  }
0x1b2: {  	[tilespmem:v13+s5+$0x0] =	vst.idx.msk $0xffff, v12  }
0x1b3: {  	v12 =	vld.idx.msk [tilespmem:v14+s3+$0x0], $0xffff;
	_ =	sdelay $0x1  }
0x1b4: {  	v13 =	vor.u32 $0xF, v10  }
0x1b5: {  	v14 =	vor.u32 $0x10, v11;
	_ =	sdelay $0x1  }
0x1b6: {  	v12 =	vmul.f32 v12, v20;
	_ =	sdelay $0x1  }
0x1b7: {  	[tilespmem:v13+s5+$0x0] =	vst.idx.msk $0xffff, v12  }
0x1b8: {  	v12 =	vld.idx.msk [tilespmem:v14+s3+$0x0], $0xffff;
	_ =	sdelay $0x1  }
0x1b9: {  	v13 =	vor.u32 $0x10, v10;
	_ =	sdelay $0x1  }
0x1ba: {  	v14 =	vor.u32 $0x11, v11  }
0x1bb: {  	s15 =	simm.s32 $0x10;
	v12 =	vmul.f32 v12, v20  }
0x1bc: {  	v21 =	vor.u32 s15, v7  }
0x1bd: {  	[tilespmem:v13+s5+$0x0] =	vst.idx.msk $0xffff, v12;
	v12 =	vshll.u32 v21, $0x4  }
0x1be: {  	v12 =	vadd.s32 v16, v12  }
0x1bf: {  	v13 =	vld.idx.msk [tilespmem:v14+s3+$0x0], $0xffff;
	v14 =	vor.u32 v1, v12  }
0x1c0: {  	v15 =	vor.u32 v2, v12  }
0x1c1: {  	v22 =	vor.u32 $0x11, v10  }
0x1c2: {  	v23 =	vor.u32 $0x12, v11;
	_ =	sdelay $0x1  }
0x1c3: {  	v13 =	vmul.f32 v13, v20;
	v14 =	vld.idx.msk [tilespmem:v14+s24+$0x0], $0xffff  }
0x1c4: {  	v15 =	vld.idx.msk [tilespmem:v15+s26+$0x0], $0xffff  }
0x1c5: {  	[tilespmem:v22+s5+$0x0] =	vst.idx.msk $0xffff, v13  }
0x1c6: {  	v13 =	vld.idx.msk [tilespmem:v23+s3+$0x0], $0xffff;
	_ =	sdelay $0x1  }
0x1c7: {  	v22 =	vor.u32 $0x12, v10  }
0x1c8: {  	v23 =	vor.u32 $0x13, v11;
	v14 =	vadd.f32 v15, v14;
	_ =	sdelay $0x1  }
0x1c9: {  	v13 =	vmul.f32 v13, v20;
	v15 =	vmul.f32 $2.000000030e-01, v14  }
0x1ca: {  	s15 =	sadd.s32 $0x10, s19;
	vm14 =	vge.f32 v14, $0.0e+00  }
0x1cb: {  	[tilespmem:v22+s5+$0x0] =	vst.idx.msk $0xffff, v13;
	v14 =	vsel vm14, v14, v15;
	v15 =	vld [tilespmem:s15+$0x0]  }
0x1cc: {  	v13 =	vld.idx.msk [tilespmem:v23+s3+$0x0], $0xffff;
	v14 =	vmul.f32 $1.442695020e+00, v14;
	_ =	sdelay $0x1  }
0x1cd: {  	v22 =	vor.u32 $0x13, v10;
	(erf) = vpow2.f32 v14;
	_ =	sdelay $0x1  }
0x1ce: {  	v23 =	vadd.s32 v18, v21;
	v14 =	vor.u32 $0x14, v11  }
0x1cf: {  	v23 =	vshll.u32 v23, $0x4;
	v15 =	vshll.u32 v15, $0x1;
	v13 =	vmul.f32 v13, v20  }
0x1d0: {  	v23 =	vadd.s32 v8, v23;
	v15 =	vand.u32 $0xE, v15  }
0x1d1: {  	[tilespmem:v22+s5+$0x0] =	vst.idx.msk $0xffff, v13;
	v13 =	vor.u32 v23, v15  }
0x1d2: {  	v22 =	vor.u32 v3, v12  }
0x1d3: {  	v12 =	vor.u32 v4, v12;
	v14 =	vld.idx.msk [tilespmem:v14+s3+$0x0], $0xffff;
	_ =	sdelay $0x1  }
0x1d4: {  	v23 =	vor.u32 $0x14, v10;
	v15 =	vpop (erf)  }
0x1d5: {  	v24 =	vor.u32 $0x15, v11;
	[tilespmem:v13+s11+$0x0] =	vst.idx.msk $0xffff, v15  }
0x1d6: {  	v22 =	vld.idx.msk [tilespmem:v22+s24+$0x0], $0xffff  }
0x1d7: {  	v14 =	vmul.f32 v14, v20;
	v12 =	vld.idx.msk [tilespmem:v12+s26+$0x0], $0xffff;
	_ =	sdelay $0x1  }
0x1d8: {  	[tilespmem:v23+s5+$0x0] =	vst.idx.msk $0xffff, v14  }
0x1d9: {  	v14 =	vld.idx.msk [tilespmem:v24+s3+$0x0], $0xffff;
	_ =	sdelay $0x1  }
0x1da: {  	v23 =	vor.u32 $0x15, v10;
	v12 =	vadd.f32 v12, v22  }
0x1db: {  	v22 =	vor.u32 $0x16, v11  }
0x1dc: {  	v24 =	vmul.f32 $2.000000030e-01, v12  }
0x1dd: {  	vm15 =	vge.f32 v12, $0.0e+00;
	v14 =	vmul.f32 v14, v20  }
0x1de: {  	v12 =	vsel vm15, v12, v24  }
0x1df: {  	[tilespmem:v23+s5+$0x0] =	vst.idx.msk $0xffff, v14;
	v12 =	vmul.f32 $1.442695020e+00, v12  }
0x1e0: {  	v14 =	vld.idx.msk [tilespmem:v22+s3+$0x0], $0xffff  }
0x1e1: {  	(erf) = vpow2.f32 v12  }
0x1e2: {  	v12 =	vor.u32 $0x16, v10  }
0x1e3: {  	v22 =	vor.u32 $0x17, v11;
	_ =	sdelay $0x1  }
0x1e4: {  	v14 =	vmul.f32 v14, v20  }
0x1e5: {  	v21 =	vshll.u32 v21, $0x6;
	v13 =	vor.u32 $0x1, v13  }
0x1e6: {  	[tilespmem:v12+s5+$0x0] =	vst.idx.msk $0xffff, v14;
	v14 =	vadd.s32 v17, v21  }
0x1e7: {  	v22 =	vld.idx.msk [tilespmem:v22+s3+$0x0], $0xffff;
	_ =	sdelay $0x1  }
0x1e8: {  	v23 =	vor.u32 $0x17, v10;
	v12 =	vpop (erf)  }
0x1e9: {  	v24 =	vor.u32 $0x18, v11;
	[tilespmem:v13+s11+$0x0] =	vst.idx.msk $0xffff, v12  }
0x1ea: {  	v25 =	vld.idx.msk [tilespmem:v14+s3+$0x0], $0xffff  }
0x1eb: {  	v22 =	vmul.f32 v22, v20  }
0x1ec: {  	v13 =	vadd.s32 v19, v21  }
0x1ed: {  	v21 =	vor.u32 $0x1, v14;
	[tilespmem:v23+s5+$0x0] =	vst.idx.msk $0xffff, v22  }
0x1ee: {  	v22 =	vld.idx.msk [tilespmem:v24+s3+$0x0], $0xffff  }
0x1ef: {  	v23 =	vmul.f32 v15, v25  }
0x1f0: {  	v24 =	vor.u32 $0x18, v10  }
0x1f1: {  	v25 =	vor.u32 $0x19, v11;
	[tilespmem:v13+s5+$0x0] =	vst.idx.msk $0xffff, v23  }
0x1f2: {  	v21 =	vld.idx.msk [tilespmem:v21+s3+$0x0], $0xffff  }
0x1f3: {  	v22 =	vmul.f32 v22, v20  }
0x1f4: {  	v23 =	vor.u32 $0x1, v13  }
0x1f5: {  	[tilespmem:v24+s5+$0x0] =	vst.idx.msk $0xffff, v22;
	v22 =	vor.u32 $0x2, v14  }
0x1f6: {  	v24 =	vld.idx.msk [tilespmem:v25+s3+$0x0], $0xffff  }
0x1f7: {  	v21 =	vmul.f32 v21, v15  }
0x1f8: {  	v25 =	vor.u32 $0x19, v10  }
0x1f9: {  	v26 =	vor.u32 $0x1A, v11;
	[tilespmem:v23+s5+$0x0] =	vst.idx.msk $0xffff, v21  }
0x1fa: {  	v21 =	vld.idx.msk [tilespmem:v22+s3+$0x0], $0xffff  }
0x1fb: {  	v22 =	vmul.f32 v24, v20  }
0x1fc: {  	v23 =	vor.u32 $0x2, v13  }
0x1fd: {  	[tilespmem:v25+s5+$0x0] =	vst.idx.msk $0xffff, v22;
	v22 =	vor.u32 $0x3, v14  }
0x1fe: {  	v24 =	vld.idx.msk [tilespmem:v26+s3+$0x0], $0xffff  }
0x1ff: {  	v21 =	vmul.f32 v21, v15  }
0x200: {  	v25 =	vor.u32 $0x1A, v10  }
0x201: {  	v26 =	vor.u32 $0x1B, v11;
	[tilespmem:v23+s5+$0x0] =	vst.idx.msk $0xffff, v21  }
0x202: {  	v21 =	vld.idx.msk [tilespmem:v22+s3+$0x0], $0xffff  }
0x203: {  	v22 =	vmul.f32 v24, v20  }
0x204: {  	v23 =	vor.u32 $0x3, v13  }
0x205: {  	[tilespmem:v25+s5+$0x0] =	vst.idx.msk $0xffff, v22;
	v22 =	vor.u32 $0x4, v14  }
0x206: {  	v24 =	vld.idx.msk [tilespmem:v26+s3+$0x0], $0xffff  }
0x207: {  	v21 =	vmul.f32 v21, v15  }
0x208: {  	v25 =	vor.u32 $0x1B, v10  }
0x209: {  	v26 =	vor.u32 $0x1C, v11;
	[tilespmem:v23+s5+$0x0] =	vst.idx.msk $0xffff, v21  }
0x20a: {  	v21 =	vld.idx.msk [tilespmem:v22+s3+$0x0], $0xffff  }
0x20b: {  	v22 =	vmul.f32 v24, v20  }
0x20c: {  	v23 =	vor.u32 $0x4, v13  }
0x20d: {  	[tilespmem:v25+s5+$0x0] =	vst.idx.msk $0xffff, v22;
	v22 =	vor.u32 $0x5, v14  }
0x20e: {  	v24 =	vld.idx.msk [tilespmem:v26+s3+$0x0], $0xffff  }
0x20f: {  	v21 =	vmul.f32 v21, v15  }
0x210: {  	v25 =	vor.u32 $0x1C, v10  }
0x211: {  	v26 =	vor.u32 $0x1D, v11;
	[tilespmem:v23+s5+$0x0] =	vst.idx.msk $0xffff, v21  }
0x212: {  	v21 =	vld.idx.msk [tilespmem:v22+s3+$0x0], $0xffff  }
0x213: {  	v22 =	vmul.f32 v24, v20  }
0x214: {  	v23 =	vor.u32 $0x5, v13  }
0x215: {  	[tilespmem:v25+s5+$0x0] =	vst.idx.msk $0xffff, v22;
	v22 =	vor.u32 $0x6, v14  }
0x216: {  	v24 =	vld.idx.msk [tilespmem:v26+s3+$0x0], $0xffff  }
0x217: {  	v21 =	vmul.f32 v21, v15  }
0x218: {  	v25 =	vor.u32 $0x1D, v10  }
0x219: {  	v26 =	vor.u32 $0x1E, v11;
	[tilespmem:v23+s5+$0x0] =	vst.idx.msk $0xffff, v21  }
0x21a: {  	v21 =	vld.idx.msk [tilespmem:v22+s3+$0x0], $0xffff  }
0x21b: {  	v22 =	vmul.f32 v24, v20  }
0x21c: {  	v23 =	vor.u32 $0x6, v13  }
0x21d: {  	[tilespmem:v25+s5+$0x0] =	vst.idx.msk $0xffff, v22;
	v22 =	vor.u32 $0x7, v14  }
0x21e: {  	v24 =	vld.idx.msk [tilespmem:v26+s3+$0x0], $0xffff  }
0x21f: {  	v21 =	vmul.f32 v21, v15  }
0x220: {  	v25 =	vor.u32 $0x1E, v10  }
0x221: {  	v26 =	vor.u32 $0x1F, v11;
	[tilespmem:v23+s5+$0x0] =	vst.idx.msk $0xffff, v21  }
0x222: {  	v21 =	vld.idx.msk [tilespmem:v22+s3+$0x0], $0xffff  }
0x223: {  	v22 =	vmul.f32 v24, v20  }
0x224: {  	v23 =	vor.u32 $0x7, v13  }
0x225: {  	[tilespmem:v25+s5+$0x0] =	vst.idx.msk $0xffff, v22;
	v22 =	vor.u32 $0x8, v14  }
0x226: {  	v24 =	vld.idx.msk [tilespmem:v26+s3+$0x0], $0xffff  }
0x227: {  	v21 =	vmul.f32 v21, v15  }
0x228: {  	v25 =	vor.u32 $0x1F, v10  }
0x229: {  	v26 =	vor.u32 $0x20, v11;
	[tilespmem:v23+s5+$0x0] =	vst.idx.msk $0xffff, v21  }
0x22a: {  	v21 =	vld.idx.msk [tilespmem:v22+s3+$0x0], $0xffff  }
0x22b: {  	v20 =	vmul.f32 v24, v20  }
0x22c: {  	v22 =	vor.u32 $0x8, v13  }
0x22d: {  	[tilespmem:v25+s5+$0x0] =	vst.idx.msk $0xffff, v20;
	v20 =	vor.u32 $0x9, v14  }
0x22e: {  	v23 =	vld.idx.msk [tilespmem:v26+s3+$0x0], $0xffff  }
0x22f: {  	v21 =	vmul.f32 v21, v15  }
0x230: {  	v24 =	vor.u32 $0x20, v10  }
0x231: {  	v25 =	vor.u32 $0x21, v11;
	[tilespmem:v22+s5+$0x0] =	vst.idx.msk $0xffff, v21  }
0x232: {  	v20 =	vld.idx.msk [tilespmem:v20+s3+$0x0], $0xffff  }
0x233: {  	v21 =	vmul.f32 v23, v9  }
0x234: {  	v22 =	vor.u32 $0x9, v13  }
0x235: {  	[tilespmem:v24+s5+$0x0] =	vst.idx.msk $0xffff, v21;
	v21 =	vor.u32 $0xA, v14  }
0x236: {  	v23 =	vld.idx.msk [tilespmem:v25+s3+$0x0], $0xffff  }
0x237: {  	v20 =	vmul.f32 v20, v15  }
0x238: {  	v24 =	vor.u32 $0x21, v10  }
0x239: {  	v25 =	vor.u32 $0x22, v11;
	[tilespmem:v22+s5+$0x0] =	vst.idx.msk $0xffff, v20  }
0x23a: {  	v20 =	vld.idx.msk [tilespmem:v21+s3+$0x0], $0xffff  }
0x23b: {  	v21 =	vmul.f32 v23, v9  }
0x23c: {  	v22 =	vor.u32 $0xA, v13  }
0x23d: {  	[tilespmem:v24+s5+$0x0] =	vst.idx.msk $0xffff, v21;
	v21 =	vor.u32 $0xB, v14  }
0x23e: {  	v23 =	vld.idx.msk [tilespmem:v25+s3+$0x0], $0xffff  }
0x23f: {  	v20 =	vmul.f32 v20, v15  }
0x240: {  	v24 =	vor.u32 $0x22, v10  }
0x241: {  	v25 =	vor.u32 $0x23, v11;
	[tilespmem:v22+s5+$0x0] =	vst.idx.msk $0xffff, v20  }
0x242: {  	v20 =	vld.idx.msk [tilespmem:v21+s3+$0x0], $0xffff  }
0x243: {  	v21 =	vmul.f32 v23, v9  }
0x244: {  	v22 =	vor.u32 $0xB, v13  }
0x245: {  	[tilespmem:v24+s5+$0x0] =	vst.idx.msk $0xffff, v21;
	v21 =	vor.u32 $0xC, v14  }
0x246: {  	v23 =	vld.idx.msk [tilespmem:v25+s3+$0x0], $0xffff  }
0x247: {  	v20 =	vmul.f32 v20, v15  }
0x248: {  	v24 =	vor.u32 $0x23, v10  }
0x249: {  	v25 =	vor.u32 $0x24, v11;
	[tilespmem:v22+s5+$0x0] =	vst.idx.msk $0xffff, v20  }
0x24a: {  	v20 =	vld.idx.msk [tilespmem:v21+s3+$0x0], $0xffff  }
0x24b: {  	v21 =	vmul.f32 v23, v9  }
0x24c: {  	v22 =	vor.u32 $0xC, v13  }
0x24d: {  	[tilespmem:v24+s5+$0x0] =	vst.idx.msk $0xffff, v21;
	v21 =	vor.u32 $0xD, v14  }
0x24e: {  	v23 =	vld.idx.msk [tilespmem:v25+s3+$0x0], $0xffff  }
0x24f: {  	v20 =	vmul.f32 v20, v15  }
0x250: {  	v24 =	vor.u32 $0x24, v10  }
0x251: {  	v25 =	vor.u32 $0x25, v11;
	[tilespmem:v22+s5+$0x0] =	vst.idx.msk $0xffff, v20  }
0x252: {  	v20 =	vld.idx.msk [tilespmem:v21+s3+$0x0], $0xffff  }
0x253: {  	v21 =	vmul.f32 v23, v9  }
0x254: {  	v22 =	vor.u32 $0xD, v13  }
0x255: {  	[tilespmem:v24+s5+$0x0] =	vst.idx.msk $0xffff, v21;
	v21 =	vor.u32 $0xE, v14  }
0x256: {  	v23 =	vld.idx.msk [tilespmem:v25+s3+$0x0], $0xffff  }
0x257: {  	v20 =	vmul.f32 v20, v15  }
0x258: {  	v24 =	vor.u32 $0x25, v10  }
0x259: {  	v25 =	vor.u32 $0x26, v11;
	[tilespmem:v22+s5+$0x0] =	vst.idx.msk $0xffff, v20  }
0x25a: {  	v20 =	vld.idx.msk [tilespmem:v21+s3+$0x0], $0xffff  }
0x25b: {  	v21 =	vmul.f32 v23, v9  }
0x25c: {  	v22 =	vor.u32 $0xE, v13  }
0x25d: {  	[tilespmem:v24+s5+$0x0] =	vst.idx.msk $0xffff, v21;
	v21 =	vor.u32 $0xF, v14  }
0x25e: {  	v23 =	vld.idx.msk [tilespmem:v25+s3+$0x0], $0xffff  }
0x25f: {  	v20 =	vmul.f32 v20, v15  }
0x260: {  	v24 =	vor.u32 $0x26, v10  }
0x261: {  	v25 =	vor.u32 $0x27, v11;
	[tilespmem:v22+s5+$0x0] =	vst.idx.msk $0xffff, v20  }
0x262: {  	v20 =	vld.idx.msk [tilespmem:v21+s3+$0x0], $0xffff  }
0x263: {  	v21 =	vmul.f32 v23, v9  }
0x264: {  	v22 =	vor.u32 $0xF, v13  }
0x265: {  	[tilespmem:v24+s5+$0x0] =	vst.idx.msk $0xffff, v21;
	v21 =	vor.u32 $0x10, v14  }
0x266: {  	v23 =	vld.idx.msk [tilespmem:v25+s3+$0x0], $0xffff  }
0x267: {  	v20 =	vmul.f32 v20, v15  }
0x268: {  	v24 =	vor.u32 $0x27, v10  }
0x269: {  	[tilespmem:v22+s5+$0x0] =	vst.idx.msk $0xffff, v20  }
0x26a: {  	v25 =	vor.u32 $0x28, v11;
	v20 =	vld.idx.msk [tilespmem:v21+s3+$0x0], $0xffff  }
0x26b: {  	v21 =	vmul.f32 v23, v9  }
0x26c: {  	v22 =	vor.u32 $0x10, v13  }
0x26d: {  	[tilespmem:v24+s5+$0x0] =	vst.idx.msk $0xffff, v21;
	v21 =	vor.u32 $0x11, v14;
	_ =	sdelay $0x1  }
0x26e: {  	v27 =	vld.idx.msk [tilespmem:v25+s3+$0x0], $0xffff;
	v20 =	vmul.f32 v20, v15  }
0x26f: {  	s17 =	simm.s32 $0x20  }
0x270: {  	v24 =	vor.u32 s17, v7;
	[tilespmem:v22+s5+$0x0] =	vst.idx.msk $0xffff, v20;
	v20 =	vor.u32 $0x28, v10  }
0x271: {  	v23 =	vshll.u32 v24, $0x4;
	v25 =	vld.idx.msk [tilespmem:v21+s3+$0x0], $0xffff;
	v21 =	vor.u32 $0x29, v11  }
0x272: {  	v23 =	vadd.s32 v16, v23  }
0x273: {  	s17 =	simm.s32 $0x30;
	v26 =	vor.u32 v1, v23;
	v22 =	vmul.f32 v27, v9  }
.LBB2_13:
0x274: {  	p1 =	sne.s32 s17, $0x40;
	v27 =	vor.u32 v2, v23;
	v28 =	vor.u32 $0x11, v13  }
0x275: {  	v29 =	vor.u32 $0x12, v14;
	[tilespmem:v20+s5+$0x0] =	vst.idx.msk $0xffff, v22  }
0x276: {  	v20 =	vld.idx.msk [tilespmem:v21+s3+$0x0], $0xffff  }
0x277: {  	v21 =	vmul.f32 v25, v15  }
0x278: {  	v22 =	vld.idx.msk [tilespmem:v26+s24+$0x0], $0xffff  }
0x279: {  	v25 =	vld.idx.msk [tilespmem:v27+s26+$0x0], $0xffff;
	[tilespmem:v28+s5+$0x0] =	vst.idx.msk $0xffff, v21;
	v21 =	vor.u32 $0x29, v10  }
0x27a: {  	v27 =	vor.u32 $0x2A, v11;
	v26 =	vld.idx.msk [tilespmem:v29+s3+$0x0], $0xffff;
	_ =	sdelay $0x1  }
0x27b: {  	v20 =	vmul.f32 v20, v9  }
0x27c: {  	v28 =	vor.u32 $0x12, v13  }
0x27d: {  	v29 =	vor.u32 $0x13, v14;
	[tilespmem:v21+s5+$0x0] =	vst.idx.msk $0xffff, v20  }
0x27e: {  	v20 =	vld.idx.msk [tilespmem:v27+s3+$0x0], $0xffff  }
0x27f: {  	v21 =	vadd.f32 v25, v22;
	v22 =	vmul.f32 v26, v15;
	_ =	sdelay $0x1  }
0x280: {  	v25 =	vmul.f32 $2.000000030e-01, v21;
	[tilespmem:v28+s5+$0x0] =	vst.idx.msk $0xffff, v22;
	v22 =	vor.u32 $0x2A, v10  }
0x281: {  	v27 =	vor.u32 $0x2B, v11;
	vm0 =	vge.f32 v21, $0.0e+00;
	v26 =	vld.idx.msk [tilespmem:v29+s3+$0x0], $0xffff  }
0x282: {  	s15 =	sadd.s32 $0x10, s15;
	v21 =	vsel vm0, v21, v25  }
0x283: {  	v21 =	vmul.f32 $1.442695020e+00, v21;
	v20 =	vmul.f32 v20, v9;
	v25 =	vld [tilespmem:s15+$0x0]  }
0x284: {  	v28 =	vor.u32 $0x13, v13  }
0x285: {  	(erf) = vpow2.f32 v21;
	v21 =	vor.u32 $0x14, v14;
	[tilespmem:v22+s5+$0x0] =	vst.idx.msk $0xffff, v20  }
0x286: {  	v20 =	vld.idx.msk [tilespmem:v27+s3+$0x0], $0xffff  }
0x287: {  	v22 =	vadd.s32 v18, v24;
	v26 =	vmul.f32 v26, v15  }
0x288: {  	v22 =	vshll.u32 v22, $0x4;
	v25 =	vshll.u32 v25, $0x1  }
0x289: {  	v22 =	vadd.s32 v8, v22;
	v25 =	vand.u32 $0xE, v25;
	[tilespmem:v28+s5+$0x0] =	vst.idx.msk $0xffff, v26;
	v26 =	vor.u32 $0x2B, v10  }
0x28a: {  	v22 =	vor.u32 v22, v25;
	v21 =	vld.idx.msk [tilespmem:v21+s3+$0x0], $0xffff;
	v25 =	vor.u32 $0x2C, v11  }
0x28b: {  	v27 =	vor.u32 v3, v23  }
0x28c: {  	v28 =	vor.u32 v4, v23;
	v20 =	vmul.f32 v20, v9  }
0x28d: {  	v29 =	vor.u32 $0x14, v13  }
0x28e: {  	v30 =	vor.u32 $0x15, v14;
	v23 =	vpop (erf);
	[tilespmem:v26+s5+$0x0] =	vst.idx.msk $0xffff, v20  }
0x28f: {  	[tilespmem:v22+s11+$0x0] =	vst.idx.msk $0xffff, v23;
	v20 =	vld.idx.msk [tilespmem:v25+s3+$0x0], $0xffff  }
0x290: {  	v21 =	vmul.f32 v21, v15;
	v25 =	vld.idx.msk [tilespmem:v27+s24+$0x0], $0xffff  }
0x291: {  	v26 =	vld.idx.msk [tilespmem:v28+s26+$0x0], $0xffff  }
0x292: {  	[tilespmem:v29+s5+$0x0] =	vst.idx.msk $0xffff, v21;
	v21 =	vor.u32 $0x2C, v10  }
0x293: {  	v28 =	vor.u32 $0x2D, v11;
	v27 =	vld.idx.msk [tilespmem:v30+s3+$0x0], $0xffff;
	_ =	sdelay $0x1  }
0x294: {  	v20 =	vmul.f32 v20, v9  }
0x295: {  	v29 =	vor.u32 $0x15, v13  }
0x296: {  	v25 =	vadd.f32 v26, v25;
	v26 =	vor.u32 $0x16, v14;
	[tilespmem:v21+s5+$0x0] =	vst.idx.msk $0xffff, v20  }
0x297: {  	v20 =	vld.idx.msk [tilespmem:v28+s3+$0x0], $0xffff  }
0x298: {  	v21 =	vmul.f32 $2.000000030e-01, v25;
	v27 =	vmul.f32 v27, v15  }
0x299: {  	vm0 =	vge.f32 v25, $0.0e+00  }
0x29a: {  	v21 =	vsel vm0, v25, v21;
	v25 =	vor.u32 $0x2D, v10;
	[tilespmem:v29+s5+$0x0] =	vst.idx.msk $0xffff, v27  }
0x29b: {  	v21 =	vmul.f32 $1.442695020e+00, v21;
	v27 =	vor.u32 $0x2E, v11;
	v26 =	vld.idx.msk [tilespmem:v26+s3+$0x0], $0xffff;
	_ =	sdelay $0x1  }
0x29c: {  	v20 =	vmul.f32 v20, v9;
	(erf) = vpow2.f32 v21  }
0x29d: {  	v21 =	vor.u32 $0x16, v13  }
0x29e: {  	v28 =	vor.u32 $0x17, v14;
	[tilespmem:v25+s5+$0x0] =	vst.idx.msk $0xffff, v20  }
0x29f: {  	v25 =	vld.idx.msk [tilespmem:v27+s3+$0x0], $0xffff  }
0x2a0: {  	v20 =	vmul.f32 v26, v15  }
0x2a1: {  	v24 =	vshll.u32 v24, $0x6;
	v26 =	vor.u32 $0x1, v22  }
0x2a2: {  	v22 =	vadd.s32 v17, v24;
	[tilespmem:v21+s5+$0x0] =	vst.idx.msk $0xffff, v20;
	v21 =	vor.u32 $0x2E, v10  }
0x2a3: {  	v27 =	vld.idx.msk [tilespmem:v28+s3+$0x0], $0xffff;
	v28 =	vor.u32 $0x2F, v11;
	_ =	sdelay $0x1  }
0x2a4: {  	v25 =	vmul.f32 v25, v9;
	v20 =	vpop (erf)  }
0x2a5: {  	[tilespmem:v26+s11+$0x0] =	vst.idx.msk $0xffff, v20;
	v26 =	vor.u32 $0x17, v13  }
0x2a6: {  	v30 =	vor.u32 $0x18, v14;
	v29 =	vld.idx.msk [tilespmem:v22+s3+$0x0], $0xffff;
	[tilespmem:v21+s5+$0x0] =	vst.idx.msk $0xffff, v25  }
0x2a7: {  	v25 =	vld.idx.msk [tilespmem:v28+s3+$0x0], $0xffff  }
0x2a8: {  	v27 =	vmul.f32 v27, v15  }
0x2a9: {  	v21 =	vadd.s32 v19, v24  }
0x2aa: {  	v24 =	vor.u32 $0x1, v22;
	[tilespmem:v26+s5+$0x0] =	vst.idx.msk $0xffff, v27;
	v26 =	vor.u32 $0x2F, v10  }
0x2ab: {  	v28 =	vor.u32 $0x30, v11;
	v27 =	vld.idx.msk [tilespmem:v30+s3+$0x0], $0xffff  }
0x2ac: {  	v29 =	vmul.f32 v23, v29  }
0x2ad: {  	v25 =	vmul.f32 v25, v9  }
0x2ae: {  	[tilespmem:v21+s5+$0x0] =	vst.idx.msk $0xffff, v29;
	v29 =	vor.u32 $0x18, v13  }
0x2af: {  	v30 =	vor.u32 $0x19, v14;
	v24 =	vld.idx.msk [tilespmem:v24+s3+$0x0], $0xffff;
	[tilespmem:v26+s5+$0x0] =	vst.idx.msk $0xffff, v25  }
0x2b0: {  	v25 =	vld.idx.msk [tilespmem:v28+s3+$0x0], $0xffff  }
0x2b1: {  	v26 =	vmul.f32 v27, v15  }
0x2b2: {  	v27 =	vor.u32 $0x1, v21  }
0x2b3: {  	v28 =	vor.u32 $0x2, v22;
	[tilespmem:v29+s5+$0x0] =	vst.idx.msk $0xffff, v26;
	v26 =	vor.u32 $0x30, v10  }
0x2b4: {  	v29 =	vld.idx.msk [tilespmem:v30+s3+$0x0], $0xffff;
	v30 =	vor.u32 $0x31, v11  }
0x2b5: {  	v24 =	vmul.f32 v24, v23  }
0x2b6: {  	v25 =	vmul.f32 v25, v9  }
0x2b7: {  	[tilespmem:v27+s5+$0x0] =	vst.idx.msk $0xffff, v24;
	v24 =	vor.u32 $0x19, v13  }
0x2b8: {  	v27 =	vld.idx.msk [tilespmem:v28+s3+$0x0], $0xffff;
	v28 =	vor.u32 $0x1A, v14;
	[tilespmem:v26+s5+$0x0] =	vst.idx.msk $0xffff, v25  }
0x2b9: {  	v25 =	vld.idx.msk [tilespmem:v30+s3+$0x0], $0xffff  }
0x2ba: {  	v26 =	vmul.f32 v29, v15  }
0x2bb: {  	v29 =	vor.u32 $0x2, v21  }
0x2bc: {  	v30 =	vor.u32 $0x3, v22;
	[tilespmem:v24+s5+$0x0] =	vst.idx.msk $0xffff, v26;
	v24 =	vor.u32 $0x31, v10  }
0x2bd: {  	v26 =	vld.idx.msk [tilespmem:v28+s3+$0x0], $0xffff;
	v28 =	vor.u32 $0x32, v11  }
0x2be: {  	v27 =	vmul.f32 v27, v23  }
0x2bf: {  	v25 =	vmul.f32 v25, v9  }
0x2c0: {  	[tilespmem:v29+s5+$0x0] =	vst.idx.msk $0xffff, v27;
	v27 =	vor.u32 $0x1A, v13  }
0x2c1: {  	v29 =	vld.idx.msk [tilespmem:v30+s3+$0x0], $0xffff;
	v30 =	vor.u32 $0x1B, v14;
	[tilespmem:v24+s5+$0x0] =	vst.idx.msk $0xffff, v25  }
0x2c2: {  	v24 =	vld.idx.msk [tilespmem:v28+s3+$0x0], $0xffff  }
0x2c3: {  	v25 =	vmul.f32 v26, v15  }
0x2c4: {  	v26 =	vor.u32 $0x3, v21  }
0x2c5: {  	v28 =	vor.u32 $0x4, v22;
	[tilespmem:v27+s5+$0x0] =	vst.idx.msk $0xffff, v25;
	v25 =	vor.u32 $0x32, v10  }
0x2c6: {  	v27 =	vld.idx.msk [tilespmem:v30+s3+$0x0], $0xffff;
	v30 =	vor.u32 $0x33, v11  }
0x2c7: {  	v29 =	vmul.f32 v29, v23  }
0x2c8: {  	v24 =	vmul.f32 v24, v9  }
0x2c9: {  	[tilespmem:v26+s5+$0x0] =	vst.idx.msk $0xffff, v29;
	v26 =	vor.u32 $0x1B, v13  }
0x2ca: {  	v29 =	vor.u32 $0x1C, v14;
	v28 =	vld.idx.msk [tilespmem:v28+s3+$0x0], $0xffff;
	[tilespmem:v25+s5+$0x0] =	vst.idx.msk $0xffff, v24  }
0x2cb: {  	v24 =	vld.idx.msk [tilespmem:v30+s3+$0x0], $0xffff  }
0x2cc: {  	v25 =	vmul.f32 v27, v15  }
0x2cd: {  	v27 =	vor.u32 $0x4, v21  }
0x2ce: {  	v30 =	vor.u32 $0x5, v22;
	[tilespmem:v26+s5+$0x0] =	vst.idx.msk $0xffff, v25;
	v25 =	vor.u32 $0x33, v10  }
0x2cf: {  	v26 =	vld.idx.msk [tilespmem:v29+s3+$0x0], $0xffff;
	v29 =	vor.u32 $0x34, v11  }
0x2d0: {  	v28 =	vmul.f32 v28, v23  }
0x2d1: {  	v24 =	vmul.f32 v24, v9  }
0x2d2: {  	[tilespmem:v27+s5+$0x0] =	vst.idx.msk $0xffff, v28;
	v27 =	vor.u32 $0x1C, v13  }
0x2d3: {  	v28 =	vld.idx.msk [tilespmem:v30+s3+$0x0], $0xffff;
	v30 =	vor.u32 $0x1D, v14;
	[tilespmem:v25+s5+$0x0] =	vst.idx.msk $0xffff, v24  }
0x2d4: {  	v24 =	vld.idx.msk [tilespmem:v29+s3+$0x0], $0xffff  }
0x2d5: {  	v25 =	vmul.f32 v26, v15  }
0x2d6: {  	v26 =	vor.u32 $0x5, v21  }
0x2d7: {  	v29 =	vor.u32 $0x6, v22;
	[tilespmem:v27+s5+$0x0] =	vst.idx.msk $0xffff, v25;
	v25 =	vor.u32 $0x34, v10  }
0x2d8: {  	v27 =	vld.idx.msk [tilespmem:v30+s3+$0x0], $0xffff;
	v30 =	vor.u32 $0x35, v11  }
0x2d9: {  	v28 =	vmul.f32 v28, v23  }
0x2da: {  	v24 =	vmul.f32 v24, v9  }
0x2db: {  	[tilespmem:v26+s5+$0x0] =	vst.idx.msk $0xffff, v28;
	v26 =	vor.u32 $0x1D, v13  }
0x2dc: {  	v28 =	vld.idx.msk [tilespmem:v29+s3+$0x0], $0xffff;
	v29 =	vor.u32 $0x1E, v14;
	[tilespmem:v25+s5+$0x0] =	vst.idx.msk $0xffff, v24  }
0x2dd: {  	v24 =	vld.idx.msk [tilespmem:v30+s3+$0x0], $0xffff  }
0x2de: {  	v25 =	vmul.f32 v27, v15  }
0x2df: {  	v27 =	vor.u32 $0x6, v21  }
0x2e0: {  	v30 =	vor.u32 $0x7, v22;
	[tilespmem:v26+s5+$0x0] =	vst.idx.msk $0xffff, v25;
	v25 =	vor.u32 $0x35, v10  }
0x2e1: {  	v26 =	vld.idx.msk [tilespmem:v29+s3+$0x0], $0xffff;
	v29 =	vor.u32 $0x36, v11  }
0x2e2: {  	v28 =	vmul.f32 v28, v23  }
0x2e3: {  	v24 =	vmul.f32 v24, v9  }
0x2e4: {  	[tilespmem:v27+s5+$0x0] =	vst.idx.msk $0xffff, v28;
	v27 =	vor.u32 $0x1E, v13  }
0x2e5: {  	v28 =	vld.idx.msk [tilespmem:v30+s3+$0x0], $0xffff;
	v30 =	vor.u32 $0x1F, v14;
	[tilespmem:v25+s5+$0x0] =	vst.idx.msk $0xffff, v24  }
0x2e6: {  	v24 =	vld.idx.msk [tilespmem:v29+s3+$0x0], $0xffff  }
0x2e7: {  	v25 =	vmul.f32 v26, v15  }
0x2e8: {  	v26 =	vor.u32 $0x7, v21  }
0x2e9: {  	v29 =	vor.u32 $0x8, v22;
	[tilespmem:v27+s5+$0x0] =	vst.idx.msk $0xffff, v25;
	v25 =	vor.u32 $0x36, v10  }
0x2ea: {  	v27 =	vld.idx.msk [tilespmem:v30+s3+$0x0], $0xffff;
	v30 =	vor.u32 $0x37, v11  }
0x2eb: {  	v28 =	vmul.f32 v28, v23  }
0x2ec: {  	v24 =	vmul.f32 v24, v9  }
0x2ed: {  	[tilespmem:v26+s5+$0x0] =	vst.idx.msk $0xffff, v28;
	v26 =	vor.u32 $0x1F, v13  }
0x2ee: {  	v28 =	vld.idx.msk [tilespmem:v29+s3+$0x0], $0xffff;
	v29 =	vor.u32 $0x20, v14;
	[tilespmem:v25+s5+$0x0] =	vst.idx.msk $0xffff, v24  }
0x2ef: {  	v24 =	vld.idx.msk [tilespmem:v30+s3+$0x0], $0xffff  }
0x2f0: {  	v25 =	vmul.f32 v27, v15;
	v15 =	vmov v23  }
0x2f1: {  	v23 =	vor.u32 $0x8, v21  }
0x2f2: {  	v27 =	vor.u32 $0x9, v22;
	[tilespmem:v26+s5+$0x0] =	vst.idx.msk $0xffff, v25;
	v25 =	vor.u32 $0x37, v10  }
0x2f3: {  	v26 =	vld.idx.msk [tilespmem:v29+s3+$0x0], $0xffff;
	v29 =	vor.u32 $0x38, v11  }
0x2f4: {  	v28 =	vmul.f32 v28, v15  }
0x2f5: {  	v24 =	vmul.f32 v24, v9  }
0x2f6: {  	[tilespmem:v23+s5+$0x0] =	vst.idx.msk $0xffff, v28;
	v23 =	vor.u32 $0x20, v13  }
0x2f7: {  	v28 =	vor.u32 $0x21, v14;
	v27 =	vld.idx.msk [tilespmem:v27+s3+$0x0], $0xffff;
	[tilespmem:v25+s5+$0x0] =	vst.idx.msk $0xffff, v24  }
0x2f8: {  	v24 =	vld.idx.msk [tilespmem:v29+s3+$0x0], $0xffff  }
0x2f9: {  	v25 =	vmul.f32 v26, v12  }
0x2fa: {  	v26 =	vor.u32 $0x9, v21  }
0x2fb: {  	v29 =	vor.u32 $0xA, v22;
	[tilespmem:v23+s5+$0x0] =	vst.idx.msk $0xffff, v25;
	v23 =	vor.u32 $0x38, v10  }
0x2fc: {  	v25 =	vld.idx.msk [tilespmem:v28+s3+$0x0], $0xffff;
	v28 =	vor.u32 $0x39, v11  }
0x2fd: {  	v27 =	vmul.f32 v27, v15  }
0x2fe: {  	v24 =	vmul.f32 v24, v9  }
0x2ff: {  	[tilespmem:v26+s5+$0x0] =	vst.idx.msk $0xffff, v27;
	v26 =	vor.u32 $0x21, v13  }
0x300: {  	v27 =	vld.idx.msk [tilespmem:v29+s3+$0x0], $0xffff;
	v29 =	vor.u32 $0x22, v14;
	[tilespmem:v23+s5+$0x0] =	vst.idx.msk $0xffff, v24  }
0x301: {  	v23 =	vld.idx.msk [tilespmem:v28+s3+$0x0], $0xffff  }
0x302: {  	v24 =	vmul.f32 v25, v12  }
0x303: {  	v25 =	vor.u32 $0xA, v21  }
0x304: {  	v28 =	vor.u32 $0xB, v22;
	[tilespmem:v26+s5+$0x0] =	vst.idx.msk $0xffff, v24;
	v24 =	vor.u32 $0x39, v10  }
0x305: {  	v26 =	vld.idx.msk [tilespmem:v29+s3+$0x0], $0xffff;
	v29 =	vor.u32 $0x3A, v11  }
0x306: {  	v27 =	vmul.f32 v27, v15  }
0x307: {  	v23 =	vmul.f32 v23, v9  }
0x308: {  	[tilespmem:v25+s5+$0x0] =	vst.idx.msk $0xffff, v27;
	v25 =	vor.u32 $0x22, v13  }
0x309: {  	v27 =	vld.idx.msk [tilespmem:v28+s3+$0x0], $0xffff;
	v28 =	vor.u32 $0x23, v14;
	[tilespmem:v24+s5+$0x0] =	vst.idx.msk $0xffff, v23  }
0x30a: {  	v23 =	vld.idx.msk [tilespmem:v29+s3+$0x0], $0xffff  }
0x30b: {  	v24 =	vmul.f32 v26, v12  }
0x30c: {  	v26 =	vor.u32 $0xB, v21  }
0x30d: {  	v29 =	vor.u32 $0xC, v22;
	[tilespmem:v25+s5+$0x0] =	vst.idx.msk $0xffff, v24;
	v24 =	vor.u32 $0x3A, v10  }
0x30e: {  	v25 =	vld.idx.msk [tilespmem:v28+s3+$0x0], $0xffff;
	v28 =	vor.u32 $0x3B, v11  }
0x30f: {  	v27 =	vmul.f32 v27, v15  }
0x310: {  	v23 =	vmul.f32 v23, v9  }
0x311: {  	[tilespmem:v26+s5+$0x0] =	vst.idx.msk $0xffff, v27;
	v26 =	vor.u32 $0x23, v13  }
0x312: {  	v27 =	vld.idx.msk [tilespmem:v29+s3+$0x0], $0xffff;
	v29 =	vor.u32 $0x24, v14;
	[tilespmem:v24+s5+$0x0] =	vst.idx.msk $0xffff, v23  }
0x313: {  	v23 =	vld.idx.msk [tilespmem:v28+s3+$0x0], $0xffff  }
0x314: {  	v24 =	vmul.f32 v25, v12  }
0x315: {  	v25 =	vor.u32 $0xC, v21  }
0x316: {  	v28 =	vor.u32 $0xD, v22;
	[tilespmem:v26+s5+$0x0] =	vst.idx.msk $0xffff, v24;
	v24 =	vor.u32 $0x3B, v10  }
0x317: {  	v26 =	vld.idx.msk [tilespmem:v29+s3+$0x0], $0xffff;
	v29 =	vor.u32 $0x3C, v11  }
0x318: {  	v27 =	vmul.f32 v27, v15  }
0x319: {  	v23 =	vmul.f32 v23, v9  }
0x31a: {  	[tilespmem:v25+s5+$0x0] =	vst.idx.msk $0xffff, v27;
	v25 =	vor.u32 $0x24, v13  }
0x31b: {  	v27 =	vld.idx.msk [tilespmem:v28+s3+$0x0], $0xffff;
	v28 =	vor.u32 $0x25, v14;
	[tilespmem:v24+s5+$0x0] =	vst.idx.msk $0xffff, v23  }
0x31c: {  	v23 =	vld.idx.msk [tilespmem:v29+s3+$0x0], $0xffff  }
0x31d: {  	v24 =	vmul.f32 v26, v12  }
0x31e: {  	v26 =	vor.u32 $0xD, v21  }
0x31f: {  	v29 =	vor.u32 $0xE, v22;
	[tilespmem:v25+s5+$0x0] =	vst.idx.msk $0xffff, v24;
	v24 =	vor.u32 $0x3C, v10  }
0x320: {  	v25 =	vld.idx.msk [tilespmem:v28+s3+$0x0], $0xffff;
	v28 =	vor.u32 $0x3D, v11  }
0x321: {  	v27 =	vmul.f32 v27, v15  }
0x322: {  	v23 =	vmul.f32 v23, v9  }
0x323: {  	[tilespmem:v26+s5+$0x0] =	vst.idx.msk $0xffff, v27;
	v26 =	vor.u32 $0x25, v13  }
0x324: {  	v27 =	vld.idx.msk [tilespmem:v29+s3+$0x0], $0xffff;
	v29 =	vor.u32 $0x26, v14;
	[tilespmem:v24+s5+$0x0] =	vst.idx.msk $0xffff, v23  }
0x325: {  	v23 =	vld.idx.msk [tilespmem:v28+s3+$0x0], $0xffff  }
0x326: {  	v24 =	vmul.f32 v25, v12  }
0x327: {  	v25 =	vor.u32 $0xE, v21  }
0x328: {  	v28 =	vor.u32 $0xF, v22;
	[tilespmem:v26+s5+$0x0] =	vst.idx.msk $0xffff, v24;
	v24 =	vor.u32 $0x3D, v10  }
0x329: {  	v26 =	vld.idx.msk [tilespmem:v29+s3+$0x0], $0xffff;
	v29 =	vor.u32 $0x3E, v11  }
0x32a: {  	v27 =	vmul.f32 v27, v15  }
0x32b: {  	v23 =	vmul.f32 v23, v9  }
0x32c: {  	[tilespmem:v25+s5+$0x0] =	vst.idx.msk $0xffff, v27;
	v25 =	vor.u32 $0x26, v13  }
0x32d: {  	v27 =	vld.idx.msk [tilespmem:v28+s3+$0x0], $0xffff;
	v28 =	vor.u32 $0x27, v14;
	[tilespmem:v24+s5+$0x0] =	vst.idx.msk $0xffff, v23  }
0x32e: {  	v23 =	vld.idx.msk [tilespmem:v29+s3+$0x0], $0xffff  }
0x32f: {  	v24 =	vmul.f32 v26, v12  }
0x330: {  	v26 =	vor.u32 $0xF, v21  }
0x331: {  	v29 =	vor.u32 $0x10, v22;
	[tilespmem:v25+s5+$0x0] =	vst.idx.msk $0xffff, v24;
	v24 =	vor.u32 $0x3E, v10  }
0x332: {  	v25 =	vld.idx.msk [tilespmem:v28+s3+$0x0], $0xffff;
	v28 =	vor.u32 $0x3F, v11;
	v11 =	vmov v14;
	v14 =	vmov v22  }
0x333: {  	v22 =	vmul.f32 v27, v15  }
0x334: {  	v23 =	vmul.f32 v23, v9  }
0x335: {  	[tilespmem:v26+s5+$0x0] =	vst.idx.msk $0xffff, v22;
	v22 =	vor.u32 $0x27, v13  }
0x336: {  	v27 =	vor.u32 $0x28, v11;
	v26 =	vld.idx.msk [tilespmem:v29+s3+$0x0], $0xffff;
	[tilespmem:v24+s5+$0x0] =	vst.idx.msk $0xffff, v23  }
0x337: {  	v23 =	vld.idx.msk [tilespmem:v28+s3+$0x0], $0xffff  }
0x338: {  	v24 =	vmul.f32 v25, v12  }
0x339: {  	v25 =	vor.u32 $0x10, v21  }
0x33a: {  	v28 =	vor.u32 $0x11, v14;
	[tilespmem:v22+s5+$0x0] =	vst.idx.msk $0xffff, v24;
	v22 =	vor.u32 $0x3F, v10;
	v10 =	vmovc v13;
	v13 =	vmov v21  }
0x33b: {  	v27 =	vld.idx.msk [tilespmem:v27+s3+$0x0], $0xffff  }
0x33c: {  	v21 =	vmul.f32 v26, v15  }
.Ltmp4:
0x33d: {  	v23 =	vmul.f32 v23, v9;
	v9 =	vmov v12;
	v12 =	vmov v20;
	(pc) =	sbr.rel @p1 .LBB2_13-.Ltmp4, $4  }
0x33e: {  	v24 =	vor.u32 s17, v7;
	v20 =	vor.u32 $0x28, v10;
	[tilespmem:v25+s5+$0x0] =	vst.idx.msk $0xffff, v21  }
0x33f: {  	v26 =	vshll.u32 v24, $0x4;
	v21 =	vor.u32 $0x29, v11;
	v25 =	vld.idx.msk [tilespmem:v28+s3+$0x0], $0xffff;
	[tilespmem:v22+s5+$0x0] =	vst.idx.msk $0xffff, v23  }
0x340: {  	v23 =	vadd.s32 v16, v26  }
0x341: {  	s17 =	sadd.s32 $0x10, s17;
	v26 =	vor.u32 v1, v23;
	v22 =	vmul.f32 v27, v9  }
0x342: {  	v16 =	vor.u32 v2, v23;
	_ =	sdelay $0x3  }
0x343: {  	v26 =	vld.idx.msk [tilespmem:v26+s24+$0x0], $0xffff  }
0x344: {  	v16 =	vld.idx.msk [tilespmem:v16+s26+$0x0], $0xffff;
	_ =	sdelay $0x4  }
0x345: {  	v16 =	vadd.f32 v16, v26;
	_ =	sdelay $0x1  }
0x346: {  	v26 =	vmul.f32 $2.000000030e-01, v16  }
0x347: {  	vm0 =	vge.f32 v16, $0.0e+00  }
0x348: {  	s15 =	sadd.s32 $0x10, s15;
	v16 =	vsel vm0, v16, v26  }
0x349: {  	v33 =	vld [tilespmem:s15+$0x0];
	v16 =	vmul.f32 $1.442695020e+00, v16;
	_ =	sdelay $0x1  }
0x34a: {  	(erf) = vpow2.f32 v16;
	_ =	sdelay $0x1  }
0x34b: {  	v34 =	vadd.s32 v18, v24  }
0x34c: {  	v35 =	vshll.u32 v33, $0x1;
	v16 =	vshll.u32 v34, $0x4  }
0x34d: {  	v18 =	vand.u32 $0xE, v35;
	v16 =	vadd.s32 v8, v16  }
0x34e: {  	v16 =	vor.u32 v16, v18  }
0x34f: {  	v36 =	vor.u32 v3, v23  }
0x350: {  	v37 =	vor.u32 v4, v23;
	_ =	sdelay $0x1  }
0x351: {  	v23 =	vpop (erf)  }
0x352: {  	[tilespmem:v16+s11+$0x0] =	vst.idx.msk $0xffff, v23  }
0x353: {  	v18 =	vld.idx.msk [tilespmem:v36+s24+$0x0], $0xffff  }
0x354: {  	v26 =	vld.idx.msk [tilespmem:v37+s26+$0x0], $0xffff;
	_ =	sdelay $0x4  }
0x355: {  	v18 =	vadd.f32 v26, v18;
	_ =	sdelay $0x1  }
0x356: {  	v26 =	vmul.f32 $2.000000030e-01, v18  }
0x357: {  	vm15 =	vge.f32 v18, $0.0e+00  }
0x358: {  	v18 =	vsel vm15, v18, v26  }
0x359: {  	v18 =	vmul.f32 $1.442695020e+00, v18;
	_ =	sdelay $0x1  }
0x35a: {  	(erf) = vpow2.f32 v18;
	_ =	sdelay $0x4  }
0x35b: {  	v39 =	vshll.u32 v24, $0x6;
	v38 =	vor.u32 $0x1, v16  }
0x35c: {  	v18 =	vadd.s32 v17, v39;
	_ =	sdelay $0x2  }
0x35d: {  	v16 =	vpop (erf)  }
0x35e: {  	[tilespmem:v38+s11+$0x0] =	vst.idx.msk $0xffff, v16  }
0x35f: {  	v26 =	vld.idx.msk [tilespmem:v18+s3+$0x0], $0xffff;
	_ =	sdelay $0x1  }
0x360: {  	v17 =	vadd.s32 v19, v39  }
0x361: {  	v40 =	vor.u32 $0x1, v18;
	_ =	sdelay $0x1  }
0x362: {  	v41 =	vmul.f32 v23, v26;
	_ =	sdelay $0x1  }
0x363: {  	[tilespmem:v17+s5+$0x0] =	vst.idx.msk $0xffff, v41  }
0x364: {  	v19 =	vld.idx.msk [tilespmem:v40+s3+$0x0], $0xffff;
	_ =	sdelay $0x1  }
0x365: {  	v42 =	vor.u32 $0x1, v17  }
0x366: {  	v43 =	vor.u32 $0x2, v18;
	_ =	sdelay $0x1  }
0x367: {  	v19 =	vmul.f32 v19, v23;
	_ =	sdelay $0x1  }
0x368: {  	[tilespmem:v42+s5+$0x0] =	vst.idx.msk $0xffff, v19  }
0x369: {  	v19 =	vld.idx.msk [tilespmem:v43+s3+$0x0], $0xffff;
	_ =	sdelay $0x1  }
0x36a: {  	v44 =	vor.u32 $0x2, v17  }
0x36b: {  	v45 =	vor.u32 $0x3, v18;
	_ =	sdelay $0x1  }
0x36c: {  	v19 =	vmul.f32 v19, v23;
	_ =	sdelay $0x1  }
0x36d: {  	[tilespmem:v44+s5+$0x0] =	vst.idx.msk $0xffff, v19  }
0x36e: {  	v19 =	vld.idx.msk [tilespmem:v45+s3+$0x0], $0xffff;
	_ =	sdelay $0x1  }
0x36f: {  	v46 =	vor.u32 $0x3, v17  }
0x370: {  	v47 =	vor.u32 $0x4, v18;
	_ =	sdelay $0x1  }
0x371: {  	v19 =	vmul.f32 v19, v23;
	_ =	sdelay $0x1  }
0x372: {  	[tilespmem:v46+s5+$0x0] =	vst.idx.msk $0xffff, v19  }
0x373: {  	v19 =	vld.idx.msk [tilespmem:v47+s3+$0x0], $0xffff;
	_ =	sdelay $0x1  }
0x374: {  	v48 =	vor.u32 $0x4, v17  }
0x375: {  	v49 =	vor.u32 $0x5, v18;
	_ =	sdelay $0x1  }
0x376: {  	v19 =	vmul.f32 v19, v23;
	_ =	sdelay $0x1  }
0x377: {  	[tilespmem:v48+s5+$0x0] =	vst.idx.msk $0xffff, v19  }
0x378: {  	v19 =	vld.idx.msk [tilespmem:v49+s3+$0x0], $0xffff;
	_ =	sdelay $0x1  }
0x379: {  	v50 =	vor.u32 $0x5, v17  }
0x37a: {  	v51 =	vor.u32 $0x6, v18;
	_ =	sdelay $0x1  }
0x37b: {  	v19 =	vmul.f32 v19, v23;
	_ =	sdelay $0x1  }
0x37c: {  	[tilespmem:v50+s5+$0x0] =	vst.idx.msk $0xffff, v19  }
0x37d: {  	v19 =	vld.idx.msk [tilespmem:v51+s3+$0x0], $0xffff;
	_ =	sdelay $0x1  }
0x37e: {  	v52 =	vor.u32 $0x6, v17  }
0x37f: {  	v53 =	vor.u32 $0x7, v18;
	_ =	sdelay $0x1  }
0x380: {  	v19 =	vmul.f32 v19, v23;
	_ =	sdelay $0x1  }
0x381: {  	[tilespmem:v52+s5+$0x0] =	vst.idx.msk $0xffff, v19  }
0x382: {  	v19 =	vld.idx.msk [tilespmem:v53+s3+$0x0], $0xffff;
	_ =	sdelay $0x1  }
0x383: {  	v54 =	vor.u32 $0x7, v17  }
0x384: {  	v55 =	vor.u32 $0x8, v18;
	_ =	sdelay $0x1  }
0x385: {  	v19 =	vmul.f32 v19, v23;
	_ =	sdelay $0x1  }
0x386: {  	[tilespmem:v54+s5+$0x0] =	vst.idx.msk $0xffff, v19  }
0x387: {  	v19 =	vld.idx.msk [tilespmem:v55+s3+$0x0], $0xffff;
	_ =	sdelay $0x1  }
0x388: {  	v56 =	vor.u32 $0x8, v17  }
0x389: {  	v57 =	vor.u32 $0x9, v18;
	_ =	sdelay $0x1  }
0x38a: {  	v19 =	vmul.f32 v19, v23;
	_ =	sdelay $0x1  }
0x38b: {  	[tilespmem:v56+s5+$0x0] =	vst.idx.msk $0xffff, v19  }
0x38c: {  	v19 =	vld.idx.msk [tilespmem:v57+s3+$0x0], $0xffff;
	_ =	sdelay $0x1  }
0x38d: {  	v58 =	vor.u32 $0x9, v17  }
0x38e: {  	v59 =	vor.u32 $0xA, v18;
	_ =	sdelay $0x1  }
0x38f: {  	v19 =	vmul.f32 v19, v23;
	_ =	sdelay $0x1  }
0x390: {  	[tilespmem:v58+s5+$0x0] =	vst.idx.msk $0xffff, v19  }
0x391: {  	v19 =	vld.idx.msk [tilespmem:v59+s3+$0x0], $0xffff;
	_ =	sdelay $0x1  }
0x392: {  	v60 =	vor.u32 $0xA, v17  }
0x393: {  	v61 =	vor.u32 $0xB, v18;
	_ =	sdelay $0x1  }
0x394: {  	v19 =	vmul.f32 v19, v23;
	_ =	sdelay $0x1  }
0x395: {  	[tilespmem:v60+s5+$0x0] =	vst.idx.msk $0xffff, v19  }
0x396: {  	v19 =	vld.idx.msk [tilespmem:v61+s3+$0x0], $0xffff;
	_ =	sdelay $0x1  }
0x397: {  	v62 =	vor.u32 $0xB, v17  }
0x398: {  	v63 =	vor.u32 $0xC, v18;
	_ =	sdelay $0x1  }
0x399: {  	v19 =	vmul.f32 v19, v23;
	_ =	sdelay $0x1  }
0x39a: {  	[tilespmem:v62+s5+$0x0] =	vst.idx.msk $0xffff, v19  }
0x39b: {  	v19 =	vld.idx.msk [tilespmem:v63+s3+$0x0], $0xffff;
	_ =	sdelay $0x1  }
0x39c: {  	v28 =	vor.u32 $0xC, v17  }
0x39d: {  	v29 =	vor.u32 $0xD, v18;
	_ =	sdelay $0x1  }
0x39e: {  	v19 =	vmul.f32 v19, v23;
	_ =	sdelay $0x1  }
0x39f: {  	[tilespmem:v28+s5+$0x0] =	vst.idx.msk $0xffff, v19  }
0x3a0: {  	v19 =	vld.idx.msk [tilespmem:v29+s3+$0x0], $0xffff;
	_ =	sdelay $0x1  }
0x3a1: {  	v30 =	vor.u32 $0xD, v17  }
0x3a2: {  	v31 =	vor.u32 $0xE, v18;
	_ =	sdelay $0x1  }
0x3a3: {  	v19 =	vmul.f32 v19, v23;
	_ =	sdelay $0x1  }
0x3a4: {  	[tilespmem:v30+s5+$0x0] =	vst.idx.msk $0xffff, v19  }
0x3a5: {  	v19 =	vld.idx.msk [tilespmem:v31+s3+$0x0], $0xffff;
	_ =	sdelay $0x1  }
0x3a6: {  	v32 =	vor.u32 $0xE, v17  }
0x3a7: {  	v33 =	vor.u32 $0xF, v18;
	_ =	sdelay $0x1  }
0x3a8: {  	v19 =	vmul.f32 v19, v23;
	_ =	sdelay $0x1  }
0x3a9: {  	[tilespmem:v32+s5+$0x0] =	vst.idx.msk $0xffff, v19  }
0x3aa: {  	v19 =	vld.idx.msk [tilespmem:v33+s3+$0x0], $0xffff;
	_ =	sdelay $0x1  }
0x3ab: {  	v34 =	vor.u32 $0xF, v17  }
0x3ac: {  	v35 =	vor.u32 $0x10, v18;
	_ =	sdelay $0x1  }
0x3ad: {  	v19 =	vmul.f32 v19, v23;
	_ =	sdelay $0x1  }
0x3ae: {  	[tilespmem:v34+s5+$0x0] =	vst.idx.msk $0xffff, v19  }
0x3af: {  	v19 =	vld.idx.msk [tilespmem:v35+s3+$0x0], $0xffff;
	_ =	sdelay $0x1  }
0x3b0: {  	v36 =	vor.u32 $0x10, v17  }
0x3b1: {  	v37 =	vor.u32 $0x11, v18;
	_ =	sdelay $0x1  }
0x3b2: {  	v19 =	vmul.f32 v19, v23;
	_ =	sdelay $0x1  }
0x3b3: {  	[tilespmem:v36+s5+$0x0] =	vst.idx.msk $0xffff, v19  }
0x3b4: {  	v19 =	vld.idx.msk [tilespmem:v37+s3+$0x0], $0xffff  }
0x3b5: {  	v38 =	vor.u32 $0x11, v13  }
0x3b6: {  	v39 =	vor.u32 $0x12, v14;
	v27 =	vor.u32 $0x11, v17  }
0x3b7: {  	v28 =	vor.u32 $0x12, v18  }
0x3b8: {  	v25 =	vmul.f32 v25, v15  }
0x3b9: {  	v19 =	vmul.f32 v19, v23  }
0x3ba: {  	[tilespmem:v38+s5+$0x0] =	vst.idx.msk $0xffff, v25  }
0x3bb: {  	v24 =	vld.idx.msk [tilespmem:v39+s3+$0x0], $0xffff;
	[tilespmem:v27+s5+$0x0] =	vst.idx.msk $0xffff, v19  }
0x3bc: {  	v19 =	vld.idx.msk [tilespmem:v28+s3+$0x0], $0xffff  }
0x3bd: {  	v40 =	vor.u32 $0x12, v13  }
0x3be: {  	v41 =	vor.u32 $0x13, v14;
	v42 =	vor.u32 $0x12, v17  }
0x3bf: {  	v43 =	vor.u32 $0x13, v18  }
0x3c0: {  	v24 =	vmul.f32 v24, v15  }
0x3c1: {  	v19 =	vmul.f32 v19, v23  }
0x3c2: {  	[tilespmem:v40+s5+$0x0] =	vst.idx.msk $0xffff, v24  }
0x3c3: {  	v24 =	vld.idx.msk [tilespmem:v41+s3+$0x0], $0xffff;
	[tilespmem:v42+s5+$0x0] =	vst.idx.msk $0xffff, v19  }
0x3c4: {  	v19 =	vld.idx.msk [tilespmem:v43+s3+$0x0], $0xffff  }
0x3c5: {  	v44 =	vor.u32 $0x13, v13  }
0x3c6: {  	v45 =	vor.u32 $0x14, v14;
	v46 =	vor.u32 $0x13, v17  }
0x3c7: {  	v47 =	vor.u32 $0x14, v18  }
0x3c8: {  	v24 =	vmul.f32 v24, v15  }
0x3c9: {  	v19 =	vmul.f32 v19, v23  }
0x3ca: {  	[tilespmem:v44+s5+$0x0] =	vst.idx.msk $0xffff, v24  }
0x3cb: {  	v24 =	vld.idx.msk [tilespmem:v45+s3+$0x0], $0xffff;
	[tilespmem:v46+s5+$0x0] =	vst.idx.msk $0xffff, v19  }
0x3cc: {  	v19 =	vld.idx.msk [tilespmem:v47+s3+$0x0], $0xffff  }
0x3cd: {  	v48 =	vor.u32 $0x14, v13  }
0x3ce: {  	v49 =	vor.u32 $0x15, v14;
	v50 =	vor.u32 $0x14, v17  }
0x3cf: {  	v51 =	vor.u32 $0x15, v18  }
0x3d0: {  	v24 =	vmul.f32 v24, v15  }
0x3d1: {  	v19 =	vmul.f32 v19, v23  }
0x3d2: {  	[tilespmem:v48+s5+$0x0] =	vst.idx.msk $0xffff, v24  }
0x3d3: {  	v24 =	vld.idx.msk [tilespmem:v49+s3+$0x0], $0xffff;
	[tilespmem:v50+s5+$0x0] =	vst.idx.msk $0xffff, v19  }
0x3d4: {  	v19 =	vld.idx.msk [tilespmem:v51+s3+$0x0], $0xffff  }
0x3d5: {  	v52 =	vor.u32 $0x15, v13  }
0x3d6: {  	v53 =	vor.u32 $0x16, v14;
	v54 =	vor.u32 $0x15, v17  }
0x3d7: {  	v55 =	vor.u32 $0x16, v18  }
0x3d8: {  	v24 =	vmul.f32 v24, v15  }
0x3d9: {  	v19 =	vmul.f32 v19, v23  }
0x3da: {  	[tilespmem:v52+s5+$0x0] =	vst.idx.msk $0xffff, v24  }
0x3db: {  	v24 =	vld.idx.msk [tilespmem:v53+s3+$0x0], $0xffff;
	[tilespmem:v54+s5+$0x0] =	vst.idx.msk $0xffff, v19  }
0x3dc: {  	v19 =	vld.idx.msk [tilespmem:v55+s3+$0x0], $0xffff  }
0x3dd: {  	v56 =	vor.u32 $0x16, v13  }
0x3de: {  	v57 =	vor.u32 $0x17, v14;
	v58 =	vor.u32 $0x16, v17  }
0x3df: {  	v59 =	vor.u32 $0x17, v18  }
0x3e0: {  	v24 =	vmul.f32 v24, v15  }
0x3e1: {  	v19 =	vmul.f32 v19, v23  }
0x3e2: {  	[tilespmem:v56+s5+$0x0] =	vst.idx.msk $0xffff, v24  }
0x3e3: {  	v24 =	vld.idx.msk [tilespmem:v57+s3+$0x0], $0xffff;
	[tilespmem:v58+s5+$0x0] =	vst.idx.msk $0xffff, v19  }
0x3e4: {  	v19 =	vld.idx.msk [tilespmem:v59+s3+$0x0], $0xffff  }
0x3e5: {  	v60 =	vor.u32 $0x17, v13  }
0x3e6: {  	v61 =	vor.u32 $0x18, v14;
	v62 =	vor.u32 $0x17, v17  }
0x3e7: {  	v63 =	vor.u32 $0x18, v18  }
0x3e8: {  	v24 =	vmul.f32 v24, v15  }
0x3e9: {  	v19 =	vmul.f32 v19, v23  }
0x3ea: {  	[tilespmem:v60+s5+$0x0] =	vst.idx.msk $0xffff, v24  }
0x3eb: {  	v24 =	vld.idx.msk [tilespmem:v61+s3+$0x0], $0xffff;
	[tilespmem:v62+s5+$0x0] =	vst.idx.msk $0xffff, v19  }
0x3ec: {  	v19 =	vld.idx.msk [tilespmem:v63+s3+$0x0], $0xffff  }
0x3ed: {  	v32 =	vor.u32 $0x18, v13  }
0x3ee: {  	v33 =	vor.u32 $0x19, v14;
	v34 =	vor.u32 $0x18, v17  }
0x3ef: {  	v35 =	vor.u32 $0x19, v18  }
0x3f0: {  	v24 =	vmul.f32 v24, v15  }
0x3f1: {  	v19 =	vmul.f32 v19, v23  }
0x3f2: {  	[tilespmem:v32+s5+$0x0] =	vst.idx.msk $0xffff, v24  }
0x3f3: {  	v24 =	vld.idx.msk [tilespmem:v33+s3+$0x0], $0xffff;
	[tilespmem:v34+s5+$0x0] =	vst.idx.msk $0xffff, v19  }
0x3f4: {  	v19 =	vld.idx.msk [tilespmem:v35+s3+$0x0], $0xffff  }
0x3f5: {  	v36 =	vor.u32 $0x19, v13  }
0x3f6: {  	v38 =	vor.u32 $0x19, v17;
	v37 =	vor.u32 $0x1A, v14  }
0x3f7: {  	v39 =	vor.u32 $0x1A, v18  }
0x3f8: {  	v24 =	vmul.f32 v24, v15  }
0x3f9: {  	v19 =	vmul.f32 v19, v23  }
0x3fa: {  	[tilespmem:v36+s5+$0x0] =	vst.idx.msk $0xffff, v24  }
0x3fb: {  	v24 =	vld.idx.msk [tilespmem:v37+s3+$0x0], $0xffff;
	[tilespmem:v38+s5+$0x0] =	vst.idx.msk $0xffff, v19  }
0x3fc: {  	v19 =	vld.idx.msk [tilespmem:v39+s3+$0x0], $0xffff  }
0x3fd: {  	v40 =	vor.u32 $0x1A, v13  }
0x3fe: {  	v41 =	vor.u32 $0x1B, v14;
	v42 =	vor.u32 $0x1A, v17  }
0x3ff: {  	v43 =	vor.u32 $0x1B, v18  }
0x400: {  	v24 =	vmul.f32 v24, v15  }
0x401: {  	v19 =	vmul.f32 v19, v23  }
0x402: {  	[tilespmem:v40+s5+$0x0] =	vst.idx.msk $0xffff, v24  }
0x403: {  	v24 =	vld.idx.msk [tilespmem:v41+s3+$0x0], $0xffff;
	[tilespmem:v42+s5+$0x0] =	vst.idx.msk $0xffff, v19  }
0x404: {  	v19 =	vld.idx.msk [tilespmem:v43+s3+$0x0], $0xffff  }
0x405: {  	v44 =	vor.u32 $0x1B, v13  }
0x406: {  	v45 =	vor.u32 $0x1C, v14;
	v46 =	vor.u32 $0x1B, v17  }
0x407: {  	v47 =	vor.u32 $0x1C, v18  }
0x408: {  	v24 =	vmul.f32 v24, v15  }
0x409: {  	v19 =	vmul.f32 v19, v23  }
0x40a: {  	[tilespmem:v44+s5+$0x0] =	vst.idx.msk $0xffff, v24  }
0x40b: {  	v24 =	vld.idx.msk [tilespmem:v45+s3+$0x0], $0xffff;
	[tilespmem:v46+s5+$0x0] =	vst.idx.msk $0xffff, v19  }
0x40c: {  	v19 =	vld.idx.msk [tilespmem:v47+s3+$0x0], $0xffff  }
0x40d: {  	v48 =	vor.u32 $0x1C, v13  }
0x40e: {  	v49 =	vor.u32 $0x1D, v14;
	v50 =	vor.u32 $0x1C, v17  }
0x40f: {  	v51 =	vor.u32 $0x1D, v18  }
0x410: {  	v24 =	vmul.f32 v24, v15  }
0x411: {  	v19 =	vmul.f32 v19, v23  }
0x412: {  	[tilespmem:v48+s5+$0x0] =	vst.idx.msk $0xffff, v24  }
0x413: {  	v24 =	vld.idx.msk [tilespmem:v49+s3+$0x0], $0xffff;
	[tilespmem:v50+s5+$0x0] =	vst.idx.msk $0xffff, v19  }
0x414: {  	v19 =	vld.idx.msk [tilespmem:v51+s3+$0x0], $0xffff  }
0x415: {  	v52 =	vor.u32 $0x1D, v13  }
0x416: {  	v53 =	vor.u32 $0x1E, v14;
	v54 =	vor.u32 $0x1D, v17  }
0x417: {  	v55 =	vor.u32 $0x1E, v18  }
0x418: {  	v24 =	vmul.f32 v24, v15  }
0x419: {  	v19 =	vmul.f32 v19, v23  }
0x41a: {  	[tilespmem:v52+s5+$0x0] =	vst.idx.msk $0xffff, v24  }
0x41b: {  	v24 =	vld.idx.msk [tilespmem:v53+s3+$0x0], $0xffff;
	[tilespmem:v54+s5+$0x0] =	vst.idx.msk $0xffff, v19  }
0x41c: {  	v19 =	vld.idx.msk [tilespmem:v55+s3+$0x0], $0xffff  }
0x41d: {  	v56 =	vor.u32 $0x1E, v13  }
0x41e: {  	v57 =	vor.u32 $0x1F, v14;
	v58 =	vor.u32 $0x1E, v17  }
0x41f: {  	v59 =	vor.u32 $0x1F, v18  }
0x420: {  	v24 =	vmul.f32 v24, v15  }
0x421: {  	v19 =	vmul.f32 v19, v23  }
0x422: {  	[tilespmem:v56+s5+$0x0] =	vst.idx.msk $0xffff, v24  }
0x423: {  	v24 =	vld.idx.msk [tilespmem:v57+s3+$0x0], $0xffff;
	[tilespmem:v58+s5+$0x0] =	vst.idx.msk $0xffff, v19  }
0x424: {  	v19 =	vld.idx.msk [tilespmem:v59+s3+$0x0], $0xffff  }
0x425: {  	v60 =	vor.u32 $0x1F, v13  }
0x426: {  	v61 =	vor.u32 $0x20, v14;
	v62 =	vor.u32 $0x1F, v17  }
0x427: {  	v63 =	vor.u32 $0x20, v18  }
0x428: {  	v32 =	vmul.f32 v24, v15  }
0x429: {  	v19 =	vmul.f32 v19, v23  }
0x42a: {  	[tilespmem:v60+s5+$0x0] =	vst.idx.msk $0xffff, v32  }
0x42b: {  	v15 =	vld.idx.msk [tilespmem:v61+s3+$0x0], $0xffff;
	[tilespmem:v62+s5+$0x0] =	vst.idx.msk $0xffff, v19  }
0x42c: {  	v19 =	vld.idx.msk [tilespmem:v63+s3+$0x0], $0xffff  }
0x42d: {  	v33 =	vor.u32 $0x20, v13  }
0x42e: {  	v34 =	vor.u32 $0x21, v14;
	v35 =	vor.u32 $0x20, v17  }
0x42f: {  	v36 =	vor.u32 $0x21, v18  }
0x430: {  	v15 =	vmul.f32 v15, v12  }
0x431: {  	v19 =	vmul.f32 v19, v16  }
0x432: {  	[tilespmem:v33+s5+$0x0] =	vst.idx.msk $0xffff, v15  }
0x433: {  	v15 =	vld.idx.msk [tilespmem:v34+s3+$0x0], $0xffff;
	[tilespmem:v35+s5+$0x0] =	vst.idx.msk $0xffff, v19  }
0x434: {  	v19 =	vld.idx.msk [tilespmem:v36+s3+$0x0], $0xffff  }
0x435: {  	v37 =	vor.u32 $0x21, v13  }
0x436: {  	v38 =	vor.u32 $0x22, v14;
	v39 =	vor.u32 $0x21, v17  }
0x437: {  	v40 =	vor.u32 $0x22, v18  }
0x438: {  	v15 =	vmul.f32 v15, v12  }
0x439: {  	v19 =	vmul.f32 v19, v16  }
0x43a: {  	[tilespmem:v37+s5+$0x0] =	vst.idx.msk $0xffff, v15  }
0x43b: {  	v15 =	vld.idx.msk [tilespmem:v38+s3+$0x0], $0xffff;
	[tilespmem:v39+s5+$0x0] =	vst.idx.msk $0xffff, v19  }
0x43c: {  	v19 =	vld.idx.msk [tilespmem:v40+s3+$0x0], $0xffff  }
0x43d: {  	v41 =	vor.u32 $0x22, v13  }
0x43e: {  	v42 =	vor.u32 $0x23, v14;
	v43 =	vor.u32 $0x22, v17  }
0x43f: {  	v44 =	vor.u32 $0x23, v18  }
0x440: {  	v15 =	vmul.f32 v15, v12  }
0x441: {  	v19 =	vmul.f32 v19, v16  }
0x442: {  	[tilespmem:v41+s5+$0x0] =	vst.idx.msk $0xffff, v15  }
0x443: {  	v15 =	vld.idx.msk [tilespmem:v42+s3+$0x0], $0xffff;
	[tilespmem:v43+s5+$0x0] =	vst.idx.msk $0xffff, v19  }
0x444: {  	v19 =	vld.idx.msk [tilespmem:v44+s3+$0x0], $0xffff  }
0x445: {  	v45 =	vor.u32 $0x23, v13  }
0x446: {  	v46 =	vor.u32 $0x24, v14;
	v47 =	vor.u32 $0x23, v17  }
0x447: {  	v48 =	vor.u32 $0x24, v18  }
0x448: {  	v15 =	vmul.f32 v15, v12  }
0x449: {  	v19 =	vmul.f32 v19, v16  }
0x44a: {  	[tilespmem:v45+s5+$0x0] =	vst.idx.msk $0xffff, v15  }
0x44b: {  	v15 =	vld.idx.msk [tilespmem:v46+s3+$0x0], $0xffff;
	[tilespmem:v47+s5+$0x0] =	vst.idx.msk $0xffff, v19  }
0x44c: {  	v19 =	vld.idx.msk [tilespmem:v48+s3+$0x0], $0xffff  }
0x44d: {  	v49 =	vor.u32 $0x24, v13  }
0x44e: {  	v50 =	vor.u32 $0x25, v14;
	v51 =	vor.u32 $0x24, v17  }
0x44f: {  	v52 =	vor.u32 $0x25, v18  }
0x450: {  	v15 =	vmul.f32 v15, v12  }
0x451: {  	v19 =	vmul.f32 v19, v16  }
0x452: {  	[tilespmem:v49+s5+$0x0] =	vst.idx.msk $0xffff, v15  }
0x453: {  	v15 =	vld.idx.msk [tilespmem:v50+s3+$0x0], $0xffff;
	[tilespmem:v51+s5+$0x0] =	vst.idx.msk $0xffff, v19  }
0x454: {  	v19 =	vld.idx.msk [tilespmem:v52+s3+$0x0], $0xffff  }
0x455: {  	v53 =	vor.u32 $0x25, v13  }
0x456: {  	v54 =	vor.u32 $0x26, v14;
	v55 =	vor.u32 $0x25, v17  }
0x457: {  	v56 =	vor.u32 $0x26, v18  }
0x458: {  	v15 =	vmul.f32 v15, v12  }
0x459: {  	v19 =	vmul.f32 v19, v16  }
0x45a: {  	[tilespmem:v53+s5+$0x0] =	vst.idx.msk $0xffff, v15  }
0x45b: {  	v15 =	vld.idx.msk [tilespmem:v54+s3+$0x0], $0xffff;
	[tilespmem:v55+s5+$0x0] =	vst.idx.msk $0xffff, v19  }
0x45c: {  	v19 =	vld.idx.msk [tilespmem:v56+s3+$0x0], $0xffff  }
0x45d: {  	v57 =	vor.u32 $0x26, v13  }
0x45e: {  	v58 =	vor.u32 $0x27, v14;
	v59 =	vor.u32 $0x26, v17  }
0x45f: {  	v60 =	vor.u32 $0x27, v18  }
0x460: {  	v15 =	vmul.f32 v15, v12  }
0x461: {  	v19 =	vmul.f32 v19, v16  }
0x462: {  	[tilespmem:v57+s5+$0x0] =	vst.idx.msk $0xffff, v15  }
0x463: {  	v15 =	vld.idx.msk [tilespmem:v58+s3+$0x0], $0xffff;
	[tilespmem:v59+s5+$0x0] =	vst.idx.msk $0xffff, v19  }
0x464: {  	v19 =	vld.idx.msk [tilespmem:v60+s3+$0x0], $0xffff  }
0x465: {  	v61 =	vor.u32 $0x27, v13  }
0x466: {  	v62 =	vor.u32 $0x28, v14;
	v63 =	vor.u32 $0x27, v17  }
0x467: {  	v28 =	vor.u32 $0x28, v18  }
0x468: {  	v15 =	vmul.f32 v15, v12  }
0x469: {  	v19 =	vmul.f32 v19, v16  }
0x46a: {  	[tilespmem:v61+s5+$0x0] =	vst.idx.msk $0xffff, v15  }
0x46b: {  	v15 =	vld.idx.msk [tilespmem:v62+s3+$0x0], $0xffff;
	[tilespmem:v63+s5+$0x0] =	vst.idx.msk $0xffff, v19  }
0x46c: {  	v19 =	vld.idx.msk [tilespmem:v28+s3+$0x0], $0xffff  }
0x46d: {  	v29 =	vor.u32 $0x28, v13  }
0x46e: {  	v30 =	vor.u32 $0x29, v14;
	v31 =	vor.u32 $0x28, v17  }
0x46f: {  	v32 =	vor.u32 $0x29, v18  }
0x470: {  	v15 =	vmul.f32 v15, v12  }
0x471: {  	[tilespmem:v20+s5+$0x0] =	vst.idx.msk $0xffff, v22;
	v19 =	vmul.f32 v19, v16  }
0x472: {  	v20 =	vld.idx.msk [tilespmem:v21+s3+$0x0], $0xffff;
	[tilespmem:v29+s5+$0x0] =	vst.idx.msk $0xffff, v15  }
0x473: {  	v15 =	vld.idx.msk [tilespmem:v30+s3+$0x0], $0xffff;
	[tilespmem:v31+s5+$0x0] =	vst.idx.msk $0xffff, v19  }
0x474: {  	v33 =	vor.u32 $0x29, v10;
	v34 =	vld.idx.msk [tilespmem:v32+s3+$0x0], $0xffff  }
0x475: {  	v35 =	vor.u32 $0x2A, v11;
	v36 =	vor.u32 $0x29, v13  }
0x476: {  	v37 =	vor.u32 $0x2A, v14;
	v38 =	vor.u32 $0x29, v17  }
0x477: {  	v20 =	vmul.f32 v20, v9;
	v39 =	vor.u32 $0x2A, v18  }
0x478: {  	v15 =	vmul.f32 v15, v12  }
0x479: {  	[tilespmem:v33+s5+$0x0] =	vst.idx.msk $0xffff, v20;
	v40 =	vmul.f32 v34, v16  }
0x47a: {  	v20 =	vld.idx.msk [tilespmem:v35+s3+$0x0], $0xffff;
	[tilespmem:v36+s5+$0x0] =	vst.idx.msk $0xffff, v15  }
0x47b: {  	v15 =	vld.idx.msk [tilespmem:v37+s3+$0x0], $0xffff;
	[tilespmem:v38+s5+$0x0] =	vst.idx.msk $0xffff, v40  }
0x47c: {  	v41 =	vor.u32 $0x2A, v10;
	v42 =	vld.idx.msk [tilespmem:v39+s3+$0x0], $0xffff  }
0x47d: {  	v43 =	vor.u32 $0x2B, v11;
	v44 =	vor.u32 $0x2A, v13  }
0x47e: {  	v45 =	vor.u32 $0x2B, v14;
	v46 =	vor.u32 $0x2A, v17  }
0x47f: {  	v20 =	vmul.f32 v20, v9;
	v47 =	vor.u32 $0x2B, v18  }
0x480: {  	v15 =	vmul.f32 v15, v12  }
0x481: {  	[tilespmem:v41+s5+$0x0] =	vst.idx.msk $0xffff, v20;
	v48 =	vmul.f32 v42, v16  }
0x482: {  	v20 =	vld.idx.msk [tilespmem:v43+s3+$0x0], $0xffff;
	[tilespmem:v44+s5+$0x0] =	vst.idx.msk $0xffff, v15  }
0x483: {  	v15 =	vld.idx.msk [tilespmem:v45+s3+$0x0], $0xffff;
	[tilespmem:v46+s5+$0x0] =	vst.idx.msk $0xffff, v48  }
0x484: {  	v49 =	vor.u32 $0x2B, v10;
	v50 =	vld.idx.msk [tilespmem:v47+s3+$0x0], $0xffff  }
0x485: {  	v51 =	vor.u32 $0x2C, v11;
	v52 =	vor.u32 $0x2B, v13  }
0x486: {  	v53 =	vor.u32 $0x2C, v14;
	v54 =	vor.u32 $0x2B, v17  }
0x487: {  	v20 =	vmul.f32 v20, v9;
	v55 =	vor.u32 $0x2C, v18  }
0x488: {  	v15 =	vmul.f32 v15, v12  }
0x489: {  	[tilespmem:v49+s5+$0x0] =	vst.idx.msk $0xffff, v20;
	v56 =	vmul.f32 v50, v16  }
0x48a: {  	v20 =	vld.idx.msk [tilespmem:v51+s3+$0x0], $0xffff;
	[tilespmem:v52+s5+$0x0] =	vst.idx.msk $0xffff, v15  }
0x48b: {  	v15 =	vld.idx.msk [tilespmem:v53+s3+$0x0], $0xffff;
	[tilespmem:v54+s5+$0x0] =	vst.idx.msk $0xffff, v56  }
0x48c: {  	v57 =	vor.u32 $0x2C, v10;
	v58 =	vld.idx.msk [tilespmem:v55+s3+$0x0], $0xffff  }
0x48d: {  	v59 =	vor.u32 $0x2D, v11;
	v60 =	vor.u32 $0x2C, v13  }
0x48e: {  	v61 =	vor.u32 $0x2D, v14;
	v62 =	vor.u32 $0x2C, v17  }
0x48f: {  	v20 =	vmul.f32 v20, v9;
	v63 =	vor.u32 $0x2D, v18  }
0x490: {  	v15 =	vmul.f32 v15, v12  }
0x491: {  	[tilespmem:v57+s5+$0x0] =	vst.idx.msk $0xffff, v20;
	v28 =	vmul.f32 v58, v16  }
0x492: {  	v20 =	vld.idx.msk [tilespmem:v59+s3+$0x0], $0xffff;
	[tilespmem:v60+s5+$0x0] =	vst.idx.msk $0xffff, v15  }
0x493: {  	v15 =	vld.idx.msk [tilespmem:v61+s3+$0x0], $0xffff;
	[tilespmem:v62+s5+$0x0] =	vst.idx.msk $0xffff, v28  }
0x494: {  	v29 =	vor.u32 $0x2D, v10;
	v30 =	vld.idx.msk [tilespmem:v63+s3+$0x0], $0xffff  }
0x495: {  	v31 =	vor.u32 $0x2E, v11;
	v32 =	vor.u32 $0x2D, v13  }
0x496: {  	v33 =	vor.u32 $0x2E, v14;
	v34 =	vor.u32 $0x2D, v17  }
0x497: {  	v35 =	vor.u32 $0x2E, v18;
	v20 =	vmul.f32 v20, v9  }
0x498: {  	v15 =	vmul.f32 v15, v12  }
0x499: {  	[tilespmem:v29+s5+$0x0] =	vst.idx.msk $0xffff, v20;
	v36 =	vmul.f32 v30, v16  }
0x49a: {  	v20 =	vld.idx.msk [tilespmem:v31+s3+$0x0], $0xffff;
	[tilespmem:v32+s5+$0x0] =	vst.idx.msk $0xffff, v15  }
0x49b: {  	v15 =	vld.idx.msk [tilespmem:v33+s3+$0x0], $0xffff;
	[tilespmem:v34+s5+$0x0] =	vst.idx.msk $0xffff, v36  }
0x49c: {  	v37 =	vor.u32 $0x2E, v10;
	v38 =	vld.idx.msk [tilespmem:v35+s3+$0x0], $0xffff  }
0x49d: {  	v40 =	vor.u32 $0x2E, v13;
	v39 =	vor.u32 $0x2F, v11  }
0x49e: {  	v41 =	vor.u32 $0x2F, v14;
	v42 =	vor.u32 $0x2E, v17  }
0x49f: {  	v43 =	vor.u32 $0x2F, v18;
	v20 =	vmul.f32 v20, v9  }
0x4a0: {  	v15 =	vmul.f32 v15, v12  }
0x4a1: {  	[tilespmem:v37+s5+$0x0] =	vst.idx.msk $0xffff, v20;
	v44 =	vmul.f32 v38, v16  }
0x4a2: {  	v20 =	vld.idx.msk [tilespmem:v39+s3+$0x0], $0xffff;
	[tilespmem:v40+s5+$0x0] =	vst.idx.msk $0xffff, v15  }
0x4a3: {  	v15 =	vld.idx.msk [tilespmem:v41+s3+$0x0], $0xffff;
	[tilespmem:v42+s5+$0x0] =	vst.idx.msk $0xffff, v44  }
0x4a4: {  	v45 =	vor.u32 $0x2F, v10;
	v46 =	vld.idx.msk [tilespmem:v43+s3+$0x0], $0xffff  }
0x4a5: {  	v48 =	vor.u32 $0x2F, v13;
	v47 =	vor.u32 $0x30, v11  }
0x4a6: {  	v49 =	vor.u32 $0x30, v14;
	v50 =	vor.u32 $0x2F, v17  }
0x4a7: {  	v51 =	vor.u32 $0x30, v18;
	v20 =	vmul.f32 v20, v9  }
0x4a8: {  	v15 =	vmul.f32 v15, v12  }
0x4a9: {  	[tilespmem:v45+s5+$0x0] =	vst.idx.msk $0xffff, v20;
	v52 =	vmul.f32 v46, v16  }
0x4aa: {  	v20 =	vld.idx.msk [tilespmem:v47+s3+$0x0], $0xffff;
	[tilespmem:v48+s5+$0x0] =	vst.idx.msk $0xffff, v15  }
0x4ab: {  	v15 =	vld.idx.msk [tilespmem:v49+s3+$0x0], $0xffff;
	[tilespmem:v50+s5+$0x0] =	vst.idx.msk $0xffff, v52  }
0x4ac: {  	v53 =	vor.u32 $0x30, v10;
	v54 =	vld.idx.msk [tilespmem:v51+s3+$0x0], $0xffff  }
0x4ad: {  	v56 =	vor.u32 $0x30, v13;
	v55 =	vor.u32 $0x31, v11  }
0x4ae: {  	v57 =	vor.u32 $0x31, v14;
	v58 =	vor.u32 $0x30, v17  }
0x4af: {  	v59 =	vor.u32 $0x31, v18;
	v20 =	vmul.f32 v20, v9  }
0x4b0: {  	v15 =	vmul.f32 v15, v12  }
0x4b1: {  	[tilespmem:v53+s5+$0x0] =	vst.idx.msk $0xffff, v20;
	v60 =	vmul.f32 v54, v16  }
0x4b2: {  	v20 =	vld.idx.msk [tilespmem:v55+s3+$0x0], $0xffff;
	[tilespmem:v56+s5+$0x0] =	vst.idx.msk $0xffff, v15  }
0x4b3: {  	v15 =	vld.idx.msk [tilespmem:v57+s3+$0x0], $0xffff;
	[tilespmem:v58+s5+$0x0] =	vst.idx.msk $0xffff, v60  }
0x4b4: {  	v61 =	vor.u32 $0x31, v10;
	v62 =	vld.idx.msk [tilespmem:v59+s3+$0x0], $0xffff  }
0x4b5: {  	v28 =	vor.u32 $0x31, v13;
	v63 =	vor.u32 $0x32, v11  }
0x4b6: {  	v29 =	vor.u32 $0x32, v14;
	v30 =	vor.u32 $0x31, v17  }
0x4b7: {  	v31 =	vor.u32 $0x32, v18;
	v20 =	vmul.f32 v20, v9  }
0x4b8: {  	v15 =	vmul.f32 v15, v12  }
0x4b9: {  	[tilespmem:v61+s5+$0x0] =	vst.idx.msk $0xffff, v20;
	v32 =	vmul.f32 v62, v16  }
0x4ba: {  	v20 =	vld.idx.msk [tilespmem:v63+s3+$0x0], $0xffff;
	[tilespmem:v28+s5+$0x0] =	vst.idx.msk $0xffff, v15  }
0x4bb: {  	v15 =	vld.idx.msk [tilespmem:v29+s3+$0x0], $0xffff;
	[tilespmem:v30+s5+$0x0] =	vst.idx.msk $0xffff, v32  }
0x4bc: {  	v33 =	vor.u32 $0x32, v10;
	v34 =	vld.idx.msk [tilespmem:v31+s3+$0x0], $0xffff  }
0x4bd: {  	v36 =	vor.u32 $0x32, v13;
	v35 =	vor.u32 $0x33, v11  }
0x4be: {  	v37 =	vor.u32 $0x33, v14;
	v38 =	vor.u32 $0x32, v17  }
0x4bf: {  	v39 =	vor.u32 $0x33, v18;
	v20 =	vmul.f32 v20, v9  }
0x4c0: {  	v15 =	vmul.f32 v15, v12  }
0x4c1: {  	[tilespmem:v33+s5+$0x0] =	vst.idx.msk $0xffff, v20;
	v40 =	vmul.f32 v34, v16  }
0x4c2: {  	v20 =	vld.idx.msk [tilespmem:v35+s3+$0x0], $0xffff;
	[tilespmem:v36+s5+$0x0] =	vst.idx.msk $0xffff, v15  }
0x4c3: {  	v15 =	vld.idx.msk [tilespmem:v37+s3+$0x0], $0xffff;
	[tilespmem:v38+s5+$0x0] =	vst.idx.msk $0xffff, v40  }
0x4c4: {  	v41 =	vor.u32 $0x33, v10;
	v42 =	vld.idx.msk [tilespmem:v39+s3+$0x0], $0xffff  }
0x4c5: {  	v44 =	vor.u32 $0x33, v13;
	v43 =	vor.u32 $0x34, v11  }
0x4c6: {  	v45 =	vor.u32 $0x34, v14;
	v46 =	vor.u32 $0x33, v17  }
0x4c7: {  	v47 =	vor.u32 $0x34, v18;
	v20 =	vmul.f32 v20, v9  }
0x4c8: {  	v15 =	vmul.f32 v15, v12  }
0x4c9: {  	[tilespmem:v41+s5+$0x0] =	vst.idx.msk $0xffff, v20;
	v48 =	vmul.f32 v42, v16  }
0x4ca: {  	v20 =	vld.idx.msk [tilespmem:v43+s3+$0x0], $0xffff;
	[tilespmem:v44+s5+$0x0] =	vst.idx.msk $0xffff, v15  }
0x4cb: {  	v15 =	vld.idx.msk [tilespmem:v45+s3+$0x0], $0xffff;
	[tilespmem:v46+s5+$0x0] =	vst.idx.msk $0xffff, v48  }
0x4cc: {  	v49 =	vor.u32 $0x34, v10;
	v50 =	vld.idx.msk [tilespmem:v47+s3+$0x0], $0xffff  }
0x4cd: {  	v52 =	vor.u32 $0x34, v13;
	v51 =	vor.u32 $0x35, v11  }
0x4ce: {  	v53 =	vor.u32 $0x35, v14;
	v54 =	vor.u32 $0x34, v17  }
0x4cf: {  	v55 =	vor.u32 $0x35, v18;
	v20 =	vmul.f32 v20, v9  }
0x4d0: {  	v15 =	vmul.f32 v15, v12  }
0x4d1: {  	[tilespmem:v49+s5+$0x0] =	vst.idx.msk $0xffff, v20;
	v56 =	vmul.f32 v50, v16  }
0x4d2: {  	v20 =	vld.idx.msk [tilespmem:v51+s3+$0x0], $0xffff;
	[tilespmem:v52+s5+$0x0] =	vst.idx.msk $0xffff, v15  }
0x4d3: {  	v15 =	vld.idx.msk [tilespmem:v53+s3+$0x0], $0xffff;
	[tilespmem:v54+s5+$0x0] =	vst.idx.msk $0xffff, v56  }
0x4d4: {  	v57 =	vor.u32 $0x35, v10;
	v58 =	vld.idx.msk [tilespmem:v55+s3+$0x0], $0xffff  }
0x4d5: {  	v60 =	vor.u32 $0x35, v13;
	v59 =	vor.u32 $0x36, v11  }
0x4d6: {  	v61 =	vor.u32 $0x36, v14;
	v62 =	vor.u32 $0x35, v17  }
0x4d7: {  	v63 =	vor.u32 $0x36, v18;
	v20 =	vmul.f32 v20, v9  }
0x4d8: {  	v15 =	vmul.f32 v15, v12  }
0x4d9: {  	[tilespmem:v57+s5+$0x0] =	vst.idx.msk $0xffff, v20;
	v27 =	vmul.f32 v58, v16  }
0x4da: {  	v20 =	vld.idx.msk [tilespmem:v59+s3+$0x0], $0xffff;
	[tilespmem:v60+s5+$0x0] =	vst.idx.msk $0xffff, v15  }
0x4db: {  	v15 =	vld.idx.msk [tilespmem:v61+s3+$0x0], $0xffff;
	[tilespmem:v62+s5+$0x0] =	vst.idx.msk $0xffff, v27  }
0x4dc: {  	v28 =	vor.u32 $0x36, v10;
	v29 =	vld.idx.msk [tilespmem:v63+s3+$0x0], $0xffff  }
0x4dd: {  	v30 =	vor.u32 $0x37, v11;
	v31 =	vor.u32 $0x36, v13  }
0x4de: {  	v33 =	vor.u32 $0x36, v17;
	v32 =	vor.u32 $0x37, v14  }
0x4df: {  	v20 =	vmul.f32 v20, v9;
	v34 =	vor.u32 $0x37, v18  }
0x4e0: {  	v15 =	vmul.f32 v15, v12  }
0x4e1: {  	[tilespmem:v28+s5+$0x0] =	vst.idx.msk $0xffff, v20;
	v35 =	vmul.f32 v29, v16  }
0x4e2: {  	v20 =	vld.idx.msk [tilespmem:v30+s3+$0x0], $0xffff;
	[tilespmem:v31+s5+$0x0] =	vst.idx.msk $0xffff, v15  }
0x4e3: {  	v15 =	vld.idx.msk [tilespmem:v32+s3+$0x0], $0xffff;
	[tilespmem:v33+s5+$0x0] =	vst.idx.msk $0xffff, v35  }
0x4e4: {  	v36 =	vor.u32 $0x37, v10;
	v37 =	vld.idx.msk [tilespmem:v34+s3+$0x0], $0xffff  }
0x4e5: {  	v38 =	vor.u32 $0x38, v11;
	v39 =	vor.u32 $0x37, v13  }
0x4e6: {  	v41 =	vor.u32 $0x37, v17;
	v40 =	vor.u32 $0x38, v14  }
0x4e7: {  	v20 =	vmul.f32 v20, v9;
	v42 =	vor.u32 $0x38, v18  }
0x4e8: {  	v15 =	vmul.f32 v15, v12  }
0x4e9: {  	[tilespmem:v36+s5+$0x0] =	vst.idx.msk $0xffff, v20;
	v43 =	vmul.f32 v37, v16  }
0x4ea: {  	v20 =	vld.idx.msk [tilespmem:v38+s3+$0x0], $0xffff;
	[tilespmem:v39+s5+$0x0] =	vst.idx.msk $0xffff, v15  }
0x4eb: {  	v15 =	vld.idx.msk [tilespmem:v40+s3+$0x0], $0xffff;
	[tilespmem:v41+s5+$0x0] =	vst.idx.msk $0xffff, v43  }
0x4ec: {  	v44 =	vor.u32 $0x38, v10;
	v45 =	vld.idx.msk [tilespmem:v42+s3+$0x0], $0xffff  }
0x4ed: {  	v46 =	vor.u32 $0x39, v11;
	v47 =	vor.u32 $0x38, v13  }
0x4ee: {  	v49 =	vor.u32 $0x38, v17;
	v48 =	vor.u32 $0x39, v14  }
0x4ef: {  	v20 =	vmul.f32 v20, v9;
	v50 =	vor.u32 $0x39, v18  }
0x4f0: {  	v15 =	vmul.f32 v15, v12  }
0x4f1: {  	[tilespmem:v44+s5+$0x0] =	vst.idx.msk $0xffff, v20;
	v51 =	vmul.f32 v45, v16  }
0x4f2: {  	v20 =	vld.idx.msk [tilespmem:v46+s3+$0x0], $0xffff;
	[tilespmem:v47+s5+$0x0] =	vst.idx.msk $0xffff, v15  }
0x4f3: {  	v15 =	vld.idx.msk [tilespmem:v48+s3+$0x0], $0xffff;
	[tilespmem:v49+s5+$0x0] =	vst.idx.msk $0xffff, v51  }
0x4f4: {  	v52 =	vor.u32 $0x39, v10;
	v53 =	vld.idx.msk [tilespmem:v50+s3+$0x0], $0xffff  }
0x4f5: {  	v54 =	vor.u32 $0x3A, v11;
	v55 =	vor.u32 $0x39, v13  }
0x4f6: {  	v57 =	vor.u32 $0x39, v17;
	v56 =	vor.u32 $0x3A, v14  }
0x4f7: {  	v20 =	vmul.f32 v20, v9;
	v58 =	vor.u32 $0x3A, v18  }
0x4f8: {  	v15 =	vmul.f32 v15, v12  }
0x4f9: {  	[tilespmem:v52+s5+$0x0] =	vst.idx.msk $0xffff, v20;
	v59 =	vmul.f32 v53, v16  }
0x4fa: {  	v20 =	vld.idx.msk [tilespmem:v54+s3+$0x0], $0xffff;
	[tilespmem:v55+s5+$0x0] =	vst.idx.msk $0xffff, v15  }
0x4fb: {  	v15 =	vld.idx.msk [tilespmem:v56+s3+$0x0], $0xffff;
	[tilespmem:v57+s5+$0x0] =	vst.idx.msk $0xffff, v59  }
0x4fc: {  	v60 =	vor.u32 $0x3A, v10;
	v61 =	vld.idx.msk [tilespmem:v58+s3+$0x0], $0xffff  }
0x4fd: {  	v62 =	vor.u32 $0x3B, v11;
	v63 =	vor.u32 $0x3A, v13  }
0x4fe: {  	v28 =	vor.u32 $0x3B, v14;
	v29 =	vor.u32 $0x3A, v17  }
0x4ff: {  	v30 =	vor.u32 $0x3B, v18;
	v20 =	vmul.f32 v20, v9  }
0x500: {  	v15 =	vmul.f32 v15, v12  }
0x501: {  	[tilespmem:v60+s5+$0x0] =	vst.idx.msk $0xffff, v20;
	v31 =	vmul.f32 v61, v16  }
0x502: {  	v20 =	vld.idx.msk [tilespmem:v62+s3+$0x0], $0xffff;
	[tilespmem:v63+s5+$0x0] =	vst.idx.msk $0xffff, v15  }
0x503: {  	v15 =	vld.idx.msk [tilespmem:v28+s3+$0x0], $0xffff;
	[tilespmem:v29+s5+$0x0] =	vst.idx.msk $0xffff, v31  }
0x504: {  	v32 =	vor.u32 $0x3B, v10;
	v33 =	vld.idx.msk [tilespmem:v30+s3+$0x0], $0xffff  }
0x505: {  	v35 =	vor.u32 $0x3B, v13;
	v34 =	vor.u32 $0x3C, v11  }
0x506: {  	v36 =	vor.u32 $0x3C, v14;
	v37 =	vor.u32 $0x3B, v17  }
0x507: {  	v38 =	vor.u32 $0x3C, v18;
	v20 =	vmul.f32 v20, v9  }
0x508: {  	v15 =	vmul.f32 v15, v12  }
0x509: {  	[tilespmem:v32+s5+$0x0] =	vst.idx.msk $0xffff, v20;
	v39 =	vmul.f32 v33, v16  }
0x50a: {  	v20 =	vld.idx.msk [tilespmem:v34+s3+$0x0], $0xffff;
	[tilespmem:v35+s5+$0x0] =	vst.idx.msk $0xffff, v15  }
0x50b: {  	v15 =	vld.idx.msk [tilespmem:v36+s3+$0x0], $0xffff;
	[tilespmem:v37+s5+$0x0] =	vst.idx.msk $0xffff, v39  }
0x50c: {  	v40 =	vor.u32 $0x3C, v10;
	v41 =	vld.idx.msk [tilespmem:v38+s3+$0x0], $0xffff  }
0x50d: {  	v43 =	vor.u32 $0x3C, v13;
	v42 =	vor.u32 $0x3D, v11  }
0x50e: {  	v44 =	vor.u32 $0x3D, v14;
	v45 =	vor.u32 $0x3C, v17  }
0x50f: {  	v46 =	vor.u32 $0x3D, v18;
	v20 =	vmul.f32 v20, v9  }
0x510: {  	v15 =	vmul.f32 v15, v12  }
0x511: {  	[tilespmem:v40+s5+$0x0] =	vst.idx.msk $0xffff, v20;
	v47 =	vmul.f32 v41, v16  }
0x512: {  	v20 =	vld.idx.msk [tilespmem:v42+s3+$0x0], $0xffff;
	[tilespmem:v43+s5+$0x0] =	vst.idx.msk $0xffff, v15  }
0x513: {  	v15 =	vld.idx.msk [tilespmem:v44+s3+$0x0], $0xffff;
	[tilespmem:v45+s5+$0x0] =	vst.idx.msk $0xffff, v47  }
0x514: {  	v48 =	vor.u32 $0x3D, v10;
	v49 =	vld.idx.msk [tilespmem:v46+s3+$0x0], $0xffff  }
0x515: {  	v51 =	vor.u32 $0x3D, v13;
	v50 =	vor.u32 $0x3E, v11  }
0x516: {  	v52 =	vor.u32 $0x3E, v14;
	v53 =	vor.u32 $0x3D, v17  }
0x517: {  	v54 =	vor.u32 $0x3E, v18;
	v20 =	vmul.f32 v20, v9  }
0x518: {  	v15 =	vmul.f32 v15, v12  }
0x519: {  	[tilespmem:v48+s5+$0x0] =	vst.idx.msk $0xffff, v20;
	v55 =	vmul.f32 v49, v16  }
0x51a: {  	v20 =	vld.idx.msk [tilespmem:v50+s3+$0x0], $0xffff;
	[tilespmem:v51+s5+$0x0] =	vst.idx.msk $0xffff, v15  }
0x51b: {  	v15 =	vld.idx.msk [tilespmem:v52+s3+$0x0], $0xffff;
	[tilespmem:v53+s5+$0x0] =	vst.idx.msk $0xffff, v55  }
0x51c: {  	v56 =	vor.u32 $0x3E, v10;
	v57 =	vld.idx.msk [tilespmem:v54+s3+$0x0], $0xffff  }
0x51d: {  	v11 =	vor.u32 $0x3F, v11;
	v58 =	vor.u32 $0x3E, v13  }
0x51e: {  	v60 =	vor.u32 $0x3E, v17;
	v59 =	vor.u32 $0x3F, v14  }
0x51f: {  	v18 =	vor.u32 $0x3F, v18;
	v20 =	vmul.f32 v20, v9  }
0x520: {  	v15 =	vmul.f32 v15, v12  }
0x521: {  	[tilespmem:v56+s5+$0x0] =	vst.idx.msk $0xffff, v20;
	v61 =	vmul.f32 v57, v16  }
0x522: {  	v11 =	vld.idx.msk [tilespmem:v11+s3+$0x0], $0xffff;
	[tilespmem:v58+s5+$0x0] =	vst.idx.msk $0xffff, v15  }
0x523: {  	v14 =	vld.idx.msk [tilespmem:v59+s3+$0x0], $0xffff;
	[tilespmem:v60+s5+$0x0] =	vst.idx.msk $0xffff, v61  }
0x524: {  	v10 =	vor.u32 $0x3F, v10;
	v62 =	vld.idx.msk [tilespmem:v18+s3+$0x0], $0xffff  }
0x525: {  	v63 =	vor.u32 $0x3F, v13  }
0x526: {  	v17 =	vor.u32 $0x3F, v17  }
0x527: {  	v9 =	vmul.f32 v11, v9  }
0x528: {  	s14 =	smul.u32 $0x5000, s14;
	v11 =	vmul.f32 v14, v12  }
0x529: {  	s17 =	sadd.s32 $0x6, s10;
	[tilespmem:v10+s5+$0x0] =	vst.idx.msk $0xffff, v9;
	v9 =	vmul.f32 v62, v16  }
0x52a: {  	s23 =	smul.u32 $0x1400, s10;
	p1 =	seq.s32 s31, $0x5;
	s14 =	sshrl.u32 s14, $0x2;
	[tilespmem:v63+s5+$0x0] =	vst.idx.msk $0xffff, v11  }
.Ltmp5:
0x52b: {  	s15 =	sadd.s32 $0xF960, s4;
	s14 =	sadd.s32 $0x6400, s14;
	[tilespmem:v17+s5+$0x0] =	vst.idx.msk $0xffff, v9;
	(pc) =	sbr.rel @!p1 .LBB2_12-.Ltmp5, $4  }
0x52c: {  	[spmem:s2] =	stream.indirect.scatter.add.f32 [tilespmem:s14], [sflag:s17], $0x40, s15, s13, $0xb8;
	[tilespmem:$0x1A100] =	vst v63  }
0x52d: {  	s19 =	sadd.s32 $0x50, s19;
	s15 =	sshra.s32 s23, $0x2;
	s17 =	sadd.s32 s4, s30  }
0x52e: {  	s23 =	sadd.s32 s10, s18;
	s10 =	smov.u32 s31;
	s14 =	sadd.s32 s15, s20  }
0x52f: {  	[spmem:s12] =	stream.indirect.scatter.add.f32 [tilespmem:s14], [sflag:s23], $0x10, s17, s13, $0xb8;
	[tilespmem:$0x1A100] =	vst v63  }
0x530: {  	p1 =	seq.s32 s7, $0x32  }
.Ltmp6:
0x531: {  	_ = 	snop;
	(pc) =	sbr.rel @!p1 .LBB2_7-.Ltmp6, $2  }
0x532: {  	_ =	sdelay $0x2  }
0x533: {  	p0 =	por !p0, !p0  }
0x534: {  	s4 =	simm.s32 $0xB  }
0x535: {  	_ =	swait.ge [sflag:s4], $0x500  }
0x536: {  	[sflag:s4] =	ssyncset.done $0x0  }
0x537: {  	s30 =	simm.s32 $0x10;
	[sflag:s4] =	ssyncadd.s32 $0xFFFFFB00  }
0x538: {  	_ =	swait.ge [sflag:s30], $0x500  }
0x539: {  	[sflag:s30] =	ssyncset.done $0x0  }
0x53a: {  	s31 =	simm.s32 $0xC;
	[sflag:s30] =	ssyncadd.s32 $0xFFFFFB00  }
0x53b: {  	_ =	swait.ge [sflag:s31], $0x500  }
0x53c: {  	[sflag:s31] =	ssyncset.done $0x0  }
0x53d: {  	s6 =	simm.s32 $0x11;
	[sflag:s31] =	ssyncadd.s32 $0xFFFFFB00  }
0x53e: {  	_ =	swait.ge [sflag:s6], $0x500  }
0x53f: {  	[sflag:s6] =	ssyncset.done $0x0  }
0x540: {  	s7 =	simm.s32 $0xD;
	[sflag:s6] =	ssyncadd.s32 $0xFFFFFB00  }
0x541: {  	_ =	swait.ge [sflag:s7], $0x500  }
0x542: {  	[sflag:s7] =	ssyncset.done $0x0  }
0x543: {  	s10 =	simm.s32 $0x12;
	[sflag:s7] =	ssyncadd.s32 $0xFFFFFB00  }
0x544: {  	_ =	swait.ge [sflag:s10], $0x500  }
0x545: {  	[sflag:s10] =	ssyncset.done $0x0  }
0x546: {  	[sflag:s10] =	ssyncadd.s32 $0xFFFFFB00  }
0x547: {  	_ =	swait.ge [sflag:s21], $0x1400  }
0x548: {  	[sflag:s21] =	ssyncset.done $0x0  }
0x549: {  	s14 =	simm.s32 $0xE;
	[sflag:s21] =	ssyncadd.s32 $0xFFFFEC00  }
0x54a: {  	_ =	swait.ge [sflag:s14], $0x500  }
0x54b: {  	[sflag:s14] =	ssyncset.done $0x0  }
0x54c: {  	s15 =	simm.s32 $0x13;
	[sflag:s14] =	ssyncadd.s32 $0xFFFFFB00  }
0x54d: {  	_ =	swait.ge [sflag:s15], $0x500  }
0x54e: {  	[sflag:s15] =	ssyncset.done $0x0  }
0x54f: {  	[sflag:s15] =	ssyncadd.s32 $0xFFFFFB00  }
0x550: {  	_ =	swait.ge [sflag:s22], $0x1400  }
0x551: {  	[sflag:s22] =	ssyncset.done $0x0  }
0x552: {  	s17 =	simm.s32 $0xF;
	[sflag:s22] =	ssyncadd.s32 $0xFFFFEC00  }
0x553: {  	_ =	swait.ge [sflag:s17], $0x500  }
0x554: {  	[sflag:s17] =	ssyncset.done $0x0  }
0x555: {  	s18 =	simm.s32 $0x14;
	[sflag:s17] =	ssyncadd.s32 $0xFFFFFB00  }
0x556: {  	_ =	swait.ge [sflag:s18], $0x500  }
0x557: {  	[sflag:s18] =	ssyncset.done $0x0  }
0x558: {  	s19 =	simm.s32 $0x15;
	[sflag:s18] =	ssyncadd.s32 $0xFFFFFB00  }
0x559: {  	_ =	swait.ge [sflag:s19], $0x190  }
0x55a: {  	[sflag:s19] =	ssyncset.done $0x0  }
0x55b: {  	[sflag:s19] =	ssyncadd.s32 $0xFFFFFE70  }
0x55c: {  	_ =	swait.ge [sflag:s19], $0x190  }
0x55d: {  	[sflag:s19] =	ssyncset.done $0x0  }
0x55e: {  	[sflag:s19] =	ssyncadd.s32 $0xFFFFFE70  }
0x55f: {  	[bflag:$0x0] =	sbarrier.arrive $0xFFFF  }
0x560: {  	s20 =	rddreg [dreg:$0x16]  }
0x561: {  	[tilespmem:s3], [sflag:$0x17] =	stream.linear.gather [spmem:s20], $0x1400, $0x38;
	[tilespmem:$0x1A100] =	vst v63  }
0x562: {  	_ =	swait.ge [sflag:s9], $0x1400  }
0x563: {  	[sflag:s9] =	ssyncset.done $0x0  }
0x564: {  	s23 =	rddreg [dreg:$0x6];
	[sflag:s9] =	ssyncadd.s32 $0xFFFFEC00  }
0x565: {  	[hbm4b:s23+s3] =	stream.linear.scatter [tilespmem:s3], [sflag:$0x17], $0x1400, $0x38;
	[tilespmem:$0x1A100] =	vst v63  }
0x566: {  	_ =	swait.ge [sflag:s9], $0x1400  }
0x567: {  	[sflag:s9] =	ssyncset.done $0x0  }
0x568: {  	s25 =	rddreg [dreg:$0x18];
	[sflag:s9] =	ssyncadd.s32 $0xFFFFEC00  }
0x569: {  	[tilespmem:s3], [sflag:$0x17] =	stream.linear.gather [spmem:s25], $0x1400, $0x38;
	[tilespmem:$0x1A100] =	vst v63  }
0x56a: {  	_ =	swait.ge [sflag:s9], $0x1400  }
0x56b: {  	[sflag:s9] =	ssyncset.done $0x0  }
0x56c: {  	s30 =	rddreg [dreg:$0x7];
	[sflag:s9] =	ssyncadd.s32 $0xFFFFEC00  }
0x56d: {  	[hbm4b:s30+s3] =	stream.linear.scatter [tilespmem:s3], [sflag:$0x17], $0x1400, $0x38;
	[tilespmem:$0x1A100] =	vst v63  }
0x56e: {  	_ =	swait.ge [sflag:s9], $0x1400  }
0x56f: {  	[sflag:s9] =	ssyncset.done $0x0  }
0x570: {  	s31 =	rddreg [dreg:$0x19];
	[sflag:s9] =	ssyncadd.s32 $0xFFFFEC00  }
0x571: {  	[tilespmem:s3], [sflag:$0x17] =	stream.linear.gather [spmem:s31], $0x1400, $0x38;
	[tilespmem:$0x1A100] =	vst v63  }
0x572: {  	_ =	swait.ge [sflag:s9], $0x1400  }
0x573: {  	[sflag:s9] =	ssyncset.done $0x0  }
0x574: {  	s6 =	rddreg [dreg:$0x8];
	[sflag:s9] =	ssyncadd.s32 $0xFFFFEC00  }
0x575: {  	[hbm4b:s6+s3] =	stream.linear.scatter [tilespmem:s3], [sflag:$0x17], $0x1400, $0x38;
	[tilespmem:$0x1A100] =	vst v63  }
0x576: {  	_ =	swait.ge [sflag:s9], $0x1400  }
0x577: {  	[sflag:s9] =	ssyncset.done $0x0  }
0x578: {  	s7 =	rddreg [dreg:$0x1a];
	[sflag:s9] =	ssyncadd.s32 $0xFFFFEC00  }
0x579: {  	[tilespmem:s3], [sflag:$0x17] =	stream.linear.gather [spmem:s7], $0x1400, $0x38;
	[tilespmem:$0x1A100] =	vst v63  }
0x57a: {  	_ =	swait.ge [sflag:s9], $0x1400  }
0x57b: {  	[sflag:s9] =	ssyncset.done $0x0  }
0x57c: {  	s10 =	rddreg [dreg:$0x9];
	[sflag:s9] =	ssyncadd.s32 $0xFFFFEC00  }
0x57d: {  	[hbm4b:s10+s3] =	stream.linear.scatter [tilespmem:s3], [sflag:$0x17], $0x1400, $0x38;
	[tilespmem:$0x1A100] =	vst v63  }
0x57e: {  	_ =	swait.ge [sflag:s9], $0x1400  }
0x57f: {  	[sflag:s9] =	ssyncset.done $0x0  }
0x580: {  	s14 =	rddreg [dreg:$0x1b];
	[sflag:s9] =	ssyncadd.s32 $0xFFFFEC00  }
0x581: {  	[tilespmem:s3], [sflag:$0x17] =	stream.linear.gather [spmem:s14], $0x1400, $0x38;
	[tilespmem:$0x1A100] =	vst v63  }
0x582: {  	_ =	swait.ge [sflag:s9], $0x1400  }
0x583: {  	[sflag:s9] =	ssyncset.done $0x0  }
0x584: {  	s15 =	rddreg [dreg:$0xa];
	[sflag:s9] =	ssyncadd.s32 $0xFFFFEC00  }
0x585: {  	[hbm4b:s15+s3] =	stream.linear.scatter [tilespmem:s3], [sflag:$0x17], $0x1400, $0x38;
	[tilespmem:$0x1A100] =	vst v63  }
0x586: {  	_ =	swait.ge [sflag:s9], $0x1400  }
0x587: {  	[sflag:s9] =	ssyncset.done $0x0  }
0x588: {  	s17 =	rddreg [dreg:$0x1c];
	[sflag:s9] =	ssyncadd.s32 $0xFFFFEC00  }
0x589: {  	[tilespmem:s3], [sflag:$0x17] =	stream.linear.gather [spmem:s17], $0x1400, $0x38;
	[tilespmem:$0x1A100] =	vst v63  }
0x58a: {  	_ =	swait.ge [sflag:s9], $0x1400  }
0x58b: {  	[sflag:s9] =	ssyncset.done $0x0  }
0x58c: {  	s18 =	rddreg [dreg:$0xb];
	[sflag:s9] =	ssyncadd.s32 $0xFFFFEC00  }
0x58d: {  	[hbm4b:s18+s3] =	stream.linear.scatter [tilespmem:s3], [sflag:$0x17], $0x1400, $0x38;
	[tilespmem:$0x1A100] =	vst v63  }
0x58e: {  	_ =	swait.ge [sflag:s9], $0x1400  }
0x58f: {  	[sflag:s9] =	ssyncset.done $0x0  }
0x590: {  	s19 =	rddreg [dreg:$0x1d];
	[sflag:s9] =	ssyncadd.s32 $0xFFFFEC00  }
0x591: {  	[tilespmem:s3], [sflag:$0x17] =	stream.linear.gather [spmem:s19], $0x1400, $0x38;
	[tilespmem:$0x1A100] =	vst v63  }
0x592: {  	_ =	swait.ge [sflag:s9], $0x1400  }
0x593: {  	[sflag:s9] =	ssyncset.done $0x0  }
0x594: {  	s20 =	rddreg [dreg:$0xc];
	[sflag:s9] =	ssyncadd.s32 $0xFFFFEC00  }
0x595: {  	[hbm4b:s20+s3] =	stream.linear.scatter [tilespmem:s3], [sflag:$0x17], $0x1400, $0x38;
	[tilespmem:$0x1A100] =	vst v63  }
0x596: {  	_ =	swait.ge [sflag:s9], $0x1400  }
0x597: {  	[sflag:s9] =	ssyncset.done $0x0  }
0x598: {  	s10 =	rddreg [dreg:$0x11];
	[sflag:s9] =	ssyncadd.s32 $0xFFFFEC00  }
0x599: {  	[tilespmem:s3], [sflag:$0x17] =	stream.linear.gather [spmem:s10], $0x1200, $0x38;
	[tilespmem:$0x1A100] =	vst v63  }
0x59a: {  	_ =	swait.ge [sflag:s9], $0x1200  }
0x59b: {  	[sflag:s9] =	ssyncset.done $0x0  }
0x59c: {  	s23 =	rddreg [dreg:$0x5];
	[sflag:s9] =	ssyncadd.s32 $0xFFFFEE00  }
0x59d: {  	[hbm4b:s23+s3] =	stream.linear.scatter [tilespmem:s3], [sflag:$0x17], $0x1200, $0x38;
	[tilespmem:$0x1A100] =	vst v63  }
0x59e: {  	_ =	swait.ge [sflag:s9], $0x1200  }
0x59f: {  	[sflag:s9] =	ssyncset.done $0x0  }
0x5a0: {  	s25 =	rddreg [dreg:$0x12];
	[sflag:s9] =	ssyncadd.s32 $0xFFFFEE00  }
0x5a1: {  	[tilespmem:s11], [sflag:$0x17] =	stream.linear.gather [spmem:s25], $0x4F0, $0x38;
	[tilespmem:$0x1A100] =	vst v63  }
0x5a2: {  	_ =	swait.ge [sflag:s9], $0x4F0  }
0x5a3: {  	[sflag:s9] =	ssyncset.done $0x0  }
0x5a4: {  	s30 =	rddreg [dreg:$0x15];
	[sflag:s9] =	ssyncadd.s32 $0xFFFFFB10  }
0x5a5: {  	[hbm4b:s30+s3] =	stream.linear.scatter [tilespmem:s11], [sflag:$0x17], $0x4F0, $0x38;
	[tilespmem:$0x1A100] =	vst v63  }
0x5a6: {  	_ =	swait.ge [sflag:s9], $0x4F0  }
0x5a7: {  	s6 =	sld [smem:$0x7F9];
	_ =	sdelay $0x2  }
0x5a8: {  	s31 =	rddreg [dreg:$0x17];
	s6 =	sadd.s32 $0x1, s6  }
0x5a9: {  	p0 =	sne.s32 s6, s31  }
.Ltmp7:
0x5aa: {  	_ = 	snop;
	(pc) =	sbr.rel @p0 .LBB2_1-.Ltmp7, $3  }
0x5ab: {  	_ =	sdelay $0x1  }
0x5ac: {  	[sflag:s9] =	ssyncset.done $0x0  }
0x5ad: {  	[sflag:s9] =	ssyncadd.s32 $0xFFFFFB10  }
0x5ae: {  	_ =	sfence.sel $0x180000  }
0x5af: {  	[bflag:$0x0] =	sbarrier.arrive $0xFFFF  }
0x5b0: {  	_ =	strace $0x90000047  }
0x5b1: {  	s0 =	stileid.u32;
	[bflag:$0x2] =	sbarrier.arrive $0xFFFF  }
0x5b2: {  	p0 =	sne.s32 s0, $0x0;
	s0 =	rddreg [dreg:$0x4]  }
0x5b3: {  	s0 =	sadd.s32 @!p0 $0x100000, s0  }
0x5b4: {  	[sflag:s0] =	ssyncadd.tile.s32 @!p0 $0x1;
	_ =	shalt  }
.Lfunc_end2:
_tile_overlayer_lowered:
.L_overlay_start_2:
0x5b5: {  	(tag) =	ssettag $0x2  }
0x5b6: {  	s0 =	rddreg [dreg:$0x0];
	s2 =	stileid.u32  }
0x5b7: {  	s1 =	rddreg [dreg:$0x1];
	p0 =	sne.s32 s2, $0x0  }
0x5b8: {  	s3 =	rddreg [dreg:$0x2];
	[bflag:$0x3] =	sbarrier.arrive $0xFFFF;
	s2 =	simm.s32 @!p0 $0x1C17  }
0x5b9: {  	[timem:s3], [sflag:s2] =	dma.local @!p0 [hbm:s0], s1  }
0x5ba: {  	s0 =	simm.s32 @!p0 $0x17  }
0x5bb: {  	_ =	swait.ge @!p0 [sflag:s0], s1  }
0x5bc: {  	s1 =	ssub.s32 @!p0 $0x0, s1;
	[sflag:s0] =	ssyncset.done @!p0 $0x0  }
0x5bd: {  	[sflag:s0] =	ssyncadd.s32 @!p0 s1  }
0x5be: {  	[bflag:$0x3] =	sbarrier.arrive $0xFFFF  }
0x5bf: {  	_ =	shalt  }

</sc_bundles>
